<compile_context>
chip_gen: v7x
topology: tpu7x:2x2x1
jax: 0.10.2.dev20260603
libtpu: 0.0.44.dev20260713+nightly
codegen_flags: <defaults>
</compile_context>

<pallas_src>
import functools

import jax
import jax.numpy as jnp
import numpy as np
from jax import lax
from jax.experimental import pallas as pl
from jax.experimental.pallas import tpu as pltpu
from jax.experimental.pallas import tpu_sc as plsc

B = 8
C = 21
CP = 32
CPO = 128
N = 1024
OVER = 3 * N
N_IMP = 768
SZ = 4096
C2 = 512

_CONSTS = {}


def _rotl(x, d):
    return ((x << np.uint32(d)) | (x >> np.uint32(32 - d))).astype(np.uint32)


def _threefry2x32(k0, k1, x0, x1):
    rot = (13, 15, 26, 6, 17, 29, 16, 24)
    ks0 = np.uint32(k0)
    ks1 = np.uint32(k1)
    ks2 = np.uint32(ks0 ^ ks1 ^ np.uint32(0x1BD11BDA))
    ks = (ks0, ks1, ks2)
    x0 = (x0 + ks0).astype(np.uint32)
    x1 = (x1 + ks1).astype(np.uint32)
    for i in range(5):
        for r in rot[0:4] if i % 2 == 0 else rot[4:8]:
            x0 = (x0 + x1).astype(np.uint32)
            x1 = (_rotl(x1, r) ^ x0).astype(np.uint32)
        x0 = (x0 + ks[(i + 1) % 3]).astype(np.uint32)
        x1 = (x1 + ks[(i + 2) % 3] + np.uint32(i + 1)).astype(np.uint32)
    return x0, x1


def _np_bits32(keypair, n):
    b1, b2 = _threefry2x32(keypair[0], keypair[1],
                           np.zeros(n, np.uint32), np.arange(n, dtype=np.uint32))
    return (b1 ^ b2).astype(np.uint32)


def _np_split(keypair):
    b1, b2 = _threefry2x32(keypair[0], keypair[1],
                           np.zeros(2, np.uint32), np.arange(2, dtype=np.uint32))
    return np.stack([b1, b2], axis=1)


def _np_randint(keypair, shape, lo, hi):
    n = int(np.prod(shape))
    sub = _np_split(keypair)
    hi_bits = _np_bits32(sub[0], n)
    lo_bits = _np_bits32(sub[1], n)
    span = np.uint32(hi - lo)
    mult = np.uint32((np.uint64(65536 % int(span)) ** 2) % np.uint64(span))
    val = ((hi_bits % span) * mult + (lo_bits % span)) % span
    return (np.int32(lo) + val.astype(np.int32)).reshape(shape)


def _consts():
    if not _CONSTS:
        sub = _np_split(np.array([0, 1234], dtype=np.uint32))
        idx = _np_randint(sub[0], (B, OVER), 0, N)
        cov = _np_randint(sub[1], (B, N - N_IMP), 0, N)
        pos = np.arange(SZ, dtype=np.int64)
        point_c = np.concatenate([idx, np.zeros((B, SZ - OVER), np.int32)], axis=1)
        payload = ((pos[None, :] << 10) | point_c).astype(np.int32)
        _CONSTS.update(idx=idx, cov=cov, payload=payload)
    return _CONSTS


def _unc_body(o_ref, u_ref):
    o3 = o_ref[...]
    m1 = jnp.max(o3, axis=1)
    is_max = o3 == m1[:, None, :]
    nmax = jnp.sum(is_max.astype(jnp.float32), axis=1)
    m2 = jnp.where(nmax > 1.0, m1,
                   jnp.max(jnp.where(is_max, -jnp.inf, o3), axis=1))
    u_ref[...] = -(m1 - m2)


def _unc_call(o2d, interpret=False):
    return pl.pallas_call(
        _unc_body,
        out_shape=jax.ShapeDtypeStruct((B, N), jnp.float32),
        interpret=interpret,
    )(o2d)


def _head_body(o_ref, r_ref, wc_ref, wf_ref, bias_ref, dep_ref, d_ref):
    del dep_ref
    o = o_ref[...]
    dn = (((0,), (1,)), ((), ()))
    wc = wc_ref[...]
    wf = wf_ref[...]
    bias = bias_ref[...]
    for i in range(N // 128):
        d = lax.dot_general(o[:, i * 128:(i + 1) * 128], wc, dn,
                            preferred_element_type=jnp.float32)
        d += lax.dot_general(r_ref[i], wf, dn,
                             preferred_element_type=jnp.float32)
        d_ref[pl.ds(i * 128, 128), :] = d + bias


def _head_call(o_flat, r2s, wcp, wfp, biasp, dep, interpret=False):
    return pl.pallas_call(
        _head_body,
        grid=(B,),
        in_specs=[
            pl.BlockSpec((None, C, N), lambda b: (b, 0, 0)),
            pl.BlockSpec((None, N // 128, C2, 128), lambda b: (b, 0, 0, 0)),
            pl.BlockSpec((CPO, C), lambda b: (0, 0)),
            pl.BlockSpec((CPO, C2), lambda b: (0, 0)),
            pl.BlockSpec((1, CPO), lambda b: (0, 0)),
            pl.BlockSpec((None, 1, N), lambda b: (b, 0, 0)),
        ],
        out_specs=pl.BlockSpec((None, N, CPO), lambda b: (b, 0, 0)),
        out_shape=jax.ShapeDtypeStruct((B, N, CPO), jnp.float32),
        interpret=interpret,
    )(o_flat, r2s, wcp, wfp, biasp, dep)


def _sort_body(v_ref, p_ref, cov_ref, pts_ref):
    us = v_ref[...]
    v = jnp.concatenate(
        [us, jnp.full((B, SZ - OVER), -jnp.inf, jnp.float32)], axis=1)
    p = p_ref[...]
    iota = lax.broadcasted_iota(jnp.int32, (B, SZ), 1)
    for m in range(1, 13):
        k = 1 << m
        blk = (iota & k) == 0
        for j in reversed(range(m)):
            s = 1 << j
            lower = (iota & s) == 0
            pv = jnp.where(lower, pltpu.roll(v, SZ - s, 1), pltpu.roll(v, s, 1))
            pp = jnp.where(lower, pltpu.roll(p, SZ - s, 1), pltpu.roll(p, s, 1))
            less = (v > pv) | ((v == pv) & (p < pp))
            take_self = less == (blk == lower)
            v = jnp.where(take_self, v, pv)
            p = jnp.where(take_self, p, pp)
    pts_ref[...] = jnp.concatenate(
        [p[:, :N_IMP] & (N - 1), cov_ref[...]], axis=1)


def _sort_call(v, payload, cov, interpret=False):
    return pl.pallas_call(
        _sort_body,
        out_shape=jax.ShapeDtypeStruct((B, N), jnp.int32),
        interpret=interpret,
    )(v, payload, cov)


def _make_gather_u():
    mesh = plsc.VectorSubcoreMesh(core_axis_name="c", subcore_axis_name="s")
    chunk = (B * OVER) // 32

    @functools.partial(
        pl.kernel, mesh=mesh,
        out_type=jax.ShapeDtypeStruct((B, OVER), jnp.float32),
        compiler_params=pltpu.CompilerParams(needs_layout_passes=False),
        scratch_types=[
            pltpu.VMEM((N,), jnp.float32),
            pltpu.VMEM((chunk,), jnp.int32),
            pltpu.VMEM((chunk,), jnp.float32),
        ],
    )
    def gather_u(u_hbm, idx_hbm, out_hbm, u_v, idx_v, out_v):
        wid = lax.axis_index("s") * 2 + lax.axis_index("c")
        b = wid // 4
        q = wid % 4
        pltpu.sync_copy(u_hbm.at[b], u_v)
        pltpu.sync_copy(idx_hbm.at[b, pl.ds(q * chunk, chunk)], idx_v)
        for i in range(chunk // 16):
            sl = pl.ds(i * 16, 16)
            out_v[sl] = plsc.load_gather(u_v, [idx_v[sl]])
        pltpu.sync_copy(out_v, out_hbm.at[b, pl.ds(q * chunk, chunk)])

    return gather_u


def _make_gather_rows():
    mesh = plsc.VectorSubcoreMesh(core_axis_name="c", subcore_axis_name="s")
    npts = N // 4
    nchk = npts // 128

    @functools.partial(
        pl.kernel, mesh=mesh,
        out_type=jax.ShapeDtypeStruct((B, N, CPO), jnp.float32),
        compiler_params=pltpu.CompilerParams(needs_layout_passes=False),
        scratch_types=[
            pltpu.VMEM((nchk, 128), jnp.int32),
            pltpu.VMEM((128, CPO), jnp.float32),
            pltpu.SemaphoreType.DMA,
        ],
    )
    def gather_rows(dt_hbm, pts_hbm, out_hbm, pts_v, rows_v, sem):
        wid = lax.axis_index("s") * 2 + lax.axis_index("c")
        b = wid // 4
        q = wid % 4
        for j in range(nchk):
            pltpu.sync_copy(
                pts_hbm.at[b, pl.ds(q * npts + j * 128, 128)], pts_v.at[j])
        for j in range(nchk):
            pltpu.async_copy(dt_hbm.at[b].at[pts_v.at[j]], rows_v, sem).wait()
            pltpu.sync_copy(
                rows_v, out_hbm.at[b].at[pl.ds(q * npts + j * 128, 128)])

    return gather_rows


def kernel(x, res2, out, W, b):
    cst = _consts()
    idx_c = jnp.asarray(cst["idx"])
    cov_c = jnp.asarray(cst["cov"])
    payload_c = jnp.asarray(cst["payload"])

    out_flat = out.reshape(B, C, N)
    r2s = jnp.swapaxes(res2[:, :, :N // 128, :], 1, 2)
    w2 = W[:, :, 0]
    wcp = jnp.pad(w2[:, :C], ((0, CPO - C), (0, 0)))
    wfp = jnp.pad(w2[:, C:], ((0, CPO - C), (0, 0)))
    biasp = jnp.pad(b, (0, CPO - C)).reshape(1, CPO)

    u = _unc_call(out_flat)
    us = _make_gather_u()(u, idx_c)
    points = _sort_call(us, payload_c, cov_c)

    d = _head_call(out_flat, r2s, wcp, wfp, biasp, points.reshape(B, 1, N))

    rend_t = _make_gather_rows()(d, points)
    rend = jnp.transpose(rend_t, (0, 2, 1))[:, :C, :]
    return rend, points

# --- scband reference (transcript-rebuilt; emitter-appended) ---
"""Pipeline reference for scband-point-head-88235808129061 (READ-ONLY COPY).

The authoritative reference and input builder live on the scoring server;
editing this copy changes nothing except your own understanding.
"""

import jax, jax.numpy as jnp
import numpy as np


def _sampling_points(mask, k, beta):
    # PointRend-style uncertainty sampling returning flat int indices [B, N]
    B, C, H, W = mask.shape
    N = H * W  # sample as many points as there are on the coarse (stride-16) map
    over = k * N
    rk = jax.random.key(1234)
    rk1, rk2 = jax.random.split(rk)
    idx = jax.random.randint(rk1, (B, over), 0, N)
    flat = mask.reshape(B, C, N)
    sampled = jnp.take_along_axis(flat, jnp.broadcast_to(idx[:, None, :], (B, C, over)), axis=2)
    top2, _ = jax.lax.top_k(jnp.transpose(sampled, (0, 2, 1)), 2)  # [B, over, 2]
    uncertainty = -(top2[..., 0] - top2[..., 1])  # most uncertain = smallest top1-top2 gap
    n_imp = int(beta * N)
    _, imp = jax.lax.top_k(uncertainty, n_imp)  # [B, n_imp]
    important = jnp.take_along_axis(idx, imp, axis=1)
    coverage = jax.random.randint(rk2, (B, N - n_imp), 0, N)
    return jnp.concatenate([important, coverage], axis=1)  # [B, N] int32


def setup_inputs(seed: int = 0) -> dict:
    key = jax.random.key(seed)
    k1, k2, k3, k4, k5 = jax.random.split(key, 5)
    B = 8
    x = jax.random.normal(k1, (B, 3, 512, 512), dtype=jnp.float32)
    res2 = jax.random.normal(k2, (B, 512, 128, 128), dtype=jnp.float32)
    out = jax.random.normal(k3, (B, 21, 32, 32), dtype=jnp.float32)
    # Conv1d(533, 21, 1) parameters
    W = jax.random.normal(k4, (21, 533, 1), dtype=jnp.float32) * 0.04
    b = jax.random.normal(k5, (21,), dtype=jnp.float32) * 0.01
    return {"x": x, "res2": res2, "out": out, "W": W, "b": b}


def reference(x, res2, out, W, b):
    B = x.shape[0]
    stride = x.shape[-1] // out.shape[-1]  # computed as in original forward (unused downstream)
    points = _sampling_points(out, 3, 0.75)  # [B, N]
    P = points.shape[1]
    C = out.shape[1]
    coarse = jnp.take_along_axis(out.reshape(B, C, -1), jnp.broadcast_to(points[:, None, :], (B, C, P)), axis=2)
    C2 = res2.shape[1]
    fine = jnp.take_along_axis(res2.reshape(B, C2, -1), jnp.broadcast_to(points[:, None, :], (B, C2, P)), axis=2)
    feature_representation = jnp.concatenate([coarse, fine], axis=1)  # [B, 533, P]
    rend = jnp.einsum('bcn,oc->bon', feature_representation, W[:, :, 0]) + b[None, :, None]
    return (rend, points)

if __name__ == "__main__":
    import jax
    _d = setup_inputs()
    print(jax.jit(kernel)(*tuple(_d.values())))

</pallas_src>

<mosaic_0001>
#map = affine_map<(d0, d1) -> (0, 0, 0)>
#map1 = affine_map<(d0, d1) -> (0, 0)>
module attributes {stable_mosaic.version = 14 : i64} {
  func.func @gather_rows(%arg0: i32, %arg1: i32, %arg2: memref<8x1024x128xf32, #tpu.memory_space<hbm>>, %arg3: memref<8x1024xi32, #tpu.memory_space<hbm>>, %arg4: memref<8x1024x128xf32, #tpu.memory_space<hbm>>, %arg5: memref<2x128xi32, #tpu.memory_space<vmem>>, %arg6: memref<128x128xf32, #tpu.memory_space<vmem>>, %arg7: memref<!tpu.dma_semaphore, #tpu.memory_space<semaphore_mem>>) attributes {dimension_semantics = [#tpu.dimension_semantics<core_parallel>, #tpu.dimension_semantics<subcore_parallel>], iteration_bounds = array<i64: 2, 16>, scalar_prefetch = 0 : i64, scratch_operands = 3 : i64, tpu.core_type = #tpu.core_type<sc_vector_subcore>, window_params = [{transform_indices = #map}, {transform_indices = #map1}, {transform_indices = #map}]} {
    %mul3A = arith.constant 2 : i32
    %mul3A_0 = arith.muli %arg1, %mul3A : i32
    %add3A = arith.addi %mul3A_0, %arg0 : i32
    %jit3A = arith.constant 4 : i32
    %div3A = arith.divsi %add3A, %jit3A : i32
    %sign3A = arith.constant 0 : i32
    %sign3A_1 = arith.cmpi sgt, %add3A, %sign3A : i32
    %sign3A_2 = arith.extui %sign3A_1 : i1 to i32
    %sign3A_3 = arith.constant 0 : i32
    %sign3A_4 = arith.cmpi slt, %add3A, %sign3A_3 : i32
    %sign3A_5 = arith.extui %sign3A_4 : i1 to i32
    %sign3A_6 = arith.subi %sign3A_2, %sign3A_5 : i32
    %sign3A_7 = arith.constant 0 : i32
    %sign3A_8 = arith.cmpi sgt, %jit3A, %sign3A_7 : i32
    %sign3A_9 = arith.extui %sign3A_8 : i1 to i32
    %sign3A_10 = arith.constant 0 : i32
    %sign3A_11 = arith.cmpi slt, %jit3A, %sign3A_10 : i32
    %sign3A_12 = arith.extui %sign3A_11 : i1 to i32
    %sign3A_13 = arith.subi %sign3A_9, %sign3A_12 : i32
    %ne3A = arith.cmpi ne, %sign3A_6, %sign3A_13 : i32
    %rem3A = arith.remsi %add3A, %jit3A : i32
    %ne3A_14 = arith.constant 0 : i32
    %ne3A_15 = arith.cmpi ne, %rem3A, %ne3A_14 : i32
    %and3A = arith.andi %ne3A, %ne3A_15 : i1
    %sub3A = arith.constant 1 : i32
    %sub3A_16 = arith.subi %div3A, %sub3A : i32
    %select_n3A = arith.select %and3A, %sub3A_16, %div3A : i32
    %jit3A_17 = arith.constant 4 : i32
    %eq3A = arith.constant 0 : i32
    %eq3A_18 = arith.cmpi eq, %jit3A_17, %eq3A : i32
    %jit3A_19 = arith.constant 1 : i32
    %select_n3A_20 = arith.select %eq3A_18, %jit3A_19, %jit3A_17 : i32
    %rem3A_21 = arith.remsi %add3A, %select_n3A_20 : i32
    %ne3A_22 = arith.constant 0 : i32
    %ne3A_23 = arith.cmpi ne, %rem3A_21, %ne3A_22 : i32
    %lt3A = arith.constant 0 : i32
    %lt3A_24 = arith.cmpi slt, %rem3A_21, %lt3A : i32
    %lt3A_25 = arith.constant 0 : i32
    %lt3A_26 = arith.cmpi slt, %select_n3A_20, %lt3A_25 : i32
    %ne3A_27 = arith.xori %lt3A_24, %lt3A_26 : i1
    %and3A_28 = arith.andi %ne3A_27, %ne3A_23 : i1
    %add3A_29 = arith.addi %rem3A_21, %select_n3A_20 : i32
    %select_n3A_30 = arith.select %and3A_28, %add3A_29, %rem3A_21 : i32
    %mul3A_31 = arith.constant 256 : i32
    %mul3A_32 = arith.muli %select_n3A_30, %mul3A_31 : i32
    %add3A_33 = arith.constant 0 : i32
    %add3A_34 = arith.addi %mul3A_32, %add3A_33 : i32
    %run_scoped3A = arith.constant 0 : i32
    "tpu.region"() ({
      %run_scoped3A_90 = tpu.sem_alloc : memref<!tpu.dma_semaphore, #tpu.memory_space<semaphore_mem>>
      %dma_start3A_91 = arith.constant 0 : i32
      %dma_start3A_92 = tpu.memref_slice %arg5[%run_scoped3A, %dma_start3A_91] : memref<2x128xi32, #tpu.memory_space<vmem>> -> memref<1x128xi32, #tpu.memory_space<vmem>>
      %dma_start3A_93 = tpu.memref_squeeze %dma_start3A_92 : memref<1x128xi32, #tpu.memory_space<vmem>> -> memref<128xi32, #tpu.memory_space<vmem>>
      %dma_start3A_94 = tpu.memref_slice %arg3[%select_n3A, %add3A_34] : memref<8x1024xi32, #tpu.memory_space<hbm>> -> memref<1x128xi32, #tpu.memory_space<hbm>>
      %dma_start3A_95 = tpu.memref_squeeze %dma_start3A_94 : memref<1x128xi32, #tpu.memory_space<hbm>> -> memref<128xi32, #tpu.memory_space<hbm>>
      %dma_start3A_96 = arith.constant 0 : i32
      %dma_start3A_97 = tpu.memref_slice %arg5[%run_scoped3A, %dma_start3A_96] : memref<2x128xi32, #tpu.memory_space<vmem>> -> memref<1x128xi32, #tpu.memory_space<vmem>>
      %dma_start3A_98 = tpu.memref_squeeze %dma_start3A_97 : memref<1x128xi32, #tpu.memory_space<vmem>> -> memref<128xi32, #tpu.memory_space<vmem>>
      %dma_start3A_99 = tpu.memref_slice %arg3[%select_n3A, %add3A_34] : memref<8x1024xi32, #tpu.memory_space<hbm>> -> memref<1x128xi32, #tpu.memory_space<hbm>>
      %dma_start3A_100 = tpu.memref_squeeze %dma_start3A_99 : memref<1x128xi32, #tpu.memory_space<hbm>> -> memref<128xi32, #tpu.memory_space<hbm>>
      tpu.enqueue_dma source(%dma_start3A_100 : memref<128xi32, #tpu.memory_space<hbm>>) target(%dma_start3A_98 : memref<128xi32, #tpu.memory_space<vmem>>) target_semaphore(%run_scoped3A_90 : memref<!tpu.dma_semaphore, #tpu.memory_space<semaphore_mem>>)
      %dma_wait3A_101 = arith.constant 0 : i32
      %dma_wait3A_102 = tpu.memref_slice %arg5[%run_scoped3A, %dma_wait3A_101] : memref<2x128xi32, #tpu.memory_space<vmem>> -> memref<1x128xi32, #tpu.memory_space<vmem>>
      %dma_wait3A_103 = tpu.memref_squeeze %dma_wait3A_102 : memref<1x128xi32, #tpu.memory_space<vmem>> -> memref<128xi32, #tpu.memory_space<vmem>>
      %dma_wait3A_104 = tpu.memref_slice %arg3[%select_n3A, %add3A_34] : memref<8x1024xi32, #tpu.memory_space<hbm>> -> memref<1x128xi32, #tpu.memory_space<hbm>>
      %dma_wait3A_105 = tpu.memref_squeeze %dma_wait3A_104 : memref<1x128xi32, #tpu.memory_space<hbm>> -> memref<128xi32, #tpu.memory_space<hbm>>
      %dma_wait3A_106 = arith.constant 0 : i32
      %dma_wait3A_107 = tpu.memref_slice %arg5[%run_scoped3A, %dma_wait3A_106] : memref<2x128xi32, #tpu.memory_space<vmem>> -> memref<1x128xi32, #tpu.memory_space<vmem>>
      %dma_wait3A_108 = tpu.memref_squeeze %dma_wait3A_107 : memref<1x128xi32, #tpu.memory_space<vmem>> -> memref<128xi32, #tpu.memory_space<vmem>>
      %dma_wait3A_109 = tpu.memref_slice %arg3[%select_n3A, %add3A_34] : memref<8x1024xi32, #tpu.memory_space<hbm>> -> memref<1x128xi32, #tpu.memory_space<hbm>>
      %dma_wait3A_110 = tpu.memref_squeeze %dma_wait3A_109 : memref<1x128xi32, #tpu.memory_space<hbm>> -> memref<128xi32, #tpu.memory_space<hbm>>
      tpu.wait_dma2 semaphore(%run_scoped3A_90 : memref<!tpu.dma_semaphore, #tpu.memory_space<semaphore_mem>>) src(%dma_wait3A_110 : memref<128xi32, #tpu.memory_space<hbm>>) dst(%dma_wait3A_108 : memref<128xi32, #tpu.memory_space<vmem>>)
      tpu.yield
    }) : () -> ()
    %mul3A_35 = arith.constant 256 : i32
    %mul3A_36 = arith.muli %select_n3A_30, %mul3A_35 : i32
    %add3A_37 = arith.constant 128 : i32
    %add3A_38 = arith.addi %mul3A_36, %add3A_37 : i32
    %run_scoped3A_39 = arith.constant 1 : i32
    "tpu.region"() ({
      %run_scoped3A_90 = tpu.sem_alloc : memref<!tpu.dma_semaphore, #tpu.memory_space<semaphore_mem>>
      %dma_start3A_91 = arith.constant 0 : i32
      %dma_start3A_92 = tpu.memref_slice %arg5[%run_scoped3A_39, %dma_start3A_91] : memref<2x128xi32, #tpu.memory_space<vmem>> -> memref<1x128xi32, #tpu.memory_space<vmem>>
      %dma_start3A_93 = tpu.memref_squeeze %dma_start3A_92 : memref<1x128xi32, #tpu.memory_space<vmem>> -> memref<128xi32, #tpu.memory_space<vmem>>
      %dma_start3A_94 = tpu.memref_slice %arg3[%select_n3A, %add3A_38] : memref<8x1024xi32, #tpu.memory_space<hbm>> -> memref<1x128xi32, #tpu.memory_space<hbm>>
      %dma_start3A_95 = tpu.memref_squeeze %dma_start3A_94 : memref<1x128xi32, #tpu.memory_space<hbm>> -> memref<128xi32, #tpu.memory_space<hbm>>
      %dma_start3A_96 = arith.constant 0 : i32
      %dma_start3A_97 = tpu.memref_slice %arg5[%run_scoped3A_39, %dma_start3A_96] : memref<2x128xi32, #tpu.memory_space<vmem>> -> memref<1x128xi32, #tpu.memory_space<vmem>>
      %dma_start3A_98 = tpu.memref_squeeze %dma_start3A_97 : memref<1x128xi32, #tpu.memory_space<vmem>> -> memref<128xi32, #tpu.memory_space<vmem>>
      %dma_start3A_99 = tpu.memref_slice %arg3[%select_n3A, %add3A_38] : memref<8x1024xi32, #tpu.memory_space<hbm>> -> memref<1x128xi32, #tpu.memory_space<hbm>>
      %dma_start3A_100 = tpu.memref_squeeze %dma_start3A_99 : memref<1x128xi32, #tpu.memory_space<hbm>> -> memref<128xi32, #tpu.memory_space<hbm>>
      tpu.enqueue_dma source(%dma_start3A_100 : memref<128xi32, #tpu.memory_space<hbm>>) target(%dma_start3A_98 : memref<128xi32, #tpu.memory_space<vmem>>) target_semaphore(%run_scoped3A_90 : memref<!tpu.dma_semaphore, #tpu.memory_space<semaphore_mem>>)
      %dma_wait3A_101 = arith.constant 0 : i32
      %dma_wait3A_102 = tpu.memref_slice %arg5[%run_scoped3A_39, %dma_wait3A_101] : memref<2x128xi32, #tpu.memory_space<vmem>> -> memref<1x128xi32, #tpu.memory_space<vmem>>
      %dma_wait3A_103 = tpu.memref_squeeze %dma_wait3A_102 : memref<1x128xi32, #tpu.memory_space<vmem>> -> memref<128xi32, #tpu.memory_space<vmem>>
      %dma_wait3A_104 = tpu.memref_slice %arg3[%select_n3A, %add3A_38] : memref<8x1024xi32, #tpu.memory_space<hbm>> -> memref<1x128xi32, #tpu.memory_space<hbm>>
      %dma_wait3A_105 = tpu.memref_squeeze %dma_wait3A_104 : memref<1x128xi32, #tpu.memory_space<hbm>> -> memref<128xi32, #tpu.memory_space<hbm>>
      %dma_wait3A_106 = arith.constant 0 : i32
      %dma_wait3A_107 = tpu.memref_slice %arg5[%run_scoped3A_39, %dma_wait3A_106] : memref<2x128xi32, #tpu.memory_space<vmem>> -> memref<1x128xi32, #tpu.memory_space<vmem>>
      %dma_wait3A_108 = tpu.memref_squeeze %dma_wait3A_107 : memref<1x128xi32, #tpu.memory_space<vmem>> -> memref<128xi32, #tpu.memory_space<vmem>>
      %dma_wait3A_109 = tpu.memref_slice %arg3[%select_n3A, %add3A_38] : memref<8x1024xi32, #tpu.memory_space<hbm>> -> memref<1x128xi32, #tpu.memory_space<hbm>>
      %dma_wait3A_110 = tpu.memref_squeeze %dma_wait3A_109 : memref<1x128xi32, #tpu.memory_space<hbm>> -> memref<128xi32, #tpu.memory_space<hbm>>
      tpu.wait_dma2 semaphore(%run_scoped3A_90 : memref<!tpu.dma_semaphore, #tpu.memory_space<semaphore_mem>>) src(%dma_wait3A_110 : memref<128xi32, #tpu.memory_space<hbm>>) dst(%dma_wait3A_108 : memref<128xi32, #tpu.memory_space<vmem>>)
      tpu.yield
    }) : () -> ()
    %dma_start3A = arith.constant 0 : i32
    %dma_start3A_40 = arith.constant 0 : i32
    %dma_start3A_41 = tpu.memref_slice %arg5[%dma_start3A, %dma_start3A_40] : memref<2x128xi32, #tpu.memory_space<vmem>> -> memref<1x128xi32, #tpu.memory_space<vmem>>
    %dma_start3A_42 = tpu.memref_squeeze %dma_start3A_41 : memref<1x128xi32, #tpu.memory_space<vmem>> -> memref<128xi32, #tpu.memory_space<vmem>>
    %dma_start3A_43 = arith.constant 0 : i32
    %dma_start3A_44 = arith.constant 0 : i32
    %dma_start3A_45 = tpu.memref_slice %arg2[%select_n3A, %dma_start3A_43, %dma_start3A_44] : memref<8x1024x128xf32, #tpu.memory_space<hbm>> -> memref<1x1024x128xf32, #tpu.memory_space<hbm>>
    %dma_start3A_46 = tpu.memref_squeeze %dma_start3A_45 : memref<1x1024x128xf32, #tpu.memory_space<hbm>> -> memref<1024x128xf32, #tpu.memory_space<hbm>>
    %dma_start3A_47 = arith.constant 0 : i32
    %dma_start3A_48 = arith.constant 0 : i32
    %dma_start3A_49 = tpu.memref_slice %dma_start3A_46[%dma_start3A_47, %dma_start3A_48] : memref<1024x128xf32, #tpu.memory_space<hbm>> -> memref<1024x128xf32, #tpu.memory_space<hbm>>
    tpu.enqueue_indirect_dma source(%dma_start3A_49 : memref<1024x128xf32, #tpu.memory_space<hbm>>) target(%arg6 : memref<128x128xf32, #tpu.memory_space<vmem>>) offsets(%dma_start3A_42 : memref<128xi32, #tpu.memory_space<vmem>>) semaphore(%arg7 : memref<!tpu.dma_semaphore, #tpu.memory_space<semaphore_mem>>)
    %dma_wait3A = arith.constant 0 : i32
    %dma_wait3A_50 = arith.constant 0 : i32
    %dma_wait3A_51 = tpu.memref_slice %arg5[%dma_wait3A, %dma_wait3A_50] : memref<2x128xi32, #tpu.memory_space<vmem>> -> memref<1x128xi32, #tpu.memory_space<vmem>>
    %dma_wait3A_52 = tpu.memref_squeeze %dma_wait3A_51 : memref<1x128xi32, #tpu.memory_space<vmem>> -> memref<128xi32, #tpu.memory_space<vmem>>
    %dma_wait3A_53 = arith.constant 0 : i32
    %dma_wait3A_54 = arith.constant 0 : i32
    %dma_wait3A_55 = tpu.memref_slice %arg2[%select_n3A, %dma_wait3A_53, %dma_wait3A_54] : memref<8x1024x128xf32, #tpu.memory_space<hbm>> -> memref<1x1024x128xf32, #tpu.memory_space<hbm>>
    %dma_wait3A_56 = tpu.memref_squeeze %dma_wait3A_55 : memref<1x1024x128xf32, #tpu.memory_space<hbm>> -> memref<1024x128xf32, #tpu.memory_space<hbm>>
    %dma_wait3A_57 = arith.constant 0 : i32
    %dma_wait3A_58 = arith.constant 0 : i32
    %dma_wait3A_59 = tpu.memref_slice %dma_wait3A_56[%dma_wait3A_57, %dma_wait3A_58] : memref<1024x128xf32, #tpu.memory_space<hbm>> -> memref<1024x128xf32, #tpu.memory_space<hbm>>
    tpu.wait_indirect_dma semaphore(%arg7 : memref<!tpu.dma_semaphore, #tpu.memory_space<semaphore_mem>>) src(%dma_wait3A_59 : memref<1024x128xf32, #tpu.memory_space<hbm>>) dst(%arg6 : memref<128x128xf32, #tpu.memory_space<vmem>>)
    %mul3A_60 = arith.constant 256 : i32
    %mul3A_61 = arith.muli %select_n3A_30, %mul3A_60 : i32
    %add3A_62 = arith.constant 0 : i32
    %add3A_63 = arith.addi %mul3A_61, %add3A_62 : i32
    "tpu.region"() ({
      %run_scoped3A_90 = tpu.sem_alloc : memref<!tpu.dma_semaphore, #tpu.memory_space<semaphore_mem>>
      %dma_start3A_91 = arith.constant 0 : i32
      %dma_start3A_92 = arith.constant 0 : i32
      %dma_start3A_93 = tpu.memref_slice %arg4[%select_n3A, %dma_start3A_91, %dma_start3A_92] : memref<8x1024x128xf32, #tpu.memory_space<hbm>> -> memref<1x1024x128xf32, #tpu.memory_space<hbm>>
      %dma_start3A_94 = tpu.memref_squeeze %dma_start3A_93 : memref<1x1024x128xf32, #tpu.memory_space<hbm>> -> memref<1024x128xf32, #tpu.memory_space<hbm>>
      %dma_start3A_95 = arith.constant 0 : i32
      %dma_start3A_96 = tpu.memref_slice %dma_start3A_94[%add3A_63, %dma_start3A_95] : memref<1024x128xf32, #tpu.memory_space<hbm>> -> memref<128x128xf32, #tpu.memory_space<hbm>>
      %dma_start3A_97 = arith.constant 0 : i32
      %dma_start3A_98 = arith.constant 0 : i32
      %dma_start3A_99 = tpu.memref_slice %arg4[%select_n3A, %dma_start3A_97, %dma_start3A_98] : memref<8x1024x128xf32, #tpu.memory_space<hbm>> -> memref<1x1024x128xf32, #tpu.memory_space<hbm>>
      %dma_start3A_100 = tpu.memref_squeeze %dma_start3A_99 : memref<1x1024x128xf32, #tpu.memory_space<hbm>> -> memref<1024x128xf32, #tpu.memory_space<hbm>>
      %dma_start3A_101 = arith.constant 0 : i32
      %dma_start3A_102 = tpu.memref_slice %dma_start3A_100[%add3A_63, %dma_start3A_101] : memref<1024x128xf32, #tpu.memory_space<hbm>> -> memref<128x128xf32, #tpu.memory_space<hbm>>
      tpu.enqueue_dma source(%arg6 : memref<128x128xf32, #tpu.memory_space<vmem>>) target(%dma_start3A_102 : memref<128x128xf32, #tpu.memory_space<hbm>>) target_semaphore(%run_scoped3A_90 : memref<!tpu.dma_semaphore, #tpu.memory_space<semaphore_mem>>)
      %dma_wait3A_103 = arith.constant 0 : i32
      %dma_wait3A_104 = arith.constant 0 : i32
      %dma_wait3A_105 = tpu.memref_slice %arg4[%select_n3A, %dma_wait3A_103, %dma_wait3A_104] : memref<8x1024x128xf32, #tpu.memory_space<hbm>> -> memref<1x1024x128xf32, #tpu.memory_space<hbm>>
      %dma_wait3A_106 = tpu.memref_squeeze %dma_wait3A_105 : memref<1x1024x128xf32, #tpu.memory_space<hbm>> -> memref<1024x128xf32, #tpu.memory_space<hbm>>
      %dma_wait3A_107 = arith.constant 0 : i32
      %dma_wait3A_108 = tpu.memref_slice %dma_wait3A_106[%add3A_63, %dma_wait3A_107] : memref<1024x128xf32, #tpu.memory_space<hbm>> -> memref<128x128xf32, #tpu.memory_space<hbm>>
      %dma_wait3A_109 = arith.constant 0 : i32
      %dma_wait3A_110 = arith.constant 0 : i32
      %dma_wait3A_111 = tpu.memref_slice %arg4[%select_n3A, %dma_wait3A_109, %dma_wait3A_110] : memref<8x1024x128xf32, #tpu.memory_space<hbm>> -> memref<1x1024x128xf32, #tpu.memory_space<hbm>>
      %dma_wait3A_112 = tpu.memref_squeeze %dma_wait3A_111 : memref<1x1024x128xf32, #tpu.memory_space<hbm>> -> memref<1024x128xf32, #tpu.memory_space<hbm>>
      %dma_wait3A_113 = arith.constant 0 : i32
      %dma_wait3A_114 = tpu.memref_slice %dma_wait3A_112[%add3A_63, %dma_wait3A_113] : memref<1024x128xf32, #tpu.memory_space<hbm>> -> memref<128x128xf32, #tpu.memory_space<hbm>>
      tpu.wait_dma2 semaphore(%run_scoped3A_90 : memref<!tpu.dma_semaphore, #tpu.memory_space<semaphore_mem>>) src(%arg6 : memref<128x128xf32, #tpu.memory_space<vmem>>) dst(%dma_wait3A_114 : memref<128x128xf32, #tpu.memory_space<hbm>>)
      tpu.yield
    }) : () -> ()
    %dma_start3A_64 = arith.constant 1 : i32
    %dma_start3A_65 = arith.constant 0 : i32
    %dma_start3A_66 = tpu.memref_slice %arg5[%dma_start3A_64, %dma_start3A_65] : memref<2x128xi32, #tpu.memory_space<vmem>> -> memref<1x128xi32, #tpu.memory_space<vmem>>
    %dma_start3A_67 = tpu.memref_squeeze %dma_start3A_66 : memref<1x128xi32, #tpu.memory_space<vmem>> -> memref<128xi32, #tpu.memory_space<vmem>>
    %dma_start3A_68 = arith.constant 0 : i32
    %dma_start3A_69 = arith.constant 0 : i32
    %dma_start3A_70 = tpu.memref_slice %arg2[%select_n3A, %dma_start3A_68, %dma_start3A_69] : memref<8x1024x128xf32, #tpu.memory_space<hbm>> -> memref<1x1024x128xf32, #tpu.memory_space<hbm>>
    %dma_start3A_71 = tpu.memref_squeeze %dma_start3A_70 : memref<1x1024x128xf32, #tpu.memory_space<hbm>> -> memref<1024x128xf32, #tpu.memory_space<hbm>>
    %dma_start3A_72 = arith.constant 0 : i32
    %dma_start3A_73 = arith.constant 0 : i32
    %dma_start3A_74 = tpu.memref_slice %dma_start3A_71[%dma_start3A_72, %dma_start3A_73] : memref<1024x128xf32, #tpu.memory_space<hbm>> -> memref<1024x128xf32, #tpu.memory_space<hbm>>
    tpu.enqueue_indirect_dma source(%dma_start3A_74 : memref<1024x128xf32, #tpu.memory_space<hbm>>) target(%arg6 : memref<128x128xf32, #tpu.memory_space<vmem>>) offsets(%dma_start3A_67 : memref<128xi32, #tpu.memory_space<vmem>>) semaphore(%arg7 : memref<!tpu.dma_semaphore, #tpu.memory_space<semaphore_mem>>)
    %dma_wait3A_75 = arith.constant 1 : i32
    %dma_wait3A_76 = arith.constant 0 : i32
    %dma_wait3A_77 = tpu.memref_slice %arg5[%dma_wait3A_75, %dma_wait3A_76] : memref<2x128xi32, #tpu.memory_space<vmem>> -> memref<1x128xi32, #tpu.memory_space<vmem>>
    %dma_wait3A_78 = tpu.memref_squeeze %dma_wait3A_77 : memref<1x128xi32, #tpu.memory_space<vmem>> -> memref<128xi32, #tpu.memory_space<vmem>>
    %dma_wait3A_79 = arith.constant 0 : i32
    %dma_wait3A_80 = arith.constant 0 : i32
    %dma_wait3A_81 = tpu.memref_slice %arg2[%select_n3A, %dma_wait3A_79, %dma_wait3A_80] : memref<8x1024x128xf32, #tpu.memory_space<hbm>> -> memref<1x1024x128xf32, #tpu.memory_space<hbm>>
    %dma_wait3A_82 = tpu.memref_squeeze %dma_wait3A_81 : memref<1x1024x128xf32, #tpu.memory_space<hbm>> -> memref<1024x128xf32, #tpu.memory_space<hbm>>
    %dma_wait3A_83 = arith.constant 0 : i32
    %dma_wait3A_84 = arith.constant 0 : i32
    %dma_wait3A_85 = tpu.memref_slice %dma_wait3A_82[%dma_wait3A_83, %dma_wait3A_84] : memref<1024x128xf32, #tpu.memory_space<hbm>> -> memref<1024x128xf32, #tpu.memory_space<hbm>>
    tpu.wait_indirect_dma semaphore(%arg7 : memref<!tpu.dma_semaphore, #tpu.memory_space<semaphore_mem>>) src(%dma_wait3A_85 : memref<1024x128xf32, #tpu.memory_space<hbm>>) dst(%arg6 : memref<128x128xf32, #tpu.memory_space<vmem>>)
    %mul3A_86 = arith.constant 256 : i32
    %mul3A_87 = arith.muli %select_n3A_30, %mul3A_86 : i32
    %add3A_88 = arith.constant 128 : i32
    %add3A_89 = arith.addi %mul3A_87, %add3A_88 : i32
    "tpu.region"() ({
      %run_scoped3A_90 = tpu.sem_alloc : memref<!tpu.dma_semaphore, #tpu.memory_space<semaphore_mem>>
      %dma_start3A_91 = arith.constant 0 : i32
      %dma_start3A_92 = arith.constant 0 : i32
      %dma_start3A_93 = tpu.memref_slice %arg4[%select_n3A, %dma_start3A_91, %dma_start3A_92] : memref<8x1024x128xf32, #tpu.memory_space<hbm>> -> memref<1x1024x128xf32, #tpu.memory_space<hbm>>
      %dma_start3A_94 = tpu.memref_squeeze %dma_start3A_93 : memref<1x1024x128xf32, #tpu.memory_space<hbm>> -> memref<1024x128xf32, #tpu.memory_space<hbm>>
      %dma_start3A_95 = arith.constant 0 : i32
      %dma_start3A_96 = tpu.memref_slice %dma_start3A_94[%add3A_89, %dma_start3A_95] : memref<1024x128xf32, #tpu.memory_space<hbm>> -> memref<128x128xf32, #tpu.memory_space<hbm>>
      %dma_start3A_97 = arith.constant 0 : i32
      %dma_start3A_98 = arith.constant 0 : i32
      %dma_start3A_99 = tpu.memref_slice %arg4[%select_n3A, %dma_start3A_97, %dma_start3A_98] : memref<8x1024x128xf32, #tpu.memory_space<hbm>> -> memref<1x1024x128xf32, #tpu.memory_space<hbm>>
      %dma_start3A_100 = tpu.memref_squeeze %dma_start3A_99 : memref<1x1024x128xf32, #tpu.memory_space<hbm>> -> memref<1024x128xf32, #tpu.memory_space<hbm>>
      %dma_start3A_101 = arith.constant 0 : i32
      %dma_start3A_102 = tpu.memref_slice %dma_start3A_100[%add3A_89, %dma_start3A_101] : memref<1024x128xf32, #tpu.memory_space<hbm>> -> memref<128x128xf32, #tpu.memory_space<hbm>>
      tpu.enqueue_dma source(%arg6 : memref<128x128xf32, #tpu.memory_space<vmem>>) target(%dma_start3A_102 : memref<128x128xf32, #tpu.memory_space<hbm>>) target_semaphore(%run_scoped3A_90 : memref<!tpu.dma_semaphore, #tpu.memory_space<semaphore_mem>>)
      %dma_wait3A_103 = arith.constant 0 : i32
      %dma_wait3A_104 = arith.constant 0 : i32
      %dma_wait3A_105 = tpu.memref_slice %arg4[%select_n3A, %dma_wait3A_103, %dma_wait3A_104] : memref<8x1024x128xf32, #tpu.memory_space<hbm>> -> memref<1x1024x128xf32, #tpu.memory_space<hbm>>
      %dma_wait3A_106 = tpu.memref_squeeze %dma_wait3A_105 : memref<1x1024x128xf32, #tpu.memory_space<hbm>> -> memref<1024x128xf32, #tpu.memory_space<hbm>>
      %dma_wait3A_107 = arith.constant 0 : i32
      %dma_wait3A_108 = tpu.memref_slice %dma_wait3A_106[%add3A_89, %dma_wait3A_107] : memref<1024x128xf32, #tpu.memory_space<hbm>> -> memref<128x128xf32, #tpu.memory_space<hbm>>
      %dma_wait3A_109 = arith.constant 0 : i32
      %dma_wait3A_110 = arith.constant 0 : i32
      %dma_wait3A_111 = tpu.memref_slice %arg4[%select_n3A, %dma_wait3A_109, %dma_wait3A_110] : memref<8x1024x128xf32, #tpu.memory_space<hbm>> -> memref<1x1024x128xf32, #tpu.memory_space<hbm>>
      %dma_wait3A_112 = tpu.memref_squeeze %dma_wait3A_111 : memref<1x1024x128xf32, #tpu.memory_space<hbm>> -> memref<1024x128xf32, #tpu.memory_space<hbm>>
      %dma_wait3A_113 = arith.constant 0 : i32
      %dma_wait3A_114 = tpu.memref_slice %dma_wait3A_112[%add3A_89, %dma_wait3A_113] : memref<1024x128xf32, #tpu.memory_space<hbm>> -> memref<128x128xf32, #tpu.memory_space<hbm>>
      tpu.wait_dma2 semaphore(%run_scoped3A_90 : memref<!tpu.dma_semaphore, #tpu.memory_space<semaphore_mem>>) src(%arg6 : memref<128x128xf32, #tpu.memory_space<vmem>>) dst(%dma_wait3A_114 : memref<128x128xf32, #tpu.memory_space<hbm>>)
      tpu.yield
    }) : () -> ()
    return
  }
}

#map = affine_map<(d0, d1) -> (0, 0)>
module attributes {stable_mosaic.version = 14 : i64} {
  func.func @gather_u(%arg0: i32, %arg1: i32, %arg2: memref<8x1024xf32, #tpu.memory_space<hbm>>, %arg3: memref<8x3072xi32, #tpu.memory_space<hbm>>, %arg4: memref<8x3072xf32, #tpu.memory_space<hbm>>, %arg5: memref<1024xf32, #tpu.memory_space<vmem>>, %arg6: memref<768xi32, #tpu.memory_space<vmem>>, %arg7: memref<768xf32, #tpu.memory_space<vmem>>) attributes {dimension_semantics = [#tpu.dimension_semantics<core_parallel>, #tpu.dimension_semantics<subcore_parallel>], iteration_bounds = array<i64: 2, 16>, scalar_prefetch = 0 : i64, scratch_operands = 3 : i64, tpu.core_type = #tpu.core_type<sc_vector_subcore>, window_params = [{transform_indices = #map}, {transform_indices = #map}, {transform_indices = #map}]} {
    %mul3A = arith.constant 2 : i32
    %mul3A_0 = arith.muli %arg1, %mul3A : i32
    %add3A = arith.addi %mul3A_0, %arg0 : i32
    %jit3A = arith.constant 4 : i32
    %div3A = arith.divsi %add3A, %jit3A : i32
    %sign3A = arith.constant 0 : i32
    %sign3A_1 = arith.cmpi sgt, %add3A, %sign3A : i32
    %sign3A_2 = arith.extui %sign3A_1 : i1 to i32
    %sign3A_3 = arith.constant 0 : i32
    %sign3A_4 = arith.cmpi slt, %add3A, %sign3A_3 : i32
    %sign3A_5 = arith.extui %sign3A_4 : i1 to i32
    %sign3A_6 = arith.subi %sign3A_2, %sign3A_5 : i32
    %sign3A_7 = arith.constant 0 : i32
    %sign3A_8 = arith.cmpi sgt, %jit3A, %sign3A_7 : i32
    %sign3A_9 = arith.extui %sign3A_8 : i1 to i32
    %sign3A_10 = arith.constant 0 : i32
    %sign3A_11 = arith.cmpi slt, %jit3A, %sign3A_10 : i32
    %sign3A_12 = arith.extui %sign3A_11 : i1 to i32
    %sign3A_13 = arith.subi %sign3A_9, %sign3A_12 : i32
    %ne3A = arith.cmpi ne, %sign3A_6, %sign3A_13 : i32
    %rem3A = arith.remsi %add3A, %jit3A : i32
    %ne3A_14 = arith.constant 0 : i32
    %ne3A_15 = arith.cmpi ne, %rem3A, %ne3A_14 : i32
    %and3A = arith.andi %ne3A, %ne3A_15 : i1
    %sub3A = arith.constant 1 : i32
    %sub3A_16 = arith.subi %div3A, %sub3A : i32
    %select_n3A = arith.select %and3A, %sub3A_16, %div3A : i32
    %jit3A_17 = arith.constant 4 : i32
    %eq3A = arith.constant 0 : i32
    %eq3A_18 = arith.cmpi eq, %jit3A_17, %eq3A : i32
    %jit3A_19 = arith.constant 1 : i32
    %select_n3A_20 = arith.select %eq3A_18, %jit3A_19, %jit3A_17 : i32
    %rem3A_21 = arith.remsi %add3A, %select_n3A_20 : i32
    %ne3A_22 = arith.constant 0 : i32
    %ne3A_23 = arith.cmpi ne, %rem3A_21, %ne3A_22 : i32
    %lt3A = arith.constant 0 : i32
    %lt3A_24 = arith.cmpi slt, %rem3A_21, %lt3A : i32
    %lt3A_25 = arith.constant 0 : i32
    %lt3A_26 = arith.cmpi slt, %select_n3A_20, %lt3A_25 : i32
    %ne3A_27 = arith.xori %lt3A_24, %lt3A_26 : i1
    %and3A_28 = arith.andi %ne3A_27, %ne3A_23 : i1
    %add3A_29 = arith.addi %rem3A_21, %select_n3A_20 : i32
    %select_n3A_30 = arith.select %and3A_28, %add3A_29, %rem3A_21 : i32
    "tpu.region"() ({
      %run_scoped3A = tpu.sem_alloc : memref<!tpu.dma_semaphore, #tpu.memory_space<semaphore_mem>>
      %dma_start3A = arith.constant 0 : i32
      %dma_start3A_272 = tpu.memref_slice %arg2[%select_n3A, %dma_start3A] : memref<8x1024xf32, #tpu.memory_space<hbm>> -> memref<1x1024xf32, #tpu.memory_space<hbm>>
      %dma_start3A_273 = tpu.memref_squeeze %dma_start3A_272 : memref<1x1024xf32, #tpu.memory_space<hbm>> -> memref<1024xf32, #tpu.memory_space<hbm>>
      %dma_start3A_274 = arith.constant 0 : i32
      %dma_start3A_275 = tpu.memref_slice %arg2[%select_n3A, %dma_start3A_274] : memref<8x1024xf32, #tpu.memory_space<hbm>> -> memref<1x1024xf32, #tpu.memory_space<hbm>>
      %dma_start3A_276 = tpu.memref_squeeze %dma_start3A_275 : memref<1x1024xf32, #tpu.memory_space<hbm>> -> memref<1024xf32, #tpu.memory_space<hbm>>
      tpu.enqueue_dma source(%dma_start3A_276 : memref<1024xf32, #tpu.memory_space<hbm>>) target(%arg5 : memref<1024xf32, #tpu.memory_space<vmem>>) target_semaphore(%run_scoped3A : memref<!tpu.dma_semaphore, #tpu.memory_space<semaphore_mem>>)
      %dma_wait3A = arith.constant 0 : i32
      %dma_wait3A_277 = tpu.memref_slice %arg2[%select_n3A, %dma_wait3A] : memref<8x1024xf32, #tpu.memory_space<hbm>> -> memref<1x1024xf32, #tpu.memory_space<hbm>>
      %dma_wait3A_278 = tpu.memref_squeeze %dma_wait3A_277 : memref<1x1024xf32, #tpu.memory_space<hbm>> -> memref<1024xf32, #tpu.memory_space<hbm>>
      %dma_wait3A_279 = arith.constant 0 : i32
      %dma_wait3A_280 = tpu.memref_slice %arg2[%select_n3A, %dma_wait3A_279] : memref<8x1024xf32, #tpu.memory_space<hbm>> -> memref<1x1024xf32, #tpu.memory_space<hbm>>
      %dma_wait3A_281 = tpu.memref_squeeze %dma_wait3A_280 : memref<1x1024xf32, #tpu.memory_space<hbm>> -> memref<1024xf32, #tpu.memory_space<hbm>>
      tpu.wait_dma2 semaphore(%run_scoped3A : memref<!tpu.dma_semaphore, #tpu.memory_space<semaphore_mem>>) src(%dma_wait3A_281 : memref<1024xf32, #tpu.memory_space<hbm>>) dst(%arg5 : memref<1024xf32, #tpu.memory_space<vmem>>)
      tpu.yield
    }) : () -> ()
    %mul3A_31 = arith.constant 768 : i32
    %mul3A_32 = arith.muli %select_n3A_30, %mul3A_31 : i32
    "tpu.region"() ({
      %run_scoped3A = tpu.sem_alloc : memref<!tpu.dma_semaphore, #tpu.memory_space<semaphore_mem>>
      %dma_start3A = tpu.memref_slice %arg3[%select_n3A, %mul3A_32] : memref<8x3072xi32, #tpu.memory_space<hbm>> -> memref<1x768xi32, #tpu.memory_space<hbm>>
      %dma_start3A_272 = tpu.memref_squeeze %dma_start3A : memref<1x768xi32, #tpu.memory_space<hbm>> -> memref<768xi32, #tpu.memory_space<hbm>>
      %dma_start3A_273 = tpu.memref_slice %arg3[%select_n3A, %mul3A_32] : memref<8x3072xi32, #tpu.memory_space<hbm>> -> memref<1x768xi32, #tpu.memory_space<hbm>>
      %dma_start3A_274 = tpu.memref_squeeze %dma_start3A_273 : memref<1x768xi32, #tpu.memory_space<hbm>> -> memref<768xi32, #tpu.memory_space<hbm>>
      tpu.enqueue_dma source(%dma_start3A_274 : memref<768xi32, #tpu.memory_space<hbm>>) target(%arg6 : memref<768xi32, #tpu.memory_space<vmem>>) target_semaphore(%run_scoped3A : memref<!tpu.dma_semaphore, #tpu.memory_space<semaphore_mem>>)
      %dma_wait3A = tpu.memref_slice %arg3[%select_n3A, %mul3A_32] : memref<8x3072xi32, #tpu.memory_space<hbm>> -> memref<1x768xi32, #tpu.memory_space<hbm>>
      %dma_wait3A_275 = tpu.memref_squeeze %dma_wait3A : memref<1x768xi32, #tpu.memory_space<hbm>> -> memref<768xi32, #tpu.memory_space<hbm>>
      %dma_wait3A_276 = tpu.memref_slice %arg3[%select_n3A, %mul3A_32] : memref<8x3072xi32, #tpu.memory_space<hbm>> -> memref<1x768xi32, #tpu.memory_space<hbm>>
      %dma_wait3A_277 = tpu.memref_squeeze %dma_wait3A_276 : memref<1x768xi32, #tpu.memory_space<hbm>> -> memref<768xi32, #tpu.memory_space<hbm>>
      tpu.wait_dma2 semaphore(%run_scoped3A : memref<!tpu.dma_semaphore, #tpu.memory_space<semaphore_mem>>) src(%dma_wait3A_277 : memref<768xi32, #tpu.memory_space<hbm>>) dst(%arg6 : memref<768xi32, #tpu.memory_space<vmem>>)
      tpu.yield
    }) : () -> ()
    %get3A = arith.constant 0 : index
    %get3A_33 = tpu.vector_load %arg6[%get3A] {strides = array<i32>} : memref<768xi32, #tpu.memory_space<vmem>>, vector<16xi32>,
    %gather3A = tpu.vector_load_idx %arg5[%get3A_33] : memref<1024xf32, #tpu.memory_space<vmem>>[vector<16xi32>], vector<16xf32>,
    %swap3A = arith.constant 0 : index
    %swap3A_34 = tpu.vector_load %arg7[%swap3A] {strides = array<i32>} : memref<768xf32, #tpu.memory_space<vmem>>, vector<16xf32>,
    tpu.vector_store %arg7[%swap3A], %gather3A {strides = array<i32>} : memref<768xf32, #tpu.memory_space<vmem>>, vector<16xf32>,
    %get3A_35 = arith.constant 16 : index
    %get3A_36 = tpu.vector_load %arg6[%get3A_35] {strides = array<i32>} : memref<768xi32, #tpu.memory_space<vmem>>, vector<16xi32>,
    %gather3A_37 = tpu.vector_load_idx %arg5[%get3A_36] : memref<1024xf32, #tpu.memory_space<vmem>>[vector<16xi32>], vector<16xf32>,
    %swap3A_38 = arith.constant 16 : index
    %swap3A_39 = tpu.vector_load %arg7[%swap3A_38] {strides = array<i32>} : memref<768xf32, #tpu.memory_space<vmem>>, vector<16xf32>,
    tpu.vector_store %arg7[%swap3A_38], %gather3A_37 {strides = array<i32>} : memref<768xf32, #tpu.memory_space<vmem>>, vector<16xf32>,
    %get3A_40 = arith.constant 32 : index
    %get3A_41 = tpu.vector_load %arg6[%get3A_40] {strides = array<i32>} : memref<768xi32, #tpu.memory_space<vmem>>, vector<16xi32>,
    %gather3A_42 = tpu.vector_load_idx %arg5[%get3A_41] : memref<1024xf32, #tpu.memory_space<vmem>>[vector<16xi32>], vector<16xf32>,
    %swap3A_43 = arith.constant 32 : index
    %swap3A_44 = tpu.vector_load %arg7[%swap3A_43] {strides = array<i32>} : memref<768xf32, #tpu.memory_space<vmem>>, vector<16xf32>,
    tpu.vector_store %arg7[%swap3A_43], %gather3A_42 {strides = array<i32>} : memref<768xf32, #tpu.memory_space<vmem>>, vector<16xf32>,
    %get3A_45 = arith.constant 48 : index
    %get3A_46 = tpu.vector_load %arg6[%get3A_45] {strides = array<i32>} : memref<768xi32, #tpu.memory_space<vmem>>, vector<16xi32>,
    %gather3A_47 = tpu.vector_load_idx %arg5[%get3A_46] : memref<1024xf32, #tpu.memory_space<vmem>>[vector<16xi32>], vector<16xf32>,
    %swap3A_48 = arith.constant 48 : index
    %swap3A_49 = tpu.vector_load %arg7[%swap3A_48] {strides = array<i32>} : memref<768xf32, #tpu.memory_space<vmem>>, vector<16xf32>,
    tpu.vector_store %arg7[%swap3A_48], %gather3A_47 {strides = array<i32>} : memref<768xf32, #tpu.memory_space<vmem>>, vector<16xf32>,
    %get3A_50 = arith.constant 64 : index
    %get3A_51 = tpu.vector_load %arg6[%get3A_50] {strides = array<i32>} : memref<768xi32, #tpu.memory_space<vmem>>, vector<16xi32>,
    %gather3A_52 = tpu.vector_load_idx %arg5[%get3A_51] : memref<1024xf32, #tpu.memory_space<vmem>>[vector<16xi32>], vector<16xf32>,
    %swap3A_53 = arith.constant 64 : index
    %swap3A_54 = tpu.vector_load %arg7[%swap3A_53] {strides = array<i32>} : memref<768xf32, #tpu.memory_space<vmem>>, vector<16xf32>,
    tpu.vector_store %arg7[%swap3A_53], %gather3A_52 {strides = array<i32>} : memref<768xf32, #tpu.memory_space<vmem>>, vector<16xf32>,
    %get3A_55 = arith.constant 80 : index
    %get3A_56 = tpu.vector_load %arg6[%get3A_55] {strides = array<i32>} : memref<768xi32, #tpu.memory_space<vmem>>, vector<16xi32>,
    %gather3A_57 = tpu.vector_load_idx %arg5[%get3A_56] : memref<1024xf32, #tpu.memory_space<vmem>>[vector<16xi32>], vector<16xf32>,
    %swap3A_58 = arith.constant 80 : index
    %swap3A_59 = tpu.vector_load %arg7[%swap3A_58] {strides = array<i32>} : memref<768xf32, #tpu.memory_space<vmem>>, vector<16xf32>,
    tpu.vector_store %arg7[%swap3A_58], %gather3A_57 {strides = array<i32>} : memref<768xf32, #tpu.memory_space<vmem>>, vector<16xf32>,
    %get3A_60 = arith.constant 96 : index
    %get3A_61 = tpu.vector_load %arg6[%get3A_60] {strides = array<i32>} : memref<768xi32, #tpu.memory_space<vmem>>, vector<16xi32>,
    %gather3A_62 = tpu.vector_load_idx %arg5[%get3A_61] : memref<1024xf32, #tpu.memory_space<vmem>>[vector<16xi32>], vector<16xf32>,
    %swap3A_63 = arith.constant 96 : index
    %swap3A_64 = tpu.vector_load %arg7[%swap3A_63] {strides = array<i32>} : memref<768xf32, #tpu.memory_space<vmem>>, vector<16xf32>,
    tpu.vector_store %arg7[%swap3A_63], %gather3A_62 {strides = array<i32>} : memref<768xf32, #tpu.memory_space<vmem>>, vector<16xf32>,
    %get3A_65 = arith.constant 112 : index
    %get3A_66 = tpu.vector_load %arg6[%get3A_65] {strides = array<i32>} : memref<768xi32, #tpu.memory_space<vmem>>, vector<16xi32>,
    %gather3A_67 = tpu.vector_load_idx %arg5[%get3A_66] : memref<1024xf32, #tpu.memory_space<vmem>>[vector<16xi32>], vector<16xf32>,
    %swap3A_68 = arith.constant 112 : index
    %swap3A_69 = tpu.vector_load %arg7[%swap3A_68] {strides = array<i32>} : memref<768xf32, #tpu.memory_space<vmem>>, vector<16xf32>,
    tpu.vector_store %arg7[%swap3A_68], %gather3A_67 {strides = array<i32>} : memref<768xf32, #tpu.memory_space<vmem>>, vector<16xf32>,
    %get3A_70 = arith.constant 128 : index
    %get3A_71 = tpu.vector_load %arg6[%get3A_70] {strides = array<i32>} : memref<768xi32, #tpu.memory_space<vmem>>, vector<16xi32>,
    %gather3A_72 = tpu.vector_load_idx %arg5[%get3A_71] : memref<1024xf32, #tpu.memory_space<vmem>>[vector<16xi32>], vector<16xf32>,
    %swap3A_73 = arith.constant 128 : index
    %swap3A_74 = tpu.vector_load %arg7[%swap3A_73] {strides = array<i32>} : memref<768xf32, #tpu.memory_space<vmem>>, vector<16xf32>,
    tpu.vector_store %arg7[%swap3A_73], %gather3A_72 {strides = array<i32>} : memref<768xf32, #tpu.memory_space<vmem>>, vector<16xf32>,
    %get3A_75 = arith.constant 144 : index
    %get3A_76 = tpu.vector_load %arg6[%get3A_75] {strides = array<i32>} : memref<768xi32, #tpu.memory_space<vmem>>, vector<16xi32>,
    %gather3A_77 = tpu.vector_load_idx %arg5[%get3A_76] : memref<1024xf32, #tpu.memory_space<vmem>>[vector<16xi32>], vector<16xf32>,
    %swap3A_78 = arith.constant 144 : index
    %swap3A_79 = tpu.vector_load %arg7[%swap3A_78] {strides = array<i32>} : memref<768xf32, #tpu.memory_space<vmem>>, vector<16xf32>,
    tpu.vector_store %arg7[%swap3A_78], %gather3A_77 {strides = array<i32>} : memref<768xf32, #tpu.memory_space<vmem>>, vector<16xf32>,
    %get3A_80 = arith.constant 160 : index
    %get3A_81 = tpu.vector_load %arg6[%get3A_80] {strides = array<i32>} : memref<768xi32, #tpu.memory_space<vmem>>, vector<16xi32>,
    %gather3A_82 = tpu.vector_load_idx %arg5[%get3A_81] : memref<1024xf32, #tpu.memory_space<vmem>>[vector<16xi32>], vector<16xf32>,
    %swap3A_83 = arith.constant 160 : index
    %swap3A_84 = tpu.vector_load %arg7[%swap3A_83] {strides = array<i32>} : memref<768xf32, #tpu.memory_space<vmem>>, vector<16xf32>,
    tpu.vector_store %arg7[%swap3A_83], %gather3A_82 {strides = array<i32>} : memref<768xf32, #tpu.memory_space<vmem>>, vector<16xf32>,
    %get3A_85 = arith.constant 176 : index
    %get3A_86 = tpu.vector_load %arg6[%get3A_85] {strides = array<i32>} : memref<768xi32, #tpu.memory_space<vmem>>, vector<16xi32>,
    %gather3A_87 = tpu.vector_load_idx %arg5[%get3A_86] : memref<1024xf32, #tpu.memory_space<vmem>>[vector<16xi32>], vector<16xf32>,
    %swap3A_88 = arith.constant 176 : index
    %swap3A_89 = tpu.vector_load %arg7[%swap3A_88] {strides = array<i32>} : memref<768xf32, #tpu.memory_space<vmem>>, vector<16xf32>,
    tpu.vector_store %arg7[%swap3A_88], %gather3A_87 {strides = array<i32>} : memref<768xf32, #tpu.memory_space<vmem>>, vector<16xf32>,
    %get3A_90 = arith.constant 192 : index
    %get3A_91 = tpu.vector_load %arg6[%get3A_90] {strides = array<i32>} : memref<768xi32, #tpu.memory_space<vmem>>, vector<16xi32>,
    %gather3A_92 = tpu.vector_load_idx %arg5[%get3A_91] : memref<1024xf32, #tpu.memory_space<vmem>>[vector<16xi32>], vector<16xf32>,
    %swap3A_93 = arith.constant 192 : index
    %swap3A_94 = tpu.vector_load %arg7[%swap3A_93] {strides = array<i32>} : memref<768xf32, #tpu.memory_space<vmem>>, vector<16xf32>,
    tpu.vector_store %arg7[%swap3A_93], %gather3A_92 {strides = array<i32>} : memref<768xf32, #tpu.memory_space<vmem>>, vector<16xf32>,
    %get3A_95 = arith.constant 208 : index
    %get3A_96 = tpu.vector_load %arg6[%get3A_95] {strides = array<i32>} : memref<768xi32, #tpu.memory_space<vmem>>, vector<16xi32>,
    %gather3A_97 = tpu.vector_load_idx %arg5[%get3A_96] : memref<1024xf32, #tpu.memory_space<vmem>>[vector<16xi32>], vector<16xf32>,
    %swap3A_98 = arith.constant 208 : index
    %swap3A_99 = tpu.vector_load %arg7[%swap3A_98] {strides = array<i32>} : memref<768xf32, #tpu.memory_space<vmem>>, vector<16xf32>,
    tpu.vector_store %arg7[%swap3A_98], %gather3A_97 {strides = array<i32>} : memref<768xf32, #tpu.memory_space<vmem>>, vector<16xf32>,
    %get3A_100 = arith.constant 224 : index
    %get3A_101 = tpu.vector_load %arg6[%get3A_100] {strides = array<i32>} : memref<768xi32, #tpu.memory_space<vmem>>, vector<16xi32>,
    %gather3A_102 = tpu.vector_load_idx %arg5[%get3A_101] : memref<1024xf32, #tpu.memory_space<vmem>>[vector<16xi32>], vector<16xf32>,
    %swap3A_103 = arith.constant 224 : index
    %swap3A_104 = tpu.vector_load %arg7[%swap3A_103] {strides = array<i32>} : memref<768xf32, #tpu.memory_space<vmem>>, vector<16xf32>,
    tpu.vector_store %arg7[%swap3A_103], %gather3A_102 {strides = array<i32>} : memref<768xf32, #tpu.memory_space<vmem>>, vector<16xf32>,
    %get3A_105 = arith.constant 240 : index
    %get3A_106 = tpu.vector_load %arg6[%get3A_105] {strides = array<i32>} : memref<768xi32, #tpu.memory_space<vmem>>, vector<16xi32>,
    %gather3A_107 = tpu.vector_load_idx %arg5[%get3A_106] : memref<1024xf32, #tpu.memory_space<vmem>>[vector<16xi32>], vector<16xf32>,
    %swap3A_108 = arith.constant 240 : index
    %swap3A_109 = tpu.vector_load %arg7[%swap3A_108] {strides = array<i32>} : memref<768xf32, #tpu.memory_space<vmem>>, vector<16xf32>,
    tpu.vector_store %arg7[%swap3A_108], %gather3A_107 {strides = array<i32>} : memref<768xf32, #tpu.memory_space<vmem>>, vector<16xf32>,
    %get3A_110 = arith.constant 256 : index
    %get3A_111 = tpu.vector_load %arg6[%get3A_110] {strides = array<i32>} : memref<768xi32, #tpu.memory_space<vmem>>, vector<16xi32>,
    %gather3A_112 = tpu.vector_load_idx %arg5[%get3A_111] : memref<1024xf32, #tpu.memory_space<vmem>>[vector<16xi32>], vector<16xf32>,
    %swap3A_113 = arith.constant 256 : index
    %swap3A_114 = tpu.vector_load %arg7[%swap3A_113] {strides = array<i32>} : memref<768xf32, #tpu.memory_space<vmem>>, vector<16xf32>,
    tpu.vector_store %arg7[%swap3A_113], %gather3A_112 {strides = array<i32>} : memref<768xf32, #tpu.memory_space<vmem>>, vector<16xf32>,
    %get3A_115 = arith.constant 272 : index
    %get3A_116 = tpu.vector_load %arg6[%get3A_115] {strides = array<i32>} : memref<768xi32, #tpu.memory_space<vmem>>, vector<16xi32>,
    %gather3A_117 = tpu.vector_load_idx %arg5[%get3A_116] : memref<1024xf32, #tpu.memory_space<vmem>>[vector<16xi32>], vector<16xf32>,
    %swap3A_118 = arith.constant 272 : index
    %swap3A_119 = tpu.vector_load %arg7[%swap3A_118] {strides = array<i32>} : memref<768xf32, #tpu.memory_space<vmem>>, vector<16xf32>,
    tpu.vector_store %arg7[%swap3A_118], %gather3A_117 {strides = array<i32>} : memref<768xf32, #tpu.memory_space<vmem>>, vector<16xf32>,
    %get3A_120 = arith.constant 288 : index
    %get3A_121 = tpu.vector_load %arg6[%get3A_120] {strides = array<i32>} : memref<768xi32, #tpu.memory_space<vmem>>, vector<16xi32>,
    %gather3A_122 = tpu.vector_load_idx %arg5[%get3A_121] : memref<1024xf32, #tpu.memory_space<vmem>>[vector<16xi32>], vector<16xf32>,
    %swap3A_123 = arith.constant 288 : index
    %swap3A_124 = tpu.vector_load %arg7[%swap3A_123] {strides = array<i32>} : memref<768xf32, #tpu.memory_space<vmem>>, vector<16xf32>,
    tpu.vector_store %arg7[%swap3A_123], %gather3A_122 {strides = array<i32>} : memref<768xf32, #tpu.memory_space<vmem>>, vector<16xf32>,
    %get3A_125 = arith.constant 304 : index
    %get3A_126 = tpu.vector_load %arg6[%get3A_125] {strides = array<i32>} : memref<768xi32, #tpu.memory_space<vmem>>, vector<16xi32>,
    %gather3A_127 = tpu.vector_load_idx %arg5[%get3A_126] : memref<1024xf32, #tpu.memory_space<vmem>>[vector<16xi32>], vector<16xf32>,
    %swap3A_128 = arith.constant 304 : index
    %swap3A_129 = tpu.vector_load %arg7[%swap3A_128] {strides = array<i32>} : memref<768xf32, #tpu.memory_space<vmem>>, vector<16xf32>,
    tpu.vector_store %arg7[%swap3A_128], %gather3A_127 {strides = array<i32>} : memref<768xf32, #tpu.memory_space<vmem>>, vector<16xf32>,
    %get3A_130 = arith.constant 320 : index
    %get3A_131 = tpu.vector_load %arg6[%get3A_130] {strides = array<i32>} : memref<768xi32, #tpu.memory_space<vmem>>, vector<16xi32>,
    %gather3A_132 = tpu.vector_load_idx %arg5[%get3A_131] : memref<1024xf32, #tpu.memory_space<vmem>>[vector<16xi32>], vector<16xf32>,
    %swap3A_133 = arith.constant 320 : index
    %swap3A_134 = tpu.vector_load %arg7[%swap3A_133] {strides = array<i32>} : memref<768xf32, #tpu.memory_space<vmem>>, vector<16xf32>,
    tpu.vector_store %arg7[%swap3A_133], %gather3A_132 {strides = array<i32>} : memref<768xf32, #tpu.memory_space<vmem>>, vector<16xf32>,
    %get3A_135 = arith.constant 336 : index
    %get3A_136 = tpu.vector_load %arg6[%get3A_135] {strides = array<i32>} : memref<768xi32, #tpu.memory_space<vmem>>, vector<16xi32>,
    %gather3A_137 = tpu.vector_load_idx %arg5[%get3A_136] : memref<1024xf32, #tpu.memory_space<vmem>>[vector<16xi32>], vector<16xf32>,
    %swap3A_138 = arith.constant 336 : index
    %swap3A_139 = tpu.vector_load %arg7[%swap3A_138] {strides = array<i32>} : memref<768xf32, #tpu.memory_space<vmem>>, vector<16xf32>,
    tpu.vector_store %arg7[%swap3A_138], %gather3A_137 {strides = array<i32>} : memref<768xf32, #tpu.memory_space<vmem>>, vector<16xf32>,
    %get3A_140 = arith.constant 352 : index
    %get3A_141 = tpu.vector_load %arg6[%get3A_140] {strides = array<i32>} : memref<768xi32, #tpu.memory_space<vmem>>, vector<16xi32>,
    %gather3A_142 = tpu.vector_load_idx %arg5[%get3A_141] : memref<1024xf32, #tpu.memory_space<vmem>>[vector<16xi32>], vector<16xf32>,
    %swap3A_143 = arith.constant 352 : index
    %swap3A_144 = tpu.vector_load %arg7[%swap3A_143] {strides = array<i32>} : memref<768xf32, #tpu.memory_space<vmem>>, vector<16xf32>,
    tpu.vector_store %arg7[%swap3A_143], %gather3A_142 {strides = array<i32>} : memref<768xf32, #tpu.memory_space<vmem>>, vector<16xf32>,
    %get3A_145 = arith.constant 368 : index
    %get3A_146 = tpu.vector_load %arg6[%get3A_145] {strides = array<i32>} : memref<768xi32, #tpu.memory_space<vmem>>, vector<16xi32>,
    %gather3A_147 = tpu.vector_load_idx %arg5[%get3A_146] : memref<1024xf32, #tpu.memory_space<vmem>>[vector<16xi32>], vector<16xf32>,
    %swap3A_148 = arith.constant 368 : index
    %swap3A_149 = tpu.vector_load %arg7[%swap3A_148] {strides = array<i32>} : memref<768xf32, #tpu.memory_space<vmem>>, vector<16xf32>,
    tpu.vector_store %arg7[%swap3A_148], %gather3A_147 {strides = array<i32>} : memref<768xf32, #tpu.memory_space<vmem>>, vector<16xf32>,
    %get3A_150 = arith.constant 384 : index
    %get3A_151 = tpu.vector_load %arg6[%get3A_150] {strides = array<i32>} : memref<768xi32, #tpu.memory_space<vmem>>, vector<16xi32>,
    %gather3A_152 = tpu.vector_load_idx %arg5[%get3A_151] : memref<1024xf32, #tpu.memory_space<vmem>>[vector<16xi32>], vector<16xf32>,
    %swap3A_153 = arith.constant 384 : index
    %swap3A_154 = tpu.vector_load %arg7[%swap3A_153] {strides = array<i32>} : memref<768xf32, #tpu.memory_space<vmem>>, vector<16xf32>,
    tpu.vector_store %arg7[%swap3A_153], %gather3A_152 {strides = array<i32>} : memref<768xf32, #tpu.memory_space<vmem>>, vector<16xf32>,
    %get3A_155 = arith.constant 400 : index
    %get3A_156 = tpu.vector_load %arg6[%get3A_155] {strides = array<i32>} : memref<768xi32, #tpu.memory_space<vmem>>, vector<16xi32>,
    %gather3A_157 = tpu.vector_load_idx %arg5[%get3A_156] : memref<1024xf32, #tpu.memory_space<vmem>>[vector<16xi32>], vector<16xf32>,
    %swap3A_158 = arith.constant 400 : index
    %swap3A_159 = tpu.vector_load %arg7[%swap3A_158] {strides = array<i32>} : memref<768xf32, #tpu.memory_space<vmem>>, vector<16xf32>,
    tpu.vector_store %arg7[%swap3A_158], %gather3A_157 {strides = array<i32>} : memref<768xf32, #tpu.memory_space<vmem>>, vector<16xf32>,
    %get3A_160 = arith.constant 416 : index
    %get3A_161 = tpu.vector_load %arg6[%get3A_160] {strides = array<i32>} : memref<768xi32, #tpu.memory_space<vmem>>, vector<16xi32>,
    %gather3A_162 = tpu.vector_load_idx %arg5[%get3A_161] : memref<1024xf32, #tpu.memory_space<vmem>>[vector<16xi32>], vector<16xf32>,
    %swap3A_163 = arith.constant 416 : index
    %swap3A_164 = tpu.vector_load %arg7[%swap3A_163] {strides = array<i32>} : memref<768xf32, #tpu.memory_space<vmem>>, vector<16xf32>,
    tpu.vector_store %arg7[%swap3A_163], %gather3A_162 {strides = array<i32>} : memref<768xf32, #tpu.memory_space<vmem>>, vector<16xf32>,
    %get3A_165 = arith.constant 432 : index
    %get3A_166 = tpu.vector_load %arg6[%get3A_165] {strides = array<i32>} : memref<768xi32, #tpu.memory_space<vmem>>, vector<16xi32>,
    %gather3A_167 = tpu.vector_load_idx %arg5[%get3A_166] : memref<1024xf32, #tpu.memory_space<vmem>>[vector<16xi32>], vector<16xf32>,
    %swap3A_168 = arith.constant 432 : index
    %swap3A_169 = tpu.vector_load %arg7[%swap3A_168] {strides = array<i32>} : memref<768xf32, #tpu.memory_space<vmem>>, vector<16xf32>,
    tpu.vector_store %arg7[%swap3A_168], %gather3A_167 {strides = array<i32>} : memref<768xf32, #tpu.memory_space<vmem>>, vector<16xf32>,
    %get3A_170 = arith.constant 448 : index
    %get3A_171 = tpu.vector_load %arg6[%get3A_170] {strides = array<i32>} : memref<768xi32, #tpu.memory_space<vmem>>, vector<16xi32>,
    %gather3A_172 = tpu.vector_load_idx %arg5[%get3A_171] : memref<1024xf32, #tpu.memory_space<vmem>>[vector<16xi32>], vector<16xf32>,
    %swap3A_173 = arith.constant 448 : index
    %swap3A_174 = tpu.vector_load %arg7[%swap3A_173] {strides = array<i32>} : memref<768xf32, #tpu.memory_space<vmem>>, vector<16xf32>,
    tpu.vector_store %arg7[%swap3A_173], %gather3A_172 {strides = array<i32>} : memref<768xf32, #tpu.memory_space<vmem>>, vector<16xf32>,
    %get3A_175 = arith.constant 464 : index
    %get3A_176 = tpu.vector_load %arg6[%get3A_175] {strides = array<i32>} : memref<768xi32, #tpu.memory_space<vmem>>, vector<16xi32>,
    %gather3A_177 = tpu.vector_load_idx %arg5[%get3A_176] : memref<1024xf32, #tpu.memory_space<vmem>>[vector<16xi32>], vector<16xf32>,
    %swap3A_178 = arith.constant 464 : index
    %swap3A_179 = tpu.vector_load %arg7[%swap3A_178] {strides = array<i32>} : memref<768xf32, #tpu.memory_space<vmem>>, vector<16xf32>,
    tpu.vector_store %arg7[%swap3A_178], %gather3A_177 {strides = array<i32>} : memref<768xf32, #tpu.memory_space<vmem>>, vector<16xf32>,
    %get3A_180 = arith.constant 480 : index
    %get3A_181 = tpu.vector_load %arg6[%get3A_180] {strides = array<i32>} : memref<768xi32, #tpu.memory_space<vmem>>, vector<16xi32>,
    %gather3A_182 = tpu.vector_load_idx %arg5[%get3A_181] : memref<1024xf32, #tpu.memory_space<vmem>>[vector<16xi32>], vector<16xf32>,
    %swap3A_183 = arith.constant 480 : index
    %swap3A_184 = tpu.vector_load %arg7[%swap3A_183] {strides = array<i32>} : memref<768xf32, #tpu.memory_space<vmem>>, vector<16xf32>,
    tpu.vector_store %arg7[%swap3A_183], %gather3A_182 {strides = array<i32>} : memref<768xf32, #tpu.memory_space<vmem>>, vector<16xf32>,
    %get3A_185 = arith.constant 496 : index
    %get3A_186 = tpu.vector_load %arg6[%get3A_185] {strides = array<i32>} : memref<768xi32, #tpu.memory_space<vmem>>, vector<16xi32>,
    %gather3A_187 = tpu.vector_load_idx %arg5[%get3A_186] : memref<1024xf32, #tpu.memory_space<vmem>>[vector<16xi32>], vector<16xf32>,
    %swap3A_188 = arith.constant 496 : index
    %swap3A_189 = tpu.vector_load %arg7[%swap3A_188] {strides = array<i32>} : memref<768xf32, #tpu.memory_space<vmem>>, vector<16xf32>,
    tpu.vector_store %arg7[%swap3A_188], %gather3A_187 {strides = array<i32>} : memref<768xf32, #tpu.memory_space<vmem>>, vector<16xf32>,
    %get3A_190 = arith.constant 512 : index
    %get3A_191 = tpu.vector_load %arg6[%get3A_190] {strides = array<i32>} : memref<768xi32, #tpu.memory_space<vmem>>, vector<16xi32>,
    %gather3A_192 = tpu.vector_load_idx %arg5[%get3A_191] : memref<1024xf32, #tpu.memory_space<vmem>>[vector<16xi32>], vector<16xf32>,
    %swap3A_193 = arith.constant 512 : index
    %swap3A_194 = tpu.vector_load %arg7[%swap3A_193] {strides = array<i32>} : memref<768xf32, #tpu.memory_space<vmem>>, vector<16xf32>,
    tpu.vector_store %arg7[%swap3A_193], %gather3A_192 {strides = array<i32>} : memref<768xf32, #tpu.memory_space<vmem>>, vector<16xf32>,
    %get3A_195 = arith.constant 528 : index
    %get3A_196 = tpu.vector_load %arg6[%get3A_195] {strides = array<i32>} : memref<768xi32, #tpu.memory_space<vmem>>, vector<16xi32>,
    %gather3A_197 = tpu.vector_load_idx %arg5[%get3A_196] : memref<1024xf32, #tpu.memory_space<vmem>>[vector<16xi32>], vector<16xf32>,
    %swap3A_198 = arith.constant 528 : index
    %swap3A_199 = tpu.vector_load %arg7[%swap3A_198] {strides = array<i32>} : memref<768xf32, #tpu.memory_space<vmem>>, vector<16xf32>,
    tpu.vector_store %arg7[%swap3A_198], %gather3A_197 {strides = array<i32>} : memref<768xf32, #tpu.memory_space<vmem>>, vector<16xf32>,
    %get3A_200 = arith.constant 544 : index
    %get3A_201 = tpu.vector_load %arg6[%get3A_200] {strides = array<i32>} : memref<768xi32, #tpu.memory_space<vmem>>, vector<16xi32>,
    %gather3A_202 = tpu.vector_load_idx %arg5[%get3A_201] : memref<1024xf32, #tpu.memory_space<vmem>>[vector<16xi32>], vector<16xf32>,
    %swap3A_203 = arith.constant 544 : index
    %swap3A_204 = tpu.vector_load %arg7[%swap3A_203] {strides = array<i32>} : memref<768xf32, #tpu.memory_space<vmem>>, vector<16xf32>,
    tpu.vector_store %arg7[%swap3A_203], %gather3A_202 {strides = array<i32>} : memref<768xf32, #tpu.memory_space<vmem>>, vector<16xf32>,
    %get3A_205 = arith.constant 560 : index
    %get3A_206 = tpu.vector_load %arg6[%get3A_205] {strides = array<i32>} : memref<768xi32, #tpu.memory_space<vmem>>, vector<16xi32>,
    %gather3A_207 = tpu.vector_load_idx %arg5[%get3A_206] : memref<1024xf32, #tpu.memory_space<vmem>>[vector<16xi32>], vector<16xf32>,
    %swap3A_208 = arith.constant 560 : index
    %swap3A_209 = tpu.vector_load %arg7[%swap3A_208] {strides = array<i32>} : memref<768xf32, #tpu.memory_space<vmem>>, vector<16xf32>,
    tpu.vector_store %arg7[%swap3A_208], %gather3A_207 {strides = array<i32>} : memref<768xf32, #tpu.memory_space<vmem>>, vector<16xf32>,
    %get3A_210 = arith.constant 576 : index
    %get3A_211 = tpu.vector_load %arg6[%get3A_210] {strides = array<i32>} : memref<768xi32, #tpu.memory_space<vmem>>, vector<16xi32>,
    %gather3A_212 = tpu.vector_load_idx %arg5[%get3A_211] : memref<1024xf32, #tpu.memory_space<vmem>>[vector<16xi32>], vector<16xf32>,
    %swap3A_213 = arith.constant 576 : index
    %swap3A_214 = tpu.vector_load %arg7[%swap3A_213] {strides = array<i32>} : memref<768xf32, #tpu.memory_space<vmem>>, vector<16xf32>,
    tpu.vector_store %arg7[%swap3A_213], %gather3A_212 {strides = array<i32>} : memref<768xf32, #tpu.memory_space<vmem>>, vector<16xf32>,
    %get3A_215 = arith.constant 592 : index
    %get3A_216 = tpu.vector_load %arg6[%get3A_215] {strides = array<i32>} : memref<768xi32, #tpu.memory_space<vmem>>, vector<16xi32>,
    %gather3A_217 = tpu.vector_load_idx %arg5[%get3A_216] : memref<1024xf32, #tpu.memory_space<vmem>>[vector<16xi32>], vector<16xf32>,
    %swap3A_218 = arith.constant 592 : index
    %swap3A_219 = tpu.vector_load %arg7[%swap3A_218] {strides = array<i32>} : memref<768xf32, #tpu.memory_space<vmem>>, vector<16xf32>,
    tpu.vector_store %arg7[%swap3A_218], %gather3A_217 {strides = array<i32>} : memref<768xf32, #tpu.memory_space<vmem>>, vector<16xf32>,
    %get3A_220 = arith.constant 608 : index
    %get3A_221 = tpu.vector_load %arg6[%get3A_220] {strides = array<i32>} : memref<768xi32, #tpu.memory_space<vmem>>, vector<16xi32>,
    %gather3A_222 = tpu.vector_load_idx %arg5[%get3A_221] : memref<1024xf32, #tpu.memory_space<vmem>>[vector<16xi32>], vector<16xf32>,
    %swap3A_223 = arith.constant 608 : index
    %swap3A_224 = tpu.vector_load %arg7[%swap3A_223] {strides = array<i32>} : memref<768xf32, #tpu.memory_space<vmem>>, vector<16xf32>,
    tpu.vector_store %arg7[%swap3A_223], %gather3A_222 {strides = array<i32>} : memref<768xf32, #tpu.memory_space<vmem>>, vector<16xf32>,
    %get3A_225 = arith.constant 624 : index
    %get3A_226 = tpu.vector_load %arg6[%get3A_225] {strides = array<i32>} : memref<768xi32, #tpu.memory_space<vmem>>, vector<16xi32>,
    %gather3A_227 = tpu.vector_load_idx %arg5[%get3A_226] : memref<1024xf32, #tpu.memory_space<vmem>>[vector<16xi32>], vector<16xf32>,
    %swap3A_228 = arith.constant 624 : index
    %swap3A_229 = tpu.vector_load %arg7[%swap3A_228] {strides = array<i32>} : memref<768xf32, #tpu.memory_space<vmem>>, vector<16xf32>,
    tpu.vector_store %arg7[%swap3A_228], %gather3A_227 {strides = array<i32>} : memref<768xf32, #tpu.memory_space<vmem>>, vector<16xf32>,
    %get3A_230 = arith.constant 640 : index
    %get3A_231 = tpu.vector_load %arg6[%get3A_230] {strides = array<i32>} : memref<768xi32, #tpu.memory_space<vmem>>, vector<16xi32>,
    %gather3A_232 = tpu.vector_load_idx %arg5[%get3A_231] : memref<1024xf32, #tpu.memory_space<vmem>>[vector<16xi32>], vector<16xf32>,
    %swap3A_233 = arith.constant 640 : index
    %swap3A_234 = tpu.vector_load %arg7[%swap3A_233] {strides = array<i32>} : memref<768xf32, #tpu.memory_space<vmem>>, vector<16xf32>,
    tpu.vector_store %arg7[%swap3A_233], %gather3A_232 {strides = array<i32>} : memref<768xf32, #tpu.memory_space<vmem>>, vector<16xf32>,
    %get3A_235 = arith.constant 656 : index
    %get3A_236 = tpu.vector_load %arg6[%get3A_235] {strides = array<i32>} : memref<768xi32, #tpu.memory_space<vmem>>, vector<16xi32>,
    %gather3A_237 = tpu.vector_load_idx %arg5[%get3A_236] : memref<1024xf32, #tpu.memory_space<vmem>>[vector<16xi32>], vector<16xf32>,
    %swap3A_238 = arith.constant 656 : index
    %swap3A_239 = tpu.vector_load %arg7[%swap3A_238] {strides = array<i32>} : memref<768xf32, #tpu.memory_space<vmem>>, vector<16xf32>,
    tpu.vector_store %arg7[%swap3A_238], %gather3A_237 {strides = array<i32>} : memref<768xf32, #tpu.memory_space<vmem>>, vector<16xf32>,
    %get3A_240 = arith.constant 672 : index
    %get3A_241 = tpu.vector_load %arg6[%get3A_240] {strides = array<i32>} : memref<768xi32, #tpu.memory_space<vmem>>, vector<16xi32>,
    %gather3A_242 = tpu.vector_load_idx %arg5[%get3A_241] : memref<1024xf32, #tpu.memory_space<vmem>>[vector<16xi32>], vector<16xf32>,
    %swap3A_243 = arith.constant 672 : index
    %swap3A_244 = tpu.vector_load %arg7[%swap3A_243] {strides = array<i32>} : memref<768xf32, #tpu.memory_space<vmem>>, vector<16xf32>,
    tpu.vector_store %arg7[%swap3A_243], %gather3A_242 {strides = array<i32>} : memref<768xf32, #tpu.memory_space<vmem>>, vector<16xf32>,
    %get3A_245 = arith.constant 688 : index
    %get3A_246 = tpu.vector_load %arg6[%get3A_245] {strides = array<i32>} : memref<768xi32, #tpu.memory_space<vmem>>, vector<16xi32>,
    %gather3A_247 = tpu.vector_load_idx %arg5[%get3A_246] : memref<1024xf32, #tpu.memory_space<vmem>>[vector<16xi32>], vector<16xf32>,
    %swap3A_248 = arith.constant 688 : index
    %swap3A_249 = tpu.vector_load %arg7[%swap3A_248] {strides = array<i32>} : memref<768xf32, #tpu.memory_space<vmem>>, vector<16xf32>,
    tpu.vector_store %arg7[%swap3A_248], %gather3A_247 {strides = array<i32>} : memref<768xf32, #tpu.memory_space<vmem>>, vector<16xf32>,
    %get3A_250 = arith.constant 704 : index
    %get3A_251 = tpu.vector_load %arg6[%get3A_250] {strides = array<i32>} : memref<768xi32, #tpu.memory_space<vmem>>, vector<16xi32>,
    %gather3A_252 = tpu.vector_load_idx %arg5[%get3A_251] : memref<1024xf32, #tpu.memory_space<vmem>>[vector<16xi32>], vector<16xf32>,
    %swap3A_253 = arith.constant 704 : index
    %swap3A_254 = tpu.vector_load %arg7[%swap3A_253] {strides = array<i32>} : memref<768xf32, #tpu.memory_space<vmem>>, vector<16xf32>,
    tpu.vector_store %arg7[%swap3A_253], %gather3A_252 {strides = array<i32>} : memref<768xf32, #tpu.memory_space<vmem>>, vector<16xf32>,
    %get3A_255 = arith.constant 720 : index
    %get3A_256 = tpu.vector_load %arg6[%get3A_255] {strides = array<i32>} : memref<768xi32, #tpu.memory_space<vmem>>, vector<16xi32>,
    %gather3A_257 = tpu.vector_load_idx %arg5[%get3A_256] : memref<1024xf32, #tpu.memory_space<vmem>>[vector<16xi32>], vector<16xf32>,
    %swap3A_258 = arith.constant 720 : index
    %swap3A_259 = tpu.vector_load %arg7[%swap3A_258] {strides = array<i32>} : memref<768xf32, #tpu.memory_space<vmem>>, vector<16xf32>,
    tpu.vector_store %arg7[%swap3A_258], %gather3A_257 {strides = array<i32>} : memref<768xf32, #tpu.memory_space<vmem>>, vector<16xf32>,
    %get3A_260 = arith.constant 736 : index
    %get3A_261 = tpu.vector_load %arg6[%get3A_260] {strides = array<i32>} : memref<768xi32, #tpu.memory_space<vmem>>, vector<16xi32>,
    %gather3A_262 = tpu.vector_load_idx %arg5[%get3A_261] : memref<1024xf32, #tpu.memory_space<vmem>>[vector<16xi32>], vector<16xf32>,
    %swap3A_263 = arith.constant 736 : index
    %swap3A_264 = tpu.vector_load %arg7[%swap3A_263] {strides = array<i32>} : memref<768xf32, #tpu.memory_space<vmem>>, vector<16xf32>,
    tpu.vector_store %arg7[%swap3A_263], %gather3A_262 {strides = array<i32>} : memref<768xf32, #tpu.memory_space<vmem>>, vector<16xf32>,
    %get3A_265 = arith.constant 752 : index
    %get3A_266 = tpu.vector_load %arg6[%get3A_265] {strides = array<i32>} : memref<768xi32, #tpu.memory_space<vmem>>, vector<16xi32>,
    %gather3A_267 = tpu.vector_load_idx %arg5[%get3A_266] : memref<1024xf32, #tpu.memory_space<vmem>>[vector<16xi32>], vector<16xf32>,
    %swap3A_268 = arith.constant 752 : index
    %swap3A_269 = tpu.vector_load %arg7[%swap3A_268] {strides = array<i32>} : memref<768xf32, #tpu.memory_space<vmem>>, vector<16xf32>,
    tpu.vector_store %arg7[%swap3A_268], %gather3A_267 {strides = array<i32>} : memref<768xf32, #tpu.memory_space<vmem>>, vector<16xf32>,
    %mul3A_270 = arith.constant 768 : i32
    %mul3A_271 = arith.muli %select_n3A_30, %mul3A_270 : i32
    "tpu.region"() ({
      %run_scoped3A = tpu.sem_alloc : memref<!tpu.dma_semaphore, #tpu.memory_space<semaphore_mem>>
      %dma_start3A = tpu.memref_slice %arg4[%select_n3A, %mul3A_271] : memref<8x3072xf32, #tpu.memory_space<hbm>> -> memref<1x768xf32, #tpu.memory_space<hbm>>
      %dma_start3A_272 = tpu.memref_squeeze %dma_start3A : memref<1x768xf32, #tpu.memory_space<hbm>> -> memref<768xf32, #tpu.memory_space<hbm>>
      %dma_start3A_273 = tpu.memref_slice %arg4[%select_n3A, %mul3A_271] : memref<8x3072xf32, #tpu.memory_space<hbm>> -> memref<1x768xf32, #tpu.memory_space<hbm>>
      %dma_start3A_274 = tpu.memref_squeeze %dma_start3A_273 : memref<1x768xf32, #tpu.memory_space<hbm>> -> memref<768xf32, #tpu.memory_space<hbm>>
      tpu.enqueue_dma source(%arg7 : memref<768xf32, #tpu.memory_space<vmem>>) target(%dma_start3A_274 : memref<768xf32, #tpu.memory_space<hbm>>) target_semaphore(%run_scoped3A : memref<!tpu.dma_semaphore, #tpu.memory_space<semaphore_mem>>)
      %dma_wait3A = tpu.memref_slice %arg4[%select_n3A, %mul3A_271] : memref<8x3072xf32, #tpu.memory_space<hbm>> -> memref<1x768xf32, #tpu.memory_space<hbm>>
      %dma_wait3A_275 = tpu.memref_squeeze %dma_wait3A : memref<1x768xf32, #tpu.memory_space<hbm>> -> memref<768xf32, #tpu.memory_space<hbm>>
      %dma_wait3A_276 = tpu.memref_slice %arg4[%select_n3A, %mul3A_271] : memref<8x3072xf32, #tpu.memory_space<hbm>> -> memref<1x768xf32, #tpu.memory_space<hbm>>
      %dma_wait3A_277 = tpu.memref_squeeze %dma_wait3A_276 : memref<1x768xf32, #tpu.memory_space<hbm>> -> memref<768xf32, #tpu.memory_space<hbm>>
      tpu.wait_dma2 semaphore(%run_scoped3A : memref<!tpu.dma_semaphore, #tpu.memory_space<semaphore_mem>>) src(%arg7 : memref<768xf32, #tpu.memory_space<vmem>>) dst(%dma_wait3A_277 : memref<768xf32, #tpu.memory_space<hbm>>)
      tpu.yield
    }) : () -> ()
    return
  }
}

module attributes {stable_mosaic.version = 14 : i64} {
  func.func @_unc_body(%arg0: memref<8x21x1024xf32, #tpu.memory_space<vmem>>, %arg1: memref<8x1024xf32, #tpu.memory_space<vmem>>) attributes {dimension_semantics = [], scalar_prefetch = 0 : i64, scratch_operands = 0 : i64, tpu.core_type = #tpu.core_type<tc>} {
    %get3A = arith.constant 0 : index
    %get3A_0 = arith.constant 0 : index
    %get3A_1 = arith.constant 0 : index
    %get3A_2 = vector.load %arg0[%get3A, %get3A_0, %get3A_1] : memref<8x21x1024xf32, #tpu.memory_space<vmem>>, vector<8x21x1024xf32>
    %reduce_max3A = arith.constant dense<0xFF800000> : vector<8x1024xf32>
    %reduce_max3A_3 = vector.multi_reduction <maximumf>, %get3A_2, %reduce_max3A [1] : vector<8x21x1024xf32> to vector<8x1024xf32>
    %broadcast_in_dim3A = vector.shape_cast %reduce_max3A_3 : vector<8x1024xf32> to vector<8x1x1024xf32>
    %eq3A = vector.broadcast %broadcast_in_dim3A : vector<8x1x1024xf32> to vector<8x21x1024xf32>
    %eq3A_4 = arith.cmpf oeq, %get3A_2, %eq3A : vector<8x21x1024xf32>
    %convert_element_type3A = arith.extui %eq3A_4 : vector<8x21x1024xi1> to vector<8x21x1024xi32>
    %convert_element_type3A_5 = arith.sitofp %convert_element_type3A : vector<8x21x1024xi32> to vector<8x21x1024xf32>
    %reduce_sum3A = arith.constant dense<0.000000e+00> : vector<8x1024xf32>
    %reduce_sum3A_6 = vector.multi_reduction <add>, %convert_element_type3A_5, %reduce_sum3A [1] : vector<8x21x1024xf32> to vector<8x1024xf32>
    %gt3A = arith.constant 1.000000e+00 : f32
    %gt3A_7 = vector.broadcast %gt3A : f32 to vector<8x1024xf32>
    %gt3A_8 = arith.cmpf ogt, %reduce_sum3A_6, %gt3A_7 : vector<8x1024xf32>
    %jit3A = arith.constant 0xFF800000 : f32
    %broadcast_in_dim3A_9 = vector.broadcast %jit3A : f32 to vector<8x21x1024xf32>
    %select_n3A = arith.select %eq3A_4, %broadcast_in_dim3A_9, %get3A_2 : vector<8x21x1024xi1>, vector<8x21x1024xf32>
    %reduce_max3A_10 = arith.constant dense<0xFF800000> : vector<8x1024xf32>
    %reduce_max3A_11 = vector.multi_reduction <maximumf>, %select_n3A, %reduce_max3A_10 [1] : vector<8x21x1024xf32> to vector<8x1024xf32>
    %select_n3A_12 = arith.select %gt3A_8, %reduce_max3A_3, %reduce_max3A_11 : vector<8x1024xi1>, vector<8x1024xf32>
    %sub3A = arith.subf %reduce_max3A_3, %select_n3A_12 : vector<8x1024xf32>
    %neg3A = arith.constant 0.000000e+00 : f32
    %neg3A_13 = vector.broadcast %neg3A : f32 to vector<8x1024xf32>
    %neg3A_14 = arith.subf %neg3A_13, %sub3A : vector<8x1024xf32>
    %swap3A = arith.constant 0 : index
    %swap3A_15 = arith.constant 0 : index
    %swap3A_16 = vector.load %arg1[%swap3A, %swap3A_15] : memref<8x1024xf32, #tpu.memory_space<vmem>>, vector<8x1024xf32>
    tpu.vector_store %arg1[%swap3A, %swap3A_15], %neg3A_14 {strides = array<i32>} : memref<8x1024xf32, #tpu.memory_space<vmem>>, vector<8x1024xf32>,
    return
  }
}

module attributes {stable_mosaic.version = 14 : i64} {
  func.func @_sort_body(%arg0: memref<8x3072xf32, #tpu.memory_space<vmem>>, %arg1: memref<8x4096xi32, #tpu.memory_space<vmem>>, %arg2: memref<8x256xi32, #tpu.memory_space<vmem>>, %arg3: memref<8x1024xi32, #tpu.memory_space<vmem>>) attributes {dimension_semantics = [], scalar_prefetch = 0 : i64, scratch_operands = 0 : i64, tpu.core_type = #tpu.core_type<tc>} {
    %get3A = arith.constant 0 : index
    %get3A_0 = arith.constant 0 : index
    %get3A_1 = vector.load %arg0[%get3A, %get3A_0] : memref<8x3072xf32, #tpu.memory_space<vmem>>, vector<8x3072xf32>
    %broadcast_in_dim3A = arith.constant 0xFF800000 : f32
    %broadcast_in_dim3A_2 = vector.broadcast %broadcast_in_dim3A : f32 to vector<8x1024xf32>
    %concatenate3A = tpu.concatenate %get3A_1, %broadcast_in_dim3A_2 in 1 : vector<8x3072xf32>, vector<8x1024xf32> -> vector<8x4096xf32>
    %get3A_3 = arith.constant 0 : index
    %get3A_4 = arith.constant 0 : index
    %get3A_5 = vector.load %arg1[%get3A_3, %get3A_4] : memref<8x4096xi32, #tpu.memory_space<vmem>>, vector<8x4096xi32>
    %iota3A = tpu.iota {dimensions = array<i32: 1>} : vector<8x4096xi32>
    %and3A = arith.constant 2 : i32
    %and3A_6 = vector.broadcast %and3A : i32 to vector<8x4096xi32>
    %and3A_7 = arith.andi %iota3A, %and3A_6 : vector<8x4096xi32>
    %eq3A = arith.constant 0 : i32
    %eq3A_8 = vector.broadcast %eq3A : i32 to vector<8x4096xi32>
    %eq3A_9 = arith.cmpi eq, %and3A_7, %eq3A_8 : vector<8x4096xi32>
    %and3A_10 = arith.constant 1 : i32
    %and3A_11 = vector.broadcast %and3A_10 : i32 to vector<8x4096xi32>
    %and3A_12 = arith.andi %iota3A, %and3A_11 : vector<8x4096xi32>
    %eq3A_13 = arith.constant 0 : i32
    %eq3A_14 = vector.broadcast %eq3A_13 : i32 to vector<8x4096xi32>
    %eq3A_15 = arith.cmpi eq, %and3A_12, %eq3A_14 : vector<8x4096xi32>
    %roll3A = arith.constant 4095 : i32
    %roll3A_16 = tpu.dynamic_rotate %concatenate3A by %roll3A dim 1 : vector<8x4096xf32>, i32 -> vector<8x4096xf32>
    %roll3A_17 = arith.constant 1 : i32
    %roll3A_18 = tpu.dynamic_rotate %concatenate3A by %roll3A_17 dim 1 : vector<8x4096xf32>, i32 -> vector<8x4096xf32>
    %select_n3A = arith.select %eq3A_15, %roll3A_16, %roll3A_18 : vector<8x4096xi1>, vector<8x4096xf32>
    %roll3A_19 = arith.constant 4095 : i32
    %roll3A_20 = tpu.dynamic_rotate %get3A_5 by %roll3A_19 dim 1 : vector<8x4096xi32>, i32 -> vector<8x4096xi32>
    %roll3A_21 = arith.constant 1 : i32
    %roll3A_22 = tpu.dynamic_rotate %get3A_5 by %roll3A_21 dim 1 : vector<8x4096xi32>, i32 -> vector<8x4096xi32>
    %select_n3A_23 = arith.select %eq3A_15, %roll3A_20, %roll3A_22 : vector<8x4096xi1>, vector<8x4096xi32>
    %gt3A = arith.cmpf ogt, %concatenate3A, %select_n3A : vector<8x4096xf32>
    %eq3A_24 = arith.cmpf oeq, %concatenate3A, %select_n3A : vector<8x4096xf32>
    %lt3A = arith.cmpi slt, %get3A_5, %select_n3A_23 : vector<8x4096xi32>
    %and3A_25 = arith.andi %eq3A_24, %lt3A : vector<8x4096xi1>
    %or3A = arith.ori %gt3A, %and3A_25 : vector<8x4096xi1>
    %eq3A_26 = arith.xori %eq3A_9, %eq3A_15 : vector<8x4096xi1>
    %eq3A_27 = arith.constant dense<true> : vector<8x4096xi1>
    %eq3A_28 = arith.xori %eq3A_26, %eq3A_27 : vector<8x4096xi1>
    %eq3A_29 = arith.xori %or3A, %eq3A_28 : vector<8x4096xi1>
    %eq3A_30 = arith.constant dense<true> : vector<8x4096xi1>
    %eq3A_31 = arith.xori %eq3A_29, %eq3A_30 : vector<8x4096xi1>
    %select_n3A_32 = arith.select %eq3A_31, %concatenate3A, %select_n3A : vector<8x4096xi1>, vector<8x4096xf32>
    %select_n3A_33 = arith.select %eq3A_31, %get3A_5, %select_n3A_23 : vector<8x4096xi1>, vector<8x4096xi32>
    %and3A_34 = arith.constant 4 : i32
    %and3A_35 = vector.broadcast %and3A_34 : i32 to vector<8x4096xi32>
    %and3A_36 = arith.andi %iota3A, %and3A_35 : vector<8x4096xi32>
    %eq3A_37 = arith.constant 0 : i32
    %eq3A_38 = vector.broadcast %eq3A_37 : i32 to vector<8x4096xi32>
    %eq3A_39 = arith.cmpi eq, %and3A_36, %eq3A_38 : vector<8x4096xi32>
    %and3A_40 = arith.constant 2 : i32
    %and3A_41 = vector.broadcast %and3A_40 : i32 to vector<8x4096xi32>
    %and3A_42 = arith.andi %iota3A, %and3A_41 : vector<8x4096xi32>
    %eq3A_43 = arith.constant 0 : i32
    %eq3A_44 = vector.broadcast %eq3A_43 : i32 to vector<8x4096xi32>
    %eq3A_45 = arith.cmpi eq, %and3A_42, %eq3A_44 : vector<8x4096xi32>
    %roll3A_46 = arith.constant 4094 : i32
    %roll3A_47 = tpu.dynamic_rotate %select_n3A_32 by %roll3A_46 dim 1 : vector<8x4096xf32>, i32 -> vector<8x4096xf32>
    %roll3A_48 = arith.constant 2 : i32
    %roll3A_49 = tpu.dynamic_rotate %select_n3A_32 by %roll3A_48 dim 1 : vector<8x4096xf32>, i32 -> vector<8x4096xf32>
    %select_n3A_50 = arith.select %eq3A_45, %roll3A_47, %roll3A_49 : vector<8x4096xi1>, vector<8x4096xf32>
    %roll3A_51 = arith.constant 4094 : i32
    %roll3A_52 = tpu.dynamic_rotate %select_n3A_33 by %roll3A_51 dim 1 : vector<8x4096xi32>, i32 -> vector<8x4096xi32>
    %roll3A_53 = arith.constant 2 : i32
    %roll3A_54 = tpu.dynamic_rotate %select_n3A_33 by %roll3A_53 dim 1 : vector<8x4096xi32>, i32 -> vector<8x4096xi32>
    %select_n3A_55 = arith.select %eq3A_45, %roll3A_52, %roll3A_54 : vector<8x4096xi1>, vector<8x4096xi32>
    %gt3A_56 = arith.cmpf ogt, %select_n3A_32, %select_n3A_50 : vector<8x4096xf32>
    %eq3A_57 = arith.cmpf oeq, %select_n3A_32, %select_n3A_50 : vector<8x4096xf32>
    %lt3A_58 = arith.cmpi slt, %select_n3A_33, %select_n3A_55 : vector<8x4096xi32>
    %and3A_59 = arith.andi %eq3A_57, %lt3A_58 : vector<8x4096xi1>
    %or3A_60 = arith.ori %gt3A_56, %and3A_59 : vector<8x4096xi1>
    %eq3A_61 = arith.xori %eq3A_39, %eq3A_45 : vector<8x4096xi1>
    %eq3A_62 = arith.constant dense<true> : vector<8x4096xi1>
    %eq3A_63 = arith.xori %eq3A_61, %eq3A_62 : vector<8x4096xi1>
    %eq3A_64 = arith.xori %or3A_60, %eq3A_63 : vector<8x4096xi1>
    %eq3A_65 = arith.constant dense<true> : vector<8x4096xi1>
    %eq3A_66 = arith.xori %eq3A_64, %eq3A_65 : vector<8x4096xi1>
    %select_n3A_67 = arith.select %eq3A_66, %select_n3A_32, %select_n3A_50 : vector<8x4096xi1>, vector<8x4096xf32>
    %select_n3A_68 = arith.select %eq3A_66, %select_n3A_33, %select_n3A_55 : vector<8x4096xi1>, vector<8x4096xi32>
    %and3A_69 = arith.constant 1 : i32
    %and3A_70 = vector.broadcast %and3A_69 : i32 to vector<8x4096xi32>
    %and3A_71 = arith.andi %iota3A, %and3A_70 : vector<8x4096xi32>
    %eq3A_72 = arith.constant 0 : i32
    %eq3A_73 = vector.broadcast %eq3A_72 : i32 to vector<8x4096xi32>
    %eq3A_74 = arith.cmpi eq, %and3A_71, %eq3A_73 : vector<8x4096xi32>
    %roll3A_75 = arith.constant 4095 : i32
    %roll3A_76 = tpu.dynamic_rotate %select_n3A_67 by %roll3A_75 dim 1 : vector<8x4096xf32>, i32 -> vector<8x4096xf32>
    %roll3A_77 = arith.constant 1 : i32
    %roll3A_78 = tpu.dynamic_rotate %select_n3A_67 by %roll3A_77 dim 1 : vector<8x4096xf32>, i32 -> vector<8x4096xf32>
    %select_n3A_79 = arith.select %eq3A_74, %roll3A_76, %roll3A_78 : vector<8x4096xi1>, vector<8x4096xf32>
    %roll3A_80 = arith.constant 4095 : i32
    %roll3A_81 = tpu.dynamic_rotate %select_n3A_68 by %roll3A_80 dim 1 : vector<8x4096xi32>, i32 -> vector<8x4096xi32>
    %roll3A_82 = arith.constant 1 : i32
    %roll3A_83 = tpu.dynamic_rotate %select_n3A_68 by %roll3A_82 dim 1 : vector<8x4096xi32>, i32 -> vector<8x4096xi32>
    %select_n3A_84 = arith.select %eq3A_74, %roll3A_81, %roll3A_83 : vector<8x4096xi1>, vector<8x4096xi32>
    %gt3A_85 = arith.cmpf ogt, %select_n3A_67, %select_n3A_79 : vector<8x4096xf32>
    %eq3A_86 = arith.cmpf oeq, %select_n3A_67, %select_n3A_79 : vector<8x4096xf32>
    %lt3A_87 = arith.cmpi slt, %select_n3A_68, %select_n3A_84 : vector<8x4096xi32>
    %and3A_88 = arith.andi %eq3A_86, %lt3A_87 : vector<8x4096xi1>
    %or3A_89 = arith.ori %gt3A_85, %and3A_88 : vector<8x4096xi1>
    %eq3A_90 = arith.xori %eq3A_39, %eq3A_74 : vector<8x4096xi1>
    %eq3A_91 = arith.constant dense<true> : vector<8x4096xi1>
    %eq3A_92 = arith.xori %eq3A_90, %eq3A_91 : vector<8x4096xi1>
    %eq3A_93 = arith.xori %or3A_89, %eq3A_92 : vector<8x4096xi1>
    %eq3A_94 = arith.constant dense<true> : vector<8x4096xi1>
    %eq3A_95 = arith.xori %eq3A_93, %eq3A_94 : vector<8x4096xi1>
    %select_n3A_96 = arith.select %eq3A_95, %select_n3A_67, %select_n3A_79 : vector<8x4096xi1>, vector<8x4096xf32>
    %select_n3A_97 = arith.select %eq3A_95, %select_n3A_68, %select_n3A_84 : vector<8x4096xi1>, vector<8x4096xi32>
    %and3A_98 = arith.constant 8 : i32
    %and3A_99 = vector.broadcast %and3A_98 : i32 to vector<8x4096xi32>
    %and3A_100 = arith.andi %iota3A, %and3A_99 : vector<8x4096xi32>
    %eq3A_101 = arith.constant 0 : i32
    %eq3A_102 = vector.broadcast %eq3A_101 : i32 to vector<8x4096xi32>
    %eq3A_103 = arith.cmpi eq, %and3A_100, %eq3A_102 : vector<8x4096xi32>
    %and3A_104 = arith.constant 4 : i32
    %and3A_105 = vector.broadcast %and3A_104 : i32 to vector<8x4096xi32>
    %and3A_106 = arith.andi %iota3A, %and3A_105 : vector<8x4096xi32>
    %eq3A_107 = arith.constant 0 : i32
    %eq3A_108 = vector.broadcast %eq3A_107 : i32 to vector<8x4096xi32>
    %eq3A_109 = arith.cmpi eq, %and3A_106, %eq3A_108 : vector<8x4096xi32>
    %roll3A_110 = arith.constant 4092 : i32
    %roll3A_111 = tpu.dynamic_rotate %select_n3A_96 by %roll3A_110 dim 1 : vector<8x4096xf32>, i32 -> vector<8x4096xf32>
    %roll3A_112 = arith.constant 4 : i32
    %roll3A_113 = tpu.dynamic_rotate %select_n3A_96 by %roll3A_112 dim 1 : vector<8x4096xf32>, i32 -> vector<8x4096xf32>
    %select_n3A_114 = arith.select %eq3A_109, %roll3A_111, %roll3A_113 : vector<8x4096xi1>, vector<8x4096xf32>
    %roll3A_115 = arith.constant 4092 : i32
    %roll3A_116 = tpu.dynamic_rotate %select_n3A_97 by %roll3A_115 dim 1 : vector<8x4096xi32>, i32 -> vector<8x4096xi32>
    %roll3A_117 = arith.constant 4 : i32
    %roll3A_118 = tpu.dynamic_rotate %select_n3A_97 by %roll3A_117 dim 1 : vector<8x4096xi32>, i32 -> vector<8x4096xi32>
    %select_n3A_119 = arith.select %eq3A_109, %roll3A_116, %roll3A_118 : vector<8x4096xi1>, vector<8x4096xi32>
    %gt3A_120 = arith.cmpf ogt, %select_n3A_96, %select_n3A_114 : vector<8x4096xf32>
    %eq3A_121 = arith.cmpf oeq, %select_n3A_96, %select_n3A_114 : vector<8x4096xf32>
    %lt3A_122 = arith.cmpi slt, %select_n3A_97, %select_n3A_119 : vector<8x4096xi32>
    %and3A_123 = arith.andi %eq3A_121, %lt3A_122 : vector<8x4096xi1>
    %or3A_124 = arith.ori %gt3A_120, %and3A_123 : vector<8x4096xi1>
    %eq3A_125 = arith.xori %eq3A_103, %eq3A_109 : vector<8x4096xi1>
    %eq3A_126 = arith.constant dense<true> : vector<8x4096xi1>
    %eq3A_127 = arith.xori %eq3A_125, %eq3A_126 : vector<8x4096xi1>
    %eq3A_128 = arith.xori %or3A_124, %eq3A_127 : vector<8x4096xi1>
    %eq3A_129 = arith.constant dense<true> : vector<8x4096xi1>
    %eq3A_130 = arith.xori %eq3A_128, %eq3A_129 : vector<8x4096xi1>
    %select_n3A_131 = arith.select %eq3A_130, %select_n3A_96, %select_n3A_114 : vector<8x4096xi1>, vector<8x4096xf32>
    %select_n3A_132 = arith.select %eq3A_130, %select_n3A_97, %select_n3A_119 : vector<8x4096xi1>, vector<8x4096xi32>
    %and3A_133 = arith.constant 2 : i32
    %and3A_134 = vector.broadcast %and3A_133 : i32 to vector<8x4096xi32>
    %and3A_135 = arith.andi %iota3A, %and3A_134 : vector<8x4096xi32>
    %eq3A_136 = arith.constant 0 : i32
    %eq3A_137 = vector.broadcast %eq3A_136 : i32 to vector<8x4096xi32>
    %eq3A_138 = arith.cmpi eq, %and3A_135, %eq3A_137 : vector<8x4096xi32>
    %roll3A_139 = arith.constant 4094 : i32
    %roll3A_140 = tpu.dynamic_rotate %select_n3A_131 by %roll3A_139 dim 1 : vector<8x4096xf32>, i32 -> vector<8x4096xf32>
    %roll3A_141 = arith.constant 2 : i32
    %roll3A_142 = tpu.dynamic_rotate %select_n3A_131 by %roll3A_141 dim 1 : vector<8x4096xf32>, i32 -> vector<8x4096xf32>
    %select_n3A_143 = arith.select %eq3A_138, %roll3A_140, %roll3A_142 : vector<8x4096xi1>, vector<8x4096xf32>
    %roll3A_144 = arith.constant 4094 : i32
    %roll3A_145 = tpu.dynamic_rotate %select_n3A_132 by %roll3A_144 dim 1 : vector<8x4096xi32>, i32 -> vector<8x4096xi32>
    %roll3A_146 = arith.constant 2 : i32
    %roll3A_147 = tpu.dynamic_rotate %select_n3A_132 by %roll3A_146 dim 1 : vector<8x4096xi32>, i32 -> vector<8x4096xi32>
    %select_n3A_148 = arith.select %eq3A_138, %roll3A_145, %roll3A_147 : vector<8x4096xi1>, vector<8x4096xi32>
    %gt3A_149 = arith.cmpf ogt, %select_n3A_131, %select_n3A_143 : vector<8x4096xf32>
    %eq3A_150 = arith.cmpf oeq, %select_n3A_131, %select_n3A_143 : vector<8x4096xf32>
    %lt3A_151 = arith.cmpi slt, %select_n3A_132, %select_n3A_148 : vector<8x4096xi32>
    %and3A_152 = arith.andi %eq3A_150, %lt3A_151 : vector<8x4096xi1>
    %or3A_153 = arith.ori %gt3A_149, %and3A_152 : vector<8x4096xi1>
    %eq3A_154 = arith.xori %eq3A_103, %eq3A_138 : vector<8x4096xi1>
    %eq3A_155 = arith.constant dense<true> : vector<8x4096xi1>
    %eq3A_156 = arith.xori %eq3A_154, %eq3A_155 : vector<8x4096xi1>
    %eq3A_157 = arith.xori %or3A_153, %eq3A_156 : vector<8x4096xi1>
    %eq3A_158 = arith.constant dense<true> : vector<8x4096xi1>
    %eq3A_159 = arith.xori %eq3A_157, %eq3A_158 : vector<8x4096xi1>
    %select_n3A_160 = arith.select %eq3A_159, %select_n3A_131, %select_n3A_143 : vector<8x4096xi1>, vector<8x4096xf32>
    %select_n3A_161 = arith.select %eq3A_159, %select_n3A_132, %select_n3A_148 : vector<8x4096xi1>, vector<8x4096xi32>
    %and3A_162 = arith.constant 1 : i32
    %and3A_163 = vector.broadcast %and3A_162 : i32 to vector<8x4096xi32>
    %and3A_164 = arith.andi %iota3A, %and3A_163 : vector<8x4096xi32>
    %eq3A_165 = arith.constant 0 : i32
    %eq3A_166 = vector.broadcast %eq3A_165 : i32 to vector<8x4096xi32>
    %eq3A_167 = arith.cmpi eq, %and3A_164, %eq3A_166 : vector<8x4096xi32>
    %roll3A_168 = arith.constant 4095 : i32
    %roll3A_169 = tpu.dynamic_rotate %select_n3A_160 by %roll3A_168 dim 1 : vector<8x4096xf32>, i32 -> vector<8x4096xf32>
    %roll3A_170 = arith.constant 1 : i32
    %roll3A_171 = tpu.dynamic_rotate %select_n3A_160 by %roll3A_170 dim 1 : vector<8x4096xf32>, i32 -> vector<8x4096xf32>
    %select_n3A_172 = arith.select %eq3A_167, %roll3A_169, %roll3A_171 : vector<8x4096xi1>, vector<8x4096xf32>
    %roll3A_173 = arith.constant 4095 : i32
    %roll3A_174 = tpu.dynamic_rotate %select_n3A_161 by %roll3A_173 dim 1 : vector<8x4096xi32>, i32 -> vector<8x4096xi32>
    %roll3A_175 = arith.constant 1 : i32
    %roll3A_176 = tpu.dynamic_rotate %select_n3A_161 by %roll3A_175 dim 1 : vector<8x4096xi32>, i32 -> vector<8x4096xi32>
    %select_n3A_177 = arith.select %eq3A_167, %roll3A_174, %roll3A_176 : vector<8x4096xi1>, vector<8x4096xi32>
    %gt3A_178 = arith.cmpf ogt, %select_n3A_160, %select_n3A_172 : vector<8x4096xf32>
    %eq3A_179 = arith.cmpf oeq, %select_n3A_160, %select_n3A_172 : vector<8x4096xf32>
    %lt3A_180 = arith.cmpi slt, %select_n3A_161, %select_n3A_177 : vector<8x4096xi32>
    %and3A_181 = arith.andi %eq3A_179, %lt3A_180 : vector<8x4096xi1>
    %or3A_182 = arith.ori %gt3A_178, %and3A_181 : vector<8x4096xi1>
    %eq3A_183 = arith.xori %eq3A_103, %eq3A_167 : vector<8x4096xi1>
    %eq3A_184 = arith.constant dense<true> : vector<8x4096xi1>
    %eq3A_185 = arith.xori %eq3A_183, %eq3A_184 : vector<8x4096xi1>
    %eq3A_186 = arith.xori %or3A_182, %eq3A_185 : vector<8x4096xi1>
    %eq3A_187 = arith.constant dense<true> : vector<8x4096xi1>
    %eq3A_188 = arith.xori %eq3A_186, %eq3A_187 : vector<8x4096xi1>
    %select_n3A_189 = arith.select %eq3A_188, %select_n3A_160, %select_n3A_172 : vector<8x4096xi1>, vector<8x4096xf32>
    %select_n3A_190 = arith.select %eq3A_188, %select_n3A_161, %select_n3A_177 : vector<8x4096xi1>, vector<8x4096xi32>
    %and3A_191 = arith.constant 16 : i32
    %and3A_192 = vector.broadcast %and3A_191 : i32 to vector<8x4096xi32>
    %and3A_193 = arith.andi %iota3A, %and3A_192 : vector<8x4096xi32>
    %eq3A_194 = arith.constant 0 : i32
    %eq3A_195 = vector.broadcast %eq3A_194 : i32 to vector<8x4096xi32>
    %eq3A_196 = arith.cmpi eq, %and3A_193, %eq3A_195 : vector<8x4096xi32>
    %and3A_197 = arith.constant 8 : i32
    %and3A_198 = vector.broadcast %and3A_197 : i32 to vector<8x4096xi32>
    %and3A_199 = arith.andi %iota3A, %and3A_198 : vector<8x4096xi32>
    %eq3A_200 = arith.constant 0 : i32
    %eq3A_201 = vector.broadcast %eq3A_200 : i32 to vector<8x4096xi32>
    %eq3A_202 = arith.cmpi eq, %and3A_199, %eq3A_201 : vector<8x4096xi32>
    %roll3A_203 = arith.constant 4088 : i32
    %roll3A_204 = tpu.dynamic_rotate %select_n3A_189 by %roll3A_203 dim 1 : vector<8x4096xf32>, i32 -> vector<8x4096xf32>
    %roll3A_205 = arith.constant 8 : i32
    %roll3A_206 = tpu.dynamic_rotate %select_n3A_189 by %roll3A_205 dim 1 : vector<8x4096xf32>, i32 -> vector<8x4096xf32>
    %select_n3A_207 = arith.select %eq3A_202, %roll3A_204, %roll3A_206 : vector<8x4096xi1>, vector<8x4096xf32>
    %roll3A_208 = arith.constant 4088 : i32
    %roll3A_209 = tpu.dynamic_rotate %select_n3A_190 by %roll3A_208 dim 1 : vector<8x4096xi32>, i32 -> vector<8x4096xi32>
    %roll3A_210 = arith.constant 8 : i32
    %roll3A_211 = tpu.dynamic_rotate %select_n3A_190 by %roll3A_210 dim 1 : vector<8x4096xi32>, i32 -> vector<8x4096xi32>
    %select_n3A_212 = arith.select %eq3A_202, %roll3A_209, %roll3A_211 : vector<8x4096xi1>, vector<8x4096xi32>
    %gt3A_213 = arith.cmpf ogt, %select_n3A_189, %select_n3A_207 : vector<8x4096xf32>
    %eq3A_214 = arith.cmpf oeq, %select_n3A_189, %select_n3A_207 : vector<8x4096xf32>
    %lt3A_215 = arith.cmpi slt, %select_n3A_190, %select_n3A_212 : vector<8x4096xi32>
    %and3A_216 = arith.andi %eq3A_214, %lt3A_215 : vector<8x4096xi1>
    %or3A_217 = arith.ori %gt3A_213, %and3A_216 : vector<8x4096xi1>
    %eq3A_218 = arith.xori %eq3A_196, %eq3A_202 : vector<8x4096xi1>
    %eq3A_219 = arith.constant dense<true> : vector<8x4096xi1>
    %eq3A_220 = arith.xori %eq3A_218, %eq3A_219 : vector<8x4096xi1>
    %eq3A_221 = arith.xori %or3A_217, %eq3A_220 : vector<8x4096xi1>
    %eq3A_222 = arith.constant dense<true> : vector<8x4096xi1>
    %eq3A_223 = arith.xori %eq3A_221, %eq3A_222 : vector<8x4096xi1>
    %select_n3A_224 = arith.select %eq3A_223, %select_n3A_189, %select_n3A_207 : vector<8x4096xi1>, vector<8x4096xf32>
    %select_n3A_225 = arith.select %eq3A_223, %select_n3A_190, %select_n3A_212 : vector<8x4096xi1>, vector<8x4096xi32>
    %and3A_226 = arith.constant 4 : i32
    %and3A_227 = vector.broadcast %and3A_226 : i32 to vector<8x4096xi32>
    %and3A_228 = arith.andi %iota3A, %and3A_227 : vector<8x4096xi32>
    %eq3A_229 = arith.constant 0 : i32
    %eq3A_230 = vector.broadcast %eq3A_229 : i32 to vector<8x4096xi32>
    %eq3A_231 = arith.cmpi eq, %and3A_228, %eq3A_230 : vector<8x4096xi32>
    %roll3A_232 = arith.constant 4092 : i32
    %roll3A_233 = tpu.dynamic_rotate %select_n3A_224 by %roll3A_232 dim 1 : vector<8x4096xf32>, i32 -> vector<8x4096xf32>
    %roll3A_234 = arith.constant 4 : i32
    %roll3A_235 = tpu.dynamic_rotate %select_n3A_224 by %roll3A_234 dim 1 : vector<8x4096xf32>, i32 -> vector<8x4096xf32>
    %select_n3A_236 = arith.select %eq3A_231, %roll3A_233, %roll3A_235 : vector<8x4096xi1>, vector<8x4096xf32>
    %roll3A_237 = arith.constant 4092 : i32
    %roll3A_238 = tpu.dynamic_rotate %select_n3A_225 by %roll3A_237 dim 1 : vector<8x4096xi32>, i32 -> vector<8x4096xi32>
    %roll3A_239 = arith.constant 4 : i32
    %roll3A_240 = tpu.dynamic_rotate %select_n3A_225 by %roll3A_239 dim 1 : vector<8x4096xi32>, i32 -> vector<8x4096xi32>
    %select_n3A_241 = arith.select %eq3A_231, %roll3A_238, %roll3A_240 : vector<8x4096xi1>, vector<8x4096xi32>
    %gt3A_242 = arith.cmpf ogt, %select_n3A_224, %select_n3A_236 : vector<8x4096xf32>
    %eq3A_243 = arith.cmpf oeq, %select_n3A_224, %select_n3A_236 : vector<8x4096xf32>
    %lt3A_244 = arith.cmpi slt, %select_n3A_225, %select_n3A_241 : vector<8x4096xi32>
    %and3A_245 = arith.andi %eq3A_243, %lt3A_244 : vector<8x4096xi1>
    %or3A_246 = arith.ori %gt3A_242, %and3A_245 : vector<8x4096xi1>
    %eq3A_247 = arith.xori %eq3A_196, %eq3A_231 : vector<8x4096xi1>
    %eq3A_248 = arith.constant dense<true> : vector<8x4096xi1>
    %eq3A_249 = arith.xori %eq3A_247, %eq3A_248 : vector<8x4096xi1>
    %eq3A_250 = arith.xori %or3A_246, %eq3A_249 : vector<8x4096xi1>
    %eq3A_251 = arith.constant dense<true> : vector<8x4096xi1>
    %eq3A_252 = arith.xori %eq3A_250, %eq3A_251 : vector<8x4096xi1>
    %select_n3A_253 = arith.select %eq3A_252, %select_n3A_224, %select_n3A_236 : vector<8x4096xi1>, vector<8x4096xf32>
    %select_n3A_254 = arith.select %eq3A_252, %select_n3A_225, %select_n3A_241 : vector<8x4096xi1>, vector<8x4096xi32>
    %and3A_255 = arith.constant 2 : i32
    %and3A_256 = vector.broadcast %and3A_255 : i32 to vector<8x4096xi32>
    %and3A_257 = arith.andi %iota3A, %and3A_256 : vector<8x4096xi32>
    %eq3A_258 = arith.constant 0 : i32
    %eq3A_259 = vector.broadcast %eq3A_258 : i32 to vector<8x4096xi32>
    %eq3A_260 = arith.cmpi eq, %and3A_257, %eq3A_259 : vector<8x4096xi32>
    %roll3A_261 = arith.constant 4094 : i32
    %roll3A_262 = tpu.dynamic_rotate %select_n3A_253 by %roll3A_261 dim 1 : vector<8x4096xf32>, i32 -> vector<8x4096xf32>
    %roll3A_263 = arith.constant 2 : i32
    %roll3A_264 = tpu.dynamic_rotate %select_n3A_253 by %roll3A_263 dim 1 : vector<8x4096xf32>, i32 -> vector<8x4096xf32>
    %select_n3A_265 = arith.select %eq3A_260, %roll3A_262, %roll3A_264 : vector<8x4096xi1>, vector<8x4096xf32>
    %roll3A_266 = arith.constant 4094 : i32
    %roll3A_267 = tpu.dynamic_rotate %select_n3A_254 by %roll3A_266 dim 1 : vector<8x4096xi32>, i32 -> vector<8x4096xi32>
    %roll3A_268 = arith.constant 2 : i32
    %roll3A_269 = tpu.dynamic_rotate %select_n3A_254 by %roll3A_268 dim 1 : vector<8x4096xi32>, i32 -> vector<8x4096xi32>
    %select_n3A_270 = arith.select %eq3A_260, %roll3A_267, %roll3A_269 : vector<8x4096xi1>, vector<8x4096xi32>
    %gt3A_271 = arith.cmpf ogt, %select_n3A_253, %select_n3A_265 : vector<8x4096xf32>
    %eq3A_272 = arith.cmpf oeq, %select_n3A_253, %select_n3A_265 : vector<8x4096xf32>
    %lt3A_273 = arith.cmpi slt, %select_n3A_254, %select_n3A_270 : vector<8x4096xi32>
    %and3A_274 = arith.andi %eq3A_272, %lt3A_273 : vector<8x4096xi1>
    %or3A_275 = arith.ori %gt3A_271, %and3A_274 : vector<8x4096xi1>
    %eq3A_276 = arith.xori %eq3A_196, %eq3A_260 : vector<8x4096xi1>
    %eq3A_277 = arith.constant dense<true> : vector<8x4096xi1>
    %eq3A_278 = arith.xori %eq3A_276, %eq3A_277 : vector<8x4096xi1>
    %eq3A_279 = arith.xori %or3A_275, %eq3A_278 : vector<8x4096xi1>
    %eq3A_280 = arith.constant dense<true> : vector<8x4096xi1>
    %eq3A_281 = arith.xori %eq3A_279, %eq3A_280 : vector<8x4096xi1>
    %select_n3A_282 = arith.select %eq3A_281, %select_n3A_253, %select_n3A_265 : vector<8x4096xi1>, vector<8x4096xf32>
    %select_n3A_283 = arith.select %eq3A_281, %select_n3A_254, %select_n3A_270 : vector<8x4096xi1>, vector<8x4096xi32>
    %and3A_284 = arith.constant 1 : i32
    %and3A_285 = vector.broadcast %and3A_284 : i32 to vector<8x4096xi32>
    %and3A_286 = arith.andi %iota3A, %and3A_285 : vector<8x4096xi32>
    %eq3A_287 = arith.constant 0 : i32
    %eq3A_288 = vector.broadcast %eq3A_287 : i32 to vector<8x4096xi32>
    %eq3A_289 = arith.cmpi eq, %and3A_286, %eq3A_288 : vector<8x4096xi32>
    %roll3A_290 = arith.constant 4095 : i32
    %roll3A_291 = tpu.dynamic_rotate %select_n3A_282 by %roll3A_290 dim 1 : vector<8x4096xf32>, i32 -> vector<8x4096xf32>
    %roll3A_292 = arith.constant 1 : i32
    %roll3A_293 = tpu.dynamic_rotate %select_n3A_282 by %roll3A_292 dim 1 : vector<8x4096xf32>, i32 -> vector<8x4096xf32>
    %select_n3A_294 = arith.select %eq3A_289, %roll3A_291, %roll3A_293 : vector<8x4096xi1>, vector<8x4096xf32>
    %roll3A_295 = arith.constant 4095 : i32
    %roll3A_296 = tpu.dynamic_rotate %select_n3A_283 by %roll3A_295 dim 1 : vector<8x4096xi32>, i32 -> vector<8x4096xi32>
    %roll3A_297 = arith.constant 1 : i32
    %roll3A_298 = tpu.dynamic_rotate %select_n3A_283 by %roll3A_297 dim 1 : vector<8x4096xi32>, i32 -> vector<8x4096xi32>
    %select_n3A_299 = arith.select %eq3A_289, %roll3A_296, %roll3A_298 : vector<8x4096xi1>, vector<8x4096xi32>
    %gt3A_300 = arith.cmpf ogt, %select_n3A_282, %select_n3A_294 : vector<8x4096xf32>
    %eq3A_301 = arith.cmpf oeq, %select_n3A_282, %select_n3A_294 : vector<8x4096xf32>
    %lt3A_302 = arith.cmpi slt, %select_n3A_283, %select_n3A_299 : vector<8x4096xi32>
    %and3A_303 = arith.andi %eq3A_301, %lt3A_302 : vector<8x4096xi1>
    %or3A_304 = arith.ori %gt3A_300, %and3A_303 : vector<8x4096xi1>
    %eq3A_305 = arith.xori %eq3A_196, %eq3A_289 : vector<8x4096xi1>
    %eq3A_306 = arith.constant dense<true> : vector<8x4096xi1>
    %eq3A_307 = arith.xori %eq3A_305, %eq3A_306 : vector<8x4096xi1>
    %eq3A_308 = arith.xori %or3A_304, %eq3A_307 : vector<8x4096xi1>
    %eq3A_309 = arith.constant dense<true> : vector<8x4096xi1>
    %eq3A_310 = arith.xori %eq3A_308, %eq3A_309 : vector<8x4096xi1>
    %select_n3A_311 = arith.select %eq3A_310, %select_n3A_282, %select_n3A_294 : vector<8x4096xi1>, vector<8x4096xf32>
    %select_n3A_312 = arith.select %eq3A_310, %select_n3A_283, %select_n3A_299 : vector<8x4096xi1>, vector<8x4096xi32>
    %and3A_313 = arith.constant 32 : i32
    %and3A_314 = vector.broadcast %and3A_313 : i32 to vector<8x4096xi32>
    %and3A_315 = arith.andi %iota3A, %and3A_314 : vector<8x4096xi32>
    %eq3A_316 = arith.constant 0 : i32
    %eq3A_317 = vector.broadcast %eq3A_316 : i32 to vector<8x4096xi32>
    %eq3A_318 = arith.cmpi eq, %and3A_315, %eq3A_317 : vector<8x4096xi32>
    %and3A_319 = arith.constant 16 : i32
    %and3A_320 = vector.broadcast %and3A_319 : i32 to vector<8x4096xi32>
    %and3A_321 = arith.andi %iota3A, %and3A_320 : vector<8x4096xi32>
    %eq3A_322 = arith.constant 0 : i32
    %eq3A_323 = vector.broadcast %eq3A_322 : i32 to vector<8x4096xi32>
    %eq3A_324 = arith.cmpi eq, %and3A_321, %eq3A_323 : vector<8x4096xi32>
    %roll3A_325 = arith.constant 4080 : i32
    %roll3A_326 = tpu.dynamic_rotate %select_n3A_311 by %roll3A_325 dim 1 : vector<8x4096xf32>, i32 -> vector<8x4096xf32>
    %roll3A_327 = arith.constant 16 : i32
    %roll3A_328 = tpu.dynamic_rotate %select_n3A_311 by %roll3A_327 dim 1 : vector<8x4096xf32>, i32 -> vector<8x4096xf32>
    %select_n3A_329 = arith.select %eq3A_324, %roll3A_326, %roll3A_328 : vector<8x4096xi1>, vector<8x4096xf32>
    %roll3A_330 = arith.constant 4080 : i32
    %roll3A_331 = tpu.dynamic_rotate %select_n3A_312 by %roll3A_330 dim 1 : vector<8x4096xi32>, i32 -> vector<8x4096xi32>
    %roll3A_332 = arith.constant 16 : i32
    %roll3A_333 = tpu.dynamic_rotate %select_n3A_312 by %roll3A_332 dim 1 : vector<8x4096xi32>, i32 -> vector<8x4096xi32>
    %select_n3A_334 = arith.select %eq3A_324, %roll3A_331, %roll3A_333 : vector<8x4096xi1>, vector<8x4096xi32>
    %gt3A_335 = arith.cmpf ogt, %select_n3A_311, %select_n3A_329 : vector<8x4096xf32>
    %eq3A_336 = arith.cmpf oeq, %select_n3A_311, %select_n3A_329 : vector<8x4096xf32>
    %lt3A_337 = arith.cmpi slt, %select_n3A_312, %select_n3A_334 : vector<8x4096xi32>
    %and3A_338 = arith.andi %eq3A_336, %lt3A_337 : vector<8x4096xi1>
    %or3A_339 = arith.ori %gt3A_335, %and3A_338 : vector<8x4096xi1>
    %eq3A_340 = arith.xori %eq3A_318, %eq3A_324 : vector<8x4096xi1>
    %eq3A_341 = arith.constant dense<true> : vector<8x4096xi1>
    %eq3A_342 = arith.xori %eq3A_340, %eq3A_341 : vector<8x4096xi1>
    %eq3A_343 = arith.xori %or3A_339, %eq3A_342 : vector<8x4096xi1>
    %eq3A_344 = arith.constant dense<true> : vector<8x4096xi1>
    %eq3A_345 = arith.xori %eq3A_343, %eq3A_344 : vector<8x4096xi1>
    %select_n3A_346 = arith.select %eq3A_345, %select_n3A_311, %select_n3A_329 : vector<8x4096xi1>, vector<8x4096xf32>
    %select_n3A_347 = arith.select %eq3A_345, %select_n3A_312, %select_n3A_334 : vector<8x4096xi1>, vector<8x4096xi32>
    %and3A_348 = arith.constant 8 : i32
    %and3A_349 = vector.broadcast %and3A_348 : i32 to vector<8x4096xi32>
    %and3A_350 = arith.andi %iota3A, %and3A_349 : vector<8x4096xi32>
    %eq3A_351 = arith.constant 0 : i32
    %eq3A_352 = vector.broadcast %eq3A_351 : i32 to vector<8x4096xi32>
    %eq3A_353 = arith.cmpi eq, %and3A_350, %eq3A_352 : vector<8x4096xi32>
    %roll3A_354 = arith.constant 4088 : i32
    %roll3A_355 = tpu.dynamic_rotate %select_n3A_346 by %roll3A_354 dim 1 : vector<8x4096xf32>, i32 -> vector<8x4096xf32>
    %roll3A_356 = arith.constant 8 : i32
    %roll3A_357 = tpu.dynamic_rotate %select_n3A_346 by %roll3A_356 dim 1 : vector<8x4096xf32>, i32 -> vector<8x4096xf32>
    %select_n3A_358 = arith.select %eq3A_353, %roll3A_355, %roll3A_357 : vector<8x4096xi1>, vector<8x4096xf32>
    %roll3A_359 = arith.constant 4088 : i32
    %roll3A_360 = tpu.dynamic_rotate %select_n3A_347 by %roll3A_359 dim 1 : vector<8x4096xi32>, i32 -> vector<8x4096xi32>
    %roll3A_361 = arith.constant 8 : i32
    %roll3A_362 = tpu.dynamic_rotate %select_n3A_347 by %roll3A_361 dim 1 : vector<8x4096xi32>, i32 -> vector<8x4096xi32>
    %select_n3A_363 = arith.select %eq3A_353, %roll3A_360, %roll3A_362 : vector<8x4096xi1>, vector<8x4096xi32>
    %gt3A_364 = arith.cmpf ogt, %select_n3A_346, %select_n3A_358 : vector<8x4096xf32>
    %eq3A_365 = arith.cmpf oeq, %select_n3A_346, %select_n3A_358 : vector<8x4096xf32>
    %lt3A_366 = arith.cmpi slt, %select_n3A_347, %select_n3A_363 : vector<8x4096xi32>
    %and3A_367 = arith.andi %eq3A_365, %lt3A_366 : vector<8x4096xi1>
    %or3A_368 = arith.ori %gt3A_364, %and3A_367 : vector<8x4096xi1>
    %eq3A_369 = arith.xori %eq3A_318, %eq3A_353 : vector<8x4096xi1>
    %eq3A_370 = arith.constant dense<true> : vector<8x4096xi1>
    %eq3A_371 = arith.xori %eq3A_369, %eq3A_370 : vector<8x4096xi1>
    %eq3A_372 = arith.xori %or3A_368, %eq3A_371 : vector<8x4096xi1>
    %eq3A_373 = arith.constant dense<true> : vector<8x4096xi1>
    %eq3A_374 = arith.xori %eq3A_372, %eq3A_373 : vector<8x4096xi1>
    %select_n3A_375 = arith.select %eq3A_374, %select_n3A_346, %select_n3A_358 : vector<8x4096xi1>, vector<8x4096xf32>
    %select_n3A_376 = arith.select %eq3A_374, %select_n3A_347, %select_n3A_363 : vector<8x4096xi1>, vector<8x4096xi32>
    %and3A_377 = arith.constant 4 : i32
    %and3A_378 = vector.broadcast %and3A_377 : i32 to vector<8x4096xi32>
    %and3A_379 = arith.andi %iota3A, %and3A_378 : vector<8x4096xi32>
    %eq3A_380 = arith.constant 0 : i32
    %eq3A_381 = vector.broadcast %eq3A_380 : i32 to vector<8x4096xi32>
    %eq3A_382 = arith.cmpi eq, %and3A_379, %eq3A_381 : vector<8x4096xi32>
    %roll3A_383 = arith.constant 4092 : i32
    %roll3A_384 = tpu.dynamic_rotate %select_n3A_375 by %roll3A_383 dim 1 : vector<8x4096xf32>, i32 -> vector<8x4096xf32>
    %roll3A_385 = arith.constant 4 : i32
    %roll3A_386 = tpu.dynamic_rotate %select_n3A_375 by %roll3A_385 dim 1 : vector<8x4096xf32>, i32 -> vector<8x4096xf32>
    %select_n3A_387 = arith.select %eq3A_382, %roll3A_384, %roll3A_386 : vector<8x4096xi1>, vector<8x4096xf32>
    %roll3A_388 = arith.constant 4092 : i32
    %roll3A_389 = tpu.dynamic_rotate %select_n3A_376 by %roll3A_388 dim 1 : vector<8x4096xi32>, i32 -> vector<8x4096xi32>
    %roll3A_390 = arith.constant 4 : i32
    %roll3A_391 = tpu.dynamic_rotate %select_n3A_376 by %roll3A_390 dim 1 : vector<8x4096xi32>, i32 -> vector<8x4096xi32>
    %select_n3A_392 = arith.select %eq3A_382, %roll3A_389, %roll3A_391 : vector<8x4096xi1>, vector<8x4096xi32>
    %gt3A_393 = arith.cmpf ogt, %select_n3A_375, %select_n3A_387 : vector<8x4096xf32>
    %eq3A_394 = arith.cmpf oeq, %select_n3A_375, %select_n3A_387 : vector<8x4096xf32>
    %lt3A_395 = arith.cmpi slt, %select_n3A_376, %select_n3A_392 : vector<8x4096xi32>
    %and3A_396 = arith.andi %eq3A_394, %lt3A_395 : vector<8x4096xi1>
    %or3A_397 = arith.ori %gt3A_393, %and3A_396 : vector<8x4096xi1>
    %eq3A_398 = arith.xori %eq3A_318, %eq3A_382 : vector<8x4096xi1>
    %eq3A_399 = arith.constant dense<true> : vector<8x4096xi1>
    %eq3A_400 = arith.xori %eq3A_398, %eq3A_399 : vector<8x4096xi1>
    %eq3A_401 = arith.xori %or3A_397, %eq3A_400 : vector<8x4096xi1>
    %eq3A_402 = arith.constant dense<true> : vector<8x4096xi1>
    %eq3A_403 = arith.xori %eq3A_401, %eq3A_402 : vector<8x4096xi1>
    %select_n3A_404 = arith.select %eq3A_403, %select_n3A_375, %select_n3A_387 : vector<8x4096xi1>, vector<8x4096xf32>
    %select_n3A_405 = arith.select %eq3A_403, %select_n3A_376, %select_n3A_392 : vector<8x4096xi1>, vector<8x4096xi32>
    %and3A_406 = arith.constant 2 : i32
    %and3A_407 = vector.broadcast %and3A_406 : i32 to vector<8x4096xi32>
    %and3A_408 = arith.andi %iota3A, %and3A_407 : vector<8x4096xi32>
    %eq3A_409 = arith.constant 0 : i32
    %eq3A_410 = vector.broadcast %eq3A_409 : i32 to vector<8x4096xi32>
    %eq3A_411 = arith.cmpi eq, %and3A_408, %eq3A_410 : vector<8x4096xi32>
    %roll3A_412 = arith.constant 4094 : i32
    %roll3A_413 = tpu.dynamic_rotate %select_n3A_404 by %roll3A_412 dim 1 : vector<8x4096xf32>, i32 -> vector<8x4096xf32>
    %roll3A_414 = arith.constant 2 : i32
    %roll3A_415 = tpu.dynamic_rotate %select_n3A_404 by %roll3A_414 dim 1 : vector<8x4096xf32>, i32 -> vector<8x4096xf32>
    %select_n3A_416 = arith.select %eq3A_411, %roll3A_413, %roll3A_415 : vector<8x4096xi1>, vector<8x4096xf32>
    %roll3A_417 = arith.constant 4094 : i32
    %roll3A_418 = tpu.dynamic_rotate %select_n3A_405 by %roll3A_417 dim 1 : vector<8x4096xi32>, i32 -> vector<8x4096xi32>
    %roll3A_419 = arith.constant 2 : i32
    %roll3A_420 = tpu.dynamic_rotate %select_n3A_405 by %roll3A_419 dim 1 : vector<8x4096xi32>, i32 -> vector<8x4096xi32>
    %select_n3A_421 = arith.select %eq3A_411, %roll3A_418, %roll3A_420 : vector<8x4096xi1>, vector<8x4096xi32>
    %gt3A_422 = arith.cmpf ogt, %select_n3A_404, %select_n3A_416 : vector<8x4096xf32>
    %eq3A_423 = arith.cmpf oeq, %select_n3A_404, %select_n3A_416 : vector<8x4096xf32>
    %lt3A_424 = arith.cmpi slt, %select_n3A_405, %select_n3A_421 : vector<8x4096xi32>
    %and3A_425 = arith.andi %eq3A_423, %lt3A_424 : vector<8x4096xi1>
    %or3A_426 = arith.ori %gt3A_422, %and3A_425 : vector<8x4096xi1>
    %eq3A_427 = arith.xori %eq3A_318, %eq3A_411 : vector<8x4096xi1>
    %eq3A_428 = arith.constant dense<true> : vector<8x4096xi1>
    %eq3A_429 = arith.xori %eq3A_427, %eq3A_428 : vector<8x4096xi1>
    %eq3A_430 = arith.xori %or3A_426, %eq3A_429 : vector<8x4096xi1>
    %eq3A_431 = arith.constant dense<true> : vector<8x4096xi1>
    %eq3A_432 = arith.xori %eq3A_430, %eq3A_431 : vector<8x4096xi1>
    %select_n3A_433 = arith.select %eq3A_432, %select_n3A_404, %select_n3A_416 : vector<8x4096xi1>, vector<8x4096xf32>
    %select_n3A_434 = arith.select %eq3A_432, %select_n3A_405, %select_n3A_421 : vector<8x4096xi1>, vector<8x4096xi32>
    %and3A_435 = arith.constant 1 : i32
    %and3A_436 = vector.broadcast %and3A_435 : i32 to vector<8x4096xi32>
    %and3A_437 = arith.andi %iota3A, %and3A_436 : vector<8x4096xi32>
    %eq3A_438 = arith.constant 0 : i32
    %eq3A_439 = vector.broadcast %eq3A_438 : i32 to vector<8x4096xi32>
    %eq3A_440 = arith.cmpi eq, %and3A_437, %eq3A_439 : vector<8x4096xi32>
    %roll3A_441 = arith.constant 4095 : i32
    %roll3A_442 = tpu.dynamic_rotate %select_n3A_433 by %roll3A_441 dim 1 : vector<8x4096xf32>, i32 -> vector<8x4096xf32>
    %roll3A_443 = arith.constant 1 : i32
    %roll3A_444 = tpu.dynamic_rotate %select_n3A_433 by %roll3A_443 dim 1 : vector<8x4096xf32>, i32 -> vector<8x4096xf32>
    %select_n3A_445 = arith.select %eq3A_440, %roll3A_442, %roll3A_444 : vector<8x4096xi1>, vector<8x4096xf32>
    %roll3A_446 = arith.constant 4095 : i32
    %roll3A_447 = tpu.dynamic_rotate %select_n3A_434 by %roll3A_446 dim 1 : vector<8x4096xi32>, i32 -> vector<8x4096xi32>
    %roll3A_448 = arith.constant 1 : i32
    %roll3A_449 = tpu.dynamic_rotate %select_n3A_434 by %roll3A_448 dim 1 : vector<8x4096xi32>, i32 -> vector<8x4096xi32>
    %select_n3A_450 = arith.select %eq3A_440, %roll3A_447, %roll3A_449 : vector<8x4096xi1>, vector<8x4096xi32>
    %gt3A_451 = arith.cmpf ogt, %select_n3A_433, %select_n3A_445 : vector<8x4096xf32>
    %eq3A_452 = arith.cmpf oeq, %select_n3A_433, %select_n3A_445 : vector<8x4096xf32>
    %lt3A_453 = arith.cmpi slt, %select_n3A_434, %select_n3A_450 : vector<8x4096xi32>
    %and3A_454 = arith.andi %eq3A_452, %lt3A_453 : vector<8x4096xi1>
    %or3A_455 = arith.ori %gt3A_451, %and3A_454 : vector<8x4096xi1>
    %eq3A_456 = arith.xori %eq3A_318, %eq3A_440 : vector<8x4096xi1>
    %eq3A_457 = arith.constant dense<true> : vector<8x4096xi1>
    %eq3A_458 = arith.xori %eq3A_456, %eq3A_457 : vector<8x4096xi1>
    %eq3A_459 = arith.xori %or3A_455, %eq3A_458 : vector<8x4096xi1>
    %eq3A_460 = arith.constant dense<true> : vector<8x4096xi1>
    %eq3A_461 = arith.xori %eq3A_459, %eq3A_460 : vector<8x4096xi1>
    %select_n3A_462 = arith.select %eq3A_461, %select_n3A_433, %select_n3A_445 : vector<8x4096xi1>, vector<8x4096xf32>
    %select_n3A_463 = arith.select %eq3A_461, %select_n3A_434, %select_n3A_450 : vector<8x4096xi1>, vector<8x4096xi32>
    %and3A_464 = arith.constant 64 : i32
    %and3A_465 = vector.broadcast %and3A_464 : i32 to vector<8x4096xi32>
    %and3A_466 = arith.andi %iota3A, %and3A_465 : vector<8x4096xi32>
    %eq3A_467 = arith.constant 0 : i32
    %eq3A_468 = vector.broadcast %eq3A_467 : i32 to vector<8x4096xi32>
    %eq3A_469 = arith.cmpi eq, %and3A_466, %eq3A_468 : vector<8x4096xi32>
    %and3A_470 = arith.constant 32 : i32
    %and3A_471 = vector.broadcast %and3A_470 : i32 to vector<8x4096xi32>
    %and3A_472 = arith.andi %iota3A, %and3A_471 : vector<8x4096xi32>
    %eq3A_473 = arith.constant 0 : i32
    %eq3A_474 = vector.broadcast %eq3A_473 : i32 to vector<8x4096xi32>
    %eq3A_475 = arith.cmpi eq, %and3A_472, %eq3A_474 : vector<8x4096xi32>
    %roll3A_476 = arith.constant 4064 : i32
    %roll3A_477 = tpu.dynamic_rotate %select_n3A_462 by %roll3A_476 dim 1 : vector<8x4096xf32>, i32 -> vector<8x4096xf32>
    %roll3A_478 = arith.constant 32 : i32
    %roll3A_479 = tpu.dynamic_rotate %select_n3A_462 by %roll3A_478 dim 1 : vector<8x4096xf32>, i32 -> vector<8x4096xf32>
    %select_n3A_480 = arith.select %eq3A_475, %roll3A_477, %roll3A_479 : vector<8x4096xi1>, vector<8x4096xf32>
    %roll3A_481 = arith.constant 4064 : i32
    %roll3A_482 = tpu.dynamic_rotate %select_n3A_463 by %roll3A_481 dim 1 : vector<8x4096xi32>, i32 -> vector<8x4096xi32>
    %roll3A_483 = arith.constant 32 : i32
    %roll3A_484 = tpu.dynamic_rotate %select_n3A_463 by %roll3A_483 dim 1 : vector<8x4096xi32>, i32 -> vector<8x4096xi32>
    %select_n3A_485 = arith.select %eq3A_475, %roll3A_482, %roll3A_484 : vector<8x4096xi1>, vector<8x4096xi32>
    %gt3A_486 = arith.cmpf ogt, %select_n3A_462, %select_n3A_480 : vector<8x4096xf32>
    %eq3A_487 = arith.cmpf oeq, %select_n3A_462, %select_n3A_480 : vector<8x4096xf32>
    %lt3A_488 = arith.cmpi slt, %select_n3A_463, %select_n3A_485 : vector<8x4096xi32>
    %and3A_489 = arith.andi %eq3A_487, %lt3A_488 : vector<8x4096xi1>
    %or3A_490 = arith.ori %gt3A_486, %and3A_489 : vector<8x4096xi1>
    %eq3A_491 = arith.xori %eq3A_469, %eq3A_475 : vector<8x4096xi1>
    %eq3A_492 = arith.constant dense<true> : vector<8x4096xi1>
    %eq3A_493 = arith.xori %eq3A_491, %eq3A_492 : vector<8x4096xi1>
    %eq3A_494 = arith.xori %or3A_490, %eq3A_493 : vector<8x4096xi1>
    %eq3A_495 = arith.constant dense<true> : vector<8x4096xi1>
    %eq3A_496 = arith.xori %eq3A_494, %eq3A_495 : vector<8x4096xi1>
    %select_n3A_497 = arith.select %eq3A_496, %select_n3A_462, %select_n3A_480 : vector<8x4096xi1>, vector<8x4096xf32>
    %select_n3A_498 = arith.select %eq3A_496, %select_n3A_463, %select_n3A_485 : vector<8x4096xi1>, vector<8x4096xi32>
    %and3A_499 = arith.constant 16 : i32
    %and3A_500 = vector.broadcast %and3A_499 : i32 to vector<8x4096xi32>
    %and3A_501 = arith.andi %iota3A, %and3A_500 : vector<8x4096xi32>
    %eq3A_502 = arith.constant 0 : i32
    %eq3A_503 = vector.broadcast %eq3A_502 : i32 to vector<8x4096xi32>
    %eq3A_504 = arith.cmpi eq, %and3A_501, %eq3A_503 : vector<8x4096xi32>
    %roll3A_505 = arith.constant 4080 : i32
    %roll3A_506 = tpu.dynamic_rotate %select_n3A_497 by %roll3A_505 dim 1 : vector<8x4096xf32>, i32 -> vector<8x4096xf32>
    %roll3A_507 = arith.constant 16 : i32
    %roll3A_508 = tpu.dynamic_rotate %select_n3A_497 by %roll3A_507 dim 1 : vector<8x4096xf32>, i32 -> vector<8x4096xf32>
    %select_n3A_509 = arith.select %eq3A_504, %roll3A_506, %roll3A_508 : vector<8x4096xi1>, vector<8x4096xf32>
    %roll3A_510 = arith.constant 4080 : i32
    %roll3A_511 = tpu.dynamic_rotate %select_n3A_498 by %roll3A_510 dim 1 : vector<8x4096xi32>, i32 -> vector<8x4096xi32>
    %roll3A_512 = arith.constant 16 : i32
    %roll3A_513 = tpu.dynamic_rotate %select_n3A_498 by %roll3A_512 dim 1 : vector<8x4096xi32>, i32 -> vector<8x4096xi32>
    %select_n3A_514 = arith.select %eq3A_504, %roll3A_511, %roll3A_513 : vector<8x4096xi1>, vector<8x4096xi32>
    %gt3A_515 = arith.cmpf ogt, %select_n3A_497, %select_n3A_509 : vector<8x4096xf32>
    %eq3A_516 = arith.cmpf oeq, %select_n3A_497, %select_n3A_509 : vector<8x4096xf32>
    %lt3A_517 = arith.cmpi slt, %select_n3A_498, %select_n3A_514 : vector<8x4096xi32>
    %and3A_518 = arith.andi %eq3A_516, %lt3A_517 : vector<8x4096xi1>
    %or3A_519 = arith.ori %gt3A_515, %and3A_518 : vector<8x4096xi1>
    %eq3A_520 = arith.xori %eq3A_469, %eq3A_504 : vector<8x4096xi1>
    %eq3A_521 = arith.constant dense<true> : vector<8x4096xi1>
    %eq3A_522 = arith.xori %eq3A_520, %eq3A_521 : vector<8x4096xi1>
    %eq3A_523 = arith.xori %or3A_519, %eq3A_522 : vector<8x4096xi1>
    %eq3A_524 = arith.constant dense<true> : vector<8x4096xi1>
    %eq3A_525 = arith.xori %eq3A_523, %eq3A_524 : vector<8x4096xi1>
    %select_n3A_526 = arith.select %eq3A_525, %select_n3A_497, %select_n3A_509 : vector<8x4096xi1>, vector<8x4096xf32>
    %select_n3A_527 = arith.select %eq3A_525, %select_n3A_498, %select_n3A_514 : vector<8x4096xi1>, vector<8x4096xi32>
    %and3A_528 = arith.constant 8 : i32
    %and3A_529 = vector.broadcast %and3A_528 : i32 to vector<8x4096xi32>
    %and3A_530 = arith.andi %iota3A, %and3A_529 : vector<8x4096xi32>
    %eq3A_531 = arith.constant 0 : i32
    %eq3A_532 = vector.broadcast %eq3A_531 : i32 to vector<8x4096xi32>
    %eq3A_533 = arith.cmpi eq, %and3A_530, %eq3A_532 : vector<8x4096xi32>
    %roll3A_534 = arith.constant 4088 : i32
    %roll3A_535 = tpu.dynamic_rotate %select_n3A_526 by %roll3A_534 dim 1 : vector<8x4096xf32>, i32 -> vector<8x4096xf32>
    %roll3A_536 = arith.constant 8 : i32
    %roll3A_537 = tpu.dynamic_rotate %select_n3A_526 by %roll3A_536 dim 1 : vector<8x4096xf32>, i32 -> vector<8x4096xf32>
    %select_n3A_538 = arith.select %eq3A_533, %roll3A_535, %roll3A_537 : vector<8x4096xi1>, vector<8x4096xf32>
    %roll3A_539 = arith.constant 4088 : i32
    %roll3A_540 = tpu.dynamic_rotate %select_n3A_527 by %roll3A_539 dim 1 : vector<8x4096xi32>, i32 -> vector<8x4096xi32>
    %roll3A_541 = arith.constant 8 : i32
    %roll3A_542 = tpu.dynamic_rotate %select_n3A_527 by %roll3A_541 dim 1 : vector<8x4096xi32>, i32 -> vector<8x4096xi32>
    %select_n3A_543 = arith.select %eq3A_533, %roll3A_540, %roll3A_542 : vector<8x4096xi1>, vector<8x4096xi32>
    %gt3A_544 = arith.cmpf ogt, %select_n3A_526, %select_n3A_538 : vector<8x4096xf32>
    %eq3A_545 = arith.cmpf oeq, %select_n3A_526, %select_n3A_538 : vector<8x4096xf32>
    %lt3A_546 = arith.cmpi slt, %select_n3A_527, %select_n3A_543 : vector<8x4096xi32>
    %and3A_547 = arith.andi %eq3A_545, %lt3A_546 : vector<8x4096xi1>
    %or3A_548 = arith.ori %gt3A_544, %and3A_547 : vector<8x4096xi1>
    %eq3A_549 = arith.xori %eq3A_469, %eq3A_533 : vector<8x4096xi1>
    %eq3A_550 = arith.constant dense<true> : vector<8x4096xi1>
    %eq3A_551 = arith.xori %eq3A_549, %eq3A_550 : vector<8x4096xi1>
    %eq3A_552 = arith.xori %or3A_548, %eq3A_551 : vector<8x4096xi1>
    %eq3A_553 = arith.constant dense<true> : vector<8x4096xi1>
    %eq3A_554 = arith.xori %eq3A_552, %eq3A_553 : vector<8x4096xi1>
    %select_n3A_555 = arith.select %eq3A_554, %select_n3A_526, %select_n3A_538 : vector<8x4096xi1>, vector<8x4096xf32>
    %select_n3A_556 = arith.select %eq3A_554, %select_n3A_527, %select_n3A_543 : vector<8x4096xi1>, vector<8x4096xi32>
    %and3A_557 = arith.constant 4 : i32
    %and3A_558 = vector.broadcast %and3A_557 : i32 to vector<8x4096xi32>
    %and3A_559 = arith.andi %iota3A, %and3A_558 : vector<8x4096xi32>
    %eq3A_560 = arith.constant 0 : i32
    %eq3A_561 = vector.broadcast %eq3A_560 : i32 to vector<8x4096xi32>
    %eq3A_562 = arith.cmpi eq, %and3A_559, %eq3A_561 : vector<8x4096xi32>
    %roll3A_563 = arith.constant 4092 : i32
    %roll3A_564 = tpu.dynamic_rotate %select_n3A_555 by %roll3A_563 dim 1 : vector<8x4096xf32>, i32 -> vector<8x4096xf32>
    %roll3A_565 = arith.constant 4 : i32
    %roll3A_566 = tpu.dynamic_rotate %select_n3A_555 by %roll3A_565 dim 1 : vector<8x4096xf32>, i32 -> vector<8x4096xf32>
    %select_n3A_567 = arith.select %eq3A_562, %roll3A_564, %roll3A_566 : vector<8x4096xi1>, vector<8x4096xf32>
    %roll3A_568 = arith.constant 4092 : i32
    %roll3A_569 = tpu.dynamic_rotate %select_n3A_556 by %roll3A_568 dim 1 : vector<8x4096xi32>, i32 -> vector<8x4096xi32>
    %roll3A_570 = arith.constant 4 : i32
    %roll3A_571 = tpu.dynamic_rotate %select_n3A_556 by %roll3A_570 dim 1 : vector<8x4096xi32>, i32 -> vector<8x4096xi32>
    %select_n3A_572 = arith.select %eq3A_562, %roll3A_569, %roll3A_571 : vector<8x4096xi1>, vector<8x4096xi32>
    %gt3A_573 = arith.cmpf ogt, %select_n3A_555, %select_n3A_567 : vector<8x4096xf32>
    %eq3A_574 = arith.cmpf oeq, %select_n3A_555, %select_n3A_567 : vector<8x4096xf32>
    %lt3A_575 = arith.cmpi slt, %select_n3A_556, %select_n3A_572 : vector<8x4096xi32>
    %and3A_576 = arith.andi %eq3A_574, %lt3A_575 : vector<8x4096xi1>
    %or3A_577 = arith.ori %gt3A_573, %and3A_576 : vector<8x4096xi1>
    %eq3A_578 = arith.xori %eq3A_469, %eq3A_562 : vector<8x4096xi1>
    %eq3A_579 = arith.constant dense<true> : vector<8x4096xi1>
    %eq3A_580 = arith.xori %eq3A_578, %eq3A_579 : vector<8x4096xi1>
    %eq3A_581 = arith.xori %or3A_577, %eq3A_580 : vector<8x4096xi1>
    %eq3A_582 = arith.constant dense<true> : vector<8x4096xi1>
    %eq3A_583 = arith.xori %eq3A_581, %eq3A_582 : vector<8x4096xi1>
    %select_n3A_584 = arith.select %eq3A_583, %select_n3A_555, %select_n3A_567 : vector<8x4096xi1>, vector<8x4096xf32>
    %select_n3A_585 = arith.select %eq3A_583, %select_n3A_556, %select_n3A_572 : vector<8x4096xi1>, vector<8x4096xi32>
    %and3A_586 = arith.constant 2 : i32
    %and3A_587 = vector.broadcast %and3A_586 : i32 to vector<8x4096xi32>
    %and3A_588 = arith.andi %iota3A, %and3A_587 : vector<8x4096xi32>
    %eq3A_589 = arith.constant 0 : i32
    %eq3A_590 = vector.broadcast %eq3A_589 : i32 to vector<8x4096xi32>
    %eq3A_591 = arith.cmpi eq, %and3A_588, %eq3A_590 : vector<8x4096xi32>
    %roll3A_592 = arith.constant 4094 : i32
    %roll3A_593 = tpu.dynamic_rotate %select_n3A_584 by %roll3A_592 dim 1 : vector<8x4096xf32>, i32 -> vector<8x4096xf32>
    %roll3A_594 = arith.constant 2 : i32
    %roll3A_595 = tpu.dynamic_rotate %select_n3A_584 by %roll3A_594 dim 1 : vector<8x4096xf32>, i32 -> vector<8x4096xf32>
    %select_n3A_596 = arith.select %eq3A_591, %roll3A_593, %roll3A_595 : vector<8x4096xi1>, vector<8x4096xf32>
    %roll3A_597 = arith.constant 4094 : i32
    %roll3A_598 = tpu.dynamic_rotate %select_n3A_585 by %roll3A_597 dim 1 : vector<8x4096xi32>, i32 -> vector<8x4096xi32>
    %roll3A_599 = arith.constant 2 : i32
    %roll3A_600 = tpu.dynamic_rotate %select_n3A_585 by %roll3A_599 dim 1 : vector<8x4096xi32>, i32 -> vector<8x4096xi32>
    %select_n3A_601 = arith.select %eq3A_591, %roll3A_598, %roll3A_600 : vector<8x4096xi1>, vector<8x4096xi32>
    %gt3A_602 = arith.cmpf ogt, %select_n3A_584, %select_n3A_596 : vector<8x4096xf32>
    %eq3A_603 = arith.cmpf oeq, %select_n3A_584, %select_n3A_596 : vector<8x4096xf32>
    %lt3A_604 = arith.cmpi slt, %select_n3A_585, %select_n3A_601 : vector<8x4096xi32>
    %and3A_605 = arith.andi %eq3A_603, %lt3A_604 : vector<8x4096xi1>
    %or3A_606 = arith.ori %gt3A_602, %and3A_605 : vector<8x4096xi1>
    %eq3A_607 = arith.xori %eq3A_469, %eq3A_591 : vector<8x4096xi1>
    %eq3A_608 = arith.constant dense<true> : vector<8x4096xi1>
    %eq3A_609 = arith.xori %eq3A_607, %eq3A_608 : vector<8x4096xi1>
    %eq3A_610 = arith.xori %or3A_606, %eq3A_609 : vector<8x4096xi1>
    %eq3A_611 = arith.constant dense<true> : vector<8x4096xi1>
    %eq3A_612 = arith.xori %eq3A_610, %eq3A_611 : vector<8x4096xi1>
    %select_n3A_613 = arith.select %eq3A_612, %select_n3A_584, %select_n3A_596 : vector<8x4096xi1>, vector<8x4096xf32>
    %select_n3A_614 = arith.select %eq3A_612, %select_n3A_585, %select_n3A_601 : vector<8x4096xi1>, vector<8x4096xi32>
    %and3A_615 = arith.constant 1 : i32
    %and3A_616 = vector.broadcast %and3A_615 : i32 to vector<8x4096xi32>
    %and3A_617 = arith.andi %iota3A, %and3A_616 : vector<8x4096xi32>
    %eq3A_618 = arith.constant 0 : i32
    %eq3A_619 = vector.broadcast %eq3A_618 : i32 to vector<8x4096xi32>
    %eq3A_620 = arith.cmpi eq, %and3A_617, %eq3A_619 : vector<8x4096xi32>
    %roll3A_621 = arith.constant 4095 : i32
    %roll3A_622 = tpu.dynamic_rotate %select_n3A_613 by %roll3A_621 dim 1 : vector<8x4096xf32>, i32 -> vector<8x4096xf32>
    %roll3A_623 = arith.constant 1 : i32
    %roll3A_624 = tpu.dynamic_rotate %select_n3A_613 by %roll3A_623 dim 1 : vector<8x4096xf32>, i32 -> vector<8x4096xf32>
    %select_n3A_625 = arith.select %eq3A_620, %roll3A_622, %roll3A_624 : vector<8x4096xi1>, vector<8x4096xf32>
    %roll3A_626 = arith.constant 4095 : i32
    %roll3A_627 = tpu.dynamic_rotate %select_n3A_614 by %roll3A_626 dim 1 : vector<8x4096xi32>, i32 -> vector<8x4096xi32>
    %roll3A_628 = arith.constant 1 : i32
    %roll3A_629 = tpu.dynamic_rotate %select_n3A_614 by %roll3A_628 dim 1 : vector<8x4096xi32>, i32 -> vector<8x4096xi32>
    %select_n3A_630 = arith.select %eq3A_620, %roll3A_627, %roll3A_629 : vector<8x4096xi1>, vector<8x4096xi32>
    %gt3A_631 = arith.cmpf ogt, %select_n3A_613, %select_n3A_625 : vector<8x4096xf32>
    %eq3A_632 = arith.cmpf oeq, %select_n3A_613, %select_n3A_625 : vector<8x4096xf32>
    %lt3A_633 = arith.cmpi slt, %select_n3A_614, %select_n3A_630 : vector<8x4096xi32>
    %and3A_634 = arith.andi %eq3A_632, %lt3A_633 : vector<8x4096xi1>
    %or3A_635 = arith.ori %gt3A_631, %and3A_634 : vector<8x4096xi1>
    %eq3A_636 = arith.xori %eq3A_469, %eq3A_620 : vector<8x4096xi1>
    %eq3A_637 = arith.constant dense<true> : vector<8x4096xi1>
    %eq3A_638 = arith.xori %eq3A_636, %eq3A_637 : vector<8x4096xi1>
    %eq3A_639 = arith.xori %or3A_635, %eq3A_638 : vector<8x4096xi1>
    %eq3A_640 = arith.constant dense<true> : vector<8x4096xi1>
    %eq3A_641 = arith.xori %eq3A_639, %eq3A_640 : vector<8x4096xi1>
    %select_n3A_642 = arith.select %eq3A_641, %select_n3A_613, %select_n3A_625 : vector<8x4096xi1>, vector<8x4096xf32>
    %select_n3A_643 = arith.select %eq3A_641, %select_n3A_614, %select_n3A_630 : vector<8x4096xi1>, vector<8x4096xi32>
    %and3A_644 = arith.constant 128 : i32
    %and3A_645 = vector.broadcast %and3A_644 : i32 to vector<8x4096xi32>
    %and3A_646 = arith.andi %iota3A, %and3A_645 : vector<8x4096xi32>
    %eq3A_647 = arith.constant 0 : i32
    %eq3A_648 = vector.broadcast %eq3A_647 : i32 to vector<8x4096xi32>
    %eq3A_649 = arith.cmpi eq, %and3A_646, %eq3A_648 : vector<8x4096xi32>
    %and3A_650 = arith.constant 64 : i32
    %and3A_651 = vector.broadcast %and3A_650 : i32 to vector<8x4096xi32>
    %and3A_652 = arith.andi %iota3A, %and3A_651 : vector<8x4096xi32>
    %eq3A_653 = arith.constant 0 : i32
    %eq3A_654 = vector.broadcast %eq3A_653 : i32 to vector<8x4096xi32>
    %eq3A_655 = arith.cmpi eq, %and3A_652, %eq3A_654 : vector<8x4096xi32>
    %roll3A_656 = arith.constant 4032 : i32
    %roll3A_657 = tpu.dynamic_rotate %select_n3A_642 by %roll3A_656 dim 1 : vector<8x4096xf32>, i32 -> vector<8x4096xf32>
    %roll3A_658 = arith.constant 64 : i32
    %roll3A_659 = tpu.dynamic_rotate %select_n3A_642 by %roll3A_658 dim 1 : vector<8x4096xf32>, i32 -> vector<8x4096xf32>
    %select_n3A_660 = arith.select %eq3A_655, %roll3A_657, %roll3A_659 : vector<8x4096xi1>, vector<8x4096xf32>
    %roll3A_661 = arith.constant 4032 : i32
    %roll3A_662 = tpu.dynamic_rotate %select_n3A_643 by %roll3A_661 dim 1 : vector<8x4096xi32>, i32 -> vector<8x4096xi32>
    %roll3A_663 = arith.constant 64 : i32
    %roll3A_664 = tpu.dynamic_rotate %select_n3A_643 by %roll3A_663 dim 1 : vector<8x4096xi32>, i32 -> vector<8x4096xi32>
    %select_n3A_665 = arith.select %eq3A_655, %roll3A_662, %roll3A_664 : vector<8x4096xi1>, vector<8x4096xi32>
    %gt3A_666 = arith.cmpf ogt, %select_n3A_642, %select_n3A_660 : vector<8x4096xf32>
    %eq3A_667 = arith.cmpf oeq, %select_n3A_642, %select_n3A_660 : vector<8x4096xf32>
    %lt3A_668 = arith.cmpi slt, %select_n3A_643, %select_n3A_665 : vector<8x4096xi32>
    %and3A_669 = arith.andi %eq3A_667, %lt3A_668 : vector<8x4096xi1>
    %or3A_670 = arith.ori %gt3A_666, %and3A_669 : vector<8x4096xi1>
    %eq3A_671 = arith.xori %eq3A_649, %eq3A_655 : vector<8x4096xi1>
    %eq3A_672 = arith.constant dense<true> : vector<8x4096xi1>
    %eq3A_673 = arith.xori %eq3A_671, %eq3A_672 : vector<8x4096xi1>
    %eq3A_674 = arith.xori %or3A_670, %eq3A_673 : vector<8x4096xi1>
    %eq3A_675 = arith.constant dense<true> : vector<8x4096xi1>
    %eq3A_676 = arith.xori %eq3A_674, %eq3A_675 : vector<8x4096xi1>
    %select_n3A_677 = arith.select %eq3A_676, %select_n3A_642, %select_n3A_660 : vector<8x4096xi1>, vector<8x4096xf32>
    %select_n3A_678 = arith.select %eq3A_676, %select_n3A_643, %select_n3A_665 : vector<8x4096xi1>, vector<8x4096xi32>
    %and3A_679 = arith.constant 32 : i32
    %and3A_680 = vector.broadcast %and3A_679 : i32 to vector<8x4096xi32>
    %and3A_681 = arith.andi %iota3A, %and3A_680 : vector<8x4096xi32>
    %eq3A_682 = arith.constant 0 : i32
    %eq3A_683 = vector.broadcast %eq3A_682 : i32 to vector<8x4096xi32>
    %eq3A_684 = arith.cmpi eq, %and3A_681, %eq3A_683 : vector<8x4096xi32>
    %roll3A_685 = arith.constant 4064 : i32
    %roll3A_686 = tpu.dynamic_rotate %select_n3A_677 by %roll3A_685 dim 1 : vector<8x4096xf32>, i32 -> vector<8x4096xf32>
    %roll3A_687 = arith.constant 32 : i32
    %roll3A_688 = tpu.dynamic_rotate %select_n3A_677 by %roll3A_687 dim 1 : vector<8x4096xf32>, i32 -> vector<8x4096xf32>
    %select_n3A_689 = arith.select %eq3A_684, %roll3A_686, %roll3A_688 : vector<8x4096xi1>, vector<8x4096xf32>
    %roll3A_690 = arith.constant 4064 : i32
    %roll3A_691 = tpu.dynamic_rotate %select_n3A_678 by %roll3A_690 dim 1 : vector<8x4096xi32>, i32 -> vector<8x4096xi32>
    %roll3A_692 = arith.constant 32 : i32
    %roll3A_693 = tpu.dynamic_rotate %select_n3A_678 by %roll3A_692 dim 1 : vector<8x4096xi32>, i32 -> vector<8x4096xi32>
    %select_n3A_694 = arith.select %eq3A_684, %roll3A_691, %roll3A_693 : vector<8x4096xi1>, vector<8x4096xi32>
    %gt3A_695 = arith.cmpf ogt, %select_n3A_677, %select_n3A_689 : vector<8x4096xf32>
    %eq3A_696 = arith.cmpf oeq, %select_n3A_677, %select_n3A_689 : vector<8x4096xf32>
    %lt3A_697 = arith.cmpi slt, %select_n3A_678, %select_n3A_694 : vector<8x4096xi32>
    %and3A_698 = arith.andi %eq3A_696, %lt3A_697 : vector<8x4096xi1>
    %or3A_699 = arith.ori %gt3A_695, %and3A_698 : vector<8x4096xi1>
    %eq3A_700 = arith.xori %eq3A_649, %eq3A_684 : vector<8x4096xi1>
    %eq3A_701 = arith.constant dense<true> : vector<8x4096xi1>
    %eq3A_702 = arith.xori %eq3A_700, %eq3A_701 : vector<8x4096xi1>
    %eq3A_703 = arith.xori %or3A_699, %eq3A_702 : vector<8x4096xi1>
    %eq3A_704 = arith.constant dense<true> : vector<8x4096xi1>
    %eq3A_705 = arith.xori %eq3A_703, %eq3A_704 : vector<8x4096xi1>
    %select_n3A_706 = arith.select %eq3A_705, %select_n3A_677, %select_n3A_689 : vector<8x4096xi1>, vector<8x4096xf32>
    %select_n3A_707 = arith.select %eq3A_705, %select_n3A_678, %select_n3A_694 : vector<8x4096xi1>, vector<8x4096xi32>
    %and3A_708 = arith.constant 16 : i32
    %and3A_709 = vector.broadcast %and3A_708 : i32 to vector<8x4096xi32>
    %and3A_710 = arith.andi %iota3A, %and3A_709 : vector<8x4096xi32>
    %eq3A_711 = arith.constant 0 : i32
    %eq3A_712 = vector.broadcast %eq3A_711 : i32 to vector<8x4096xi32>
    %eq3A_713 = arith.cmpi eq, %and3A_710, %eq3A_712 : vector<8x4096xi32>
    %roll3A_714 = arith.constant 4080 : i32
    %roll3A_715 = tpu.dynamic_rotate %select_n3A_706 by %roll3A_714 dim 1 : vector<8x4096xf32>, i32 -> vector<8x4096xf32>
    %roll3A_716 = arith.constant 16 : i32
    %roll3A_717 = tpu.dynamic_rotate %select_n3A_706 by %roll3A_716 dim 1 : vector<8x4096xf32>, i32 -> vector<8x4096xf32>
    %select_n3A_718 = arith.select %eq3A_713, %roll3A_715, %roll3A_717 : vector<8x4096xi1>, vector<8x4096xf32>
    %roll3A_719 = arith.constant 4080 : i32
    %roll3A_720 = tpu.dynamic_rotate %select_n3A_707 by %roll3A_719 dim 1 : vector<8x4096xi32>, i32 -> vector<8x4096xi32>
    %roll3A_721 = arith.constant 16 : i32
    %roll3A_722 = tpu.dynamic_rotate %select_n3A_707 by %roll3A_721 dim 1 : vector<8x4096xi32>, i32 -> vector<8x4096xi32>
    %select_n3A_723 = arith.select %eq3A_713, %roll3A_720, %roll3A_722 : vector<8x4096xi1>, vector<8x4096xi32>
    %gt3A_724 = arith.cmpf ogt, %select_n3A_706, %select_n3A_718 : vector<8x4096xf32>
    %eq3A_725 = arith.cmpf oeq, %select_n3A_706, %select_n3A_718 : vector<8x4096xf32>
    %lt3A_726 = arith.cmpi slt, %select_n3A_707, %select_n3A_723 : vector<8x4096xi32>
    %and3A_727 = arith.andi %eq3A_725, %lt3A_726 : vector<8x4096xi1>
    %or3A_728 = arith.ori %gt3A_724, %and3A_727 : vector<8x4096xi1>
    %eq3A_729 = arith.xori %eq3A_649, %eq3A_713 : vector<8x4096xi1>
    %eq3A_730 = arith.constant dense<true> : vector<8x4096xi1>
    %eq3A_731 = arith.xori %eq3A_729, %eq3A_730 : vector<8x4096xi1>
    %eq3A_732 = arith.xori %or3A_728, %eq3A_731 : vector<8x4096xi1>
    %eq3A_733 = arith.constant dense<true> : vector<8x4096xi1>
    %eq3A_734 = arith.xori %eq3A_732, %eq3A_733 : vector<8x4096xi1>
    %select_n3A_735 = arith.select %eq3A_734, %select_n3A_706, %select_n3A_718 : vector<8x4096xi1>, vector<8x4096xf32>
    %select_n3A_736 = arith.select %eq3A_734, %select_n3A_707, %select_n3A_723 : vector<8x4096xi1>, vector<8x4096xi32>
    %and3A_737 = arith.constant 8 : i32
    %and3A_738 = vector.broadcast %and3A_737 : i32 to vector<8x4096xi32>
    %and3A_739 = arith.andi %iota3A, %and3A_738 : vector<8x4096xi32>
    %eq3A_740 = arith.constant 0 : i32
    %eq3A_741 = vector.broadcast %eq3A_740 : i32 to vector<8x4096xi32>
    %eq3A_742 = arith.cmpi eq, %and3A_739, %eq3A_741 : vector<8x4096xi32>
    %roll3A_743 = arith.constant 4088 : i32
    %roll3A_744 = tpu.dynamic_rotate %select_n3A_735 by %roll3A_743 dim 1 : vector<8x4096xf32>, i32 -> vector<8x4096xf32>
    %roll3A_745 = arith.constant 8 : i32
    %roll3A_746 = tpu.dynamic_rotate %select_n3A_735 by %roll3A_745 dim 1 : vector<8x4096xf32>, i32 -> vector<8x4096xf32>
    %select_n3A_747 = arith.select %eq3A_742, %roll3A_744, %roll3A_746 : vector<8x4096xi1>, vector<8x4096xf32>
    %roll3A_748 = arith.constant 4088 : i32
    %roll3A_749 = tpu.dynamic_rotate %select_n3A_736 by %roll3A_748 dim 1 : vector<8x4096xi32>, i32 -> vector<8x4096xi32>
    %roll3A_750 = arith.constant 8 : i32
    %roll3A_751 = tpu.dynamic_rotate %select_n3A_736 by %roll3A_750 dim 1 : vector<8x4096xi32>, i32 -> vector<8x4096xi32>
    %select_n3A_752 = arith.select %eq3A_742, %roll3A_749, %roll3A_751 : vector<8x4096xi1>, vector<8x4096xi32>
    %gt3A_753 = arith.cmpf ogt, %select_n3A_735, %select_n3A_747 : vector<8x4096xf32>
    %eq3A_754 = arith.cmpf oeq, %select_n3A_735, %select_n3A_747 : vector<8x4096xf32>
    %lt3A_755 = arith.cmpi slt, %select_n3A_736, %select_n3A_752 : vector<8x4096xi32>
    %and3A_756 = arith.andi %eq3A_754, %lt3A_755 : vector<8x4096xi1>
    %or3A_757 = arith.ori %gt3A_753, %and3A_756 : vector<8x4096xi1>
    %eq3A_758 = arith.xori %eq3A_649, %eq3A_742 : vector<8x4096xi1>
    %eq3A_759 = arith.constant dense<true> : vector<8x4096xi1>
    %eq3A_760 = arith.xori %eq3A_758, %eq3A_759 : vector<8x4096xi1>
    %eq3A_761 = arith.xori %or3A_757, %eq3A_760 : vector<8x4096xi1>
    %eq3A_762 = arith.constant dense<true> : vector<8x4096xi1>
    %eq3A_763 = arith.xori %eq3A_761, %eq3A_762 : vector<8x4096xi1>
    %select_n3A_764 = arith.select %eq3A_763, %select_n3A_735, %select_n3A_747 : vector<8x4096xi1>, vector<8x4096xf32>
    %select_n3A_765 = arith.select %eq3A_763, %select_n3A_736, %select_n3A_752 : vector<8x4096xi1>, vector<8x4096xi32>
    %and3A_766 = arith.constant 4 : i32
    %and3A_767 = vector.broadcast %and3A_766 : i32 to vector<8x4096xi32>
    %and3A_768 = arith.andi %iota3A, %and3A_767 : vector<8x4096xi32>
    %eq3A_769 = arith.constant 0 : i32
    %eq3A_770 = vector.broadcast %eq3A_769 : i32 to vector<8x4096xi32>
    %eq3A_771 = arith.cmpi eq, %and3A_768, %eq3A_770 : vector<8x4096xi32>
    %roll3A_772 = arith.constant 4092 : i32
    %roll3A_773 = tpu.dynamic_rotate %select_n3A_764 by %roll3A_772 dim 1 : vector<8x4096xf32>, i32 -> vector<8x4096xf32>
    %roll3A_774 = arith.constant 4 : i32
    %roll3A_775 = tpu.dynamic_rotate %select_n3A_764 by %roll3A_774 dim 1 : vector<8x4096xf32>, i32 -> vector<8x4096xf32>
    %select_n3A_776 = arith.select %eq3A_771, %roll3A_773, %roll3A_775 : vector<8x4096xi1>, vector<8x4096xf32>
    %roll3A_777 = arith.constant 4092 : i32
    %roll3A_778 = tpu.dynamic_rotate %select_n3A_765 by %roll3A_777 dim 1 : vector<8x4096xi32>, i32 -> vector<8x4096xi32>
    %roll3A_779 = arith.constant 4 : i32
    %roll3A_780 = tpu.dynamic_rotate %select_n3A_765 by %roll3A_779 dim 1 : vector<8x4096xi32>, i32 -> vector<8x4096xi32>
    %select_n3A_781 = arith.select %eq3A_771, %roll3A_778, %roll3A_780 : vector<8x4096xi1>, vector<8x4096xi32>
    %gt3A_782 = arith.cmpf ogt, %select_n3A_764, %select_n3A_776 : vector<8x4096xf32>
    %eq3A_783 = arith.cmpf oeq, %select_n3A_764, %select_n3A_776 : vector<8x4096xf32>
    %lt3A_784 = arith.cmpi slt, %select_n3A_765, %select_n3A_781 : vector<8x4096xi32>
    %and3A_785 = arith.andi %eq3A_783, %lt3A_784 : vector<8x4096xi1>
    %or3A_786 = arith.ori %gt3A_782, %and3A_785 : vector<8x4096xi1>
    %eq3A_787 = arith.xori %eq3A_649, %eq3A_771 : vector<8x4096xi1>
    %eq3A_788 = arith.constant dense<true> : vector<8x4096xi1>
    %eq3A_789 = arith.xori %eq3A_787, %eq3A_788 : vector<8x4096xi1>
    %eq3A_790 = arith.xori %or3A_786, %eq3A_789 : vector<8x4096xi1>
    %eq3A_791 = arith.constant dense<true> : vector<8x4096xi1>
    %eq3A_792 = arith.xori %eq3A_790, %eq3A_791 : vector<8x4096xi1>
    %select_n3A_793 = arith.select %eq3A_792, %select_n3A_764, %select_n3A_776 : vector<8x4096xi1>, vector<8x4096xf32>
    %select_n3A_794 = arith.select %eq3A_792, %select_n3A_765, %select_n3A_781 : vector<8x4096xi1>, vector<8x4096xi32>
    %and3A_795 = arith.constant 2 : i32
    %and3A_796 = vector.broadcast %and3A_795 : i32 to vector<8x4096xi32>
    %and3A_797 = arith.andi %iota3A, %and3A_796 : vector<8x4096xi32>
    %eq3A_798 = arith.constant 0 : i32
    %eq3A_799 = vector.broadcast %eq3A_798 : i32 to vector<8x4096xi32>
    %eq3A_800 = arith.cmpi eq, %and3A_797, %eq3A_799 : vector<8x4096xi32>
    %roll3A_801 = arith.constant 4094 : i32
    %roll3A_802 = tpu.dynamic_rotate %select_n3A_793 by %roll3A_801 dim 1 : vector<8x4096xf32>, i32 -> vector<8x4096xf32>
    %roll3A_803 = arith.constant 2 : i32
    %roll3A_804 = tpu.dynamic_rotate %select_n3A_793 by %roll3A_803 dim 1 : vector<8x4096xf32>, i32 -> vector<8x4096xf32>
    %select_n3A_805 = arith.select %eq3A_800, %roll3A_802, %roll3A_804 : vector<8x4096xi1>, vector<8x4096xf32>
    %roll3A_806 = arith.constant 4094 : i32
    %roll3A_807 = tpu.dynamic_rotate %select_n3A_794 by %roll3A_806 dim 1 : vector<8x4096xi32>, i32 -> vector<8x4096xi32>
    %roll3A_808 = arith.constant 2 : i32
    %roll3A_809 = tpu.dynamic_rotate %select_n3A_794 by %roll3A_808 dim 1 : vector<8x4096xi32>, i32 -> vector<8x4096xi32>
    %select_n3A_810 = arith.select %eq3A_800, %roll3A_807, %roll3A_809 : vector<8x4096xi1>, vector<8x4096xi32>
    %gt3A_811 = arith.cmpf ogt, %select_n3A_793, %select_n3A_805 : vector<8x4096xf32>
    %eq3A_812 = arith.cmpf oeq, %select_n3A_793, %select_n3A_805 : vector<8x4096xf32>
    %lt3A_813 = arith.cmpi slt, %select_n3A_794, %select_n3A_810 : vector<8x4096xi32>
    %and3A_814 = arith.andi %eq3A_812, %lt3A_813 : vector<8x4096xi1>
    %or3A_815 = arith.ori %gt3A_811, %and3A_814 : vector<8x4096xi1>
    %eq3A_816 = arith.xori %eq3A_649, %eq3A_800 : vector<8x4096xi1>
    %eq3A_817 = arith.constant dense<true> : vector<8x4096xi1>
    %eq3A_818 = arith.xori %eq3A_816, %eq3A_817 : vector<8x4096xi1>
    %eq3A_819 = arith.xori %or3A_815, %eq3A_818 : vector<8x4096xi1>
    %eq3A_820 = arith.constant dense<true> : vector<8x4096xi1>
    %eq3A_821 = arith.xori %eq3A_819, %eq3A_820 : vector<8x4096xi1>
    %select_n3A_822 = arith.select %eq3A_821, %select_n3A_793, %select_n3A_805 : vector<8x4096xi1>, vector<8x4096xf32>
    %select_n3A_823 = arith.select %eq3A_821, %select_n3A_794, %select_n3A_810 : vector<8x4096xi1>, vector<8x4096xi32>
    %and3A_824 = arith.constant 1 : i32
    %and3A_825 = vector.broadcast %and3A_824 : i32 to vector<8x4096xi32>
    %and3A_826 = arith.andi %iota3A, %and3A_825 : vector<8x4096xi32>
    %eq3A_827 = arith.constant 0 : i32
    %eq3A_828 = vector.broadcast %eq3A_827 : i32 to vector<8x4096xi32>
    %eq3A_829 = arith.cmpi eq, %and3A_826, %eq3A_828 : vector<8x4096xi32>
    %roll3A_830 = arith.constant 4095 : i32
    %roll3A_831 = tpu.dynamic_rotate %select_n3A_822 by %roll3A_830 dim 1 : vector<8x4096xf32>, i32 -> vector<8x4096xf32>
    %roll3A_832 = arith.constant 1 : i32
    %roll3A_833 = tpu.dynamic_rotate %select_n3A_822 by %roll3A_832 dim 1 : vector<8x4096xf32>, i32 -> vector<8x4096xf32>
    %select_n3A_834 = arith.select %eq3A_829, %roll3A_831, %roll3A_833 : vector<8x4096xi1>, vector<8x4096xf32>
    %roll3A_835 = arith.constant 4095 : i32
    %roll3A_836 = tpu.dynamic_rotate %select_n3A_823 by %roll3A_835 dim 1 : vector<8x4096xi32>, i32 -> vector<8x4096xi32>
    %roll3A_837 = arith.constant 1 : i32
    %roll3A_838 = tpu.dynamic_rotate %select_n3A_823 by %roll3A_837 dim 1 : vector<8x4096xi32>, i32 -> vector<8x4096xi32>
    %select_n3A_839 = arith.select %eq3A_829, %roll3A_836, %roll3A_838 : vector<8x4096xi1>, vector<8x4096xi32>
    %gt3A_840 = arith.cmpf ogt, %select_n3A_822, %select_n3A_834 : vector<8x4096xf32>
    %eq3A_841 = arith.cmpf oeq, %select_n3A_822, %select_n3A_834 : vector<8x4096xf32>
    %lt3A_842 = arith.cmpi slt, %select_n3A_823, %select_n3A_839 : vector<8x4096xi32>
    %and3A_843 = arith.andi %eq3A_841, %lt3A_842 : vector<8x4096xi1>
    %or3A_844 = arith.ori %gt3A_840, %and3A_843 : vector<8x4096xi1>
    %eq3A_845 = arith.xori %eq3A_649, %eq3A_829 : vector<8x4096xi1>
    %eq3A_846 = arith.constant dense<true> : vector<8x4096xi1>
    %eq3A_847 = arith.xori %eq3A_845, %eq3A_846 : vector<8x4096xi1>
    %eq3A_848 = arith.xori %or3A_844, %eq3A_847 : vector<8x4096xi1>
    %eq3A_849 = arith.constant dense<true> : vector<8x4096xi1>
    %eq3A_850 = arith.xori %eq3A_848, %eq3A_849 : vector<8x4096xi1>
    %select_n3A_851 = arith.select %eq3A_850, %select_n3A_822, %select_n3A_834 : vector<8x4096xi1>, vector<8x4096xf32>
    %select_n3A_852 = arith.select %eq3A_850, %select_n3A_823, %select_n3A_839 : vector<8x4096xi1>, vector<8x4096xi32>
    %and3A_853 = arith.constant 256 : i32
    %and3A_854 = vector.broadcast %and3A_853 : i32 to vector<8x4096xi32>
    %and3A_855 = arith.andi %iota3A, %and3A_854 : vector<8x4096xi32>
    %eq3A_856 = arith.constant 0 : i32
    %eq3A_857 = vector.broadcast %eq3A_856 : i32 to vector<8x4096xi32>
    %eq3A_858 = arith.cmpi eq, %and3A_855, %eq3A_857 : vector<8x4096xi32>
    %and3A_859 = arith.constant 128 : i32
    %and3A_860 = vector.broadcast %and3A_859 : i32 to vector<8x4096xi32>
    %and3A_861 = arith.andi %iota3A, %and3A_860 : vector<8x4096xi32>
    %eq3A_862 = arith.constant 0 : i32
    %eq3A_863 = vector.broadcast %eq3A_862 : i32 to vector<8x4096xi32>
    %eq3A_864 = arith.cmpi eq, %and3A_861, %eq3A_863 : vector<8x4096xi32>
    %roll3A_865 = arith.constant 3968 : i32
    %roll3A_866 = tpu.dynamic_rotate %select_n3A_851 by %roll3A_865 dim 1 : vector<8x4096xf32>, i32 -> vector<8x4096xf32>
    %roll3A_867 = arith.constant 128 : i32
    %roll3A_868 = tpu.dynamic_rotate %select_n3A_851 by %roll3A_867 dim 1 : vector<8x4096xf32>, i32 -> vector<8x4096xf32>
    %select_n3A_869 = arith.select %eq3A_864, %roll3A_866, %roll3A_868 : vector<8x4096xi1>, vector<8x4096xf32>
    %roll3A_870 = arith.constant 3968 : i32
    %roll3A_871 = tpu.dynamic_rotate %select_n3A_852 by %roll3A_870 dim 1 : vector<8x4096xi32>, i32 -> vector<8x4096xi32>
    %roll3A_872 = arith.constant 128 : i32
    %roll3A_873 = tpu.dynamic_rotate %select_n3A_852 by %roll3A_872 dim 1 : vector<8x4096xi32>, i32 -> vector<8x4096xi32>
    %select_n3A_874 = arith.select %eq3A_864, %roll3A_871, %roll3A_873 : vector<8x4096xi1>, vector<8x4096xi32>
    %gt3A_875 = arith.cmpf ogt, %select_n3A_851, %select_n3A_869 : vector<8x4096xf32>
    %eq3A_876 = arith.cmpf oeq, %select_n3A_851, %select_n3A_869 : vector<8x4096xf32>
    %lt3A_877 = arith.cmpi slt, %select_n3A_852, %select_n3A_874 : vector<8x4096xi32>
    %and3A_878 = arith.andi %eq3A_876, %lt3A_877 : vector<8x4096xi1>
    %or3A_879 = arith.ori %gt3A_875, %and3A_878 : vector<8x4096xi1>
    %eq3A_880 = arith.xori %eq3A_858, %eq3A_864 : vector<8x4096xi1>
    %eq3A_881 = arith.constant dense<true> : vector<8x4096xi1>
    %eq3A_882 = arith.xori %eq3A_880, %eq3A_881 : vector<8x4096xi1>
    %eq3A_883 = arith.xori %or3A_879, %eq3A_882 : vector<8x4096xi1>
    %eq3A_884 = arith.constant dense<true> : vector<8x4096xi1>
    %eq3A_885 = arith.xori %eq3A_883, %eq3A_884 : vector<8x4096xi1>
    %select_n3A_886 = arith.select %eq3A_885, %select_n3A_851, %select_n3A_869 : vector<8x4096xi1>, vector<8x4096xf32>
    %select_n3A_887 = arith.select %eq3A_885, %select_n3A_852, %select_n3A_874 : vector<8x4096xi1>, vector<8x4096xi32>
    %and3A_888 = arith.constant 64 : i32
    %and3A_889 = vector.broadcast %and3A_888 : i32 to vector<8x4096xi32>
    %and3A_890 = arith.andi %iota3A, %and3A_889 : vector<8x4096xi32>
    %eq3A_891 = arith.constant 0 : i32
    %eq3A_892 = vector.broadcast %eq3A_891 : i32 to vector<8x4096xi32>
    %eq3A_893 = arith.cmpi eq, %and3A_890, %eq3A_892 : vector<8x4096xi32>
    %roll3A_894 = arith.constant 4032 : i32
    %roll3A_895 = tpu.dynamic_rotate %select_n3A_886 by %roll3A_894 dim 1 : vector<8x4096xf32>, i32 -> vector<8x4096xf32>
    %roll3A_896 = arith.constant 64 : i32
    %roll3A_897 = tpu.dynamic_rotate %select_n3A_886 by %roll3A_896 dim 1 : vector<8x4096xf32>, i32 -> vector<8x4096xf32>
    %select_n3A_898 = arith.select %eq3A_893, %roll3A_895, %roll3A_897 : vector<8x4096xi1>, vector<8x4096xf32>
    %roll3A_899 = arith.constant 4032 : i32
    %roll3A_900 = tpu.dynamic_rotate %select_n3A_887 by %roll3A_899 dim 1 : vector<8x4096xi32>, i32 -> vector<8x4096xi32>
    %roll3A_901 = arith.constant 64 : i32
    %roll3A_902 = tpu.dynamic_rotate %select_n3A_887 by %roll3A_901 dim 1 : vector<8x4096xi32>, i32 -> vector<8x4096xi32>
    %select_n3A_903 = arith.select %eq3A_893, %roll3A_900, %roll3A_902 : vector<8x4096xi1>, vector<8x4096xi32>
    %gt3A_904 = arith.cmpf ogt, %select_n3A_886, %select_n3A_898 : vector<8x4096xf32>
    %eq3A_905 = arith.cmpf oeq, %select_n3A_886, %select_n3A_898 : vector<8x4096xf32>
    %lt3A_906 = arith.cmpi slt, %select_n3A_887, %select_n3A_903 : vector<8x4096xi32>
    %and3A_907 = arith.andi %eq3A_905, %lt3A_906 : vector<8x4096xi1>
    %or3A_908 = arith.ori %gt3A_904, %and3A_907 : vector<8x4096xi1>
    %eq3A_909 = arith.xori %eq3A_858, %eq3A_893 : vector<8x4096xi1>
    %eq3A_910 = arith.constant dense<true> : vector<8x4096xi1>
    %eq3A_911 = arith.xori %eq3A_909, %eq3A_910 : vector<8x4096xi1>
    %eq3A_912 = arith.xori %or3A_908, %eq3A_911 : vector<8x4096xi1>
    %eq3A_913 = arith.constant dense<true> : vector<8x4096xi1>
    %eq3A_914 = arith.xori %eq3A_912, %eq3A_913 : vector<8x4096xi1>
    %select_n3A_915 = arith.select %eq3A_914, %select_n3A_886, %select_n3A_898 : vector<8x4096xi1>, vector<8x4096xf32>
    %select_n3A_916 = arith.select %eq3A_914, %select_n3A_887, %select_n3A_903 : vector<8x4096xi1>, vector<8x4096xi32>
    %and3A_917 = arith.constant 32 : i32
    %and3A_918 = vector.broadcast %and3A_917 : i32 to vector<8x4096xi32>
    %and3A_919 = arith.andi %iota3A, %and3A_918 : vector<8x4096xi32>
    %eq3A_920 = arith.constant 0 : i32
    %eq3A_921 = vector.broadcast %eq3A_920 : i32 to vector<8x4096xi32>
    %eq3A_922 = arith.cmpi eq, %and3A_919, %eq3A_921 : vector<8x4096xi32>
    %roll3A_923 = arith.constant 4064 : i32
    %roll3A_924 = tpu.dynamic_rotate %select_n3A_915 by %roll3A_923 dim 1 : vector<8x4096xf32>, i32 -> vector<8x4096xf32>
    %roll3A_925 = arith.constant 32 : i32
    %roll3A_926 = tpu.dynamic_rotate %select_n3A_915 by %roll3A_925 dim 1 : vector<8x4096xf32>, i32 -> vector<8x4096xf32>
    %select_n3A_927 = arith.select %eq3A_922, %roll3A_924, %roll3A_926 : vector<8x4096xi1>, vector<8x4096xf32>
    %roll3A_928 = arith.constant 4064 : i32
    %roll3A_929 = tpu.dynamic_rotate %select_n3A_916 by %roll3A_928 dim 1 : vector<8x4096xi32>, i32 -> vector<8x4096xi32>
    %roll3A_930 = arith.constant 32 : i32
    %roll3A_931 = tpu.dynamic_rotate %select_n3A_916 by %roll3A_930 dim 1 : vector<8x4096xi32>, i32 -> vector<8x4096xi32>
    %select_n3A_932 = arith.select %eq3A_922, %roll3A_929, %roll3A_931 : vector<8x4096xi1>, vector<8x4096xi32>
    %gt3A_933 = arith.cmpf ogt, %select_n3A_915, %select_n3A_927 : vector<8x4096xf32>
    %eq3A_934 = arith.cmpf oeq, %select_n3A_915, %select_n3A_927 : vector<8x4096xf32>
    %lt3A_935 = arith.cmpi slt, %select_n3A_916, %select_n3A_932 : vector<8x4096xi32>
    %and3A_936 = arith.andi %eq3A_934, %lt3A_935 : vector<8x4096xi1>
    %or3A_937 = arith.ori %gt3A_933, %and3A_936 : vector<8x4096xi1>
    %eq3A_938 = arith.xori %eq3A_858, %eq3A_922 : vector<8x4096xi1>
    %eq3A_939 = arith.constant dense<true> : vector<8x4096xi1>
    %eq3A_940 = arith.xori %eq3A_938, %eq3A_939 : vector<8x4096xi1>
    %eq3A_941 = arith.xori %or3A_937, %eq3A_940 : vector<8x4096xi1>
    %eq3A_942 = arith.constant dense<true> : vector<8x4096xi1>
    %eq3A_943 = arith.xori %eq3A_941, %eq3A_942 : vector<8x4096xi1>
    %select_n3A_944 = arith.select %eq3A_943, %select_n3A_915, %select_n3A_927 : vector<8x4096xi1>, vector<8x4096xf32>
    %select_n3A_945 = arith.select %eq3A_943, %select_n3A_916, %select_n3A_932 : vector<8x4096xi1>, vector<8x4096xi32>
    %and3A_946 = arith.constant 16 : i32
    %and3A_947 = vector.broadcast %and3A_946 : i32 to vector<8x4096xi32>
    %and3A_948 = arith.andi %iota3A, %and3A_947 : vector<8x4096xi32>
    %eq3A_949 = arith.constant 0 : i32
    %eq3A_950 = vector.broadcast %eq3A_949 : i32 to vector<8x4096xi32>
    %eq3A_951 = arith.cmpi eq, %and3A_948, %eq3A_950 : vector<8x4096xi32>
    %roll3A_952 = arith.constant 4080 : i32
    %roll3A_953 = tpu.dynamic_rotate %select_n3A_944 by %roll3A_952 dim 1 : vector<8x4096xf32>, i32 -> vector<8x4096xf32>
    %roll3A_954 = arith.constant 16 : i32
    %roll3A_955 = tpu.dynamic_rotate %select_n3A_944 by %roll3A_954 dim 1 : vector<8x4096xf32>, i32 -> vector<8x4096xf32>
    %select_n3A_956 = arith.select %eq3A_951, %roll3A_953, %roll3A_955 : vector<8x4096xi1>, vector<8x4096xf32>
    %roll3A_957 = arith.constant 4080 : i32
    %roll3A_958 = tpu.dynamic_rotate %select_n3A_945 by %roll3A_957 dim 1 : vector<8x4096xi32>, i32 -> vector<8x4096xi32>
    %roll3A_959 = arith.constant 16 : i32
    %roll3A_960 = tpu.dynamic_rotate %select_n3A_945 by %roll3A_959 dim 1 : vector<8x4096xi32>, i32 -> vector<8x4096xi32>
    %select_n3A_961 = arith.select %eq3A_951, %roll3A_958, %roll3A_960 : vector<8x4096xi1>, vector<8x4096xi32>
    %gt3A_962 = arith.cmpf ogt, %select_n3A_944, %select_n3A_956 : vector<8x4096xf32>
    %eq3A_963 = arith.cmpf oeq, %select_n3A_944, %select_n3A_956 : vector<8x4096xf32>
    %lt3A_964 = arith.cmpi slt, %select_n3A_945, %select_n3A_961 : vector<8x4096xi32>
    %and3A_965 = arith.andi %eq3A_963, %lt3A_964 : vector<8x4096xi1>
    %or3A_966 = arith.ori %gt3A_962, %and3A_965 : vector<8x4096xi1>
    %eq3A_967 = arith.xori %eq3A_858, %eq3A_951 : vector<8x4096xi1>
    %eq3A_968 = arith.constant dense<true> : vector<8x4096xi1>
    %eq3A_969 = arith.xori %eq3A_967, %eq3A_968 : vector<8x4096xi1>
    %eq3A_970 = arith.xori %or3A_966, %eq3A_969 : vector<8x4096xi1>
    %eq3A_971 = arith.constant dense<true> : vector<8x4096xi1>
    %eq3A_972 = arith.xori %eq3A_970, %eq3A_971 : vector<8x4096xi1>
    %select_n3A_973 = arith.select %eq3A_972, %select_n3A_944, %select_n3A_956 : vector<8x4096xi1>, vector<8x4096xf32>
    %select_n3A_974 = arith.select %eq3A_972, %select_n3A_945, %select_n3A_961 : vector<8x4096xi1>, vector<8x4096xi32>
    %and3A_975 = arith.constant 8 : i32
    %and3A_976 = vector.broadcast %and3A_975 : i32 to vector<8x4096xi32>
    %and3A_977 = arith.andi %iota3A, %and3A_976 : vector<8x4096xi32>
    %eq3A_978 = arith.constant 0 : i32
    %eq3A_979 = vector.broadcast %eq3A_978 : i32 to vector<8x4096xi32>
    %eq3A_980 = arith.cmpi eq, %and3A_977, %eq3A_979 : vector<8x4096xi32>
    %roll3A_981 = arith.constant 4088 : i32
    %roll3A_982 = tpu.dynamic_rotate %select_n3A_973 by %roll3A_981 dim 1 : vector<8x4096xf32>, i32 -> vector<8x4096xf32>
    %roll3A_983 = arith.constant 8 : i32
    %roll3A_984 = tpu.dynamic_rotate %select_n3A_973 by %roll3A_983 dim 1 : vector<8x4096xf32>, i32 -> vector<8x4096xf32>
    %select_n3A_985 = arith.select %eq3A_980, %roll3A_982, %roll3A_984 : vector<8x4096xi1>, vector<8x4096xf32>
    %roll3A_986 = arith.constant 4088 : i32
    %roll3A_987 = tpu.dynamic_rotate %select_n3A_974 by %roll3A_986 dim 1 : vector<8x4096xi32>, i32 -> vector<8x4096xi32>
    %roll3A_988 = arith.constant 8 : i32
    %roll3A_989 = tpu.dynamic_rotate %select_n3A_974 by %roll3A_988 dim 1 : vector<8x4096xi32>, i32 -> vector<8x4096xi32>
    %select_n3A_990 = arith.select %eq3A_980, %roll3A_987, %roll3A_989 : vector<8x4096xi1>, vector<8x4096xi32>
    %gt3A_991 = arith.cmpf ogt, %select_n3A_973, %select_n3A_985 : vector<8x4096xf32>
    %eq3A_992 = arith.cmpf oeq, %select_n3A_973, %select_n3A_985 : vector<8x4096xf32>
    %lt3A_993 = arith.cmpi slt, %select_n3A_974, %select_n3A_990 : vector<8x4096xi32>
    %and3A_994 = arith.andi %eq3A_992, %lt3A_993 : vector<8x4096xi1>
    %or3A_995 = arith.ori %gt3A_991, %and3A_994 : vector<8x4096xi1>
    %eq3A_996 = arith.xori %eq3A_858, %eq3A_980 : vector<8x4096xi1>
    %eq3A_997 = arith.constant dense<true> : vector<8x4096xi1>
    %eq3A_998 = arith.xori %eq3A_996, %eq3A_997 : vector<8x4096xi1>
    %eq3A_999 = arith.xori %or3A_995, %eq3A_998 : vector<8x4096xi1>
    %eq3A_1000 = arith.constant dense<true> : vector<8x4096xi1>
    %eq3A_1001 = arith.xori %eq3A_999, %eq3A_1000 : vector<8x4096xi1>
    %select_n3A_1002 = arith.select %eq3A_1001, %select_n3A_973, %select_n3A_985 : vector<8x4096xi1>, vector<8x4096xf32>
    %select_n3A_1003 = arith.select %eq3A_1001, %select_n3A_974, %select_n3A_990 : vector<8x4096xi1>, vector<8x4096xi32>
    %and3A_1004 = arith.constant 4 : i32
    %and3A_1005 = vector.broadcast %and3A_1004 : i32 to vector<8x4096xi32>
    %and3A_1006 = arith.andi %iota3A, %and3A_1005 : vector<8x4096xi32>
    %eq3A_1007 = arith.constant 0 : i32
    %eq3A_1008 = vector.broadcast %eq3A_1007 : i32 to vector<8x4096xi32>
    %eq3A_1009 = arith.cmpi eq, %and3A_1006, %eq3A_1008 : vector<8x4096xi32>
    %roll3A_1010 = arith.constant 4092 : i32
    %roll3A_1011 = tpu.dynamic_rotate %select_n3A_1002 by %roll3A_1010 dim 1 : vector<8x4096xf32>, i32 -> vector<8x4096xf32>
    %roll3A_1012 = arith.constant 4 : i32
    %roll3A_1013 = tpu.dynamic_rotate %select_n3A_1002 by %roll3A_1012 dim 1 : vector<8x4096xf32>, i32 -> vector<8x4096xf32>
    %select_n3A_1014 = arith.select %eq3A_1009, %roll3A_1011, %roll3A_1013 : vector<8x4096xi1>, vector<8x4096xf32>
    %roll3A_1015 = arith.constant 4092 : i32
    %roll3A_1016 = tpu.dynamic_rotate %select_n3A_1003 by %roll3A_1015 dim 1 : vector<8x4096xi32>, i32 -> vector<8x4096xi32>
    %roll3A_1017 = arith.constant 4 : i32
    %roll3A_1018 = tpu.dynamic_rotate %select_n3A_1003 by %roll3A_1017 dim 1 : vector<8x4096xi32>, i32 -> vector<8x4096xi32>
    %select_n3A_1019 = arith.select %eq3A_1009, %roll3A_1016, %roll3A_1018 : vector<8x4096xi1>, vector<8x4096xi32>
    %gt3A_1020 = arith.cmpf ogt, %select_n3A_1002, %select_n3A_1014 : vector<8x4096xf32>
    %eq3A_1021 = arith.cmpf oeq, %select_n3A_1002, %select_n3A_1014 : vector<8x4096xf32>
    %lt3A_1022 = arith.cmpi slt, %select_n3A_1003, %select_n3A_1019 : vector<8x4096xi32>
    %and3A_1023 = arith.andi %eq3A_1021, %lt3A_1022 : vector<8x4096xi1>
    %or3A_1024 = arith.ori %gt3A_1020, %and3A_1023 : vector<8x4096xi1>
    %eq3A_1025 = arith.xori %eq3A_858, %eq3A_1009 : vector<8x4096xi1>
    %eq3A_1026 = arith.constant dense<true> : vector<8x4096xi1>
    %eq3A_1027 = arith.xori %eq3A_1025, %eq3A_1026 : vector<8x4096xi1>
    %eq3A_1028 = arith.xori %or3A_1024, %eq3A_1027 : vector<8x4096xi1>
    %eq3A_1029 = arith.constant dense<true> : vector<8x4096xi1>
    %eq3A_1030 = arith.xori %eq3A_1028, %eq3A_1029 : vector<8x4096xi1>
    %select_n3A_1031 = arith.select %eq3A_1030, %select_n3A_1002, %select_n3A_1014 : vector<8x4096xi1>, vector<8x4096xf32>
    %select_n3A_1032 = arith.select %eq3A_1030, %select_n3A_1003, %select_n3A_1019 : vector<8x4096xi1>, vector<8x4096xi32>
    %and3A_1033 = arith.constant 2 : i32
    %and3A_1034 = vector.broadcast %and3A_1033 : i32 to vector<8x4096xi32>
    %and3A_1035 = arith.andi %iota3A, %and3A_1034 : vector<8x4096xi32>
    %eq3A_1036 = arith.constant 0 : i32
    %eq3A_1037 = vector.broadcast %eq3A_1036 : i32 to vector<8x4096xi32>
    %eq3A_1038 = arith.cmpi eq, %and3A_1035, %eq3A_1037 : vector<8x4096xi32>
    %roll3A_1039 = arith.constant 4094 : i32
    %roll3A_1040 = tpu.dynamic_rotate %select_n3A_1031 by %roll3A_1039 dim 1 : vector<8x4096xf32>, i32 -> vector<8x4096xf32>
    %roll3A_1041 = arith.constant 2 : i32
    %roll3A_1042 = tpu.dynamic_rotate %select_n3A_1031 by %roll3A_1041 dim 1 : vector<8x4096xf32>, i32 -> vector<8x4096xf32>
    %select_n3A_1043 = arith.select %eq3A_1038, %roll3A_1040, %roll3A_1042 : vector<8x4096xi1>, vector<8x4096xf32>
    %roll3A_1044 = arith.constant 4094 : i32
    %roll3A_1045 = tpu.dynamic_rotate %select_n3A_1032 by %roll3A_1044 dim 1 : vector<8x4096xi32>, i32 -> vector<8x4096xi32>
    %roll3A_1046 = arith.constant 2 : i32
    %roll3A_1047 = tpu.dynamic_rotate %select_n3A_1032 by %roll3A_1046 dim 1 : vector<8x4096xi32>, i32 -> vector<8x4096xi32>
    %select_n3A_1048 = arith.select %eq3A_1038, %roll3A_1045, %roll3A_1047 : vector<8x4096xi1>, vector<8x4096xi32>
    %gt3A_1049 = arith.cmpf ogt, %select_n3A_1031, %select_n3A_1043 : vector<8x4096xf32>
    %eq3A_1050 = arith.cmpf oeq, %select_n3A_1031, %select_n3A_1043 : vector<8x4096xf32>
    %lt3A_1051 = arith.cmpi slt, %select_n3A_1032, %select_n3A_1048 : vector<8x4096xi32>
    %and3A_1052 = arith.andi %eq3A_1050, %lt3A_1051 : vector<8x4096xi1>
    %or3A_1053 = arith.ori %gt3A_1049, %and3A_1052 : vector<8x4096xi1>
    %eq3A_1054 = arith.xori %eq3A_858, %eq3A_1038 : vector<8x4096xi1>
    %eq3A_1055 = arith.constant dense<true> : vector<8x4096xi1>
    %eq3A_1056 = arith.xori %eq3A_1054, %eq3A_1055 : vector<8x4096xi1>
    %eq3A_1057 = arith.xori %or3A_1053, %eq3A_1056 : vector<8x4096xi1>
    %eq3A_1058 = arith.constant dense<true> : vector<8x4096xi1>
    %eq3A_1059 = arith.xori %eq3A_1057, %eq3A_1058 : vector<8x4096xi1>
    %select_n3A_1060 = arith.select %eq3A_1059, %select_n3A_1031, %select_n3A_1043 : vector<8x4096xi1>, vector<8x4096xf32>
    %select_n3A_1061 = arith.select %eq3A_1059, %select_n3A_1032, %select_n3A_1048 : vector<8x4096xi1>, vector<8x4096xi32>
    %and3A_1062 = arith.constant 1 : i32
    %and3A_1063 = vector.broadcast %and3A_1062 : i32 to vector<8x4096xi32>
    %and3A_1064 = arith.andi %iota3A, %and3A_1063 : vector<8x4096xi32>
    %eq3A_1065 = arith.constant 0 : i32
    %eq3A_1066 = vector.broadcast %eq3A_1065 : i32 to vector<8x4096xi32>
    %eq3A_1067 = arith.cmpi eq, %and3A_1064, %eq3A_1066 : vector<8x4096xi32>
    %roll3A_1068 = arith.constant 4095 : i32
    %roll3A_1069 = tpu.dynamic_rotate %select_n3A_1060 by %roll3A_1068 dim 1 : vector<8x4096xf32>, i32 -> vector<8x4096xf32>
    %roll3A_1070 = arith.constant 1 : i32
    %roll3A_1071 = tpu.dynamic_rotate %select_n3A_1060 by %roll3A_1070 dim 1 : vector<8x4096xf32>, i32 -> vector<8x4096xf32>
    %select_n3A_1072 = arith.select %eq3A_1067, %roll3A_1069, %roll3A_1071 : vector<8x4096xi1>, vector<8x4096xf32>
    %roll3A_1073 = arith.constant 4095 : i32
    %roll3A_1074 = tpu.dynamic_rotate %select_n3A_1061 by %roll3A_1073 dim 1 : vector<8x4096xi32>, i32 -> vector<8x4096xi32>
    %roll3A_1075 = arith.constant 1 : i32
    %roll3A_1076 = tpu.dynamic_rotate %select_n3A_1061 by %roll3A_1075 dim 1 : vector<8x4096xi32>, i32 -> vector<8x4096xi32>
    %select_n3A_1077 = arith.select %eq3A_1067, %roll3A_1074, %roll3A_1076 : vector<8x4096xi1>, vector<8x4096xi32>
    %gt3A_1078 = arith.cmpf ogt, %select_n3A_1060, %select_n3A_1072 : vector<8x4096xf32>
    %eq3A_1079 = arith.cmpf oeq, %select_n3A_1060, %select_n3A_1072 : vector<8x4096xf32>
    %lt3A_1080 = arith.cmpi slt, %select_n3A_1061, %select_n3A_1077 : vector<8x4096xi32>
    %and3A_1081 = arith.andi %eq3A_1079, %lt3A_1080 : vector<8x4096xi1>
    %or3A_1082 = arith.ori %gt3A_1078, %and3A_1081 : vector<8x4096xi1>
    %eq3A_1083 = arith.xori %eq3A_858, %eq3A_1067 : vector<8x4096xi1>
    %eq3A_1084 = arith.constant dense<true> : vector<8x4096xi1>
    %eq3A_1085 = arith.xori %eq3A_1083, %eq3A_1084 : vector<8x4096xi1>
    %eq3A_1086 = arith.xori %or3A_1082, %eq3A_1085 : vector<8x4096xi1>
    %eq3A_1087 = arith.constant dense<true> : vector<8x4096xi1>
    %eq3A_1088 = arith.xori %eq3A_1086, %eq3A_1087 : vector<8x4096xi1>
    %select_n3A_1089 = arith.select %eq3A_1088, %select_n3A_1060, %select_n3A_1072 : vector<8x4096xi1>, vector<8x4096xf32>
    %select_n3A_1090 = arith.select %eq3A_1088, %select_n3A_1061, %select_n3A_1077 : vector<8x4096xi1>, vector<8x4096xi32>
    %and3A_1091 = arith.constant 512 : i32
    %and3A_1092 = vector.broadcast %and3A_1091 : i32 to vector<8x4096xi32>
    %and3A_1093 = arith.andi %iota3A, %and3A_1092 : vector<8x4096xi32>
    %eq3A_1094 = arith.constant 0 : i32
    %eq3A_1095 = vector.broadcast %eq3A_1094 : i32 to vector<8x4096xi32>
    %eq3A_1096 = arith.cmpi eq, %and3A_1093, %eq3A_1095 : vector<8x4096xi32>
    %and3A_1097 = arith.constant 256 : i32
    %and3A_1098 = vector.broadcast %and3A_1097 : i32 to vector<8x4096xi32>
    %and3A_1099 = arith.andi %iota3A, %and3A_1098 : vector<8x4096xi32>
    %eq3A_1100 = arith.constant 0 : i32
    %eq3A_1101 = vector.broadcast %eq3A_1100 : i32 to vector<8x4096xi32>
    %eq3A_1102 = arith.cmpi eq, %and3A_1099, %eq3A_1101 : vector<8x4096xi32>
    %roll3A_1103 = arith.constant 3840 : i32
    %roll3A_1104 = tpu.dynamic_rotate %select_n3A_1089 by %roll3A_1103 dim 1 : vector<8x4096xf32>, i32 -> vector<8x4096xf32>
    %roll3A_1105 = arith.constant 256 : i32
    %roll3A_1106 = tpu.dynamic_rotate %select_n3A_1089 by %roll3A_1105 dim 1 : vector<8x4096xf32>, i32 -> vector<8x4096xf32>
    %select_n3A_1107 = arith.select %eq3A_1102, %roll3A_1104, %roll3A_1106 : vector<8x4096xi1>, vector<8x4096xf32>
    %roll3A_1108 = arith.constant 3840 : i32
    %roll3A_1109 = tpu.dynamic_rotate %select_n3A_1090 by %roll3A_1108 dim 1 : vector<8x4096xi32>, i32 -> vector<8x4096xi32>
    %roll3A_1110 = arith.constant 256 : i32
    %roll3A_1111 = tpu.dynamic_rotate %select_n3A_1090 by %roll3A_1110 dim 1 : vector<8x4096xi32>, i32 -> vector<8x4096xi32>
    %select_n3A_1112 = arith.select %eq3A_1102, %roll3A_1109, %roll3A_1111 : vector<8x4096xi1>, vector<8x4096xi32>
    %gt3A_1113 = arith.cmpf ogt, %select_n3A_1089, %select_n3A_1107 : vector<8x4096xf32>
    %eq3A_1114 = arith.cmpf oeq, %select_n3A_1089, %select_n3A_1107 : vector<8x4096xf32>
    %lt3A_1115 = arith.cmpi slt, %select_n3A_1090, %select_n3A_1112 : vector<8x4096xi32>
    %and3A_1116 = arith.andi %eq3A_1114, %lt3A_1115 : vector<8x4096xi1>
    %or3A_1117 = arith.ori %gt3A_1113, %and3A_1116 : vector<8x4096xi1>
    %eq3A_1118 = arith.xori %eq3A_1096, %eq3A_1102 : vector<8x4096xi1>
    %eq3A_1119 = arith.constant dense<true> : vector<8x4096xi1>
    %eq3A_1120 = arith.xori %eq3A_1118, %eq3A_1119 : vector<8x4096xi1>
    %eq3A_1121 = arith.xori %or3A_1117, %eq3A_1120 : vector<8x4096xi1>
    %eq3A_1122 = arith.constant dense<true> : vector<8x4096xi1>
    %eq3A_1123 = arith.xori %eq3A_1121, %eq3A_1122 : vector<8x4096xi1>
    %select_n3A_1124 = arith.select %eq3A_1123, %select_n3A_1089, %select_n3A_1107 : vector<8x4096xi1>, vector<8x4096xf32>
    %select_n3A_1125 = arith.select %eq3A_1123, %select_n3A_1090, %select_n3A_1112 : vector<8x4096xi1>, vector<8x4096xi32>
    %and3A_1126 = arith.constant 128 : i32
    %and3A_1127 = vector.broadcast %and3A_1126 : i32 to vector<8x4096xi32>
    %and3A_1128 = arith.andi %iota3A, %and3A_1127 : vector<8x4096xi32>
    %eq3A_1129 = arith.constant 0 : i32
    %eq3A_1130 = vector.broadcast %eq3A_1129 : i32 to vector<8x4096xi32>
    %eq3A_1131 = arith.cmpi eq, %and3A_1128, %eq3A_1130 : vector<8x4096xi32>
    %roll3A_1132 = arith.constant 3968 : i32
    %roll3A_1133 = tpu.dynamic_rotate %select_n3A_1124 by %roll3A_1132 dim 1 : vector<8x4096xf32>, i32 -> vector<8x4096xf32>
    %roll3A_1134 = arith.constant 128 : i32
    %roll3A_1135 = tpu.dynamic_rotate %select_n3A_1124 by %roll3A_1134 dim 1 : vector<8x4096xf32>, i32 -> vector<8x4096xf32>
    %select_n3A_1136 = arith.select %eq3A_1131, %roll3A_1133, %roll3A_1135 : vector<8x4096xi1>, vector<8x4096xf32>
    %roll3A_1137 = arith.constant 3968 : i32
    %roll3A_1138 = tpu.dynamic_rotate %select_n3A_1125 by %roll3A_1137 dim 1 : vector<8x4096xi32>, i32 -> vector<8x4096xi32>
    %roll3A_1139 = arith.constant 128 : i32
    %roll3A_1140 = tpu.dynamic_rotate %select_n3A_1125 by %roll3A_1139 dim 1 : vector<8x4096xi32>, i32 -> vector<8x4096xi32>
    %select_n3A_1141 = arith.select %eq3A_1131, %roll3A_1138, %roll3A_1140 : vector<8x4096xi1>, vector<8x4096xi32>
    %gt3A_1142 = arith.cmpf ogt, %select_n3A_1124, %select_n3A_1136 : vector<8x4096xf32>
    %eq3A_1143 = arith.cmpf oeq, %select_n3A_1124, %select_n3A_1136 : vector<8x4096xf32>
    %lt3A_1144 = arith.cmpi slt, %select_n3A_1125, %select_n3A_1141 : vector<8x4096xi32>
    %and3A_1145 = arith.andi %eq3A_1143, %lt3A_1144 : vector<8x4096xi1>
    %or3A_1146 = arith.ori %gt3A_1142, %and3A_1145 : vector<8x4096xi1>
    %eq3A_1147 = arith.xori %eq3A_1096, %eq3A_1131 : vector<8x4096xi1>
    %eq3A_1148 = arith.constant dense<true> : vector<8x4096xi1>
    %eq3A_1149 = arith.xori %eq3A_1147, %eq3A_1148 : vector<8x4096xi1>
    %eq3A_1150 = arith.xori %or3A_1146, %eq3A_1149 : vector<8x4096xi1>
    %eq3A_1151 = arith.constant dense<true> : vector<8x4096xi1>
    %eq3A_1152 = arith.xori %eq3A_1150, %eq3A_1151 : vector<8x4096xi1>
    %select_n3A_1153 = arith.select %eq3A_1152, %select_n3A_1124, %select_n3A_1136 : vector<8x4096xi1>, vector<8x4096xf32>
    %select_n3A_1154 = arith.select %eq3A_1152, %select_n3A_1125, %select_n3A_1141 : vector<8x4096xi1>, vector<8x4096xi32>
    %and3A_1155 = arith.constant 64 : i32
    %and3A_1156 = vector.broadcast %and3A_1155 : i32 to vector<8x4096xi32>
    %and3A_1157 = arith.andi %iota3A, %and3A_1156 : vector<8x4096xi32>
    %eq3A_1158 = arith.constant 0 : i32
    %eq3A_1159 = vector.broadcast %eq3A_1158 : i32 to vector<8x4096xi32>
    %eq3A_1160 = arith.cmpi eq, %and3A_1157, %eq3A_1159 : vector<8x4096xi32>
    %roll3A_1161 = arith.constant 4032 : i32
    %roll3A_1162 = tpu.dynamic_rotate %select_n3A_1153 by %roll3A_1161 dim 1 : vector<8x4096xf32>, i32 -> vector<8x4096xf32>
    %roll3A_1163 = arith.constant 64 : i32
    %roll3A_1164 = tpu.dynamic_rotate %select_n3A_1153 by %roll3A_1163 dim 1 : vector<8x4096xf32>, i32 -> vector<8x4096xf32>
    %select_n3A_1165 = arith.select %eq3A_1160, %roll3A_1162, %roll3A_1164 : vector<8x4096xi1>, vector<8x4096xf32>
    %roll3A_1166 = arith.constant 4032 : i32
    %roll3A_1167 = tpu.dynamic_rotate %select_n3A_1154 by %roll3A_1166 dim 1 : vector<8x4096xi32>, i32 -> vector<8x4096xi32>
    %roll3A_1168 = arith.constant 64 : i32
    %roll3A_1169 = tpu.dynamic_rotate %select_n3A_1154 by %roll3A_1168 dim 1 : vector<8x4096xi32>, i32 -> vector<8x4096xi32>
    %select_n3A_1170 = arith.select %eq3A_1160, %roll3A_1167, %roll3A_1169 : vector<8x4096xi1>, vector<8x4096xi32>
    %gt3A_1171 = arith.cmpf ogt, %select_n3A_1153, %select_n3A_1165 : vector<8x4096xf32>
    %eq3A_1172 = arith.cmpf oeq, %select_n3A_1153, %select_n3A_1165 : vector<8x4096xf32>
    %lt3A_1173 = arith.cmpi slt, %select_n3A_1154, %select_n3A_1170 : vector<8x4096xi32>
    %and3A_1174 = arith.andi %eq3A_1172, %lt3A_1173 : vector<8x4096xi1>
    %or3A_1175 = arith.ori %gt3A_1171, %and3A_1174 : vector<8x4096xi1>
    %eq3A_1176 = arith.xori %eq3A_1096, %eq3A_1160 : vector<8x4096xi1>
    %eq3A_1177 = arith.constant dense<true> : vector<8x4096xi1>
    %eq3A_1178 = arith.xori %eq3A_1176, %eq3A_1177 : vector<8x4096xi1>
    %eq3A_1179 = arith.xori %or3A_1175, %eq3A_1178 : vector<8x4096xi1>
    %eq3A_1180 = arith.constant dense<true> : vector<8x4096xi1>
    %eq3A_1181 = arith.xori %eq3A_1179, %eq3A_1180 : vector<8x4096xi1>
    %select_n3A_1182 = arith.select %eq3A_1181, %select_n3A_1153, %select_n3A_1165 : vector<8x4096xi1>, vector<8x4096xf32>
    %select_n3A_1183 = arith.select %eq3A_1181, %select_n3A_1154, %select_n3A_1170 : vector<8x4096xi1>, vector<8x4096xi32>
    %and3A_1184 = arith.constant 32 : i32
    %and3A_1185 = vector.broadcast %and3A_1184 : i32 to vector<8x4096xi32>
    %and3A_1186 = arith.andi %iota3A, %and3A_1185 : vector<8x4096xi32>
    %eq3A_1187 = arith.constant 0 : i32
    %eq3A_1188 = vector.broadcast %eq3A_1187 : i32 to vector<8x4096xi32>
    %eq3A_1189 = arith.cmpi eq, %and3A_1186, %eq3A_1188 : vector<8x4096xi32>
    %roll3A_1190 = arith.constant 4064 : i32
    %roll3A_1191 = tpu.dynamic_rotate %select_n3A_1182 by %roll3A_1190 dim 1 : vector<8x4096xf32>, i32 -> vector<8x4096xf32>
    %roll3A_1192 = arith.constant 32 : i32
    %roll3A_1193 = tpu.dynamic_rotate %select_n3A_1182 by %roll3A_1192 dim 1 : vector<8x4096xf32>, i32 -> vector<8x4096xf32>
    %select_n3A_1194 = arith.select %eq3A_1189, %roll3A_1191, %roll3A_1193 : vector<8x4096xi1>, vector<8x4096xf32>
    %roll3A_1195 = arith.constant 4064 : i32
    %roll3A_1196 = tpu.dynamic_rotate %select_n3A_1183 by %roll3A_1195 dim 1 : vector<8x4096xi32>, i32 -> vector<8x4096xi32>
    %roll3A_1197 = arith.constant 32 : i32
    %roll3A_1198 = tpu.dynamic_rotate %select_n3A_1183 by %roll3A_1197 dim 1 : vector<8x4096xi32>, i32 -> vector<8x4096xi32>
    %select_n3A_1199 = arith.select %eq3A_1189, %roll3A_1196, %roll3A_1198 : vector<8x4096xi1>, vector<8x4096xi32>
    %gt3A_1200 = arith.cmpf ogt, %select_n3A_1182, %select_n3A_1194 : vector<8x4096xf32>
    %eq3A_1201 = arith.cmpf oeq, %select_n3A_1182, %select_n3A_1194 : vector<8x4096xf32>
    %lt3A_1202 = arith.cmpi slt, %select_n3A_1183, %select_n3A_1199 : vector<8x4096xi32>
    %and3A_1203 = arith.andi %eq3A_1201, %lt3A_1202 : vector<8x4096xi1>
    %or3A_1204 = arith.ori %gt3A_1200, %and3A_1203 : vector<8x4096xi1>
    %eq3A_1205 = arith.xori %eq3A_1096, %eq3A_1189 : vector<8x4096xi1>
    %eq3A_1206 = arith.constant dense<true> : vector<8x4096xi1>
    %eq3A_1207 = arith.xori %eq3A_1205, %eq3A_1206 : vector<8x4096xi1>
    %eq3A_1208 = arith.xori %or3A_1204, %eq3A_1207 : vector<8x4096xi1>
    %eq3A_1209 = arith.constant dense<true> : vector<8x4096xi1>
    %eq3A_1210 = arith.xori %eq3A_1208, %eq3A_1209 : vector<8x4096xi1>
    %select_n3A_1211 = arith.select %eq3A_1210, %select_n3A_1182, %select_n3A_1194 : vector<8x4096xi1>, vector<8x4096xf32>
    %select_n3A_1212 = arith.select %eq3A_1210, %select_n3A_1183, %select_n3A_1199 : vector<8x4096xi1>, vector<8x4096xi32>
    %and3A_1213 = arith.constant 16 : i32
    %and3A_1214 = vector.broadcast %and3A_1213 : i32 to vector<8x4096xi32>
    %and3A_1215 = arith.andi %iota3A, %and3A_1214 : vector<8x4096xi32>
    %eq3A_1216 = arith.constant 0 : i32
    %eq3A_1217 = vector.broadcast %eq3A_1216 : i32 to vector<8x4096xi32>
    %eq3A_1218 = arith.cmpi eq, %and3A_1215, %eq3A_1217 : vector<8x4096xi32>
    %roll3A_1219 = arith.constant 4080 : i32
    %roll3A_1220 = tpu.dynamic_rotate %select_n3A_1211 by %roll3A_1219 dim 1 : vector<8x4096xf32>, i32 -> vector<8x4096xf32>
    %roll3A_1221 = arith.constant 16 : i32
    %roll3A_1222 = tpu.dynamic_rotate %select_n3A_1211 by %roll3A_1221 dim 1 : vector<8x4096xf32>, i32 -> vector<8x4096xf32>
    %select_n3A_1223 = arith.select %eq3A_1218, %roll3A_1220, %roll3A_1222 : vector<8x4096xi1>, vector<8x4096xf32>
    %roll3A_1224 = arith.constant 4080 : i32
    %roll3A_1225 = tpu.dynamic_rotate %select_n3A_1212 by %roll3A_1224 dim 1 : vector<8x4096xi32>, i32 -> vector<8x4096xi32>
    %roll3A_1226 = arith.constant 16 : i32
    %roll3A_1227 = tpu.dynamic_rotate %select_n3A_1212 by %roll3A_1226 dim 1 : vector<8x4096xi32>, i32 -> vector<8x4096xi32>
    %select_n3A_1228 = arith.select %eq3A_1218, %roll3A_1225, %roll3A_1227 : vector<8x4096xi1>, vector<8x4096xi32>
    %gt3A_1229 = arith.cmpf ogt, %select_n3A_1211, %select_n3A_1223 : vector<8x4096xf32>
    %eq3A_1230 = arith.cmpf oeq, %select_n3A_1211, %select_n3A_1223 : vector<8x4096xf32>
    %lt3A_1231 = arith.cmpi slt, %select_n3A_1212, %select_n3A_1228 : vector<8x4096xi32>
    %and3A_1232 = arith.andi %eq3A_1230, %lt3A_1231 : vector<8x4096xi1>
    %or3A_1233 = arith.ori %gt3A_1229, %and3A_1232 : vector<8x4096xi1>
    %eq3A_1234 = arith.xori %eq3A_1096, %eq3A_1218 : vector<8x4096xi1>
    %eq3A_1235 = arith.constant dense<true> : vector<8x4096xi1>
    %eq3A_1236 = arith.xori %eq3A_1234, %eq3A_1235 : vector<8x4096xi1>
    %eq3A_1237 = arith.xori %or3A_1233, %eq3A_1236 : vector<8x4096xi1>
    %eq3A_1238 = arith.constant dense<true> : vector<8x4096xi1>
    %eq3A_1239 = arith.xori %eq3A_1237, %eq3A_1238 : vector<8x4096xi1>
    %select_n3A_1240 = arith.select %eq3A_1239, %select_n3A_1211, %select_n3A_1223 : vector<8x4096xi1>, vector<8x4096xf32>
    %select_n3A_1241 = arith.select %eq3A_1239, %select_n3A_1212, %select_n3A_1228 : vector<8x4096xi1>, vector<8x4096xi32>
    %and3A_1242 = arith.constant 8 : i32
    %and3A_1243 = vector.broadcast %and3A_1242 : i32 to vector<8x4096xi32>
    %and3A_1244 = arith.andi %iota3A, %and3A_1243 : vector<8x4096xi32>
    %eq3A_1245 = arith.constant 0 : i32
    %eq3A_1246 = vector.broadcast %eq3A_1245 : i32 to vector<8x4096xi32>
    %eq3A_1247 = arith.cmpi eq, %and3A_1244, %eq3A_1246 : vector<8x4096xi32>
    %roll3A_1248 = arith.constant 4088 : i32
    %roll3A_1249 = tpu.dynamic_rotate %select_n3A_1240 by %roll3A_1248 dim 1 : vector<8x4096xf32>, i32 -> vector<8x4096xf32>
    %roll3A_1250 = arith.constant 8 : i32
    %roll3A_1251 = tpu.dynamic_rotate %select_n3A_1240 by %roll3A_1250 dim 1 : vector<8x4096xf32>, i32 -> vector<8x4096xf32>
    %select_n3A_1252 = arith.select %eq3A_1247, %roll3A_1249, %roll3A_1251 : vector<8x4096xi1>, vector<8x4096xf32>
    %roll3A_1253 = arith.constant 4088 : i32
    %roll3A_1254 = tpu.dynamic_rotate %select_n3A_1241 by %roll3A_1253 dim 1 : vector<8x4096xi32>, i32 -> vector<8x4096xi32>
    %roll3A_1255 = arith.constant 8 : i32
    %roll3A_1256 = tpu.dynamic_rotate %select_n3A_1241 by %roll3A_1255 dim 1 : vector<8x4096xi32>, i32 -> vector<8x4096xi32>
    %select_n3A_1257 = arith.select %eq3A_1247, %roll3A_1254, %roll3A_1256 : vector<8x4096xi1>, vector<8x4096xi32>
    %gt3A_1258 = arith.cmpf ogt, %select_n3A_1240, %select_n3A_1252 : vector<8x4096xf32>
    %eq3A_1259 = arith.cmpf oeq, %select_n3A_1240, %select_n3A_1252 : vector<8x4096xf32>
    %lt3A_1260 = arith.cmpi slt, %select_n3A_1241, %select_n3A_1257 : vector<8x4096xi32>
    %and3A_1261 = arith.andi %eq3A_1259, %lt3A_1260 : vector<8x4096xi1>
    %or3A_1262 = arith.ori %gt3A_1258, %and3A_1261 : vector<8x4096xi1>
    %eq3A_1263 = arith.xori %eq3A_1096, %eq3A_1247 : vector<8x4096xi1>
    %eq3A_1264 = arith.constant dense<true> : vector<8x4096xi1>
    %eq3A_1265 = arith.xori %eq3A_1263, %eq3A_1264 : vector<8x4096xi1>
    %eq3A_1266 = arith.xori %or3A_1262, %eq3A_1265 : vector<8x4096xi1>
    %eq3A_1267 = arith.constant dense<true> : vector<8x4096xi1>
    %eq3A_1268 = arith.xori %eq3A_1266, %eq3A_1267 : vector<8x4096xi1>
    %select_n3A_1269 = arith.select %eq3A_1268, %select_n3A_1240, %select_n3A_1252 : vector<8x4096xi1>, vector<8x4096xf32>
    %select_n3A_1270 = arith.select %eq3A_1268, %select_n3A_1241, %select_n3A_1257 : vector<8x4096xi1>, vector<8x4096xi32>
    %and3A_1271 = arith.constant 4 : i32
    %and3A_1272 = vector.broadcast %and3A_1271 : i32 to vector<8x4096xi32>
    %and3A_1273 = arith.andi %iota3A, %and3A_1272 : vector<8x4096xi32>
    %eq3A_1274 = arith.constant 0 : i32
    %eq3A_1275 = vector.broadcast %eq3A_1274 : i32 to vector<8x4096xi32>
    %eq3A_1276 = arith.cmpi eq, %and3A_1273, %eq3A_1275 : vector<8x4096xi32>
    %roll3A_1277 = arith.constant 4092 : i32
    %roll3A_1278 = tpu.dynamic_rotate %select_n3A_1269 by %roll3A_1277 dim 1 : vector<8x4096xf32>, i32 -> vector<8x4096xf32>
    %roll3A_1279 = arith.constant 4 : i32
    %roll3A_1280 = tpu.dynamic_rotate %select_n3A_1269 by %roll3A_1279 dim 1 : vector<8x4096xf32>, i32 -> vector<8x4096xf32>
    %select_n3A_1281 = arith.select %eq3A_1276, %roll3A_1278, %roll3A_1280 : vector<8x4096xi1>, vector<8x4096xf32>
    %roll3A_1282 = arith.constant 4092 : i32
    %roll3A_1283 = tpu.dynamic_rotate %select_n3A_1270 by %roll3A_1282 dim 1 : vector<8x4096xi32>, i32 -> vector<8x4096xi32>
    %roll3A_1284 = arith.constant 4 : i32
    %roll3A_1285 = tpu.dynamic_rotate %select_n3A_1270 by %roll3A_1284 dim 1 : vector<8x4096xi32>, i32 -> vector<8x4096xi32>
    %select_n3A_1286 = arith.select %eq3A_1276, %roll3A_1283, %roll3A_1285 : vector<8x4096xi1>, vector<8x4096xi32>
    %gt3A_1287 = arith.cmpf ogt, %select_n3A_1269, %select_n3A_1281 : vector<8x4096xf32>
    %eq3A_1288 = arith.cmpf oeq, %select_n3A_1269, %select_n3A_1281 : vector<8x4096xf32>
    %lt3A_1289 = arith.cmpi slt, %select_n3A_1270, %select_n3A_1286 : vector<8x4096xi32>
    %and3A_1290 = arith.andi %eq3A_1288, %lt3A_1289 : vector<8x4096xi1>
    %or3A_1291 = arith.ori %gt3A_1287, %and3A_1290 : vector<8x4096xi1>
    %eq3A_1292 = arith.xori %eq3A_1096, %eq3A_1276 : vector<8x4096xi1>
    %eq3A_1293 = arith.constant dense<true> : vector<8x4096xi1>
    %eq3A_1294 = arith.xori %eq3A_1292, %eq3A_1293 : vector<8x4096xi1>
    %eq3A_1295 = arith.xori %or3A_1291, %eq3A_1294 : vector<8x4096xi1>
    %eq3A_1296 = arith.constant dense<true> : vector<8x4096xi1>
    %eq3A_1297 = arith.xori %eq3A_1295, %eq3A_1296 : vector<8x4096xi1>
    %select_n3A_1298 = arith.select %eq3A_1297, %select_n3A_1269, %select_n3A_1281 : vector<8x4096xi1>, vector<8x4096xf32>
    %select_n3A_1299 = arith.select %eq3A_1297, %select_n3A_1270, %select_n3A_1286 : vector<8x4096xi1>, vector<8x4096xi32>
    %and3A_1300 = arith.constant 2 : i32
    %and3A_1301 = vector.broadcast %and3A_1300 : i32 to vector<8x4096xi32>
    %and3A_1302 = arith.andi %iota3A, %and3A_1301 : vector<8x4096xi32>
    %eq3A_1303 = arith.constant 0 : i32
    %eq3A_1304 = vector.broadcast %eq3A_1303 : i32 to vector<8x4096xi32>
    %eq3A_1305 = arith.cmpi eq, %and3A_1302, %eq3A_1304 : vector<8x4096xi32>
    %roll3A_1306 = arith.constant 4094 : i32
    %roll3A_1307 = tpu.dynamic_rotate %select_n3A_1298 by %roll3A_1306 dim 1 : vector<8x4096xf32>, i32 -> vector<8x4096xf32>
    %roll3A_1308 = arith.constant 2 : i32
    %roll3A_1309 = tpu.dynamic_rotate %select_n3A_1298 by %roll3A_1308 dim 1 : vector<8x4096xf32>, i32 -> vector<8x4096xf32>
    %select_n3A_1310 = arith.select %eq3A_1305, %roll3A_1307, %roll3A_1309 : vector<8x4096xi1>, vector<8x4096xf32>
    %roll3A_1311 = arith.constant 4094 : i32
    %roll3A_1312 = tpu.dynamic_rotate %select_n3A_1299 by %roll3A_1311 dim 1 : vector<8x4096xi32>, i32 -> vector<8x4096xi32>
    %roll3A_1313 = arith.constant 2 : i32
    %roll3A_1314 = tpu.dynamic_rotate %select_n3A_1299 by %roll3A_1313 dim 1 : vector<8x4096xi32>, i32 -> vector<8x4096xi32>
    %select_n3A_1315 = arith.select %eq3A_1305, %roll3A_1312, %roll3A_1314 : vector<8x4096xi1>, vector<8x4096xi32>
    %gt3A_1316 = arith.cmpf ogt, %select_n3A_1298, %select_n3A_1310 : vector<8x4096xf32>
    %eq3A_1317 = arith.cmpf oeq, %select_n3A_1298, %select_n3A_1310 : vector<8x4096xf32>
    %lt3A_1318 = arith.cmpi slt, %select_n3A_1299, %select_n3A_1315 : vector<8x4096xi32>
    %and3A_1319 = arith.andi %eq3A_1317, %lt3A_1318 : vector<8x4096xi1>
    %or3A_1320 = arith.ori %gt3A_1316, %and3A_1319 : vector<8x4096xi1>
    %eq3A_1321 = arith.xori %eq3A_1096, %eq3A_1305 : vector<8x4096xi1>
    %eq3A_1322 = arith.constant dense<true> : vector<8x4096xi1>
    %eq3A_1323 = arith.xori %eq3A_1321, %eq3A_1322 : vector<8x4096xi1>
    %eq3A_1324 = arith.xori %or3A_1320, %eq3A_1323 : vector<8x4096xi1>
    %eq3A_1325 = arith.constant dense<true> : vector<8x4096xi1>
    %eq3A_1326 = arith.xori %eq3A_1324, %eq3A_1325 : vector<8x4096xi1>
    %select_n3A_1327 = arith.select %eq3A_1326, %select_n3A_1298, %select_n3A_1310 : vector<8x4096xi1>, vector<8x4096xf32>
    %select_n3A_1328 = arith.select %eq3A_1326, %select_n3A_1299, %select_n3A_1315 : vector<8x4096xi1>, vector<8x4096xi32>
    %and3A_1329 = arith.constant 1 : i32
    %and3A_1330 = vector.broadcast %and3A_1329 : i32 to vector<8x4096xi32>
    %and3A_1331 = arith.andi %iota3A, %and3A_1330 : vector<8x4096xi32>
    %eq3A_1332 = arith.constant 0 : i32
    %eq3A_1333 = vector.broadcast %eq3A_1332 : i32 to vector<8x4096xi32>
    %eq3A_1334 = arith.cmpi eq, %and3A_1331, %eq3A_1333 : vector<8x4096xi32>
    %roll3A_1335 = arith.constant 4095 : i32
    %roll3A_1336 = tpu.dynamic_rotate %select_n3A_1327 by %roll3A_1335 dim 1 : vector<8x4096xf32>, i32 -> vector<8x4096xf32>
    %roll3A_1337 = arith.constant 1 : i32
    %roll3A_1338 = tpu.dynamic_rotate %select_n3A_1327 by %roll3A_1337 dim 1 : vector<8x4096xf32>, i32 -> vector<8x4096xf32>
    %select_n3A_1339 = arith.select %eq3A_1334, %roll3A_1336, %roll3A_1338 : vector<8x4096xi1>, vector<8x4096xf32>
    %roll3A_1340 = arith.constant 4095 : i32
    %roll3A_1341 = tpu.dynamic_rotate %select_n3A_1328 by %roll3A_1340 dim 1 : vector<8x4096xi32>, i32 -> vector<8x4096xi32>
    %roll3A_1342 = arith.constant 1 : i32
    %roll3A_1343 = tpu.dynamic_rotate %select_n3A_1328 by %roll3A_1342 dim 1 : vector<8x4096xi32>, i32 -> vector<8x4096xi32>
    %select_n3A_1344 = arith.select %eq3A_1334, %roll3A_1341, %roll3A_1343 : vector<8x4096xi1>, vector<8x4096xi32>
    %gt3A_1345 = arith.cmpf ogt, %select_n3A_1327, %select_n3A_1339 : vector<8x4096xf32>
    %eq3A_1346 = arith.cmpf oeq, %select_n3A_1327, %select_n3A_1339 : vector<8x4096xf32>
    %lt3A_1347 = arith.cmpi slt, %select_n3A_1328, %select_n3A_1344 : vector<8x4096xi32>
    %and3A_1348 = arith.andi %eq3A_1346, %lt3A_1347 : vector<8x4096xi1>
    %or3A_1349 = arith.ori %gt3A_1345, %and3A_1348 : vector<8x4096xi1>
    %eq3A_1350 = arith.xori %eq3A_1096, %eq3A_1334 : vector<8x4096xi1>
    %eq3A_1351 = arith.constant dense<true> : vector<8x4096xi1>
    %eq3A_1352 = arith.xori %eq3A_1350, %eq3A_1351 : vector<8x4096xi1>
    %eq3A_1353 = arith.xori %or3A_1349, %eq3A_1352 : vector<8x4096xi1>
    %eq3A_1354 = arith.constant dense<true> : vector<8x4096xi1>
    %eq3A_1355 = arith.xori %eq3A_1353, %eq3A_1354 : vector<8x4096xi1>
    %select_n3A_1356 = arith.select %eq3A_1355, %select_n3A_1327, %select_n3A_1339 : vector<8x4096xi1>, vector<8x4096xf32>
    %select_n3A_1357 = arith.select %eq3A_1355, %select_n3A_1328, %select_n3A_1344 : vector<8x4096xi1>, vector<8x4096xi32>
    %and3A_1358 = arith.constant 1024 : i32
    %and3A_1359 = vector.broadcast %and3A_1358 : i32 to vector<8x4096xi32>
    %and3A_1360 = arith.andi %iota3A, %and3A_1359 : vector<8x4096xi32>
    %eq3A_1361 = arith.constant 0 : i32
    %eq3A_1362 = vector.broadcast %eq3A_1361 : i32 to vector<8x4096xi32>
    %eq3A_1363 = arith.cmpi eq, %and3A_1360, %eq3A_1362 : vector<8x4096xi32>
    %and3A_1364 = arith.constant 512 : i32
    %and3A_1365 = vector.broadcast %and3A_1364 : i32 to vector<8x4096xi32>
    %and3A_1366 = arith.andi %iota3A, %and3A_1365 : vector<8x4096xi32>
    %eq3A_1367 = arith.constant 0 : i32
    %eq3A_1368 = vector.broadcast %eq3A_1367 : i32 to vector<8x4096xi32>
    %eq3A_1369 = arith.cmpi eq, %and3A_1366, %eq3A_1368 : vector<8x4096xi32>
    %roll3A_1370 = arith.constant 3584 : i32
    %roll3A_1371 = tpu.dynamic_rotate %select_n3A_1356 by %roll3A_1370 dim 1 : vector<8x4096xf32>, i32 -> vector<8x4096xf32>
    %roll3A_1372 = arith.constant 512 : i32
    %roll3A_1373 = tpu.dynamic_rotate %select_n3A_1356 by %roll3A_1372 dim 1 : vector<8x4096xf32>, i32 -> vector<8x4096xf32>
    %select_n3A_1374 = arith.select %eq3A_1369, %roll3A_1371, %roll3A_1373 : vector<8x4096xi1>, vector<8x4096xf32>
    %roll3A_1375 = arith.constant 3584 : i32
    %roll3A_1376 = tpu.dynamic_rotate %select_n3A_1357 by %roll3A_1375 dim 1 : vector<8x4096xi32>, i32 -> vector<8x4096xi32>
    %roll3A_1377 = arith.constant 512 : i32
    %roll3A_1378 = tpu.dynamic_rotate %select_n3A_1357 by %roll3A_1377 dim 1 : vector<8x4096xi32>, i32 -> vector<8x4096xi32>
    %select_n3A_1379 = arith.select %eq3A_1369, %roll3A_1376, %roll3A_1378 : vector<8x4096xi1>, vector<8x4096xi32>
    %gt3A_1380 = arith.cmpf ogt, %select_n3A_1356, %select_n3A_1374 : vector<8x4096xf32>
    %eq3A_1381 = arith.cmpf oeq, %select_n3A_1356, %select_n3A_1374 : vector<8x4096xf32>
    %lt3A_1382 = arith.cmpi slt, %select_n3A_1357, %select_n3A_1379 : vector<8x4096xi32>
    %and3A_1383 = arith.andi %eq3A_1381, %lt3A_1382 : vector<8x4096xi1>
    %or3A_1384 = arith.ori %gt3A_1380, %and3A_1383 : vector<8x4096xi1>
    %eq3A_1385 = arith.xori %eq3A_1363, %eq3A_1369 : vector<8x4096xi1>
    %eq3A_1386 = arith.constant dense<true> : vector<8x4096xi1>
    %eq3A_1387 = arith.xori %eq3A_1385, %eq3A_1386 : vector<8x4096xi1>
    %eq3A_1388 = arith.xori %or3A_1384, %eq3A_1387 : vector<8x4096xi1>
    %eq3A_1389 = arith.constant dense<true> : vector<8x4096xi1>
    %eq3A_1390 = arith.xori %eq3A_1388, %eq3A_1389 : vector<8x4096xi1>
    %select_n3A_1391 = arith.select %eq3A_1390, %select_n3A_1356, %select_n3A_1374 : vector<8x4096xi1>, vector<8x4096xf32>
    %select_n3A_1392 = arith.select %eq3A_1390, %select_n3A_1357, %select_n3A_1379 : vector<8x4096xi1>, vector<8x4096xi32>
    %and3A_1393 = arith.constant 256 : i32
    %and3A_1394 = vector.broadcast %and3A_1393 : i32 to vector<8x4096xi32>
    %and3A_1395 = arith.andi %iota3A, %and3A_1394 : vector<8x4096xi32>
    %eq3A_1396 = arith.constant 0 : i32
    %eq3A_1397 = vector.broadcast %eq3A_1396 : i32 to vector<8x4096xi32>
    %eq3A_1398 = arith.cmpi eq, %and3A_1395, %eq3A_1397 : vector<8x4096xi32>
    %roll3A_1399 = arith.constant 3840 : i32
    %roll3A_1400 = tpu.dynamic_rotate %select_n3A_1391 by %roll3A_1399 dim 1 : vector<8x4096xf32>, i32 -> vector<8x4096xf32>
    %roll3A_1401 = arith.constant 256 : i32
    %roll3A_1402 = tpu.dynamic_rotate %select_n3A_1391 by %roll3A_1401 dim 1 : vector<8x4096xf32>, i32 -> vector<8x4096xf32>
    %select_n3A_1403 = arith.select %eq3A_1398, %roll3A_1400, %roll3A_1402 : vector<8x4096xi1>, vector<8x4096xf32>
    %roll3A_1404 = arith.constant 3840 : i32
    %roll3A_1405 = tpu.dynamic_rotate %select_n3A_1392 by %roll3A_1404 dim 1 : vector<8x4096xi32>, i32 -> vector<8x4096xi32>
    %roll3A_1406 = arith.constant 256 : i32
    %roll3A_1407 = tpu.dynamic_rotate %select_n3A_1392 by %roll3A_1406 dim 1 : vector<8x4096xi32>, i32 -> vector<8x4096xi32>
    %select_n3A_1408 = arith.select %eq3A_1398, %roll3A_1405, %roll3A_1407 : vector<8x4096xi1>, vector<8x4096xi32>
    %gt3A_1409 = arith.cmpf ogt, %select_n3A_1391, %select_n3A_1403 : vector<8x4096xf32>
    %eq3A_1410 = arith.cmpf oeq, %select_n3A_1391, %select_n3A_1403 : vector<8x4096xf32>
    %lt3A_1411 = arith.cmpi slt, %select_n3A_1392, %select_n3A_1408 : vector<8x4096xi32>
    %and3A_1412 = arith.andi %eq3A_1410, %lt3A_1411 : vector<8x4096xi1>
    %or3A_1413 = arith.ori %gt3A_1409, %and3A_1412 : vector<8x4096xi1>
    %eq3A_1414 = arith.xori %eq3A_1363, %eq3A_1398 : vector<8x4096xi1>
    %eq3A_1415 = arith.constant dense<true> : vector<8x4096xi1>
    %eq3A_1416 = arith.xori %eq3A_1414, %eq3A_1415 : vector<8x4096xi1>
    %eq3A_1417 = arith.xori %or3A_1413, %eq3A_1416 : vector<8x4096xi1>
    %eq3A_1418 = arith.constant dense<true> : vector<8x4096xi1>
    %eq3A_1419 = arith.xori %eq3A_1417, %eq3A_1418 : vector<8x4096xi1>
    %select_n3A_1420 = arith.select %eq3A_1419, %select_n3A_1391, %select_n3A_1403 : vector<8x4096xi1>, vector<8x4096xf32>
    %select_n3A_1421 = arith.select %eq3A_1419, %select_n3A_1392, %select_n3A_1408 : vector<8x4096xi1>, vector<8x4096xi32>
    %and3A_1422 = arith.constant 128 : i32
    %and3A_1423 = vector.broadcast %and3A_1422 : i32 to vector<8x4096xi32>
    %and3A_1424 = arith.andi %iota3A, %and3A_1423 : vector<8x4096xi32>
    %eq3A_1425 = arith.constant 0 : i32
    %eq3A_1426 = vector.broadcast %eq3A_1425 : i32 to vector<8x4096xi32>
    %eq3A_1427 = arith.cmpi eq, %and3A_1424, %eq3A_1426 : vector<8x4096xi32>
    %roll3A_1428 = arith.constant 3968 : i32
    %roll3A_1429 = tpu.dynamic_rotate %select_n3A_1420 by %roll3A_1428 dim 1 : vector<8x4096xf32>, i32 -> vector<8x4096xf32>
    %roll3A_1430 = arith.constant 128 : i32
    %roll3A_1431 = tpu.dynamic_rotate %select_n3A_1420 by %roll3A_1430 dim 1 : vector<8x4096xf32>, i32 -> vector<8x4096xf32>
    %select_n3A_1432 = arith.select %eq3A_1427, %roll3A_1429, %roll3A_1431 : vector<8x4096xi1>, vector<8x4096xf32>
    %roll3A_1433 = arith.constant 3968 : i32
    %roll3A_1434 = tpu.dynamic_rotate %select_n3A_1421 by %roll3A_1433 dim 1 : vector<8x4096xi32>, i32 -> vector<8x4096xi32>
    %roll3A_1435 = arith.constant 128 : i32
    %roll3A_1436 = tpu.dynamic_rotate %select_n3A_1421 by %roll3A_1435 dim 1 : vector<8x4096xi32>, i32 -> vector<8x4096xi32>
    %select_n3A_1437 = arith.select %eq3A_1427, %roll3A_1434, %roll3A_1436 : vector<8x4096xi1>, vector<8x4096xi32>
    %gt3A_1438 = arith.cmpf ogt, %select_n3A_1420, %select_n3A_1432 : vector<8x4096xf32>
    %eq3A_1439 = arith.cmpf oeq, %select_n3A_1420, %select_n3A_1432 : vector<8x4096xf32>
    %lt3A_1440 = arith.cmpi slt, %select_n3A_1421, %select_n3A_1437 : vector<8x4096xi32>
    %and3A_1441 = arith.andi %eq3A_1439, %lt3A_1440 : vector<8x4096xi1>
    %or3A_1442 = arith.ori %gt3A_1438, %and3A_1441 : vector<8x4096xi1>
    %eq3A_1443 = arith.xori %eq3A_1363, %eq3A_1427 : vector<8x4096xi1>
    %eq3A_1444 = arith.constant dense<true> : vector<8x4096xi1>
    %eq3A_1445 = arith.xori %eq3A_1443, %eq3A_1444 : vector<8x4096xi1>
    %eq3A_1446 = arith.xori %or3A_1442, %eq3A_1445 : vector<8x4096xi1>
    %eq3A_1447 = arith.constant dense<true> : vector<8x4096xi1>
    %eq3A_1448 = arith.xori %eq3A_1446, %eq3A_1447 : vector<8x4096xi1>
    %select_n3A_1449 = arith.select %eq3A_1448, %select_n3A_1420, %select_n3A_1432 : vector<8x4096xi1>, vector<8x4096xf32>
    %select_n3A_1450 = arith.select %eq3A_1448, %select_n3A_1421, %select_n3A_1437 : vector<8x4096xi1>, vector<8x4096xi32>
    %and3A_1451 = arith.constant 64 : i32
    %and3A_1452 = vector.broadcast %and3A_1451 : i32 to vector<8x4096xi32>
    %and3A_1453 = arith.andi %iota3A, %and3A_1452 : vector<8x4096xi32>
    %eq3A_1454 = arith.constant 0 : i32
    %eq3A_1455 = vector.broadcast %eq3A_1454 : i32 to vector<8x4096xi32>
    %eq3A_1456 = arith.cmpi eq, %and3A_1453, %eq3A_1455 : vector<8x4096xi32>
    %roll3A_1457 = arith.constant 4032 : i32
    %roll3A_1458 = tpu.dynamic_rotate %select_n3A_1449 by %roll3A_1457 dim 1 : vector<8x4096xf32>, i32 -> vector<8x4096xf32>
    %roll3A_1459 = arith.constant 64 : i32
    %roll3A_1460 = tpu.dynamic_rotate %select_n3A_1449 by %roll3A_1459 dim 1 : vector<8x4096xf32>, i32 -> vector<8x4096xf32>
    %select_n3A_1461 = arith.select %eq3A_1456, %roll3A_1458, %roll3A_1460 : vector<8x4096xi1>, vector<8x4096xf32>
    %roll3A_1462 = arith.constant 4032 : i32
    %roll3A_1463 = tpu.dynamic_rotate %select_n3A_1450 by %roll3A_1462 dim 1 : vector<8x4096xi32>, i32 -> vector<8x4096xi32>
    %roll3A_1464 = arith.constant 64 : i32
    %roll3A_1465 = tpu.dynamic_rotate %select_n3A_1450 by %roll3A_1464 dim 1 : vector<8x4096xi32>, i32 -> vector<8x4096xi32>
    %select_n3A_1466 = arith.select %eq3A_1456, %roll3A_1463, %roll3A_1465 : vector<8x4096xi1>, vector<8x4096xi32>
    %gt3A_1467 = arith.cmpf ogt, %select_n3A_1449, %select_n3A_1461 : vector<8x4096xf32>
    %eq3A_1468 = arith.cmpf oeq, %select_n3A_1449, %select_n3A_1461 : vector<8x4096xf32>
    %lt3A_1469 = arith.cmpi slt, %select_n3A_1450, %select_n3A_1466 : vector<8x4096xi32>
    %and3A_1470 = arith.andi %eq3A_1468, %lt3A_1469 : vector<8x4096xi1>
    %or3A_1471 = arith.ori %gt3A_1467, %and3A_1470 : vector<8x4096xi1>
    %eq3A_1472 = arith.xori %eq3A_1363, %eq3A_1456 : vector<8x4096xi1>
    %eq3A_1473 = arith.constant dense<true> : vector<8x4096xi1>
    %eq3A_1474 = arith.xori %eq3A_1472, %eq3A_1473 : vector<8x4096xi1>
    %eq3A_1475 = arith.xori %or3A_1471, %eq3A_1474 : vector<8x4096xi1>
    %eq3A_1476 = arith.constant dense<true> : vector<8x4096xi1>
    %eq3A_1477 = arith.xori %eq3A_1475, %eq3A_1476 : vector<8x4096xi1>
    %select_n3A_1478 = arith.select %eq3A_1477, %select_n3A_1449, %select_n3A_1461 : vector<8x4096xi1>, vector<8x4096xf32>
    %select_n3A_1479 = arith.select %eq3A_1477, %select_n3A_1450, %select_n3A_1466 : vector<8x4096xi1>, vector<8x4096xi32>
    %and3A_1480 = arith.constant 32 : i32
    %and3A_1481 = vector.broadcast %and3A_1480 : i32 to vector<8x4096xi32>
    %and3A_1482 = arith.andi %iota3A, %and3A_1481 : vector<8x4096xi32>
    %eq3A_1483 = arith.constant 0 : i32
    %eq3A_1484 = vector.broadcast %eq3A_1483 : i32 to vector<8x4096xi32>
    %eq3A_1485 = arith.cmpi eq, %and3A_1482, %eq3A_1484 : vector<8x4096xi32>
    %roll3A_1486 = arith.constant 4064 : i32
    %roll3A_1487 = tpu.dynamic_rotate %select_n3A_1478 by %roll3A_1486 dim 1 : vector<8x4096xf32>, i32 -> vector<8x4096xf32>
    %roll3A_1488 = arith.constant 32 : i32
    %roll3A_1489 = tpu.dynamic_rotate %select_n3A_1478 by %roll3A_1488 dim 1 : vector<8x4096xf32>, i32 -> vector<8x4096xf32>
    %select_n3A_1490 = arith.select %eq3A_1485, %roll3A_1487, %roll3A_1489 : vector<8x4096xi1>, vector<8x4096xf32>
    %roll3A_1491 = arith.constant 4064 : i32
    %roll3A_1492 = tpu.dynamic_rotate %select_n3A_1479 by %roll3A_1491 dim 1 : vector<8x4096xi32>, i32 -> vector<8x4096xi32>
    %roll3A_1493 = arith.constant 32 : i32
    %roll3A_1494 = tpu.dynamic_rotate %select_n3A_1479 by %roll3A_1493 dim 1 : vector<8x4096xi32>, i32 -> vector<8x4096xi32>
    %select_n3A_1495 = arith.select %eq3A_1485, %roll3A_1492, %roll3A_1494 : vector<8x4096xi1>, vector<8x4096xi32>
    %gt3A_1496 = arith.cmpf ogt, %select_n3A_1478, %select_n3A_1490 : vector<8x4096xf32>
    %eq3A_1497 = arith.cmpf oeq, %select_n3A_1478, %select_n3A_1490 : vector<8x4096xf32>
    %lt3A_1498 = arith.cmpi slt, %select_n3A_1479, %select_n3A_1495 : vector<8x4096xi32>
    %and3A_1499 = arith.andi %eq3A_1497, %lt3A_1498 : vector<8x4096xi1>
    %or3A_1500 = arith.ori %gt3A_1496, %and3A_1499 : vector<8x4096xi1>
    %eq3A_1501 = arith.xori %eq3A_1363, %eq3A_1485 : vector<8x4096xi1>
    %eq3A_1502 = arith.constant dense<true> : vector<8x4096xi1>
    %eq3A_1503 = arith.xori %eq3A_1501, %eq3A_1502 : vector<8x4096xi1>
    %eq3A_1504 = arith.xori %or3A_1500, %eq3A_1503 : vector<8x4096xi1>
    %eq3A_1505 = arith.constant dense<true> : vector<8x4096xi1>
    %eq3A_1506 = arith.xori %eq3A_1504, %eq3A_1505 : vector<8x4096xi1>
    %select_n3A_1507 = arith.select %eq3A_1506, %select_n3A_1478, %select_n3A_1490 : vector<8x4096xi1>, vector<8x4096xf32>
    %select_n3A_1508 = arith.select %eq3A_1506, %select_n3A_1479, %select_n3A_1495 : vector<8x4096xi1>, vector<8x4096xi32>
    %and3A_1509 = arith.constant 16 : i32
    %and3A_1510 = vector.broadcast %and3A_1509 : i32 to vector<8x4096xi32>
    %and3A_1511 = arith.andi %iota3A, %and3A_1510 : vector<8x4096xi32>
    %eq3A_1512 = arith.constant 0 : i32
    %eq3A_1513 = vector.broadcast %eq3A_1512 : i32 to vector<8x4096xi32>
    %eq3A_1514 = arith.cmpi eq, %and3A_1511, %eq3A_1513 : vector<8x4096xi32>
    %roll3A_1515 = arith.constant 4080 : i32
    %roll3A_1516 = tpu.dynamic_rotate %select_n3A_1507 by %roll3A_1515 dim 1 : vector<8x4096xf32>, i32 -> vector<8x4096xf32>
    %roll3A_1517 = arith.constant 16 : i32
    %roll3A_1518 = tpu.dynamic_rotate %select_n3A_1507 by %roll3A_1517 dim 1 : vector<8x4096xf32>, i32 -> vector<8x4096xf32>
    %select_n3A_1519 = arith.select %eq3A_1514, %roll3A_1516, %roll3A_1518 : vector<8x4096xi1>, vector<8x4096xf32>
    %roll3A_1520 = arith.constant 4080 : i32
    %roll3A_1521 = tpu.dynamic_rotate %select_n3A_1508 by %roll3A_1520 dim 1 : vector<8x4096xi32>, i32 -> vector<8x4096xi32>
    %roll3A_1522 = arith.constant 16 : i32
    %roll3A_1523 = tpu.dynamic_rotate %select_n3A_1508 by %roll3A_1522 dim 1 : vector<8x4096xi32>, i32 -> vector<8x4096xi32>
    %select_n3A_1524 = arith.select %eq3A_1514, %roll3A_1521, %roll3A_1523 : vector<8x4096xi1>, vector<8x4096xi32>
    %gt3A_1525 = arith.cmpf ogt, %select_n3A_1507, %select_n3A_1519 : vector<8x4096xf32>
    %eq3A_1526 = arith.cmpf oeq, %select_n3A_1507, %select_n3A_1519 : vector<8x4096xf32>
    %lt3A_1527 = arith.cmpi slt, %select_n3A_1508, %select_n3A_1524 : vector<8x4096xi32>
    %and3A_1528 = arith.andi %eq3A_1526, %lt3A_1527 : vector<8x4096xi1>
    %or3A_1529 = arith.ori %gt3A_1525, %and3A_1528 : vector<8x4096xi1>
    %eq3A_1530 = arith.xori %eq3A_1363, %eq3A_1514 : vector<8x4096xi1>
    %eq3A_1531 = arith.constant dense<true> : vector<8x4096xi1>
    %eq3A_1532 = arith.xori %eq3A_1530, %eq3A_1531 : vector<8x4096xi1>
    %eq3A_1533 = arith.xori %or3A_1529, %eq3A_1532 : vector<8x4096xi1>
    %eq3A_1534 = arith.constant dense<true> : vector<8x4096xi1>
    %eq3A_1535 = arith.xori %eq3A_1533, %eq3A_1534 : vector<8x4096xi1>
    %select_n3A_1536 = arith.select %eq3A_1535, %select_n3A_1507, %select_n3A_1519 : vector<8x4096xi1>, vector<8x4096xf32>
    %select_n3A_1537 = arith.select %eq3A_1535, %select_n3A_1508, %select_n3A_1524 : vector<8x4096xi1>, vector<8x4096xi32>
    %and3A_1538 = arith.constant 8 : i32
    %and3A_1539 = vector.broadcast %and3A_1538 : i32 to vector<8x4096xi32>
    %and3A_1540 = arith.andi %iota3A, %and3A_1539 : vector<8x4096xi32>
    %eq3A_1541 = arith.constant 0 : i32
    %eq3A_1542 = vector.broadcast %eq3A_1541 : i32 to vector<8x4096xi32>
    %eq3A_1543 = arith.cmpi eq, %and3A_1540, %eq3A_1542 : vector<8x4096xi32>
    %roll3A_1544 = arith.constant 4088 : i32
    %roll3A_1545 = tpu.dynamic_rotate %select_n3A_1536 by %roll3A_1544 dim 1 : vector<8x4096xf32>, i32 -> vector<8x4096xf32>
    %roll3A_1546 = arith.constant 8 : i32
    %roll3A_1547 = tpu.dynamic_rotate %select_n3A_1536 by %roll3A_1546 dim 1 : vector<8x4096xf32>, i32 -> vector<8x4096xf32>
    %select_n3A_1548 = arith.select %eq3A_1543, %roll3A_1545, %roll3A_1547 : vector<8x4096xi1>, vector<8x4096xf32>
    %roll3A_1549 = arith.constant 4088 : i32
    %roll3A_1550 = tpu.dynamic_rotate %select_n3A_1537 by %roll3A_1549 dim 1 : vector<8x4096xi32>, i32 -> vector<8x4096xi32>
    %roll3A_1551 = arith.constant 8 : i32
    %roll3A_1552 = tpu.dynamic_rotate %select_n3A_1537 by %roll3A_1551 dim 1 : vector<8x4096xi32>, i32 -> vector<8x4096xi32>
    %select_n3A_1553 = arith.select %eq3A_1543, %roll3A_1550, %roll3A_1552 : vector<8x4096xi1>, vector<8x4096xi32>
    %gt3A_1554 = arith.cmpf ogt, %select_n3A_1536, %select_n3A_1548 : vector<8x4096xf32>
    %eq3A_1555 = arith.cmpf oeq, %select_n3A_1536, %select_n3A_1548 : vector<8x4096xf32>
    %lt3A_1556 = arith.cmpi slt, %select_n3A_1537, %select_n3A_1553 : vector<8x4096xi32>
    %and3A_1557 = arith.andi %eq3A_1555, %lt3A_1556 : vector<8x4096xi1>
    %or3A_1558 = arith.ori %gt3A_1554, %and3A_1557 : vector<8x4096xi1>
    %eq3A_1559 = arith.xori %eq3A_1363, %eq3A_1543 : vector<8x4096xi1>
    %eq3A_1560 = arith.constant dense<true> : vector<8x4096xi1>
    %eq3A_1561 = arith.xori %eq3A_1559, %eq3A_1560 : vector<8x4096xi1>
    %eq3A_1562 = arith.xori %or3A_1558, %eq3A_1561 : vector<8x4096xi1>
    %eq3A_1563 = arith.constant dense<true> : vector<8x4096xi1>
    %eq3A_1564 = arith.xori %eq3A_1562, %eq3A_1563 : vector<8x4096xi1>
    %select_n3A_1565 = arith.select %eq3A_1564, %select_n3A_1536, %select_n3A_1548 : vector<8x4096xi1>, vector<8x4096xf32>
    %select_n3A_1566 = arith.select %eq3A_1564, %select_n3A_1537, %select_n3A_1553 : vector<8x4096xi1>, vector<8x4096xi32>
    %and3A_1567 = arith.constant 4 : i32
    %and3A_1568 = vector.broadcast %and3A_1567 : i32 to vector<8x4096xi32>
    %and3A_1569 = arith.andi %iota3A, %and3A_1568 : vector<8x4096xi32>
    %eq3A_1570 = arith.constant 0 : i32
    %eq3A_1571 = vector.broadcast %eq3A_1570 : i32 to vector<8x4096xi32>
    %eq3A_1572 = arith.cmpi eq, %and3A_1569, %eq3A_1571 : vector<8x4096xi32>
    %roll3A_1573 = arith.constant 4092 : i32
    %roll3A_1574 = tpu.dynamic_rotate %select_n3A_1565 by %roll3A_1573 dim 1 : vector<8x4096xf32>, i32 -> vector<8x4096xf32>
    %roll3A_1575 = arith.constant 4 : i32
    %roll3A_1576 = tpu.dynamic_rotate %select_n3A_1565 by %roll3A_1575 dim 1 : vector<8x4096xf32>, i32 -> vector<8x4096xf32>
    %select_n3A_1577 = arith.select %eq3A_1572, %roll3A_1574, %roll3A_1576 : vector<8x4096xi1>, vector<8x4096xf32>
    %roll3A_1578 = arith.constant 4092 : i32
    %roll3A_1579 = tpu.dynamic_rotate %select_n3A_1566 by %roll3A_1578 dim 1 : vector<8x4096xi32>, i32 -> vector<8x4096xi32>
    %roll3A_1580 = arith.constant 4 : i32
    %roll3A_1581 = tpu.dynamic_rotate %select_n3A_1566 by %roll3A_1580 dim 1 : vector<8x4096xi32>, i32 -> vector<8x4096xi32>
    %select_n3A_1582 = arith.select %eq3A_1572, %roll3A_1579, %roll3A_1581 : vector<8x4096xi1>, vector<8x4096xi32>
    %gt3A_1583 = arith.cmpf ogt, %select_n3A_1565, %select_n3A_1577 : vector<8x4096xf32>
    %eq3A_1584 = arith.cmpf oeq, %select_n3A_1565, %select_n3A_1577 : vector<8x4096xf32>
    %lt3A_1585 = arith.cmpi slt, %select_n3A_1566, %select_n3A_1582 : vector<8x4096xi32>
    %and3A_1586 = arith.andi %eq3A_1584, %lt3A_1585 : vector<8x4096xi1>
    %or3A_1587 = arith.ori %gt3A_1583, %and3A_1586 : vector<8x4096xi1>
    %eq3A_1588 = arith.xori %eq3A_1363, %eq3A_1572 : vector<8x4096xi1>
    %eq3A_1589 = arith.constant dense<true> : vector<8x4096xi1>
    %eq3A_1590 = arith.xori %eq3A_1588, %eq3A_1589 : vector<8x4096xi1>
    %eq3A_1591 = arith.xori %or3A_1587, %eq3A_1590 : vector<8x4096xi1>
    %eq3A_1592 = arith.constant dense<true> : vector<8x4096xi1>
    %eq3A_1593 = arith.xori %eq3A_1591, %eq3A_1592 : vector<8x4096xi1>
    %select_n3A_1594 = arith.select %eq3A_1593, %select_n3A_1565, %select_n3A_1577 : vector<8x4096xi1>, vector<8x4096xf32>
    %select_n3A_1595 = arith.select %eq3A_1593, %select_n3A_1566, %select_n3A_1582 : vector<8x4096xi1>, vector<8x4096xi32>
    %and3A_1596 = arith.constant 2 : i32
    %and3A_1597 = vector.broadcast %and3A_1596 : i32 to vector<8x4096xi32>
    %and3A_1598 = arith.andi %iota3A, %and3A_1597 : vector<8x4096xi32>
    %eq3A_1599 = arith.constant 0 : i32
    %eq3A_1600 = vector.broadcast %eq3A_1599 : i32 to vector<8x4096xi32>
    %eq3A_1601 = arith.cmpi eq, %and3A_1598, %eq3A_1600 : vector<8x4096xi32>
    %roll3A_1602 = arith.constant 4094 : i32
    %roll3A_1603 = tpu.dynamic_rotate %select_n3A_1594 by %roll3A_1602 dim 1 : vector<8x4096xf32>, i32 -> vector<8x4096xf32>
    %roll3A_1604 = arith.constant 2 : i32
    %roll3A_1605 = tpu.dynamic_rotate %select_n3A_1594 by %roll3A_1604 dim 1 : vector<8x4096xf32>, i32 -> vector<8x4096xf32>
    %select_n3A_1606 = arith.select %eq3A_1601, %roll3A_1603, %roll3A_1605 : vector<8x4096xi1>, vector<8x4096xf32>
    %roll3A_1607 = arith.constant 4094 : i32
    %roll3A_1608 = tpu.dynamic_rotate %select_n3A_1595 by %roll3A_1607 dim 1 : vector<8x4096xi32>, i32 -> vector<8x4096xi32>
    %roll3A_1609 = arith.constant 2 : i32
    %roll3A_1610 = tpu.dynamic_rotate %select_n3A_1595 by %roll3A_1609 dim 1 : vector<8x4096xi32>, i32 -> vector<8x4096xi32>
    %select_n3A_1611 = arith.select %eq3A_1601, %roll3A_1608, %roll3A_1610 : vector<8x4096xi1>, vector<8x4096xi32>
    %gt3A_1612 = arith.cmpf ogt, %select_n3A_1594, %select_n3A_1606 : vector<8x4096xf32>
    %eq3A_1613 = arith.cmpf oeq, %select_n3A_1594, %select_n3A_1606 : vector<8x4096xf32>
    %lt3A_1614 = arith.cmpi slt, %select_n3A_1595, %select_n3A_1611 : vector<8x4096xi32>
    %and3A_1615 = arith.andi %eq3A_1613, %lt3A_1614 : vector<8x4096xi1>
    %or3A_1616 = arith.ori %gt3A_1612, %and3A_1615 : vector<8x4096xi1>
    %eq3A_1617 = arith.xori %eq3A_1363, %eq3A_1601 : vector<8x4096xi1>
    %eq3A_1618 = arith.constant dense<true> : vector<8x4096xi1>
    %eq3A_1619 = arith.xori %eq3A_1617, %eq3A_1618 : vector<8x4096xi1>
    %eq3A_1620 = arith.xori %or3A_1616, %eq3A_1619 : vector<8x4096xi1>
    %eq3A_1621 = arith.constant dense<true> : vector<8x4096xi1>
    %eq3A_1622 = arith.xori %eq3A_1620, %eq3A_1621 : vector<8x4096xi1>
    %select_n3A_1623 = arith.select %eq3A_1622, %select_n3A_1594, %select_n3A_1606 : vector<8x4096xi1>, vector<8x4096xf32>
    %select_n3A_1624 = arith.select %eq3A_1622, %select_n3A_1595, %select_n3A_1611 : vector<8x4096xi1>, vector<8x4096xi32>
    %and3A_1625 = arith.constant 1 : i32
    %and3A_1626 = vector.broadcast %and3A_1625 : i32 to vector<8x4096xi32>
    %and3A_1627 = arith.andi %iota3A, %and3A_1626 : vector<8x4096xi32>
    %eq3A_1628 = arith.constant 0 : i32
    %eq3A_1629 = vector.broadcast %eq3A_1628 : i32 to vector<8x4096xi32>
    %eq3A_1630 = arith.cmpi eq, %and3A_1627, %eq3A_1629 : vector<8x4096xi32>
    %roll3A_1631 = arith.constant 4095 : i32
    %roll3A_1632 = tpu.dynamic_rotate %select_n3A_1623 by %roll3A_1631 dim 1 : vector<8x4096xf32>, i32 -> vector<8x4096xf32>
    %roll3A_1633 = arith.constant 1 : i32
    %roll3A_1634 = tpu.dynamic_rotate %select_n3A_1623 by %roll3A_1633 dim 1 : vector<8x4096xf32>, i32 -> vector<8x4096xf32>
    %select_n3A_1635 = arith.select %eq3A_1630, %roll3A_1632, %roll3A_1634 : vector<8x4096xi1>, vector<8x4096xf32>
    %roll3A_1636 = arith.constant 4095 : i32
    %roll3A_1637 = tpu.dynamic_rotate %select_n3A_1624 by %roll3A_1636 dim 1 : vector<8x4096xi32>, i32 -> vector<8x4096xi32>
    %roll3A_1638 = arith.constant 1 : i32
    %roll3A_1639 = tpu.dynamic_rotate %select_n3A_1624 by %roll3A_1638 dim 1 : vector<8x4096xi32>, i32 -> vector<8x4096xi32>
    %select_n3A_1640 = arith.select %eq3A_1630, %roll3A_1637, %roll3A_1639 : vector<8x4096xi1>, vector<8x4096xi32>
    %gt3A_1641 = arith.cmpf ogt, %select_n3A_1623, %select_n3A_1635 : vector<8x4096xf32>
    %eq3A_1642 = arith.cmpf oeq, %select_n3A_1623, %select_n3A_1635 : vector<8x4096xf32>
    %lt3A_1643 = arith.cmpi slt, %select_n3A_1624, %select_n3A_1640 : vector<8x4096xi32>
    %and3A_1644 = arith.andi %eq3A_1642, %lt3A_1643 : vector<8x4096xi1>
    %or3A_1645 = arith.ori %gt3A_1641, %and3A_1644 : vector<8x4096xi1>
    %eq3A_1646 = arith.xori %eq3A_1363, %eq3A_1630 : vector<8x4096xi1>
    %eq3A_1647 = arith.constant dense<true> : vector<8x4096xi1>
    %eq3A_1648 = arith.xori %eq3A_1646, %eq3A_1647 : vector<8x4096xi1>
    %eq3A_1649 = arith.xori %or3A_1645, %eq3A_1648 : vector<8x4096xi1>
    %eq3A_1650 = arith.constant dense<true> : vector<8x4096xi1>
    %eq3A_1651 = arith.xori %eq3A_1649, %eq3A_1650 : vector<8x4096xi1>
    %select_n3A_1652 = arith.select %eq3A_1651, %select_n3A_1623, %select_n3A_1635 : vector<8x4096xi1>, vector<8x4096xf32>
    %select_n3A_1653 = arith.select %eq3A_1651, %select_n3A_1624, %select_n3A_1640 : vector<8x4096xi1>, vector<8x4096xi32>
    %and3A_1654 = arith.constant 2048 : i32
    %and3A_1655 = vector.broadcast %and3A_1654 : i32 to vector<8x4096xi32>
    %and3A_1656 = arith.andi %iota3A, %and3A_1655 : vector<8x4096xi32>
    %eq3A_1657 = arith.constant 0 : i32
    %eq3A_1658 = vector.broadcast %eq3A_1657 : i32 to vector<8x4096xi32>
    %eq3A_1659 = arith.cmpi eq, %and3A_1656, %eq3A_1658 : vector<8x4096xi32>
    %and3A_1660 = arith.constant 1024 : i32
    %and3A_1661 = vector.broadcast %and3A_1660 : i32 to vector<8x4096xi32>
    %and3A_1662 = arith.andi %iota3A, %and3A_1661 : vector<8x4096xi32>
    %eq3A_1663 = arith.constant 0 : i32
    %eq3A_1664 = vector.broadcast %eq3A_1663 : i32 to vector<8x4096xi32>
    %eq3A_1665 = arith.cmpi eq, %and3A_1662, %eq3A_1664 : vector<8x4096xi32>
    %roll3A_1666 = arith.constant 3072 : i32
    %roll3A_1667 = tpu.dynamic_rotate %select_n3A_1652 by %roll3A_1666 dim 1 : vector<8x4096xf32>, i32 -> vector<8x4096xf32>
    %roll3A_1668 = arith.constant 1024 : i32
    %roll3A_1669 = tpu.dynamic_rotate %select_n3A_1652 by %roll3A_1668 dim 1 : vector<8x4096xf32>, i32 -> vector<8x4096xf32>
    %select_n3A_1670 = arith.select %eq3A_1665, %roll3A_1667, %roll3A_1669 : vector<8x4096xi1>, vector<8x4096xf32>
    %roll3A_1671 = arith.constant 3072 : i32
    %roll3A_1672 = tpu.dynamic_rotate %select_n3A_1653 by %roll3A_1671 dim 1 : vector<8x4096xi32>, i32 -> vector<8x4096xi32>
    %roll3A_1673 = arith.constant 1024 : i32
    %roll3A_1674 = tpu.dynamic_rotate %select_n3A_1653 by %roll3A_1673 dim 1 : vector<8x4096xi32>, i32 -> vector<8x4096xi32>
    %select_n3A_1675 = arith.select %eq3A_1665, %roll3A_1672, %roll3A_1674 : vector<8x4096xi1>, vector<8x4096xi32>
    %gt3A_1676 = arith.cmpf ogt, %select_n3A_1652, %select_n3A_1670 : vector<8x4096xf32>
    %eq3A_1677 = arith.cmpf oeq, %select_n3A_1652, %select_n3A_1670 : vector<8x4096xf32>
    %lt3A_1678 = arith.cmpi slt, %select_n3A_1653, %select_n3A_1675 : vector<8x4096xi32>
    %and3A_1679 = arith.andi %eq3A_1677, %lt3A_1678 : vector<8x4096xi1>
    %or3A_1680 = arith.ori %gt3A_1676, %and3A_1679 : vector<8x4096xi1>
    %eq3A_1681 = arith.xori %eq3A_1659, %eq3A_1665 : vector<8x4096xi1>
    %eq3A_1682 = arith.constant dense<true> : vector<8x4096xi1>
    %eq3A_1683 = arith.xori %eq3A_1681, %eq3A_1682 : vector<8x4096xi1>
    %eq3A_1684 = arith.xori %or3A_1680, %eq3A_1683 : vector<8x4096xi1>
    %eq3A_1685 = arith.constant dense<true> : vector<8x4096xi1>
    %eq3A_1686 = arith.xori %eq3A_1684, %eq3A_1685 : vector<8x4096xi1>
    %select_n3A_1687 = arith.select %eq3A_1686, %select_n3A_1652, %select_n3A_1670 : vector<8x4096xi1>, vector<8x4096xf32>
    %select_n3A_1688 = arith.select %eq3A_1686, %select_n3A_1653, %select_n3A_1675 : vector<8x4096xi1>, vector<8x4096xi32>
    %and3A_1689 = arith.constant 512 : i32
    %and3A_1690 = vector.broadcast %and3A_1689 : i32 to vector<8x4096xi32>
    %and3A_1691 = arith.andi %iota3A, %and3A_1690 : vector<8x4096xi32>
    %eq3A_1692 = arith.constant 0 : i32
    %eq3A_1693 = vector.broadcast %eq3A_1692 : i32 to vector<8x4096xi32>
    %eq3A_1694 = arith.cmpi eq, %and3A_1691, %eq3A_1693 : vector<8x4096xi32>
    %roll3A_1695 = arith.constant 3584 : i32
    %roll3A_1696 = tpu.dynamic_rotate %select_n3A_1687 by %roll3A_1695 dim 1 : vector<8x4096xf32>, i32 -> vector<8x4096xf32>
    %roll3A_1697 = arith.constant 512 : i32
    %roll3A_1698 = tpu.dynamic_rotate %select_n3A_1687 by %roll3A_1697 dim 1 : vector<8x4096xf32>, i32 -> vector<8x4096xf32>
    %select_n3A_1699 = arith.select %eq3A_1694, %roll3A_1696, %roll3A_1698 : vector<8x4096xi1>, vector<8x4096xf32>
    %roll3A_1700 = arith.constant 3584 : i32
    %roll3A_1701 = tpu.dynamic_rotate %select_n3A_1688 by %roll3A_1700 dim 1 : vector<8x4096xi32>, i32 -> vector<8x4096xi32>
    %roll3A_1702 = arith.constant 512 : i32
    %roll3A_1703 = tpu.dynamic_rotate %select_n3A_1688 by %roll3A_1702 dim 1 : vector<8x4096xi32>, i32 -> vector<8x4096xi32>
    %select_n3A_1704 = arith.select %eq3A_1694, %roll3A_1701, %roll3A_1703 : vector<8x4096xi1>, vector<8x4096xi32>
    %gt3A_1705 = arith.cmpf ogt, %select_n3A_1687, %select_n3A_1699 : vector<8x4096xf32>
    %eq3A_1706 = arith.cmpf oeq, %select_n3A_1687, %select_n3A_1699 : vector<8x4096xf32>
    %lt3A_1707 = arith.cmpi slt, %select_n3A_1688, %select_n3A_1704 : vector<8x4096xi32>
    %and3A_1708 = arith.andi %eq3A_1706, %lt3A_1707 : vector<8x4096xi1>
    %or3A_1709 = arith.ori %gt3A_1705, %and3A_1708 : vector<8x4096xi1>
    %eq3A_1710 = arith.xori %eq3A_1659, %eq3A_1694 : vector<8x4096xi1>
    %eq3A_1711 = arith.constant dense<true> : vector<8x4096xi1>
    %eq3A_1712 = arith.xori %eq3A_1710, %eq3A_1711 : vector<8x4096xi1>
    %eq3A_1713 = arith.xori %or3A_1709, %eq3A_1712 : vector<8x4096xi1>
    %eq3A_1714 = arith.constant dense<true> : vector<8x4096xi1>
    %eq3A_1715 = arith.xori %eq3A_1713, %eq3A_1714 : vector<8x4096xi1>
    %select_n3A_1716 = arith.select %eq3A_1715, %select_n3A_1687, %select_n3A_1699 : vector<8x4096xi1>, vector<8x4096xf32>
    %select_n3A_1717 = arith.select %eq3A_1715, %select_n3A_1688, %select_n3A_1704 : vector<8x4096xi1>, vector<8x4096xi32>
    %and3A_1718 = arith.constant 256 : i32
    %and3A_1719 = vector.broadcast %and3A_1718 : i32 to vector<8x4096xi32>
    %and3A_1720 = arith.andi %iota3A, %and3A_1719 : vector<8x4096xi32>
    %eq3A_1721 = arith.constant 0 : i32
    %eq3A_1722 = vector.broadcast %eq3A_1721 : i32 to vector<8x4096xi32>
    %eq3A_1723 = arith.cmpi eq, %and3A_1720, %eq3A_1722 : vector<8x4096xi32>
    %roll3A_1724 = arith.constant 3840 : i32
    %roll3A_1725 = tpu.dynamic_rotate %select_n3A_1716 by %roll3A_1724 dim 1 : vector<8x4096xf32>, i32 -> vector<8x4096xf32>
    %roll3A_1726 = arith.constant 256 : i32
    %roll3A_1727 = tpu.dynamic_rotate %select_n3A_1716 by %roll3A_1726 dim 1 : vector<8x4096xf32>, i32 -> vector<8x4096xf32>
    %select_n3A_1728 = arith.select %eq3A_1723, %roll3A_1725, %roll3A_1727 : vector<8x4096xi1>, vector<8x4096xf32>
    %roll3A_1729 = arith.constant 3840 : i32
    %roll3A_1730 = tpu.dynamic_rotate %select_n3A_1717 by %roll3A_1729 dim 1 : vector<8x4096xi32>, i32 -> vector<8x4096xi32>
    %roll3A_1731 = arith.constant 256 : i32
    %roll3A_1732 = tpu.dynamic_rotate %select_n3A_1717 by %roll3A_1731 dim 1 : vector<8x4096xi32>, i32 -> vector<8x4096xi32>
    %select_n3A_1733 = arith.select %eq3A_1723, %roll3A_1730, %roll3A_1732 : vector<8x4096xi1>, vector<8x4096xi32>
    %gt3A_1734 = arith.cmpf ogt, %select_n3A_1716, %select_n3A_1728 : vector<8x4096xf32>
    %eq3A_1735 = arith.cmpf oeq, %select_n3A_1716, %select_n3A_1728 : vector<8x4096xf32>
    %lt3A_1736 = arith.cmpi slt, %select_n3A_1717, %select_n3A_1733 : vector<8x4096xi32>
    %and3A_1737 = arith.andi %eq3A_1735, %lt3A_1736 : vector<8x4096xi1>
    %or3A_1738 = arith.ori %gt3A_1734, %and3A_1737 : vector<8x4096xi1>
    %eq3A_1739 = arith.xori %eq3A_1659, %eq3A_1723 : vector<8x4096xi1>
    %eq3A_1740 = arith.constant dense<true> : vector<8x4096xi1>
    %eq3A_1741 = arith.xori %eq3A_1739, %eq3A_1740 : vector<8x4096xi1>
    %eq3A_1742 = arith.xori %or3A_1738, %eq3A_1741 : vector<8x4096xi1>
    %eq3A_1743 = arith.constant dense<true> : vector<8x4096xi1>
    %eq3A_1744 = arith.xori %eq3A_1742, %eq3A_1743 : vector<8x4096xi1>
    %select_n3A_1745 = arith.select %eq3A_1744, %select_n3A_1716, %select_n3A_1728 : vector<8x4096xi1>, vector<8x4096xf32>
    %select_n3A_1746 = arith.select %eq3A_1744, %select_n3A_1717, %select_n3A_1733 : vector<8x4096xi1>, vector<8x4096xi32>
    %and3A_1747 = arith.constant 128 : i32
    %and3A_1748 = vector.broadcast %and3A_1747 : i32 to vector<8x4096xi32>
    %and3A_1749 = arith.andi %iota3A, %and3A_1748 : vector<8x4096xi32>
    %eq3A_1750 = arith.constant 0 : i32
    %eq3A_1751 = vector.broadcast %eq3A_1750 : i32 to vector<8x4096xi32>
    %eq3A_1752 = arith.cmpi eq, %and3A_1749, %eq3A_1751 : vector<8x4096xi32>
    %roll3A_1753 = arith.constant 3968 : i32
    %roll3A_1754 = tpu.dynamic_rotate %select_n3A_1745 by %roll3A_1753 dim 1 : vector<8x4096xf32>, i32 -> vector<8x4096xf32>
    %roll3A_1755 = arith.constant 128 : i32
    %roll3A_1756 = tpu.dynamic_rotate %select_n3A_1745 by %roll3A_1755 dim 1 : vector<8x4096xf32>, i32 -> vector<8x4096xf32>
    %select_n3A_1757 = arith.select %eq3A_1752, %roll3A_1754, %roll3A_1756 : vector<8x4096xi1>, vector<8x4096xf32>
    %roll3A_1758 = arith.constant 3968 : i32
    %roll3A_1759 = tpu.dynamic_rotate %select_n3A_1746 by %roll3A_1758 dim 1 : vector<8x4096xi32>, i32 -> vector<8x4096xi32>
    %roll3A_1760 = arith.constant 128 : i32
    %roll3A_1761 = tpu.dynamic_rotate %select_n3A_1746 by %roll3A_1760 dim 1 : vector<8x4096xi32>, i32 -> vector<8x4096xi32>
    %select_n3A_1762 = arith.select %eq3A_1752, %roll3A_1759, %roll3A_1761 : vector<8x4096xi1>, vector<8x4096xi32>
    %gt3A_1763 = arith.cmpf ogt, %select_n3A_1745, %select_n3A_1757 : vector<8x4096xf32>
    %eq3A_1764 = arith.cmpf oeq, %select_n3A_1745, %select_n3A_1757 : vector<8x4096xf32>
    %lt3A_1765 = arith.cmpi slt, %select_n3A_1746, %select_n3A_1762 : vector<8x4096xi32>
    %and3A_1766 = arith.andi %eq3A_1764, %lt3A_1765 : vector<8x4096xi1>
    %or3A_1767 = arith.ori %gt3A_1763, %and3A_1766 : vector<8x4096xi1>
    %eq3A_1768 = arith.xori %eq3A_1659, %eq3A_1752 : vector<8x4096xi1>
    %eq3A_1769 = arith.constant dense<true> : vector<8x4096xi1>
    %eq3A_1770 = arith.xori %eq3A_1768, %eq3A_1769 : vector<8x4096xi1>
    %eq3A_1771 = arith.xori %or3A_1767, %eq3A_1770 : vector<8x4096xi1>
    %eq3A_1772 = arith.constant dense<true> : vector<8x4096xi1>
    %eq3A_1773 = arith.xori %eq3A_1771, %eq3A_1772 : vector<8x4096xi1>
    %select_n3A_1774 = arith.select %eq3A_1773, %select_n3A_1745, %select_n3A_1757 : vector<8x4096xi1>, vector<8x4096xf32>
    %select_n3A_1775 = arith.select %eq3A_1773, %select_n3A_1746, %select_n3A_1762 : vector<8x4096xi1>, vector<8x4096xi32>
    %and3A_1776 = arith.constant 64 : i32
    %and3A_1777 = vector.broadcast %and3A_1776 : i32 to vector<8x4096xi32>
    %and3A_1778 = arith.andi %iota3A, %and3A_1777 : vector<8x4096xi32>
    %eq3A_1779 = arith.constant 0 : i32
    %eq3A_1780 = vector.broadcast %eq3A_1779 : i32 to vector<8x4096xi32>
    %eq3A_1781 = arith.cmpi eq, %and3A_1778, %eq3A_1780 : vector<8x4096xi32>
    %roll3A_1782 = arith.constant 4032 : i32
    %roll3A_1783 = tpu.dynamic_rotate %select_n3A_1774 by %roll3A_1782 dim 1 : vector<8x4096xf32>, i32 -> vector<8x4096xf32>
    %roll3A_1784 = arith.constant 64 : i32
    %roll3A_1785 = tpu.dynamic_rotate %select_n3A_1774 by %roll3A_1784 dim 1 : vector<8x4096xf32>, i32 -> vector<8x4096xf32>
    %select_n3A_1786 = arith.select %eq3A_1781, %roll3A_1783, %roll3A_1785 : vector<8x4096xi1>, vector<8x4096xf32>
    %roll3A_1787 = arith.constant 4032 : i32
    %roll3A_1788 = tpu.dynamic_rotate %select_n3A_1775 by %roll3A_1787 dim 1 : vector<8x4096xi32>, i32 -> vector<8x4096xi32>
    %roll3A_1789 = arith.constant 64 : i32
    %roll3A_1790 = tpu.dynamic_rotate %select_n3A_1775 by %roll3A_1789 dim 1 : vector<8x4096xi32>, i32 -> vector<8x4096xi32>
    %select_n3A_1791 = arith.select %eq3A_1781, %roll3A_1788, %roll3A_1790 : vector<8x4096xi1>, vector<8x4096xi32>
    %gt3A_1792 = arith.cmpf ogt, %select_n3A_1774, %select_n3A_1786 : vector<8x4096xf32>
    %eq3A_1793 = arith.cmpf oeq, %select_n3A_1774, %select_n3A_1786 : vector<8x4096xf32>
    %lt3A_1794 = arith.cmpi slt, %select_n3A_1775, %select_n3A_1791 : vector<8x4096xi32>
    %and3A_1795 = arith.andi %eq3A_1793, %lt3A_1794 : vector<8x4096xi1>
    %or3A_1796 = arith.ori %gt3A_1792, %and3A_1795 : vector<8x4096xi1>
    %eq3A_1797 = arith.xori %eq3A_1659, %eq3A_1781 : vector<8x4096xi1>
    %eq3A_1798 = arith.constant dense<true> : vector<8x4096xi1>
    %eq3A_1799 = arith.xori %eq3A_1797, %eq3A_1798 : vector<8x4096xi1>
    %eq3A_1800 = arith.xori %or3A_1796, %eq3A_1799 : vector<8x4096xi1>
    %eq3A_1801 = arith.constant dense<true> : vector<8x4096xi1>
    %eq3A_1802 = arith.xori %eq3A_1800, %eq3A_1801 : vector<8x4096xi1>
    %select_n3A_1803 = arith.select %eq3A_1802, %select_n3A_1774, %select_n3A_1786 : vector<8x4096xi1>, vector<8x4096xf32>
    %select_n3A_1804 = arith.select %eq3A_1802, %select_n3A_1775, %select_n3A_1791 : vector<8x4096xi1>, vector<8x4096xi32>
    %and3A_1805 = arith.constant 32 : i32
    %and3A_1806 = vector.broadcast %and3A_1805 : i32 to vector<8x4096xi32>
    %and3A_1807 = arith.andi %iota3A, %and3A_1806 : vector<8x4096xi32>
    %eq3A_1808 = arith.constant 0 : i32
    %eq3A_1809 = vector.broadcast %eq3A_1808 : i32 to vector<8x4096xi32>
    %eq3A_1810 = arith.cmpi eq, %and3A_1807, %eq3A_1809 : vector<8x4096xi32>
    %roll3A_1811 = arith.constant 4064 : i32
    %roll3A_1812 = tpu.dynamic_rotate %select_n3A_1803 by %roll3A_1811 dim 1 : vector<8x4096xf32>, i32 -> vector<8x4096xf32>
    %roll3A_1813 = arith.constant 32 : i32
    %roll3A_1814 = tpu.dynamic_rotate %select_n3A_1803 by %roll3A_1813 dim 1 : vector<8x4096xf32>, i32 -> vector<8x4096xf32>
    %select_n3A_1815 = arith.select %eq3A_1810, %roll3A_1812, %roll3A_1814 : vector<8x4096xi1>, vector<8x4096xf32>
    %roll3A_1816 = arith.constant 4064 : i32
    %roll3A_1817 = tpu.dynamic_rotate %select_n3A_1804 by %roll3A_1816 dim 1 : vector<8x4096xi32>, i32 -> vector<8x4096xi32>
    %roll3A_1818 = arith.constant 32 : i32
    %roll3A_1819 = tpu.dynamic_rotate %select_n3A_1804 by %roll3A_1818 dim 1 : vector<8x4096xi32>, i32 -> vector<8x4096xi32>
    %select_n3A_1820 = arith.select %eq3A_1810, %roll3A_1817, %roll3A_1819 : vector<8x4096xi1>, vector<8x4096xi32>
    %gt3A_1821 = arith.cmpf ogt, %select_n3A_1803, %select_n3A_1815 : vector<8x4096xf32>
    %eq3A_1822 = arith.cmpf oeq, %select_n3A_1803, %select_n3A_1815 : vector<8x4096xf32>
    %lt3A_1823 = arith.cmpi slt, %select_n3A_1804, %select_n3A_1820 : vector<8x4096xi32>
    %and3A_1824 = arith.andi %eq3A_1822, %lt3A_1823 : vector<8x4096xi1>
    %or3A_1825 = arith.ori %gt3A_1821, %and3A_1824 : vector<8x4096xi1>
    %eq3A_1826 = arith.xori %eq3A_1659, %eq3A_1810 : vector<8x4096xi1>
    %eq3A_1827 = arith.constant dense<true> : vector<8x4096xi1>
    %eq3A_1828 = arith.xori %eq3A_1826, %eq3A_1827 : vector<8x4096xi1>
    %eq3A_1829 = arith.xori %or3A_1825, %eq3A_1828 : vector<8x4096xi1>
    %eq3A_1830 = arith.constant dense<true> : vector<8x4096xi1>
    %eq3A_1831 = arith.xori %eq3A_1829, %eq3A_1830 : vector<8x4096xi1>
    %select_n3A_1832 = arith.select %eq3A_1831, %select_n3A_1803, %select_n3A_1815 : vector<8x4096xi1>, vector<8x4096xf32>
    %select_n3A_1833 = arith.select %eq3A_1831, %select_n3A_1804, %select_n3A_1820 : vector<8x4096xi1>, vector<8x4096xi32>
    %and3A_1834 = arith.constant 16 : i32
    %and3A_1835 = vector.broadcast %and3A_1834 : i32 to vector<8x4096xi32>
    %and3A_1836 = arith.andi %iota3A, %and3A_1835 : vector<8x4096xi32>
    %eq3A_1837 = arith.constant 0 : i32
    %eq3A_1838 = vector.broadcast %eq3A_1837 : i32 to vector<8x4096xi32>
    %eq3A_1839 = arith.cmpi eq, %and3A_1836, %eq3A_1838 : vector<8x4096xi32>
    %roll3A_1840 = arith.constant 4080 : i32
    %roll3A_1841 = tpu.dynamic_rotate %select_n3A_1832 by %roll3A_1840 dim 1 : vector<8x4096xf32>, i32 -> vector<8x4096xf32>
    %roll3A_1842 = arith.constant 16 : i32
    %roll3A_1843 = tpu.dynamic_rotate %select_n3A_1832 by %roll3A_1842 dim 1 : vector<8x4096xf32>, i32 -> vector<8x4096xf32>
    %select_n3A_1844 = arith.select %eq3A_1839, %roll3A_1841, %roll3A_1843 : vector<8x4096xi1>, vector<8x4096xf32>
    %roll3A_1845 = arith.constant 4080 : i32
    %roll3A_1846 = tpu.dynamic_rotate %select_n3A_1833 by %roll3A_1845 dim 1 : vector<8x4096xi32>, i32 -> vector<8x4096xi32>
    %roll3A_1847 = arith.constant 16 : i32
    %roll3A_1848 = tpu.dynamic_rotate %select_n3A_1833 by %roll3A_1847 dim 1 : vector<8x4096xi32>, i32 -> vector<8x4096xi32>
    %select_n3A_1849 = arith.select %eq3A_1839, %roll3A_1846, %roll3A_1848 : vector<8x4096xi1>, vector<8x4096xi32>
    %gt3A_1850 = arith.cmpf ogt, %select_n3A_1832, %select_n3A_1844 : vector<8x4096xf32>
    %eq3A_1851 = arith.cmpf oeq, %select_n3A_1832, %select_n3A_1844 : vector<8x4096xf32>
    %lt3A_1852 = arith.cmpi slt, %select_n3A_1833, %select_n3A_1849 : vector<8x4096xi32>
    %and3A_1853 = arith.andi %eq3A_1851, %lt3A_1852 : vector<8x4096xi1>
    %or3A_1854 = arith.ori %gt3A_1850, %and3A_1853 : vector<8x4096xi1>
    %eq3A_1855 = arith.xori %eq3A_1659, %eq3A_1839 : vector<8x4096xi1>
    %eq3A_1856 = arith.constant dense<true> : vector<8x4096xi1>
    %eq3A_1857 = arith.xori %eq3A_1855, %eq3A_1856 : vector<8x4096xi1>
    %eq3A_1858 = arith.xori %or3A_1854, %eq3A_1857 : vector<8x4096xi1>
    %eq3A_1859 = arith.constant dense<true> : vector<8x4096xi1>
    %eq3A_1860 = arith.xori %eq3A_1858, %eq3A_1859 : vector<8x4096xi1>
    %select_n3A_1861 = arith.select %eq3A_1860, %select_n3A_1832, %select_n3A_1844 : vector<8x4096xi1>, vector<8x4096xf32>
    %select_n3A_1862 = arith.select %eq3A_1860, %select_n3A_1833, %select_n3A_1849 : vector<8x4096xi1>, vector<8x4096xi32>
    %and3A_1863 = arith.constant 8 : i32
    %and3A_1864 = vector.broadcast %and3A_1863 : i32 to vector<8x4096xi32>
    %and3A_1865 = arith.andi %iota3A, %and3A_1864 : vector<8x4096xi32>
    %eq3A_1866 = arith.constant 0 : i32
    %eq3A_1867 = vector.broadcast %eq3A_1866 : i32 to vector<8x4096xi32>
    %eq3A_1868 = arith.cmpi eq, %and3A_1865, %eq3A_1867 : vector<8x4096xi32>
    %roll3A_1869 = arith.constant 4088 : i32
    %roll3A_1870 = tpu.dynamic_rotate %select_n3A_1861 by %roll3A_1869 dim 1 : vector<8x4096xf32>, i32 -> vector<8x4096xf32>
    %roll3A_1871 = arith.constant 8 : i32
    %roll3A_1872 = tpu.dynamic_rotate %select_n3A_1861 by %roll3A_1871 dim 1 : vector<8x4096xf32>, i32 -> vector<8x4096xf32>
    %select_n3A_1873 = arith.select %eq3A_1868, %roll3A_1870, %roll3A_1872 : vector<8x4096xi1>, vector<8x4096xf32>
    %roll3A_1874 = arith.constant 4088 : i32
    %roll3A_1875 = tpu.dynamic_rotate %select_n3A_1862 by %roll3A_1874 dim 1 : vector<8x4096xi32>, i32 -> vector<8x4096xi32>
    %roll3A_1876 = arith.constant 8 : i32
    %roll3A_1877 = tpu.dynamic_rotate %select_n3A_1862 by %roll3A_1876 dim 1 : vector<8x4096xi32>, i32 -> vector<8x4096xi32>
    %select_n3A_1878 = arith.select %eq3A_1868, %roll3A_1875, %roll3A_1877 : vector<8x4096xi1>, vector<8x4096xi32>
    %gt3A_1879 = arith.cmpf ogt, %select_n3A_1861, %select_n3A_1873 : vector<8x4096xf32>
    %eq3A_1880 = arith.cmpf oeq, %select_n3A_1861, %select_n3A_1873 : vector<8x4096xf32>
    %lt3A_1881 = arith.cmpi slt, %select_n3A_1862, %select_n3A_1878 : vector<8x4096xi32>
    %and3A_1882 = arith.andi %eq3A_1880, %lt3A_1881 : vector<8x4096xi1>
    %or3A_1883 = arith.ori %gt3A_1879, %and3A_1882 : vector<8x4096xi1>
    %eq3A_1884 = arith.xori %eq3A_1659, %eq3A_1868 : vector<8x4096xi1>
    %eq3A_1885 = arith.constant dense<true> : vector<8x4096xi1>
    %eq3A_1886 = arith.xori %eq3A_1884, %eq3A_1885 : vector<8x4096xi1>
    %eq3A_1887 = arith.xori %or3A_1883, %eq3A_1886 : vector<8x4096xi1>
    %eq3A_1888 = arith.constant dense<true> : vector<8x4096xi1>
    %eq3A_1889 = arith.xori %eq3A_1887, %eq3A_1888 : vector<8x4096xi1>
    %select_n3A_1890 = arith.select %eq3A_1889, %select_n3A_1861, %select_n3A_1873 : vector<8x4096xi1>, vector<8x4096xf32>
    %select_n3A_1891 = arith.select %eq3A_1889, %select_n3A_1862, %select_n3A_1878 : vector<8x4096xi1>, vector<8x4096xi32>
    %and3A_1892 = arith.constant 4 : i32
    %and3A_1893 = vector.broadcast %and3A_1892 : i32 to vector<8x4096xi32>
    %and3A_1894 = arith.andi %iota3A, %and3A_1893 : vector<8x4096xi32>
    %eq3A_1895 = arith.constant 0 : i32
    %eq3A_1896 = vector.broadcast %eq3A_1895 : i32 to vector<8x4096xi32>
    %eq3A_1897 = arith.cmpi eq, %and3A_1894, %eq3A_1896 : vector<8x4096xi32>
    %roll3A_1898 = arith.constant 4092 : i32
    %roll3A_1899 = tpu.dynamic_rotate %select_n3A_1890 by %roll3A_1898 dim 1 : vector<8x4096xf32>, i32 -> vector<8x4096xf32>
    %roll3A_1900 = arith.constant 4 : i32
    %roll3A_1901 = tpu.dynamic_rotate %select_n3A_1890 by %roll3A_1900 dim 1 : vector<8x4096xf32>, i32 -> vector<8x4096xf32>
    %select_n3A_1902 = arith.select %eq3A_1897, %roll3A_1899, %roll3A_1901 : vector<8x4096xi1>, vector<8x4096xf32>
    %roll3A_1903 = arith.constant 4092 : i32
    %roll3A_1904 = tpu.dynamic_rotate %select_n3A_1891 by %roll3A_1903 dim 1 : vector<8x4096xi32>, i32 -> vector<8x4096xi32>
    %roll3A_1905 = arith.constant 4 : i32
    %roll3A_1906 = tpu.dynamic_rotate %select_n3A_1891 by %roll3A_1905 dim 1 : vector<8x4096xi32>, i32 -> vector<8x4096xi32>
    %select_n3A_1907 = arith.select %eq3A_1897, %roll3A_1904, %roll3A_1906 : vector<8x4096xi1>, vector<8x4096xi32>
    %gt3A_1908 = arith.cmpf ogt, %select_n3A_1890, %select_n3A_1902 : vector<8x4096xf32>
    %eq3A_1909 = arith.cmpf oeq, %select_n3A_1890, %select_n3A_1902 : vector<8x4096xf32>
    %lt3A_1910 = arith.cmpi slt, %select_n3A_1891, %select_n3A_1907 : vector<8x4096xi32>
    %and3A_1911 = arith.andi %eq3A_1909, %lt3A_1910 : vector<8x4096xi1>
    %or3A_1912 = arith.ori %gt3A_1908, %and3A_1911 : vector<8x4096xi1>
    %eq3A_1913 = arith.xori %eq3A_1659, %eq3A_1897 : vector<8x4096xi1>
    %eq3A_1914 = arith.constant dense<true> : vector<8x4096xi1>
    %eq3A_1915 = arith.xori %eq3A_1913, %eq3A_1914 : vector<8x4096xi1>
    %eq3A_1916 = arith.xori %or3A_1912, %eq3A_1915 : vector<8x4096xi1>
    %eq3A_1917 = arith.constant dense<true> : vector<8x4096xi1>
    %eq3A_1918 = arith.xori %eq3A_1916, %eq3A_1917 : vector<8x4096xi1>
    %select_n3A_1919 = arith.select %eq3A_1918, %select_n3A_1890, %select_n3A_1902 : vector<8x4096xi1>, vector<8x4096xf32>
    %select_n3A_1920 = arith.select %eq3A_1918, %select_n3A_1891, %select_n3A_1907 : vector<8x4096xi1>, vector<8x4096xi32>
    %and3A_1921 = arith.constant 2 : i32
    %and3A_1922 = vector.broadcast %and3A_1921 : i32 to vector<8x4096xi32>
    %and3A_1923 = arith.andi %iota3A, %and3A_1922 : vector<8x4096xi32>
    %eq3A_1924 = arith.constant 0 : i32
    %eq3A_1925 = vector.broadcast %eq3A_1924 : i32 to vector<8x4096xi32>
    %eq3A_1926 = arith.cmpi eq, %and3A_1923, %eq3A_1925 : vector<8x4096xi32>
    %roll3A_1927 = arith.constant 4094 : i32
    %roll3A_1928 = tpu.dynamic_rotate %select_n3A_1919 by %roll3A_1927 dim 1 : vector<8x4096xf32>, i32 -> vector<8x4096xf32>
    %roll3A_1929 = arith.constant 2 : i32
    %roll3A_1930 = tpu.dynamic_rotate %select_n3A_1919 by %roll3A_1929 dim 1 : vector<8x4096xf32>, i32 -> vector<8x4096xf32>
    %select_n3A_1931 = arith.select %eq3A_1926, %roll3A_1928, %roll3A_1930 : vector<8x4096xi1>, vector<8x4096xf32>
    %roll3A_1932 = arith.constant 4094 : i32
    %roll3A_1933 = tpu.dynamic_rotate %select_n3A_1920 by %roll3A_1932 dim 1 : vector<8x4096xi32>, i32 -> vector<8x4096xi32>
    %roll3A_1934 = arith.constant 2 : i32
    %roll3A_1935 = tpu.dynamic_rotate %select_n3A_1920 by %roll3A_1934 dim 1 : vector<8x4096xi32>, i32 -> vector<8x4096xi32>
    %select_n3A_1936 = arith.select %eq3A_1926, %roll3A_1933, %roll3A_1935 : vector<8x4096xi1>, vector<8x4096xi32>
    %gt3A_1937 = arith.cmpf ogt, %select_n3A_1919, %select_n3A_1931 : vector<8x4096xf32>
    %eq3A_1938 = arith.cmpf oeq, %select_n3A_1919, %select_n3A_1931 : vector<8x4096xf32>
    %lt3A_1939 = arith.cmpi slt, %select_n3A_1920, %select_n3A_1936 : vector<8x4096xi32>
    %and3A_1940 = arith.andi %eq3A_1938, %lt3A_1939 : vector<8x4096xi1>
    %or3A_1941 = arith.ori %gt3A_1937, %and3A_1940 : vector<8x4096xi1>
    %eq3A_1942 = arith.xori %eq3A_1659, %eq3A_1926 : vector<8x4096xi1>
    %eq3A_1943 = arith.constant dense<true> : vector<8x4096xi1>
    %eq3A_1944 = arith.xori %eq3A_1942, %eq3A_1943 : vector<8x4096xi1>
    %eq3A_1945 = arith.xori %or3A_1941, %eq3A_1944 : vector<8x4096xi1>
    %eq3A_1946 = arith.constant dense<true> : vector<8x4096xi1>
    %eq3A_1947 = arith.xori %eq3A_1945, %eq3A_1946 : vector<8x4096xi1>
    %select_n3A_1948 = arith.select %eq3A_1947, %select_n3A_1919, %select_n3A_1931 : vector<8x4096xi1>, vector<8x4096xf32>
    %select_n3A_1949 = arith.select %eq3A_1947, %select_n3A_1920, %select_n3A_1936 : vector<8x4096xi1>, vector<8x4096xi32>
    %and3A_1950 = arith.constant 1 : i32
    %and3A_1951 = vector.broadcast %and3A_1950 : i32 to vector<8x4096xi32>
    %and3A_1952 = arith.andi %iota3A, %and3A_1951 : vector<8x4096xi32>
    %eq3A_1953 = arith.constant 0 : i32
    %eq3A_1954 = vector.broadcast %eq3A_1953 : i32 to vector<8x4096xi32>
    %eq3A_1955 = arith.cmpi eq, %and3A_1952, %eq3A_1954 : vector<8x4096xi32>
    %roll3A_1956 = arith.constant 4095 : i32
    %roll3A_1957 = tpu.dynamic_rotate %select_n3A_1948 by %roll3A_1956 dim 1 : vector<8x4096xf32>, i32 -> vector<8x4096xf32>
    %roll3A_1958 = arith.constant 1 : i32
    %roll3A_1959 = tpu.dynamic_rotate %select_n3A_1948 by %roll3A_1958 dim 1 : vector<8x4096xf32>, i32 -> vector<8x4096xf32>
    %select_n3A_1960 = arith.select %eq3A_1955, %roll3A_1957, %roll3A_1959 : vector<8x4096xi1>, vector<8x4096xf32>
    %roll3A_1961 = arith.constant 4095 : i32
    %roll3A_1962 = tpu.dynamic_rotate %select_n3A_1949 by %roll3A_1961 dim 1 : vector<8x4096xi32>, i32 -> vector<8x4096xi32>
    %roll3A_1963 = arith.constant 1 : i32
    %roll3A_1964 = tpu.dynamic_rotate %select_n3A_1949 by %roll3A_1963 dim 1 : vector<8x4096xi32>, i32 -> vector<8x4096xi32>
    %select_n3A_1965 = arith.select %eq3A_1955, %roll3A_1962, %roll3A_1964 : vector<8x4096xi1>, vector<8x4096xi32>
    %gt3A_1966 = arith.cmpf ogt, %select_n3A_1948, %select_n3A_1960 : vector<8x4096xf32>
    %eq3A_1967 = arith.cmpf oeq, %select_n3A_1948, %select_n3A_1960 : vector<8x4096xf32>
    %lt3A_1968 = arith.cmpi slt, %select_n3A_1949, %select_n3A_1965 : vector<8x4096xi32>
    %and3A_1969 = arith.andi %eq3A_1967, %lt3A_1968 : vector<8x4096xi1>
    %or3A_1970 = arith.ori %gt3A_1966, %and3A_1969 : vector<8x4096xi1>
    %eq3A_1971 = arith.xori %eq3A_1659, %eq3A_1955 : vector<8x4096xi1>
    %eq3A_1972 = arith.constant dense<true> : vector<8x4096xi1>
    %eq3A_1973 = arith.xori %eq3A_1971, %eq3A_1972 : vector<8x4096xi1>
    %eq3A_1974 = arith.xori %or3A_1970, %eq3A_1973 : vector<8x4096xi1>
    %eq3A_1975 = arith.constant dense<true> : vector<8x4096xi1>
    %eq3A_1976 = arith.xori %eq3A_1974, %eq3A_1975 : vector<8x4096xi1>
    %select_n3A_1977 = arith.select %eq3A_1976, %select_n3A_1948, %select_n3A_1960 : vector<8x4096xi1>, vector<8x4096xf32>
    %select_n3A_1978 = arith.select %eq3A_1976, %select_n3A_1949, %select_n3A_1965 : vector<8x4096xi1>, vector<8x4096xi32>
    %and3A_1979 = arith.constant 4096 : i32
    %and3A_1980 = vector.broadcast %and3A_1979 : i32 to vector<8x4096xi32>
    %and3A_1981 = arith.andi %iota3A, %and3A_1980 : vector<8x4096xi32>
    %eq3A_1982 = arith.constant 0 : i32
    %eq3A_1983 = vector.broadcast %eq3A_1982 : i32 to vector<8x4096xi32>
    %eq3A_1984 = arith.cmpi eq, %and3A_1981, %eq3A_1983 : vector<8x4096xi32>
    %and3A_1985 = arith.constant 2048 : i32
    %and3A_1986 = vector.broadcast %and3A_1985 : i32 to vector<8x4096xi32>
    %and3A_1987 = arith.andi %iota3A, %and3A_1986 : vector<8x4096xi32>
    %eq3A_1988 = arith.constant 0 : i32
    %eq3A_1989 = vector.broadcast %eq3A_1988 : i32 to vector<8x4096xi32>
    %eq3A_1990 = arith.cmpi eq, %and3A_1987, %eq3A_1989 : vector<8x4096xi32>
    %roll3A_1991 = arith.constant 2048 : i32
    %roll3A_1992 = tpu.dynamic_rotate %select_n3A_1977 by %roll3A_1991 dim 1 : vector<8x4096xf32>, i32 -> vector<8x4096xf32>
    %roll3A_1993 = arith.constant 2048 : i32
    %roll3A_1994 = tpu.dynamic_rotate %select_n3A_1977 by %roll3A_1993 dim 1 : vector<8x4096xf32>, i32 -> vector<8x4096xf32>
    %select_n3A_1995 = arith.select %eq3A_1990, %roll3A_1992, %roll3A_1994 : vector<8x4096xi1>, vector<8x4096xf32>
    %roll3A_1996 = arith.constant 2048 : i32
    %roll3A_1997 = tpu.dynamic_rotate %select_n3A_1978 by %roll3A_1996 dim 1 : vector<8x4096xi32>, i32 -> vector<8x4096xi32>
    %roll3A_1998 = arith.constant 2048 : i32
    %roll3A_1999 = tpu.dynamic_rotate %select_n3A_1978 by %roll3A_1998 dim 1 : vector<8x4096xi32>, i32 -> vector<8x4096xi32>
    %select_n3A_2000 = arith.select %eq3A_1990, %roll3A_1997, %roll3A_1999 : vector<8x4096xi1>, vector<8x4096xi32>
    %gt3A_2001 = arith.cmpf ogt, %select_n3A_1977, %select_n3A_1995 : vector<8x4096xf32>
    %eq3A_2002 = arith.cmpf oeq, %select_n3A_1977, %select_n3A_1995 : vector<8x4096xf32>
    %lt3A_2003 = arith.cmpi slt, %select_n3A_1978, %select_n3A_2000 : vector<8x4096xi32>
    %and3A_2004 = arith.andi %eq3A_2002, %lt3A_2003 : vector<8x4096xi1>
    %or3A_2005 = arith.ori %gt3A_2001, %and3A_2004 : vector<8x4096xi1>
    %eq3A_2006 = arith.xori %eq3A_1984, %eq3A_1990 : vector<8x4096xi1>
    %eq3A_2007 = arith.constant dense<true> : vector<8x4096xi1>
    %eq3A_2008 = arith.xori %eq3A_2006, %eq3A_2007 : vector<8x4096xi1>
    %eq3A_2009 = arith.xori %or3A_2005, %eq3A_2008 : vector<8x4096xi1>
    %eq3A_2010 = arith.constant dense<true> : vector<8x4096xi1>
    %eq3A_2011 = arith.xori %eq3A_2009, %eq3A_2010 : vector<8x4096xi1>
    %select_n3A_2012 = arith.select %eq3A_2011, %select_n3A_1977, %select_n3A_1995 : vector<8x4096xi1>, vector<8x4096xf32>
    %select_n3A_2013 = arith.select %eq3A_2011, %select_n3A_1978, %select_n3A_2000 : vector<8x4096xi1>, vector<8x4096xi32>
    %and3A_2014 = arith.constant 1024 : i32
    %and3A_2015 = vector.broadcast %and3A_2014 : i32 to vector<8x4096xi32>
    %and3A_2016 = arith.andi %iota3A, %and3A_2015 : vector<8x4096xi32>
    %eq3A_2017 = arith.constant 0 : i32
    %eq3A_2018 = vector.broadcast %eq3A_2017 : i32 to vector<8x4096xi32>
    %eq3A_2019 = arith.cmpi eq, %and3A_2016, %eq3A_2018 : vector<8x4096xi32>
    %roll3A_2020 = arith.constant 3072 : i32
    %roll3A_2021 = tpu.dynamic_rotate %select_n3A_2012 by %roll3A_2020 dim 1 : vector<8x4096xf32>, i32 -> vector<8x4096xf32>
    %roll3A_2022 = arith.constant 1024 : i32
    %roll3A_2023 = tpu.dynamic_rotate %select_n3A_2012 by %roll3A_2022 dim 1 : vector<8x4096xf32>, i32 -> vector<8x4096xf32>
    %select_n3A_2024 = arith.select %eq3A_2019, %roll3A_2021, %roll3A_2023 : vector<8x4096xi1>, vector<8x4096xf32>
    %roll3A_2025 = arith.constant 3072 : i32
    %roll3A_2026 = tpu.dynamic_rotate %select_n3A_2013 by %roll3A_2025 dim 1 : vector<8x4096xi32>, i32 -> vector<8x4096xi32>
    %roll3A_2027 = arith.constant 1024 : i32
    %roll3A_2028 = tpu.dynamic_rotate %select_n3A_2013 by %roll3A_2027 dim 1 : vector<8x4096xi32>, i32 -> vector<8x4096xi32>
    %select_n3A_2029 = arith.select %eq3A_2019, %roll3A_2026, %roll3A_2028 : vector<8x4096xi1>, vector<8x4096xi32>
    %gt3A_2030 = arith.cmpf ogt, %select_n3A_2012, %select_n3A_2024 : vector<8x4096xf32>
    %eq3A_2031 = arith.cmpf oeq, %select_n3A_2012, %select_n3A_2024 : vector<8x4096xf32>
    %lt3A_2032 = arith.cmpi slt, %select_n3A_2013, %select_n3A_2029 : vector<8x4096xi32>
    %and3A_2033 = arith.andi %eq3A_2031, %lt3A_2032 : vector<8x4096xi1>
    %or3A_2034 = arith.ori %gt3A_2030, %and3A_2033 : vector<8x4096xi1>
    %eq3A_2035 = arith.xori %eq3A_1984, %eq3A_2019 : vector<8x4096xi1>
    %eq3A_2036 = arith.constant dense<true> : vector<8x4096xi1>
    %eq3A_2037 = arith.xori %eq3A_2035, %eq3A_2036 : vector<8x4096xi1>
    %eq3A_2038 = arith.xori %or3A_2034, %eq3A_2037 : vector<8x4096xi1>
    %eq3A_2039 = arith.constant dense<true> : vector<8x4096xi1>
    %eq3A_2040 = arith.xori %eq3A_2038, %eq3A_2039 : vector<8x4096xi1>
    %select_n3A_2041 = arith.select %eq3A_2040, %select_n3A_2012, %select_n3A_2024 : vector<8x4096xi1>, vector<8x4096xf32>
    %select_n3A_2042 = arith.select %eq3A_2040, %select_n3A_2013, %select_n3A_2029 : vector<8x4096xi1>, vector<8x4096xi32>
    %and3A_2043 = arith.constant 512 : i32
    %and3A_2044 = vector.broadcast %and3A_2043 : i32 to vector<8x4096xi32>
    %and3A_2045 = arith.andi %iota3A, %and3A_2044 : vector<8x4096xi32>
    %eq3A_2046 = arith.constant 0 : i32
    %eq3A_2047 = vector.broadcast %eq3A_2046 : i32 to vector<8x4096xi32>
    %eq3A_2048 = arith.cmpi eq, %and3A_2045, %eq3A_2047 : vector<8x4096xi32>
    %roll3A_2049 = arith.constant 3584 : i32
    %roll3A_2050 = tpu.dynamic_rotate %select_n3A_2041 by %roll3A_2049 dim 1 : vector<8x4096xf32>, i32 -> vector<8x4096xf32>
    %roll3A_2051 = arith.constant 512 : i32
    %roll3A_2052 = tpu.dynamic_rotate %select_n3A_2041 by %roll3A_2051 dim 1 : vector<8x4096xf32>, i32 -> vector<8x4096xf32>
    %select_n3A_2053 = arith.select %eq3A_2048, %roll3A_2050, %roll3A_2052 : vector<8x4096xi1>, vector<8x4096xf32>
    %roll3A_2054 = arith.constant 3584 : i32
    %roll3A_2055 = tpu.dynamic_rotate %select_n3A_2042 by %roll3A_2054 dim 1 : vector<8x4096xi32>, i32 -> vector<8x4096xi32>
    %roll3A_2056 = arith.constant 512 : i32
    %roll3A_2057 = tpu.dynamic_rotate %select_n3A_2042 by %roll3A_2056 dim 1 : vector<8x4096xi32>, i32 -> vector<8x4096xi32>
    %select_n3A_2058 = arith.select %eq3A_2048, %roll3A_2055, %roll3A_2057 : vector<8x4096xi1>, vector<8x4096xi32>
    %gt3A_2059 = arith.cmpf ogt, %select_n3A_2041, %select_n3A_2053 : vector<8x4096xf32>
    %eq3A_2060 = arith.cmpf oeq, %select_n3A_2041, %select_n3A_2053 : vector<8x4096xf32>
    %lt3A_2061 = arith.cmpi slt, %select_n3A_2042, %select_n3A_2058 : vector<8x4096xi32>
    %and3A_2062 = arith.andi %eq3A_2060, %lt3A_2061 : vector<8x4096xi1>
    %or3A_2063 = arith.ori %gt3A_2059, %and3A_2062 : vector<8x4096xi1>
    %eq3A_2064 = arith.xori %eq3A_1984, %eq3A_2048 : vector<8x4096xi1>
    %eq3A_2065 = arith.constant dense<true> : vector<8x4096xi1>
    %eq3A_2066 = arith.xori %eq3A_2064, %eq3A_2065 : vector<8x4096xi1>
    %eq3A_2067 = arith.xori %or3A_2063, %eq3A_2066 : vector<8x4096xi1>
    %eq3A_2068 = arith.constant dense<true> : vector<8x4096xi1>
    %eq3A_2069 = arith.xori %eq3A_2067, %eq3A_2068 : vector<8x4096xi1>
    %select_n3A_2070 = arith.select %eq3A_2069, %select_n3A_2041, %select_n3A_2053 : vector<8x4096xi1>, vector<8x4096xf32>
    %select_n3A_2071 = arith.select %eq3A_2069, %select_n3A_2042, %select_n3A_2058 : vector<8x4096xi1>, vector<8x4096xi32>
    %and3A_2072 = arith.constant 256 : i32
    %and3A_2073 = vector.broadcast %and3A_2072 : i32 to vector<8x4096xi32>
    %and3A_2074 = arith.andi %iota3A, %and3A_2073 : vector<8x4096xi32>
    %eq3A_2075 = arith.constant 0 : i32
    %eq3A_2076 = vector.broadcast %eq3A_2075 : i32 to vector<8x4096xi32>
    %eq3A_2077 = arith.cmpi eq, %and3A_2074, %eq3A_2076 : vector<8x4096xi32>
    %roll3A_2078 = arith.constant 3840 : i32
    %roll3A_2079 = tpu.dynamic_rotate %select_n3A_2070 by %roll3A_2078 dim 1 : vector<8x4096xf32>, i32 -> vector<8x4096xf32>
    %roll3A_2080 = arith.constant 256 : i32
    %roll3A_2081 = tpu.dynamic_rotate %select_n3A_2070 by %roll3A_2080 dim 1 : vector<8x4096xf32>, i32 -> vector<8x4096xf32>
    %select_n3A_2082 = arith.select %eq3A_2077, %roll3A_2079, %roll3A_2081 : vector<8x4096xi1>, vector<8x4096xf32>
    %roll3A_2083 = arith.constant 3840 : i32
    %roll3A_2084 = tpu.dynamic_rotate %select_n3A_2071 by %roll3A_2083 dim 1 : vector<8x4096xi32>, i32 -> vector<8x4096xi32>
    %roll3A_2085 = arith.constant 256 : i32
    %roll3A_2086 = tpu.dynamic_rotate %select_n3A_2071 by %roll3A_2085 dim 1 : vector<8x4096xi32>, i32 -> vector<8x4096xi32>
    %select_n3A_2087 = arith.select %eq3A_2077, %roll3A_2084, %roll3A_2086 : vector<8x4096xi1>, vector<8x4096xi32>
    %gt3A_2088 = arith.cmpf ogt, %select_n3A_2070, %select_n3A_2082 : vector<8x4096xf32>
    %eq3A_2089 = arith.cmpf oeq, %select_n3A_2070, %select_n3A_2082 : vector<8x4096xf32>
    %lt3A_2090 = arith.cmpi slt, %select_n3A_2071, %select_n3A_2087 : vector<8x4096xi32>
    %and3A_2091 = arith.andi %eq3A_2089, %lt3A_2090 : vector<8x4096xi1>
    %or3A_2092 = arith.ori %gt3A_2088, %and3A_2091 : vector<8x4096xi1>
    %eq3A_2093 = arith.xori %eq3A_1984, %eq3A_2077 : vector<8x4096xi1>
    %eq3A_2094 = arith.constant dense<true> : vector<8x4096xi1>
    %eq3A_2095 = arith.xori %eq3A_2093, %eq3A_2094 : vector<8x4096xi1>
    %eq3A_2096 = arith.xori %or3A_2092, %eq3A_2095 : vector<8x4096xi1>
    %eq3A_2097 = arith.constant dense<true> : vector<8x4096xi1>
    %eq3A_2098 = arith.xori %eq3A_2096, %eq3A_2097 : vector<8x4096xi1>
    %select_n3A_2099 = arith.select %eq3A_2098, %select_n3A_2070, %select_n3A_2082 : vector<8x4096xi1>, vector<8x4096xf32>
    %select_n3A_2100 = arith.select %eq3A_2098, %select_n3A_2071, %select_n3A_2087 : vector<8x4096xi1>, vector<8x4096xi32>
    %and3A_2101 = arith.constant 128 : i32
    %and3A_2102 = vector.broadcast %and3A_2101 : i32 to vector<8x4096xi32>
    %and3A_2103 = arith.andi %iota3A, %and3A_2102 : vector<8x4096xi32>
    %eq3A_2104 = arith.constant 0 : i32
    %eq3A_2105 = vector.broadcast %eq3A_2104 : i32 to vector<8x4096xi32>
    %eq3A_2106 = arith.cmpi eq, %and3A_2103, %eq3A_2105 : vector<8x4096xi32>
    %roll3A_2107 = arith.constant 3968 : i32
    %roll3A_2108 = tpu.dynamic_rotate %select_n3A_2099 by %roll3A_2107 dim 1 : vector<8x4096xf32>, i32 -> vector<8x4096xf32>
    %roll3A_2109 = arith.constant 128 : i32
    %roll3A_2110 = tpu.dynamic_rotate %select_n3A_2099 by %roll3A_2109 dim 1 : vector<8x4096xf32>, i32 -> vector<8x4096xf32>
    %select_n3A_2111 = arith.select %eq3A_2106, %roll3A_2108, %roll3A_2110 : vector<8x4096xi1>, vector<8x4096xf32>
    %roll3A_2112 = arith.constant 3968 : i32
    %roll3A_2113 = tpu.dynamic_rotate %select_n3A_2100 by %roll3A_2112 dim 1 : vector<8x4096xi32>, i32 -> vector<8x4096xi32>
    %roll3A_2114 = arith.constant 128 : i32
    %roll3A_2115 = tpu.dynamic_rotate %select_n3A_2100 by %roll3A_2114 dim 1 : vector<8x4096xi32>, i32 -> vector<8x4096xi32>
    %select_n3A_2116 = arith.select %eq3A_2106, %roll3A_2113, %roll3A_2115 : vector<8x4096xi1>, vector<8x4096xi32>
    %gt3A_2117 = arith.cmpf ogt, %select_n3A_2099, %select_n3A_2111 : vector<8x4096xf32>
    %eq3A_2118 = arith.cmpf oeq, %select_n3A_2099, %select_n3A_2111 : vector<8x4096xf32>
    %lt3A_2119 = arith.cmpi slt, %select_n3A_2100, %select_n3A_2116 : vector<8x4096xi32>
    %and3A_2120 = arith.andi %eq3A_2118, %lt3A_2119 : vector<8x4096xi1>
    %or3A_2121 = arith.ori %gt3A_2117, %and3A_2120 : vector<8x4096xi1>
    %eq3A_2122 = arith.xori %eq3A_1984, %eq3A_2106 : vector<8x4096xi1>
    %eq3A_2123 = arith.constant dense<true> : vector<8x4096xi1>
    %eq3A_2124 = arith.xori %eq3A_2122, %eq3A_2123 : vector<8x4096xi1>
    %eq3A_2125 = arith.xori %or3A_2121, %eq3A_2124 : vector<8x4096xi1>
    %eq3A_2126 = arith.constant dense<true> : vector<8x4096xi1>
    %eq3A_2127 = arith.xori %eq3A_2125, %eq3A_2126 : vector<8x4096xi1>
    %select_n3A_2128 = arith.select %eq3A_2127, %select_n3A_2099, %select_n3A_2111 : vector<8x4096xi1>, vector<8x4096xf32>
    %select_n3A_2129 = arith.select %eq3A_2127, %select_n3A_2100, %select_n3A_2116 : vector<8x4096xi1>, vector<8x4096xi32>
    %and3A_2130 = arith.constant 64 : i32
    %and3A_2131 = vector.broadcast %and3A_2130 : i32 to vector<8x4096xi32>
    %and3A_2132 = arith.andi %iota3A, %and3A_2131 : vector<8x4096xi32>
    %eq3A_2133 = arith.constant 0 : i32
    %eq3A_2134 = vector.broadcast %eq3A_2133 : i32 to vector<8x4096xi32>
    %eq3A_2135 = arith.cmpi eq, %and3A_2132, %eq3A_2134 : vector<8x4096xi32>
    %roll3A_2136 = arith.constant 4032 : i32
    %roll3A_2137 = tpu.dynamic_rotate %select_n3A_2128 by %roll3A_2136 dim 1 : vector<8x4096xf32>, i32 -> vector<8x4096xf32>
    %roll3A_2138 = arith.constant 64 : i32
    %roll3A_2139 = tpu.dynamic_rotate %select_n3A_2128 by %roll3A_2138 dim 1 : vector<8x4096xf32>, i32 -> vector<8x4096xf32>
    %select_n3A_2140 = arith.select %eq3A_2135, %roll3A_2137, %roll3A_2139 : vector<8x4096xi1>, vector<8x4096xf32>
    %roll3A_2141 = arith.constant 4032 : i32
    %roll3A_2142 = tpu.dynamic_rotate %select_n3A_2129 by %roll3A_2141 dim 1 : vector<8x4096xi32>, i32 -> vector<8x4096xi32>
    %roll3A_2143 = arith.constant 64 : i32
    %roll3A_2144 = tpu.dynamic_rotate %select_n3A_2129 by %roll3A_2143 dim 1 : vector<8x4096xi32>, i32 -> vector<8x4096xi32>
    %select_n3A_2145 = arith.select %eq3A_2135, %roll3A_2142, %roll3A_2144 : vector<8x4096xi1>, vector<8x4096xi32>
    %gt3A_2146 = arith.cmpf ogt, %select_n3A_2128, %select_n3A_2140 : vector<8x4096xf32>
    %eq3A_2147 = arith.cmpf oeq, %select_n3A_2128, %select_n3A_2140 : vector<8x4096xf32>
    %lt3A_2148 = arith.cmpi slt, %select_n3A_2129, %select_n3A_2145 : vector<8x4096xi32>
    %and3A_2149 = arith.andi %eq3A_2147, %lt3A_2148 : vector<8x4096xi1>
    %or3A_2150 = arith.ori %gt3A_2146, %and3A_2149 : vector<8x4096xi1>
    %eq3A_2151 = arith.xori %eq3A_1984, %eq3A_2135 : vector<8x4096xi1>
    %eq3A_2152 = arith.constant dense<true> : vector<8x4096xi1>
    %eq3A_2153 = arith.xori %eq3A_2151, %eq3A_2152 : vector<8x4096xi1>
    %eq3A_2154 = arith.xori %or3A_2150, %eq3A_2153 : vector<8x4096xi1>
    %eq3A_2155 = arith.constant dense<true> : vector<8x4096xi1>
    %eq3A_2156 = arith.xori %eq3A_2154, %eq3A_2155 : vector<8x4096xi1>
    %select_n3A_2157 = arith.select %eq3A_2156, %select_n3A_2128, %select_n3A_2140 : vector<8x4096xi1>, vector<8x4096xf32>
    %select_n3A_2158 = arith.select %eq3A_2156, %select_n3A_2129, %select_n3A_2145 : vector<8x4096xi1>, vector<8x4096xi32>
    %and3A_2159 = arith.constant 32 : i32
    %and3A_2160 = vector.broadcast %and3A_2159 : i32 to vector<8x4096xi32>
    %and3A_2161 = arith.andi %iota3A, %and3A_2160 : vector<8x4096xi32>
    %eq3A_2162 = arith.constant 0 : i32
    %eq3A_2163 = vector.broadcast %eq3A_2162 : i32 to vector<8x4096xi32>
    %eq3A_2164 = arith.cmpi eq, %and3A_2161, %eq3A_2163 : vector<8x4096xi32>
    %roll3A_2165 = arith.constant 4064 : i32
    %roll3A_2166 = tpu.dynamic_rotate %select_n3A_2157 by %roll3A_2165 dim 1 : vector<8x4096xf32>, i32 -> vector<8x4096xf32>
    %roll3A_2167 = arith.constant 32 : i32
    %roll3A_2168 = tpu.dynamic_rotate %select_n3A_2157 by %roll3A_2167 dim 1 : vector<8x4096xf32>, i32 -> vector<8x4096xf32>
    %select_n3A_2169 = arith.select %eq3A_2164, %roll3A_2166, %roll3A_2168 : vector<8x4096xi1>, vector<8x4096xf32>
    %roll3A_2170 = arith.constant 4064 : i32
    %roll3A_2171 = tpu.dynamic_rotate %select_n3A_2158 by %roll3A_2170 dim 1 : vector<8x4096xi32>, i32 -> vector<8x4096xi32>
    %roll3A_2172 = arith.constant 32 : i32
    %roll3A_2173 = tpu.dynamic_rotate %select_n3A_2158 by %roll3A_2172 dim 1 : vector<8x4096xi32>, i32 -> vector<8x4096xi32>
    %select_n3A_2174 = arith.select %eq3A_2164, %roll3A_2171, %roll3A_2173 : vector<8x4096xi1>, vector<8x4096xi32>
    %gt3A_2175 = arith.cmpf ogt, %select_n3A_2157, %select_n3A_2169 : vector<8x4096xf32>
    %eq3A_2176 = arith.cmpf oeq, %select_n3A_2157, %select_n3A_2169 : vector<8x4096xf32>
    %lt3A_2177 = arith.cmpi slt, %select_n3A_2158, %select_n3A_2174 : vector<8x4096xi32>
    %and3A_2178 = arith.andi %eq3A_2176, %lt3A_2177 : vector<8x4096xi1>
    %or3A_2179 = arith.ori %gt3A_2175, %and3A_2178 : vector<8x4096xi1>
    %eq3A_2180 = arith.xori %eq3A_1984, %eq3A_2164 : vector<8x4096xi1>
    %eq3A_2181 = arith.constant dense<true> : vector<8x4096xi1>
    %eq3A_2182 = arith.xori %eq3A_2180, %eq3A_2181 : vector<8x4096xi1>
    %eq3A_2183 = arith.xori %or3A_2179, %eq3A_2182 : vector<8x4096xi1>
    %eq3A_2184 = arith.constant dense<true> : vector<8x4096xi1>
    %eq3A_2185 = arith.xori %eq3A_2183, %eq3A_2184 : vector<8x4096xi1>
    %select_n3A_2186 = arith.select %eq3A_2185, %select_n3A_2157, %select_n3A_2169 : vector<8x4096xi1>, vector<8x4096xf32>
    %select_n3A_2187 = arith.select %eq3A_2185, %select_n3A_2158, %select_n3A_2174 : vector<8x4096xi1>, vector<8x4096xi32>
    %and3A_2188 = arith.constant 16 : i32
    %and3A_2189 = vector.broadcast %and3A_2188 : i32 to vector<8x4096xi32>
    %and3A_2190 = arith.andi %iota3A, %and3A_2189 : vector<8x4096xi32>
    %eq3A_2191 = arith.constant 0 : i32
    %eq3A_2192 = vector.broadcast %eq3A_2191 : i32 to vector<8x4096xi32>
    %eq3A_2193 = arith.cmpi eq, %and3A_2190, %eq3A_2192 : vector<8x4096xi32>
    %roll3A_2194 = arith.constant 4080 : i32
    %roll3A_2195 = tpu.dynamic_rotate %select_n3A_2186 by %roll3A_2194 dim 1 : vector<8x4096xf32>, i32 -> vector<8x4096xf32>
    %roll3A_2196 = arith.constant 16 : i32
    %roll3A_2197 = tpu.dynamic_rotate %select_n3A_2186 by %roll3A_2196 dim 1 : vector<8x4096xf32>, i32 -> vector<8x4096xf32>
    %select_n3A_2198 = arith.select %eq3A_2193, %roll3A_2195, %roll3A_2197 : vector<8x4096xi1>, vector<8x4096xf32>
    %roll3A_2199 = arith.constant 4080 : i32
    %roll3A_2200 = tpu.dynamic_rotate %select_n3A_2187 by %roll3A_2199 dim 1 : vector<8x4096xi32>, i32 -> vector<8x4096xi32>
    %roll3A_2201 = arith.constant 16 : i32
    %roll3A_2202 = tpu.dynamic_rotate %select_n3A_2187 by %roll3A_2201 dim 1 : vector<8x4096xi32>, i32 -> vector<8x4096xi32>
    %select_n3A_2203 = arith.select %eq3A_2193, %roll3A_2200, %roll3A_2202 : vector<8x4096xi1>, vector<8x4096xi32>
    %gt3A_2204 = arith.cmpf ogt, %select_n3A_2186, %select_n3A_2198 : vector<8x4096xf32>
    %eq3A_2205 = arith.cmpf oeq, %select_n3A_2186, %select_n3A_2198 : vector<8x4096xf32>
    %lt3A_2206 = arith.cmpi slt, %select_n3A_2187, %select_n3A_2203 : vector<8x4096xi32>
    %and3A_2207 = arith.andi %eq3A_2205, %lt3A_2206 : vector<8x4096xi1>
    %or3A_2208 = arith.ori %gt3A_2204, %and3A_2207 : vector<8x4096xi1>
    %eq3A_2209 = arith.xori %eq3A_1984, %eq3A_2193 : vector<8x4096xi1>
    %eq3A_2210 = arith.constant dense<true> : vector<8x4096xi1>
    %eq3A_2211 = arith.xori %eq3A_2209, %eq3A_2210 : vector<8x4096xi1>
    %eq3A_2212 = arith.xori %or3A_2208, %eq3A_2211 : vector<8x4096xi1>
    %eq3A_2213 = arith.constant dense<true> : vector<8x4096xi1>
    %eq3A_2214 = arith.xori %eq3A_2212, %eq3A_2213 : vector<8x4096xi1>
    %select_n3A_2215 = arith.select %eq3A_2214, %select_n3A_2186, %select_n3A_2198 : vector<8x4096xi1>, vector<8x4096xf32>
    %select_n3A_2216 = arith.select %eq3A_2214, %select_n3A_2187, %select_n3A_2203 : vector<8x4096xi1>, vector<8x4096xi32>
    %and3A_2217 = arith.constant 8 : i32
    %and3A_2218 = vector.broadcast %and3A_2217 : i32 to vector<8x4096xi32>
    %and3A_2219 = arith.andi %iota3A, %and3A_2218 : vector<8x4096xi32>
    %eq3A_2220 = arith.constant 0 : i32
    %eq3A_2221 = vector.broadcast %eq3A_2220 : i32 to vector<8x4096xi32>
    %eq3A_2222 = arith.cmpi eq, %and3A_2219, %eq3A_2221 : vector<8x4096xi32>
    %roll3A_2223 = arith.constant 4088 : i32
    %roll3A_2224 = tpu.dynamic_rotate %select_n3A_2215 by %roll3A_2223 dim 1 : vector<8x4096xf32>, i32 -> vector<8x4096xf32>
    %roll3A_2225 = arith.constant 8 : i32
    %roll3A_2226 = tpu.dynamic_rotate %select_n3A_2215 by %roll3A_2225 dim 1 : vector<8x4096xf32>, i32 -> vector<8x4096xf32>
    %select_n3A_2227 = arith.select %eq3A_2222, %roll3A_2224, %roll3A_2226 : vector<8x4096xi1>, vector<8x4096xf32>
    %roll3A_2228 = arith.constant 4088 : i32
    %roll3A_2229 = tpu.dynamic_rotate %select_n3A_2216 by %roll3A_2228 dim 1 : vector<8x4096xi32>, i32 -> vector<8x4096xi32>
    %roll3A_2230 = arith.constant 8 : i32
    %roll3A_2231 = tpu.dynamic_rotate %select_n3A_2216 by %roll3A_2230 dim 1 : vector<8x4096xi32>, i32 -> vector<8x4096xi32>
    %select_n3A_2232 = arith.select %eq3A_2222, %roll3A_2229, %roll3A_2231 : vector<8x4096xi1>, vector<8x4096xi32>
    %gt3A_2233 = arith.cmpf ogt, %select_n3A_2215, %select_n3A_2227 : vector<8x4096xf32>
    %eq3A_2234 = arith.cmpf oeq, %select_n3A_2215, %select_n3A_2227 : vector<8x4096xf32>
    %lt3A_2235 = arith.cmpi slt, %select_n3A_2216, %select_n3A_2232 : vector<8x4096xi32>
    %and3A_2236 = arith.andi %eq3A_2234, %lt3A_2235 : vector<8x4096xi1>
    %or3A_2237 = arith.ori %gt3A_2233, %and3A_2236 : vector<8x4096xi1>
    %eq3A_2238 = arith.xori %eq3A_1984, %eq3A_2222 : vector<8x4096xi1>
    %eq3A_2239 = arith.constant dense<true> : vector<8x4096xi1>
    %eq3A_2240 = arith.xori %eq3A_2238, %eq3A_2239 : vector<8x4096xi1>
    %eq3A_2241 = arith.xori %or3A_2237, %eq3A_2240 : vector<8x4096xi1>
    %eq3A_2242 = arith.constant dense<true> : vector<8x4096xi1>
    %eq3A_2243 = arith.xori %eq3A_2241, %eq3A_2242 : vector<8x4096xi1>
    %select_n3A_2244 = arith.select %eq3A_2243, %select_n3A_2215, %select_n3A_2227 : vector<8x4096xi1>, vector<8x4096xf32>
    %select_n3A_2245 = arith.select %eq3A_2243, %select_n3A_2216, %select_n3A_2232 : vector<8x4096xi1>, vector<8x4096xi32>
    %and3A_2246 = arith.constant 4 : i32
    %and3A_2247 = vector.broadcast %and3A_2246 : i32 to vector<8x4096xi32>
    %and3A_2248 = arith.andi %iota3A, %and3A_2247 : vector<8x4096xi32>
    %eq3A_2249 = arith.constant 0 : i32
    %eq3A_2250 = vector.broadcast %eq3A_2249 : i32 to vector<8x4096xi32>
    %eq3A_2251 = arith.cmpi eq, %and3A_2248, %eq3A_2250 : vector<8x4096xi32>
    %roll3A_2252 = arith.constant 4092 : i32
    %roll3A_2253 = tpu.dynamic_rotate %select_n3A_2244 by %roll3A_2252 dim 1 : vector<8x4096xf32>, i32 -> vector<8x4096xf32>
    %roll3A_2254 = arith.constant 4 : i32
    %roll3A_2255 = tpu.dynamic_rotate %select_n3A_2244 by %roll3A_2254 dim 1 : vector<8x4096xf32>, i32 -> vector<8x4096xf32>
    %select_n3A_2256 = arith.select %eq3A_2251, %roll3A_2253, %roll3A_2255 : vector<8x4096xi1>, vector<8x4096xf32>
    %roll3A_2257 = arith.constant 4092 : i32
    %roll3A_2258 = tpu.dynamic_rotate %select_n3A_2245 by %roll3A_2257 dim 1 : vector<8x4096xi32>, i32 -> vector<8x4096xi32>
    %roll3A_2259 = arith.constant 4 : i32
    %roll3A_2260 = tpu.dynamic_rotate %select_n3A_2245 by %roll3A_2259 dim 1 : vector<8x4096xi32>, i32 -> vector<8x4096xi32>
    %select_n3A_2261 = arith.select %eq3A_2251, %roll3A_2258, %roll3A_2260 : vector<8x4096xi1>, vector<8x4096xi32>
    %gt3A_2262 = arith.cmpf ogt, %select_n3A_2244, %select_n3A_2256 : vector<8x4096xf32>
    %eq3A_2263 = arith.cmpf oeq, %select_n3A_2244, %select_n3A_2256 : vector<8x4096xf32>
    %lt3A_2264 = arith.cmpi slt, %select_n3A_2245, %select_n3A_2261 : vector<8x4096xi32>
    %and3A_2265 = arith.andi %eq3A_2263, %lt3A_2264 : vector<8x4096xi1>
    %or3A_2266 = arith.ori %gt3A_2262, %and3A_2265 : vector<8x4096xi1>
    %eq3A_2267 = arith.xori %eq3A_1984, %eq3A_2251 : vector<8x4096xi1>
    %eq3A_2268 = arith.constant dense<true> : vector<8x4096xi1>
    %eq3A_2269 = arith.xori %eq3A_2267, %eq3A_2268 : vector<8x4096xi1>
    %eq3A_2270 = arith.xori %or3A_2266, %eq3A_2269 : vector<8x4096xi1>
    %eq3A_2271 = arith.constant dense<true> : vector<8x4096xi1>
    %eq3A_2272 = arith.xori %eq3A_2270, %eq3A_2271 : vector<8x4096xi1>
    %select_n3A_2273 = arith.select %eq3A_2272, %select_n3A_2244, %select_n3A_2256 : vector<8x4096xi1>, vector<8x4096xf32>
    %select_n3A_2274 = arith.select %eq3A_2272, %select_n3A_2245, %select_n3A_2261 : vector<8x4096xi1>, vector<8x4096xi32>
    %and3A_2275 = arith.constant 2 : i32
    %and3A_2276 = vector.broadcast %and3A_2275 : i32 to vector<8x4096xi32>
    %and3A_2277 = arith.andi %iota3A, %and3A_2276 : vector<8x4096xi32>
    %eq3A_2278 = arith.constant 0 : i32
    %eq3A_2279 = vector.broadcast %eq3A_2278 : i32 to vector<8x4096xi32>
    %eq3A_2280 = arith.cmpi eq, %and3A_2277, %eq3A_2279 : vector<8x4096xi32>
    %roll3A_2281 = arith.constant 4094 : i32
    %roll3A_2282 = tpu.dynamic_rotate %select_n3A_2273 by %roll3A_2281 dim 1 : vector<8x4096xf32>, i32 -> vector<8x4096xf32>
    %roll3A_2283 = arith.constant 2 : i32
    %roll3A_2284 = tpu.dynamic_rotate %select_n3A_2273 by %roll3A_2283 dim 1 : vector<8x4096xf32>, i32 -> vector<8x4096xf32>
    %select_n3A_2285 = arith.select %eq3A_2280, %roll3A_2282, %roll3A_2284 : vector<8x4096xi1>, vector<8x4096xf32>
    %roll3A_2286 = arith.constant 4094 : i32
    %roll3A_2287 = tpu.dynamic_rotate %select_n3A_2274 by %roll3A_2286 dim 1 : vector<8x4096xi32>, i32 -> vector<8x4096xi32>
    %roll3A_2288 = arith.constant 2 : i32
    %roll3A_2289 = tpu.dynamic_rotate %select_n3A_2274 by %roll3A_2288 dim 1 : vector<8x4096xi32>, i32 -> vector<8x4096xi32>
    %select_n3A_2290 = arith.select %eq3A_2280, %roll3A_2287, %roll3A_2289 : vector<8x4096xi1>, vector<8x4096xi32>
    %gt3A_2291 = arith.cmpf ogt, %select_n3A_2273, %select_n3A_2285 : vector<8x4096xf32>
    %eq3A_2292 = arith.cmpf oeq, %select_n3A_2273, %select_n3A_2285 : vector<8x4096xf32>
    %lt3A_2293 = arith.cmpi slt, %select_n3A_2274, %select_n3A_2290 : vector<8x4096xi32>
    %and3A_2294 = arith.andi %eq3A_2292, %lt3A_2293 : vector<8x4096xi1>
    %or3A_2295 = arith.ori %gt3A_2291, %and3A_2294 : vector<8x4096xi1>
    %eq3A_2296 = arith.xori %eq3A_1984, %eq3A_2280 : vector<8x4096xi1>
    %eq3A_2297 = arith.constant dense<true> : vector<8x4096xi1>
    %eq3A_2298 = arith.xori %eq3A_2296, %eq3A_2297 : vector<8x4096xi1>
    %eq3A_2299 = arith.xori %or3A_2295, %eq3A_2298 : vector<8x4096xi1>
    %eq3A_2300 = arith.constant dense<true> : vector<8x4096xi1>
    %eq3A_2301 = arith.xori %eq3A_2299, %eq3A_2300 : vector<8x4096xi1>
    %select_n3A_2302 = arith.select %eq3A_2301, %select_n3A_2273, %select_n3A_2285 : vector<8x4096xi1>, vector<8x4096xf32>
    %select_n3A_2303 = arith.select %eq3A_2301, %select_n3A_2274, %select_n3A_2290 : vector<8x4096xi1>, vector<8x4096xi32>
    %and3A_2304 = arith.constant 1 : i32
    %and3A_2305 = vector.broadcast %and3A_2304 : i32 to vector<8x4096xi32>
    %and3A_2306 = arith.andi %iota3A, %and3A_2305 : vector<8x4096xi32>
    %eq3A_2307 = arith.constant 0 : i32
    %eq3A_2308 = vector.broadcast %eq3A_2307 : i32 to vector<8x4096xi32>
    %eq3A_2309 = arith.cmpi eq, %and3A_2306, %eq3A_2308 : vector<8x4096xi32>
    %roll3A_2310 = arith.constant 4095 : i32
    %roll3A_2311 = tpu.dynamic_rotate %select_n3A_2302 by %roll3A_2310 dim 1 : vector<8x4096xf32>, i32 -> vector<8x4096xf32>
    %roll3A_2312 = arith.constant 1 : i32
    %roll3A_2313 = tpu.dynamic_rotate %select_n3A_2302 by %roll3A_2312 dim 1 : vector<8x4096xf32>, i32 -> vector<8x4096xf32>
    %select_n3A_2314 = arith.select %eq3A_2309, %roll3A_2311, %roll3A_2313 : vector<8x4096xi1>, vector<8x4096xf32>
    %roll3A_2315 = arith.constant 4095 : i32
    %roll3A_2316 = tpu.dynamic_rotate %select_n3A_2303 by %roll3A_2315 dim 1 : vector<8x4096xi32>, i32 -> vector<8x4096xi32>
    %roll3A_2317 = arith.constant 1 : i32
    %roll3A_2318 = tpu.dynamic_rotate %select_n3A_2303 by %roll3A_2317 dim 1 : vector<8x4096xi32>, i32 -> vector<8x4096xi32>
    %select_n3A_2319 = arith.select %eq3A_2309, %roll3A_2316, %roll3A_2318 : vector<8x4096xi1>, vector<8x4096xi32>
    %gt3A_2320 = arith.cmpf ogt, %select_n3A_2302, %select_n3A_2314 : vector<8x4096xf32>
    %eq3A_2321 = arith.cmpf oeq, %select_n3A_2302, %select_n3A_2314 : vector<8x4096xf32>
    %lt3A_2322 = arith.cmpi slt, %select_n3A_2303, %select_n3A_2319 : vector<8x4096xi32>
    %and3A_2323 = arith.andi %eq3A_2321, %lt3A_2322 : vector<8x4096xi1>
    %or3A_2324 = arith.ori %gt3A_2320, %and3A_2323 : vector<8x4096xi1>
    %eq3A_2325 = arith.xori %eq3A_1984, %eq3A_2309 : vector<8x4096xi1>
    %eq3A_2326 = arith.constant dense<true> : vector<8x4096xi1>
    %eq3A_2327 = arith.xori %eq3A_2325, %eq3A_2326 : vector<8x4096xi1>
    %eq3A_2328 = arith.xori %or3A_2324, %eq3A_2327 : vector<8x4096xi1>
    %eq3A_2329 = arith.constant dense<true> : vector<8x4096xi1>
    %eq3A_2330 = arith.xori %eq3A_2328, %eq3A_2329 : vector<8x4096xi1>
    %select_n3A_2331 = arith.select %eq3A_2330, %select_n3A_2303, %select_n3A_2319 : vector<8x4096xi1>, vector<8x4096xi32>
    %slice3A = vector.extract_strided_slice %select_n3A_2331 {offsets = [0, 0], sizes = [8, 768], strides = [1, 1]} : vector<8x4096xi32> to vector<8x768xi32>
    %and3A_2332 = arith.constant 1023 : i32
    %and3A_2333 = vector.broadcast %and3A_2332 : i32 to vector<8x768xi32>
    %and3A_2334 = arith.andi %slice3A, %and3A_2333 : vector<8x768xi32>
    %get3A_2335 = arith.constant 0 : index
    %get3A_2336 = arith.constant 0 : index
    %get3A_2337 = vector.load %arg2[%get3A_2335, %get3A_2336] : memref<8x256xi32, #tpu.memory_space<vmem>>, vector<8x256xi32>
    %concatenate3A_2338 = tpu.concatenate %and3A_2334, %get3A_2337 in 1 : vector<8x768xi32>, vector<8x256xi32> -> vector<8x1024xi32>
    %swap3A = arith.constant 0 : index
    %swap3A_2339 = arith.constant 0 : index
    %swap3A_2340 = vector.load %arg3[%swap3A, %swap3A_2339] : memref<8x1024xi32, #tpu.memory_space<vmem>>, vector<8x1024xi32>
    tpu.vector_store %arg3[%swap3A, %swap3A_2339], %concatenate3A_2338 {strides = array<i32>} : memref<8x1024xi32, #tpu.memory_space<vmem>>, vector<8x1024xi32>,
    return
  }
}

module attributes {stable_mosaic.version = 14 : i64} {
  func.func @_head_body(%arg0: i32, %arg1: memref<1x21x1024xf32, #tpu.memory_space<vmem>>, %arg2: memref<1x8x512x128xf32, #tpu.memory_space<vmem>>, %arg3: memref<128x21xf32, #tpu.memory_space<vmem>>, %arg4: memref<128x512xf32, #tpu.memory_space<vmem>>, %arg5: memref<1x128xf32, #tpu.memory_space<vmem>>, %arg6: memref<1x1x1024xi32, #tpu.memory_space<vmem>>, %arg7: memref<1x1024x128xf32, #tpu.memory_space<vmem>>) attributes {dimension_semantics = [#tpu.dimension_semantics<arbitrary>], iteration_bounds = array<i64: 8>, scalar_prefetch = 0 : i64, scratch_operands = 0 : i64, tpu.core_type = #tpu.core_type<tc>, window_params = [{transform_indices = @transform_0, window_bounds = array<i64: 1, 21, 1024>}, {transform_indices = @transform_1, window_bounds = array<i64: 1, 8, 512, 128>}, {pipeline_mode = #tpu.pipeline_mode<synchronous>, transform_indices = @transform_2, window_bounds = array<i64: 128, 21>}, {pipeline_mode = #tpu.pipeline_mode<synchronous>, transform_indices = @transform_3, window_bounds = array<i64: 128, 512>}, {pipeline_mode = #tpu.pipeline_mode<synchronous>, transform_indices = @transform_4, window_bounds = array<i64: 1, 128>}, {transform_indices = @transform_5, window_bounds = array<i64: 1, 1, 1024>}, {transform_indices = @transform_6, window_bounds = array<i64: 1, 1024, 128>}]} {
    %get3A = arith.constant 0 : index
    %get3A_0 = arith.constant 0 : index
    %get3A_1 = arith.constant 0 : index
    %get3A_2 = vector.load %arg1[%get3A, %get3A_0, %get3A_1] : memref<1x21x1024xf32, #tpu.memory_space<vmem>>, vector<1x21x1024xf32>
    %get3A_3 = vector.shape_cast %get3A_2 : vector<1x21x1024xf32> to vector<21x1024xf32>
    %get3A_4 = arith.constant 0 : index
    %get3A_5 = arith.constant 0 : index
    %get3A_6 = vector.load %arg3[%get3A_4, %get3A_5] : memref<128x21xf32, #tpu.memory_space<vmem>>, vector<128x21xf32>
    %get3A_7 = arith.constant 0 : index
    %get3A_8 = arith.constant 0 : index
    %get3A_9 = vector.load %arg4[%get3A_7, %get3A_8] : memref<128x512xf32, #tpu.memory_space<vmem>>, vector<128x512xf32>
    %get3A_10 = arith.constant 0 : index
    %get3A_11 = arith.constant 0 : index
    %get3A_12 = vector.load %arg5[%get3A_10, %get3A_11] : memref<1x128xf32, #tpu.memory_space<vmem>>, vector<1x128xf32>
    %slice3A = vector.extract_strided_slice %get3A_3 {offsets = [0, 0], sizes = [21, 128], strides = [1, 1]} : vector<21x1024xf32> to vector<21x128xf32>
    %dot_general3A = arith.constant dense<0.000000e+00> : vector<128x128xf32>
    %dot_general3A_13 = tpu.matmul %slice3A, %get3A_6, %dot_general3A {dimension_numbers = #tpu.dot_dimension_numbers<[0], [1], [1], [0], [0, 1, 1, 0], [], []>, transpose_lhs_hint = false} : vector<21x128xf32>, vector<128x21xf32>, vector<128x128xf32> -> vector<128x128xf32>
    %get3A_14 = arith.constant 0 : index
    %get3A_15 = arith.constant 0 : index
    %get3A_16 = arith.constant 0 : index
    %get3A_17 = arith.constant 0 : index
    %get3A_18 = vector.load %arg2[%get3A_14, %get3A_15, %get3A_16, %get3A_17] : memref<1x8x512x128xf32, #tpu.memory_space<vmem>>, vector<1x1x512x128xf32>
    %get3A_19 = vector.shape_cast %get3A_18 : vector<1x1x512x128xf32> to vector<512x128xf32>
    %dot_general3A_20 = arith.constant dense<0.000000e+00> : vector<128x128xf32>
    %dot_general3A_21 = tpu.matmul %get3A_19, %get3A_9, %dot_general3A_20 {dimension_numbers = #tpu.dot_dimension_numbers<[0], [1], [1], [0], [0, 1, 1, 0], [], []>, transpose_lhs_hint = false} : vector<512x128xf32>, vector<128x512xf32>, vector<128x128xf32> -> vector<128x128xf32>
    %add3A = arith.addf %dot_general3A_13, %dot_general3A_21 : vector<128x128xf32>
    %add3A_22 = vector.broadcast %get3A_12 : vector<1x128xf32> to vector<128x128xf32>
    %add3A_23 = arith.addf %add3A, %add3A_22 : vector<128x128xf32>
    %swap3A = arith.constant 0 : index
    %swap3A_24 = arith.constant 0 : index
    %swap3A_25 = arith.constant 0 : index
    %swap3A_26 = vector.load %arg7[%swap3A, %swap3A_24, %swap3A_25] : memref<1x1024x128xf32, #tpu.memory_space<vmem>>, vector<1x128x128xf32>
    %swap3A_27 = vector.shape_cast %swap3A_26 : vector<1x128x128xf32> to vector<128x128xf32>
    %swap3A_28 = vector.shape_cast %add3A_23 : vector<128x128xf32> to vector<1x128x128xf32>
    tpu.vector_store %arg7[%swap3A, %swap3A_24, %swap3A_25], %swap3A_28 {strides = array<i32>} : memref<1x1024x128xf32, #tpu.memory_space<vmem>>, vector<1x128x128xf32>,
    %slice3A_29 = vector.extract_strided_slice %get3A_3 {offsets = [0, 128], sizes = [21, 128], strides = [1, 1]} : vector<21x1024xf32> to vector<21x128xf32>
    %dot_general3A_30 = arith.constant dense<0.000000e+00> : vector<128x128xf32>
    %dot_general3A_31 = tpu.matmul %slice3A_29, %get3A_6, %dot_general3A_30 {dimension_numbers = #tpu.dot_dimension_numbers<[0], [1], [1], [0], [0, 1, 1, 0], [], []>, transpose_lhs_hint = false} : vector<21x128xf32>, vector<128x21xf32>, vector<128x128xf32> -> vector<128x128xf32>
    %get3A_32 = arith.constant 0 : index
    %get3A_33 = arith.constant 1 : index
    %get3A_34 = arith.constant 0 : index
    %get3A_35 = arith.constant 0 : index
    %get3A_36 = vector.load %arg2[%get3A_32, %get3A_33, %get3A_34, %get3A_35] : memref<1x8x512x128xf32, #tpu.memory_space<vmem>>, vector<1x1x512x128xf32>
    %get3A_37 = vector.shape_cast %get3A_36 : vector<1x1x512x128xf32> to vector<512x128xf32>
    %dot_general3A_38 = arith.constant dense<0.000000e+00> : vector<128x128xf32>
    %dot_general3A_39 = tpu.matmul %get3A_37, %get3A_9, %dot_general3A_38 {dimension_numbers = #tpu.dot_dimension_numbers<[0], [1], [1], [0], [0, 1, 1, 0], [], []>, transpose_lhs_hint = false} : vector<512x128xf32>, vector<128x512xf32>, vector<128x128xf32> -> vector<128x128xf32>
    %add3A_40 = arith.addf %dot_general3A_31, %dot_general3A_39 : vector<128x128xf32>
    %add3A_41 = vector.broadcast %get3A_12 : vector<1x128xf32> to vector<128x128xf32>
    %add3A_42 = arith.addf %add3A_40, %add3A_41 : vector<128x128xf32>
    %swap3A_43 = arith.constant 0 : index
    %swap3A_44 = arith.constant 128 : index
    %swap3A_45 = arith.constant 0 : index
    %swap3A_46 = vector.load %arg7[%swap3A_43, %swap3A_44, %swap3A_45] : memref<1x1024x128xf32, #tpu.memory_space<vmem>>, vector<1x128x128xf32>
    %swap3A_47 = vector.shape_cast %swap3A_46 : vector<1x128x128xf32> to vector<128x128xf32>
    %swap3A_48 = vector.shape_cast %add3A_42 : vector<128x128xf32> to vector<1x128x128xf32>
    tpu.vector_store %arg7[%swap3A_43, %swap3A_44, %swap3A_45], %swap3A_48 {strides = array<i32>} : memref<1x1024x128xf32, #tpu.memory_space<vmem>>, vector<1x128x128xf32>,
    %slice3A_49 = vector.extract_strided_slice %get3A_3 {offsets = [0, 256], sizes = [21, 128], strides = [1, 1]} : vector<21x1024xf32> to vector<21x128xf32>
    %dot_general3A_50 = arith.constant dense<0.000000e+00> : vector<128x128xf32>
    %dot_general3A_51 = tpu.matmul %slice3A_49, %get3A_6, %dot_general3A_50 {dimension_numbers = #tpu.dot_dimension_numbers<[0], [1], [1], [0], [0, 1, 1, 0], [], []>, transpose_lhs_hint = false} : vector<21x128xf32>, vector<128x21xf32>, vector<128x128xf32> -> vector<128x128xf32>
    %get3A_52 = arith.constant 0 : index
    %get3A_53 = arith.constant 2 : index
    %get3A_54 = arith.constant 0 : index
    %get3A_55 = arith.constant 0 : index
    %get3A_56 = vector.load %arg2[%get3A_52, %get3A_53, %get3A_54, %get3A_55] : memref<1x8x512x128xf32, #tpu.memory_space<vmem>>, vector<1x1x512x128xf32>
    %get3A_57 = vector.shape_cast %get3A_56 : vector<1x1x512x128xf32> to vector<512x128xf32>
    %dot_general3A_58 = arith.constant dense<0.000000e+00> : vector<128x128xf32>
    %dot_general3A_59 = tpu.matmul %get3A_57, %get3A_9, %dot_general3A_58 {dimension_numbers = #tpu.dot_dimension_numbers<[0], [1], [1], [0], [0, 1, 1, 0], [], []>, transpose_lhs_hint = false} : vector<512x128xf32>, vector<128x512xf32>, vector<128x128xf32> -> vector<128x128xf32>
    %add3A_60 = arith.addf %dot_general3A_51, %dot_general3A_59 : vector<128x128xf32>
    %add3A_61 = vector.broadcast %get3A_12 : vector<1x128xf32> to vector<128x128xf32>
    %add3A_62 = arith.addf %add3A_60, %add3A_61 : vector<128x128xf32>
    %swap3A_63 = arith.constant 0 : index
    %swap3A_64 = arith.constant 256 : index
    %swap3A_65 = arith.constant 0 : index
    %swap3A_66 = vector.load %arg7[%swap3A_63, %swap3A_64, %swap3A_65] : memref<1x1024x128xf32, #tpu.memory_space<vmem>>, vector<1x128x128xf32>
    %swap3A_67 = vector.shape_cast %swap3A_66 : vector<1x128x128xf32> to vector<128x128xf32>
    %swap3A_68 = vector.shape_cast %add3A_62 : vector<128x128xf32> to vector<1x128x128xf32>
    tpu.vector_store %arg7[%swap3A_63, %swap3A_64, %swap3A_65], %swap3A_68 {strides = array<i32>} : memref<1x1024x128xf32, #tpu.memory_space<vmem>>, vector<1x128x128xf32>,
    %slice3A_69 = vector.extract_strided_slice %get3A_3 {offsets = [0, 384], sizes = [21, 128], strides = [1, 1]} : vector<21x1024xf32> to vector<21x128xf32>
    %dot_general3A_70 = arith.constant dense<0.000000e+00> : vector<128x128xf32>
    %dot_general3A_71 = tpu.matmul %slice3A_69, %get3A_6, %dot_general3A_70 {dimension_numbers = #tpu.dot_dimension_numbers<[0], [1], [1], [0], [0, 1, 1, 0], [], []>, transpose_lhs_hint = false} : vector<21x128xf32>, vector<128x21xf32>, vector<128x128xf32> -> vector<128x128xf32>
    %get3A_72 = arith.constant 0 : index
    %get3A_73 = arith.constant 3 : index
    %get3A_74 = arith.constant 0 : index
    %get3A_75 = arith.constant 0 : index
    %get3A_76 = vector.load %arg2[%get3A_72, %get3A_73, %get3A_74, %get3A_75] : memref<1x8x512x128xf32, #tpu.memory_space<vmem>>, vector<1x1x512x128xf32>
    %get3A_77 = vector.shape_cast %get3A_76 : vector<1x1x512x128xf32> to vector<512x128xf32>
    %dot_general3A_78 = arith.constant dense<0.000000e+00> : vector<128x128xf32>
    %dot_general3A_79 = tpu.matmul %get3A_77, %get3A_9, %dot_general3A_78 {dimension_numbers = #tpu.dot_dimension_numbers<[0], [1], [1], [0], [0, 1, 1, 0], [], []>, transpose_lhs_hint = false} : vector<512x128xf32>, vector<128x512xf32>, vector<128x128xf32> -> vector<128x128xf32>
    %add3A_80 = arith.addf %dot_general3A_71, %dot_general3A_79 : vector<128x128xf32>
    %add3A_81 = vector.broadcast %get3A_12 : vector<1x128xf32> to vector<128x128xf32>
    %add3A_82 = arith.addf %add3A_80, %add3A_81 : vector<128x128xf32>
    %swap3A_83 = arith.constant 0 : index
    %swap3A_84 = arith.constant 384 : index
    %swap3A_85 = arith.constant 0 : index
    %swap3A_86 = vector.load %arg7[%swap3A_83, %swap3A_84, %swap3A_85] : memref<1x1024x128xf32, #tpu.memory_space<vmem>>, vector<1x128x128xf32>
    %swap3A_87 = vector.shape_cast %swap3A_86 : vector<1x128x128xf32> to vector<128x128xf32>
    %swap3A_88 = vector.shape_cast %add3A_82 : vector<128x128xf32> to vector<1x128x128xf32>
    tpu.vector_store %arg7[%swap3A_83, %swap3A_84, %swap3A_85], %swap3A_88 {strides = array<i32>} : memref<1x1024x128xf32, #tpu.memory_space<vmem>>, vector<1x128x128xf32>,
    %slice3A_89 = vector.extract_strided_slice %get3A_3 {offsets = [0, 512], sizes = [21, 128], strides = [1, 1]} : vector<21x1024xf32> to vector<21x128xf32>
    %dot_general3A_90 = arith.constant dense<0.000000e+00> : vector<128x128xf32>
    %dot_general3A_91 = tpu.matmul %slice3A_89, %get3A_6, %dot_general3A_90 {dimension_numbers = #tpu.dot_dimension_numbers<[0], [1], [1], [0], [0, 1, 1, 0], [], []>, transpose_lhs_hint = false} : vector<21x128xf32>, vector<128x21xf32>, vector<128x128xf32> -> vector<128x128xf32>
    %get3A_92 = arith.constant 0 : index
    %get3A_93 = arith.constant 4 : index
    %get3A_94 = arith.constant 0 : index
    %get3A_95 = arith.constant 0 : index
    %get3A_96 = vector.load %arg2[%get3A_92, %get3A_93, %get3A_94, %get3A_95] : memref<1x8x512x128xf32, #tpu.memory_space<vmem>>, vector<1x1x512x128xf32>
    %get3A_97 = vector.shape_cast %get3A_96 : vector<1x1x512x128xf32> to vector<512x128xf32>
    %dot_general3A_98 = arith.constant dense<0.000000e+00> : vector<128x128xf32>
    %dot_general3A_99 = tpu.matmul %get3A_97, %get3A_9, %dot_general3A_98 {dimension_numbers = #tpu.dot_dimension_numbers<[0], [1], [1], [0], [0, 1, 1, 0], [], []>, transpose_lhs_hint = false} : vector<512x128xf32>, vector<128x512xf32>, vector<128x128xf32> -> vector<128x128xf32>
    %add3A_100 = arith.addf %dot_general3A_91, %dot_general3A_99 : vector<128x128xf32>
    %add3A_101 = vector.broadcast %get3A_12 : vector<1x128xf32> to vector<128x128xf32>
    %add3A_102 = arith.addf %add3A_100, %add3A_101 : vector<128x128xf32>
    %swap3A_103 = arith.constant 0 : index
    %swap3A_104 = arith.constant 512 : index
    %swap3A_105 = arith.constant 0 : index
    %swap3A_106 = vector.load %arg7[%swap3A_103, %swap3A_104, %swap3A_105] : memref<1x1024x128xf32, #tpu.memory_space<vmem>>, vector<1x128x128xf32>
    %swap3A_107 = vector.shape_cast %swap3A_106 : vector<1x128x128xf32> to vector<128x128xf32>
    %swap3A_108 = vector.shape_cast %add3A_102 : vector<128x128xf32> to vector<1x128x128xf32>
    tpu.vector_store %arg7[%swap3A_103, %swap3A_104, %swap3A_105], %swap3A_108 {strides = array<i32>} : memref<1x1024x128xf32, #tpu.memory_space<vmem>>, vector<1x128x128xf32>,
    %slice3A_109 = vector.extract_strided_slice %get3A_3 {offsets = [0, 640], sizes = [21, 128], strides = [1, 1]} : vector<21x1024xf32> to vector<21x128xf32>
    %dot_general3A_110 = arith.constant dense<0.000000e+00> : vector<128x128xf32>
    %dot_general3A_111 = tpu.matmul %slice3A_109, %get3A_6, %dot_general3A_110 {dimension_numbers = #tpu.dot_dimension_numbers<[0], [1], [1], [0], [0, 1, 1, 0], [], []>, transpose_lhs_hint = false} : vector<21x128xf32>, vector<128x21xf32>, vector<128x128xf32> -> vector<128x128xf32>
    %get3A_112 = arith.constant 0 : index
    %get3A_113 = arith.constant 5 : index
    %get3A_114 = arith.constant 0 : index
    %get3A_115 = arith.constant 0 : index
    %get3A_116 = vector.load %arg2[%get3A_112, %get3A_113, %get3A_114, %get3A_115] : memref<1x8x512x128xf32, #tpu.memory_space<vmem>>, vector<1x1x512x128xf32>
    %get3A_117 = vector.shape_cast %get3A_116 : vector<1x1x512x128xf32> to vector<512x128xf32>
    %dot_general3A_118 = arith.constant dense<0.000000e+00> : vector<128x128xf32>
    %dot_general3A_119 = tpu.matmul %get3A_117, %get3A_9, %dot_general3A_118 {dimension_numbers = #tpu.dot_dimension_numbers<[0], [1], [1], [0], [0, 1, 1, 0], [], []>, transpose_lhs_hint = false} : vector<512x128xf32>, vector<128x512xf32>, vector<128x128xf32> -> vector<128x128xf32>
    %add3A_120 = arith.addf %dot_general3A_111, %dot_general3A_119 : vector<128x128xf32>
    %add3A_121 = vector.broadcast %get3A_12 : vector<1x128xf32> to vector<128x128xf32>
    %add3A_122 = arith.addf %add3A_120, %add3A_121 : vector<128x128xf32>
    %swap3A_123 = arith.constant 0 : index
    %swap3A_124 = arith.constant 640 : index
    %swap3A_125 = arith.constant 0 : index
    %swap3A_126 = vector.load %arg7[%swap3A_123, %swap3A_124, %swap3A_125] : memref<1x1024x128xf32, #tpu.memory_space<vmem>>, vector<1x128x128xf32>
    %swap3A_127 = vector.shape_cast %swap3A_126 : vector<1x128x128xf32> to vector<128x128xf32>
    %swap3A_128 = vector.shape_cast %add3A_122 : vector<128x128xf32> to vector<1x128x128xf32>
    tpu.vector_store %arg7[%swap3A_123, %swap3A_124, %swap3A_125], %swap3A_128 {strides = array<i32>} : memref<1x1024x128xf32, #tpu.memory_space<vmem>>, vector<1x128x128xf32>,
    %slice3A_129 = vector.extract_strided_slice %get3A_3 {offsets = [0, 768], sizes = [21, 128], strides = [1, 1]} : vector<21x1024xf32> to vector<21x128xf32>
    %dot_general3A_130 = arith.constant dense<0.000000e+00> : vector<128x128xf32>
    %dot_general3A_131 = tpu.matmul %slice3A_129, %get3A_6, %dot_general3A_130 {dimension_numbers = #tpu.dot_dimension_numbers<[0], [1], [1], [0], [0, 1, 1, 0], [], []>, transpose_lhs_hint = false} : vector<21x128xf32>, vector<128x21xf32>, vector<128x128xf32> -> vector<128x128xf32>
    %get3A_132 = arith.constant 0 : index
    %get3A_133 = arith.constant 6 : index
    %get3A_134 = arith.constant 0 : index
    %get3A_135 = arith.constant 0 : index
    %get3A_136 = vector.load %arg2[%get3A_132, %get3A_133, %get3A_134, %get3A_135] : memref<1x8x512x128xf32, #tpu.memory_space<vmem>>, vector<1x1x512x128xf32>
    %get3A_137 = vector.shape_cast %get3A_136 : vector<1x1x512x128xf32> to vector<512x128xf32>
    %dot_general3A_138 = arith.constant dense<0.000000e+00> : vector<128x128xf32>
    %dot_general3A_139 = tpu.matmul %get3A_137, %get3A_9, %dot_general3A_138 {dimension_numbers = #tpu.dot_dimension_numbers<[0], [1], [1], [0], [0, 1, 1, 0], [], []>, transpose_lhs_hint = false} : vector<512x128xf32>, vector<128x512xf32>, vector<128x128xf32> -> vector<128x128xf32>
    %add3A_140 = arith.addf %dot_general3A_131, %dot_general3A_139 : vector<128x128xf32>
    %add3A_141 = vector.broadcast %get3A_12 : vector<1x128xf32> to vector<128x128xf32>
    %add3A_142 = arith.addf %add3A_140, %add3A_141 : vector<128x128xf32>
    %swap3A_143 = arith.constant 0 : index
    %swap3A_144 = arith.constant 768 : index
    %swap3A_145 = arith.constant 0 : index
    %swap3A_146 = vector.load %arg7[%swap3A_143, %swap3A_144, %swap3A_145] : memref<1x1024x128xf32, #tpu.memory_space<vmem>>, vector<1x128x128xf32>
    %swap3A_147 = vector.shape_cast %swap3A_146 : vector<1x128x128xf32> to vector<128x128xf32>
    %swap3A_148 = vector.shape_cast %add3A_142 : vector<128x128xf32> to vector<1x128x128xf32>
    tpu.vector_store %arg7[%swap3A_143, %swap3A_144, %swap3A_145], %swap3A_148 {strides = array<i32>} : memref<1x1024x128xf32, #tpu.memory_space<vmem>>, vector<1x128x128xf32>,
    %slice3A_149 = vector.extract_strided_slice %get3A_3 {offsets = [0, 896], sizes = [21, 128], strides = [1, 1]} : vector<21x1024xf32> to vector<21x128xf32>
    %dot_general3A_150 = arith.constant dense<0.000000e+00> : vector<128x128xf32>
    %dot_general3A_151 = tpu.matmul %slice3A_149, %get3A_6, %dot_general3A_150 {dimension_numbers = #tpu.dot_dimension_numbers<[0], [1], [1], [0], [0, 1, 1, 0], [], []>, transpose_lhs_hint = false} : vector<21x128xf32>, vector<128x21xf32>, vector<128x128xf32> -> vector<128x128xf32>
    %get3A_152 = arith.constant 0 : index
    %get3A_153 = arith.constant 7 : index
    %get3A_154 = arith.constant 0 : index
    %get3A_155 = arith.constant 0 : index
    %get3A_156 = vector.load %arg2[%get3A_152, %get3A_153, %get3A_154, %get3A_155] : memref<1x8x512x128xf32, #tpu.memory_space<vmem>>, vector<1x1x512x128xf32>
    %get3A_157 = vector.shape_cast %get3A_156 : vector<1x1x512x128xf32> to vector<512x128xf32>
    %dot_general3A_158 = arith.constant dense<0.000000e+00> : vector<128x128xf32>
    %dot_general3A_159 = tpu.matmul %get3A_157, %get3A_9, %dot_general3A_158 {dimension_numbers = #tpu.dot_dimension_numbers<[0], [1], [1], [0], [0, 1, 1, 0], [], []>, transpose_lhs_hint = false} : vector<512x128xf32>, vector<128x512xf32>, vector<128x128xf32> -> vector<128x128xf32>
    %add3A_160 = arith.addf %dot_general3A_151, %dot_general3A_159 : vector<128x128xf32>
    %add3A_161 = vector.broadcast %get3A_12 : vector<1x128xf32> to vector<128x128xf32>
    %add3A_162 = arith.addf %add3A_160, %add3A_161 : vector<128x128xf32>
    %swap3A_163 = arith.constant 0 : index
    %swap3A_164 = arith.constant 896 : index
    %swap3A_165 = arith.constant 0 : index
    %swap3A_166 = vector.load %arg7[%swap3A_163, %swap3A_164, %swap3A_165] : memref<1x1024x128xf32, #tpu.memory_space<vmem>>, vector<1x128x128xf32>
    %swap3A_167 = vector.shape_cast %swap3A_166 : vector<1x128x128xf32> to vector<128x128xf32>
    %swap3A_168 = vector.shape_cast %add3A_162 : vector<128x128xf32> to vector<1x128x128xf32>
    tpu.vector_store %arg7[%swap3A_163, %swap3A_164, %swap3A_165], %swap3A_168 {strides = array<i32>} : memref<1x1024x128xf32, #tpu.memory_space<vmem>>, vector<1x128x128xf32>,
    return
  }
  func.func @transform_0(%arg0: i32) -> (i32, i32, i32) {
    %c0_i32 = arith.constant 0 : i32
    %c0_i32_0 = arith.constant 0 : i32
    %c0_i32_1 = arith.constant 0 : i32
    return %arg0, %c0_i32, %c0_i32_0 : i32, i32, i32
  }
  func.func @transform_1(%arg0: i32) -> (i32, i32, i32, i32) {
    %c0_i32 = arith.constant 0 : i32
    %c0_i32_0 = arith.constant 0 : i32
    %c0_i32_1 = arith.constant 0 : i32
    %c0_i32_2 = arith.constant 0 : i32
    return %arg0, %c0_i32, %c0_i32_0, %c0_i32_1 : i32, i32, i32, i32
  }
  func.func @transform_2(%arg0: i32) -> (i32, i32) {
    %c0_i32 = arith.constant 0 : i32
    %c0_i32_0 = arith.constant 0 : i32
    %c0_i32_1 = arith.constant 0 : i32
    return %c0_i32, %c0_i32_0 : i32, i32
  }
  func.func @transform_3(%arg0: i32) -> (i32, i32) {
    %c0_i32 = arith.constant 0 : i32
    %c0_i32_0 = arith.constant 0 : i32
    %c0_i32_1 = arith.constant 0 : i32
    return %c0_i32, %c0_i32_0 : i32, i32
  }
  func.func @transform_4(%arg0: i32) -> (i32, i32) {
    %c0_i32 = arith.constant 0 : i32
    %c0_i32_0 = arith.constant 0 : i32
    %c0_i32_1 = arith.constant 0 : i32
    return %c0_i32, %c0_i32_0 : i32, i32
  }
  func.func @transform_5(%arg0: i32) -> (i32, i32, i32) {
    %c0_i32 = arith.constant 0 : i32
    %c0_i32_0 = arith.constant 0 : i32
    %c0_i32_1 = arith.constant 0 : i32
    return %arg0, %c0_i32, %c0_i32_0 : i32, i32, i32
  }
  func.func @transform_6(%arg0: i32) -> (i32, i32, i32) {
    %c0_i32 = arith.constant 0 : i32
    %c0_i32_0 = arith.constant 0 : i32
    %c0_i32_1 = arith.constant 0 : i32
    return %arg0, %c0_i32, %c0_i32_0 : i32, i32, i32
  }
}

</mosaic_0001>

<sc_bundles>
// kernel: kernel.10.cloned.1.call-start
scs
__scs_entry_jumppad:
0x0: {  	(pc) =	sbr.rel $0x88, $3  }
0x1: {  	(tag) =	ssettag $0x0;
	lr =	simm.s32 $0x1  }
0x2: {  	[smem:$0x3F9D] =	sst lr;
	_ =	strace $0xD0000000  }
0x3: {  	_ = 	snop  }
0x4: {  	_ = 	snop  }
0x5: {  	_ = 	snop  }
0x6: {  	_ = 	snop  }
0x7: {  	_ = 	snop  }
__scs_overlays_trampoline_lowered:
0x8: {  	[smem:$0x3FAC] =	sst s0  }
0x9: {  	[smem:$0x3FAD] =	sst s1  }
0xa: {  	[smem:$0x3FAE] =	sst s2  }
0xb: {  	[smem:$0x3FAF] =	sst s3  }
0xc: {  	[smem:$0x3FB0] =	sst s4  }
0xd: {  	[smem:$0x3FB1] =	sst s5  }
0xe: {  	[smem:$0x3FB2] =	sst s6  }
0xf: {  	[smem:$0x3FB3] =	sst s7  }
0x10: {  	[smem:$0x3FB4] =	sst s8  }
0x11: {  	[smem:$0x3FB5] =	sst s9;
	s0 =	simm.s32 @!p0 $0x0  }
0x12: {  	s1 =	sld [smem:$0x3F9B];
	s0 =	simm.s32 @p0 $0x1  }
0x13: {  	[smem:$0x3FB6] =	sst s0;
	s0 =	simm.s32 @!p1 $0x0  }
0x14: {  	s2 =	sld [smem:$0x3F9A];
	s0 =	simm.s32 @p1 $0x1  }
0x15: {  	[smem:$0x3FB7] =	sst s0;
	s0 =	simm.s32 @!p2 $0x0  }
0x16: {  	s3 =	sld [smem:$0x3FDB];
	s0 =	simm.s32 @p2 $0x1  }
0x17: {  	s4 =	simm.s32 $0x1BF5;
	[smem:$0x3FB9] =	sst s0  }
0x18: {  	s0 =	sld [smem:$0x3F9C];
	_ =	swait.ge [sflag:s4], $0x0  }
0x19: {  	s7 =	sld [smem:$0x3F9D]  }
0x1a: {  	s8 =	sadd.s32 $0xFFFFE003, lr  }
0x1b: {  	s9 =	sadd.s32 $0xFFFFFEF7, lr;
	s5 =	simm.s32 $0xFFFFFFFF;
	p2 =	slt.u32 s8, $0xFFFFF086  }
0x1c: {  	p1 =	slt.u32 s9, $0xF7A;
	s5 =	simm.s32 @!p2 $0x0  }
0x1d: {  	s5 =	simm.s32 @p1 $0x1;
	p0 =	seq.s32 s7, s2  }
0x1e: {  	s7 =	smul.u32 @!p0 $0xF7A, s2;
	p2 =	seq.s32 @!p0 s5, $0x0  }
0x1f: {  	s9 =	smul.u32 $0xF7A, s1;
	s8 =	simm.s32 @!p0 $0x1BF5;
	p2 =	por !p2, p0  }
0x20: {  	[sflag:s8] =	ssyncset.s32 @!p0 $0xFFFFF086;
	s6 =	sadd.s32 @!p0 s3, s7;
	s7 =	simm.s32 @!p0 $0x108  }
0x21: {  	s3 =	sadd.s32 s3, s9;
	s6 =	sadd.s32 @!p0 $0x88, s6;
	s7 =	simm.s32 @p2 $0x1082  }
0x22: {  	[simem:s7], [sflag:s8] =	dma.local @!p0 [hbm:s6], $0xF7A  }
0x23: {  	s9 =	sor.u32 $0xD0000000, s2;
	s6 =	simm.s32 $0x108;
	_ =	swait.ge @!p0 [sflag:s8], $0x0  }
0x24: {  	s3 =	sadd.s32 $0x88, s3;
	s6 =	simm.s32 @!p1 $0x1082;
	[sflag:s4] =	ssyncset.s32 $0xFFFFF086  }
0x25: {  	[simem:s6], [sflag:s4] =	dma.local [hbm:s3], $0xF7A  }
0x26: {  	[smem:$0x3F9D] =	sst s1;
	(tag) =	ssettag s2;
	_ =	strace s9  }
0x27: {  	s1 =	sld [smem:$0x3FAD]  }
0x28: {  	s2 =	sld [smem:$0x3FAE]  }
0x29: {  	s4 =	sld [smem:$0x3FB0]  }
0x2a: {  	p0 =	seq.s32 s5, $0x0;
	s5 =	sld [smem:$0x3FB1]  }
0x2b: {  	s6 =	sld [smem:$0x3FB2]  }
0x2c: {  	s7 =	sld [smem:$0x3FB3]  }
0x2d: {  	s3 =	simm.s32 $0x108;
	s8 =	sld [smem:$0x3FB4]  }
0x2e: {  	s3 =	simm.s32 @!p0 $0x1082;
	s9 =	sld [smem:$0x3FB5]  }
0x2f: {  	lr =	sadd.s32 s0, s3;
	s0 =	sld [smem:$0x3FAC]  }
0x30: {  	s3 =	sld [smem:$0x3FAF]  }
0x31: {  	[smem:$0x3FB8] =	sst s10  }
0x32: {  	s10 =	sld [smem:$0x3FB6];
	_ =	sdelay $0x3  }
0x33: {  	p0 =	seq.s32 s10, $0x1;
	s10 =	sld [smem:$0x3FB8];
	_ =	sdelay $0x3  }
0x34: {  	[smem:$0x3FB8] =	sst s10  }
0x35: {  	s10 =	sld [smem:$0x3FB7];
	_ =	sdelay $0x3  }
0x36: {  	p1 =	seq.s32 s10, $0x1;
	s10 =	sld [smem:$0x3FB8];
	_ =	sdelay $0x3  }
0x37: {  	[smem:$0x3FB8] =	sst s10  }
0x38: {  	s10 =	sld [smem:$0x3FB9]  }
0x39: {  	_ = 	snop;
	(pc) =	sbr.ind lr, $3  }
0x3a: {  	_ = 	snop  }
0x3b: {  	_ = 	snop  }
0x3c: {  	p2 =	seq.s32 s10, $0x1;
	s10 =	sld [smem:$0x3FB8]  }
0x3d: {  	_ =	shalt  }
0x3e: {  	_ =	shalt  }
0x3f: {  	_ =	shalt  }
0x40: {  	_ =	shalt  }
0x41: {  	_ =	shalt  }
0x42: {  	_ =	shalt  }
0x43: {  	_ =	shalt  }
0x44: {  	_ =	shalt  }
0x45: {  	_ =	shalt  }
0x46: {  	_ =	shalt  }
0x47: {  	_ =	shalt  }
0x48: {  	_ =	shalt  }
0x49: {  	_ =	shalt  }
0x4a: {  	_ =	shalt  }
0x4b: {  	_ =	shalt  }
0x4c: {  	_ =	shalt  }
0x4d: {  	_ =	shalt  }
0x4e: {  	_ =	shalt  }
0x4f: {  	_ =	shalt  }
0x50: {  	_ =	shalt  }
0x51: {  	_ =	shalt  }
0x52: {  	_ =	shalt  }
0x53: {  	_ =	shalt  }
0x54: {  	_ =	shalt  }
0x55: {  	_ =	shalt  }
0x56: {  	_ =	shalt  }
0x57: {  	_ =	shalt  }
0x58: {  	_ =	shalt  }
0x59: {  	_ =	shalt  }
0x5a: {  	_ =	shalt  }
0x5b: {  	_ =	shalt  }
0x5c: {  	_ =	shalt  }
0x5d: {  	_ =	shalt  }
0x5e: {  	_ =	shalt  }
0x5f: {  	_ =	shalt  }
0x60: {  	_ =	shalt  }
0x61: {  	_ =	shalt  }
0x62: {  	_ =	shalt  }
0x63: {  	_ =	shalt  }
0x64: {  	_ =	shalt  }
0x65: {  	_ =	shalt  }
0x66: {  	_ =	shalt  }
0x67: {  	_ =	shalt  }
0x68: {  	_ =	shalt  }
0x69: {  	_ =	shalt  }
0x6a: {  	_ =	shalt  }
0x6b: {  	_ =	shalt  }
0x6c: {  	_ =	shalt  }
0x6d: {  	_ =	shalt  }
0x6e: {  	_ =	shalt  }
0x6f: {  	_ =	shalt  }
0x70: {  	_ =	shalt  }
0x71: {  	_ =	shalt  }
0x72: {  	_ =	shalt  }
0x73: {  	_ =	shalt  }
0x74: {  	_ =	shalt  }
0x75: {  	_ =	shalt  }
0x76: {  	_ =	shalt  }
0x77: {  	_ =	shalt  }
0x78: {  	_ =	shalt  }
0x79: {  	_ =	shalt  }
0x7a: {  	_ =	shalt  }
0x7b: {  	_ =	shalt  }
0x7c: {  	_ =	shalt  }
0x7d: {  	_ =	shalt  }
0x7e: {  	_ =	shalt  }
0x7f: {  	_ =	shalt  }
0x80: {  	_ =	shalt  }
0x81: {  	_ =	shalt  }
0x82: {  	_ =	shalt  }
0x83: {  	_ =	shalt  }
0x84: {  	_ =	shalt  }
0x85: {  	_ =	shalt  }
0x86: {  	_ =	shalt  }
0x87: {  	_ =	shalt  }
.Lfunc_end0:
.L_simem_size_0:
called_computation.1_lowered:
.L_overlay_start_0:
0x88: {  	s2 =	sld [smem:$0x3FD9]  }
0x89: {  	s3 =	sld [smem:$0x3FFE];
	_ =	sdelay $0x1  }
0x8a: {  	s1 =	srdreg.scid  }
0x8b: {  	s0 =	sand.u32 $0x1, s1  }
0x8c: {  	s14 =	sshll.u32 s0, $0xA;
	s2 =	sadd.s32 s3, s2  }
0x8d: {  	s2 =	sadd.s32 s2, s14  }
0x8e: {  	[smem:$0x3FC4] =	sst s2  }
0x8f: {  	_ = 	snop  }
0x90: {  	s2 =	sld [smem:$0x3FD0];
	_ =	sdelay $0x2  }
0x91: {  	s15 =	simm.s32 $0xA;
	s4 =	simm.s32 $0x10  }
0x92: {  	[smem:s4], [sflag:s15] =	dma.local [hbm:s2], $0x1  }
0x93: {  	_ =	swait.eq [sflag:s15], $0x1  }
0x94: {  	[sflag:s15] =	ssyncset.done $0x0  }
0x95: {  	[sflag:s15] =	ssyncadd.s32 $0xFFFFFFFF  }
0x96: {  	s16 =	sld [smem:$0x11];
	(tm) =	ssettm $0x1  }
0x97: {  	s17 =	sld [smem:$0x3FFB];
	_ =	sdelay $0x3  }
0x98: {  	_ =	strace s17  }
0x99: {  	s3 =	sld [smem:$0x3FFC];
	_ =	sdelay $0x3  }
0x9a: {  	_ =	strace s3  }
0x9b: {  	s3 =	sld [smem:$0x3FFD];
	_ =	sdelay $0x3  }
0x9c: {  	_ =	strace s3  }
0x9d: {  	_ =	strace $0x8FFFFFFF  }
0x9e: {  	s18 =	sld [smem:$0x3FDB];
	_ =	sdelay $0x1  }
0x9f: {  	s19 =	simm.s32 $_scs_section_size  }
0xa0: {  	s5 =	simm.s32 $_size__tile_overlayer_lowered;
	s6 =	simm.s32 $_tile_overlayer_lowered  }
0xa1: {  	s22 =	simm.s32 $0x1BFF;
	s21 =	sshll.u32 s6, $0x1;
	s3 =	sadd.s32 s19, s18  }
0xa2: {  	s7 =	simm.s32 $0x0;
	s20 =	sshll.u32 s5, $0x1;
	s5 =	sadd.s32 s21, s3  }
0xa3: {  	[timem:s7], [sflag:s22] =	dma.local [hbm:s5], s20  }
0xa4: {  	_ =	swait.ge [sflag:s22], s20  }
0xa5: {  	s4 =	ssub.s32 $0x0, s20;
	[sflag:s22] =	ssyncset.done $0x0  }
0xa6: {  	[sflag:s22] =	ssyncadd.s32 s4;
	_ =	sdelay $0x1  }
0xa7: {  	s23 =	simm.s32 $0x1B8B  }
0xa8: {  	_ =	swait.ge [sflag:s23], $0x1  }
0xa9: {  	[sflag:s23] =	ssyncset.done $0x0  }
0xaa: {  	s25 =	simm.s32 $0x1B8E;
	s24 =	sld [smem:$0x3FFE];
	[sflag:s23] =	ssyncadd.s32 $0xFFFFFFFF  }
0xab: {  	s26 =	simm.s32 $execute0_lowered;
	[smem:$0x3FD2] =	sst s25  }
0xac: {  	s5 =	sshll.u32 s26, $0x1;
	_ =	strace $0x80000049;
	[dreg:$0x1] =	wrdreg $0xFFFFFFFF  }
0xad: {  	s28 =	simm.s32 $_size_execute0_lowered;
	s3 =	sadd.s32 s3, s5;
	[dreg:$0x0] =	wrdreg $0x0  }
0xae: {  	s5 =	sshll.u32 s28, $0x1;
	[dreg:$0x2] =	wrdreg s3  }
0xaf: {  	[dreg:$0x3] =	wrdreg s5  }
0xb0: {  	[dreg:$0x4] =	wrdreg $0xC0  }
0xb1: {  	_ =	task [dreg:s7], $0x5FFFF  }
0xb2: {  	[dreg:$0x1] =	wrdreg $0xFFFFFFFF  }
0xb3: {  	[dreg:$0x0] =	wrdreg $0x60  }
0xb4: {  	[dreg:$0x2] =	wrdreg s24  }
0xb5: {  	[dreg:$0x3] =	wrdreg s16  }
0xb6: {  	[dreg:$0x4] =	wrdreg $0x9  }
0xb7: {  	_ =	task.clear_ibuf [dreg:s7], $0x5FFFF;
	_ =	strace $0x90000049  }
0xb8: {  	s29 =	simm.s32 $0x9;
	_ =	strace $0x8000004B  }
0xb9: {  	_ =	swait.ge [sflag:s29], $0x1  }
0xba: {  	[sflag:s29] =	ssyncadd.s32 $0xFFFFFFFF  }
0xbb: {  	_ =	strace $0x9000004B  }
0xbc: {  	_ =	sfence  }
0xbd: {  	s30 =	sld [smem:$0x0];
	_ =	sdelay $0x2  }
0xbe: {  	s31 =	sshll.u32 s1, $0xD;
	s1 =	sshrl.u32 s1, $0x2  }
0xbf: {  	s3 =	sand.u32 $0x4000, s31;
	s1 =	sadd.s32 s1, s30  }
0xc0: {  	s0 =	sor.u32 s3, s0;
	s1 =	sshll.u32 s1, $0x11  }
0xc1: {  	s0 =	sor.u32 s1, s0  }
0xc2: {  	s0 =	sadd.s32 $0x8F2B, s0  }
0xc3: {  	[sflag:s0] =	ssyncadd.remote.s32 $0x1  }
0xc4: {  	_ =	sfence.sel $0xFFFF  }
0xc5: {  	[dreg:$0x0] =	wrdreg $0xFFFFFFFF;
	(pc) =	sbr.abs _section_cstart, $3  }
0xc6: {  	[dreg:$0x1] =	wrdreg $0xFFFFFFFF  }
0xc7: {  	_ =	task.clear_ibuf [dreg:s7], $0x2FFFF;
	_ =	strace $0x9FFFFFFF  }
0xc8: {  	(tm) =	ssettm $0x7FFFFFFF  }
0xc9: {  	_ =	shalt  }
tec
execute0_lowered:
.L_overlay_start_1:
0x0: {  	(tag) =	ssettag $0x1  }
0x1: {  	s7 =	rddreg [dreg:$0x0]  }
0x2: {  	s3 =	rddreg [dreg:$0x1];
	s1 =	stileid.u32  }
0x3: {  	s0 =	rddreg [dreg:$0x2];
	s2 =	srdreg.scid;
	s4 =	sshll.u32 s1, $0x1  }
0x4: {  	s5 =	sshrl.u32 s1, $0x1;
	s11 =	sand.u32 $0x1, s2;
	s4 =	sand.u32 $0x2, s4  }
0x5: {  	s2 =	simm.s32 $0x0;
	s31 =	sshll.u32 s5, $0x4;
	s10 =	sor.u32 s11, s4  }
0x6: {  	[smem:$0x7FF] =	sst s2;
	s8 =	sadd.s32 s3, s31;
	s6 =	sshll.u32 s10, $0x8  }
0x7: {  	_ =	strace $0x8000004A;
	s3 =	simm.s32 $0x2;
	s4 =	sadd.s32 s6, s8  }
0x8: {  	[tilespmem:s2], [sflag:$0x2] =	stream.linear.gather [hbm4b:s4+s2], $0x80, $0x38;
	[tilespmem:$0x4100] =	vst v63  }
0x9: {  	_ =	swait.ge [sflag:s3], $0x80  }
0xa: {  	s9 =	sshll.u32 s5, $0xE;
	s12 =	sor.u32 $0x80, s6;
	[sflag:s3] =	ssyncset.done $0x0  }
0xb: {  	s6 =	simm.s32 $0x80;
	s5 =	sadd.s32 s12, s8;
	[sflag:s3] =	ssyncadd.s32 $0xFFFFFF80  }
0xc: {  	[tilespmem:s6], [sflag:$0x2] =	stream.linear.gather [hbm4b:s5+s2], $0x80, $0x38;
	[tilespmem:$0x4100] =	vst v63  }
0xd: {  	_ =	swait.ge [sflag:s3], $0x80  }
0xe: {  	s13 =	sadd.s32 s9, s7;
	s9 =	simm.s32 $0x1;
	[sflag:s3] =	ssyncset.done $0x0  }
0xf: {  	s7 =	sadd.s32 $0x1400, s13;
	s8 =	simm.s32 $0x100;
	[sflag:s3] =	ssyncadd.s32 $0xFFFFFF80  }
0x10: {  	[tilespmem:s8], [sflag:$0x1] =	stream.indirect.gather [hbm4b:s7+s6], $0x80, s2, s6, $0xb8;
	[tilespmem:$0x4100] =	vst v63  }
0x11: {  	_ =	swait.ge [sflag:s9], $0x4000  }
0x12: {  	s13 =	sadd.s32 $0x21400, s13;
	s10 =	sshll.u32 s10, $0xC;
	[sflag:s9] =	ssyncset.done $0x0  }
0x13: {  	s11 =	ssub.s32 $0x2, s11;
	s10 =	sadd.s32 s10, s13;
	[sflag:s9] =	ssyncadd.s32 $0xFFFFC000  }
0x14: {  	[hbm4b:s10+s2] =	stream.linear.scatter [tilespmem:s8], [sflag:$0x2], $0x4000, $0x38;
	[tilespmem:$0x4100] =	vst v63  }
0x15: {  	s14 =	sshrl.u32 s11, $0x1;
	_ =	swait.ge [sflag:s3], $0x4000  }
0x16: {  	s11 =	ssub.s32 s11, s14;
	[sflag:s3] =	ssyncset.done $0x0  }
0x17: {  	s14 =	smax.u32 s11, $0x1;
	[sflag:s3] =	ssyncadd.s32 $0xFFFFC000  }
0x18: {  	[tilespmem:s8], [sflag:$0x1] =	stream.indirect.gather [hbm4b:s7+s6], $0x80, s6, s6, $0xb8;
	[tilespmem:$0x4100] =	vst v63  }
0x19: {  	p0 =	sne.s32 s14, $0x1;
	_ =	swait.ge [sflag:s9], $0x4000  }
.Ltmp0:
0x1a: {  	s12 =	sshll.u32 s12, $0x4;
	[sflag:s9] =	ssyncset.done $0x0;
	(pc) =	sbr.rel @!p0 .LBB2_2-.Ltmp0, $4  }
0x1b: {  	s11 =	sadd.s32 s12, s13;
	[sflag:s9] =	ssyncadd.s32 $0xFFFFC000  }
0x1c: {  	[hbm4b:s11+s2] =	stream.linear.scatter [tilespmem:s8], [sflag:$0x2], $0x4000, $0x38;
	[tilespmem:$0x4100] =	vst v63  }
0x1d: {  	_ =	swait.ge [sflag:s3], $0x4000  }
0x1e: {  	s12 =	sadd.s32 $0xFFFFFFFF, s14;
	[sflag:s3] =	ssyncset.done $0x0  }
.LBB2_1:
0x1f: {  	p0 =	sne.s32 s12, $0x1;
	s12 =	sadd.s32 $0xFFFFFFFF, s12;
	[sflag:s3] =	ssyncadd.s32 $0xFFFFC000  }
0x20: {  	[tilespmem:s2], [sflag:$0x2] =	stream.linear.gather [hbm4b:s4+s2], $0x80, $0x38;
	[tilespmem:$0x4100] =	vst v63  }
0x21: {  	_ =	swait.ge [sflag:s3], $0x80  }
0x22: {  	[sflag:s3] =	ssyncset.done $0x0  }
0x23: {  	[sflag:s3] =	ssyncadd.s32 $0xFFFFFF80  }
0x24: {  	[tilespmem:s6], [sflag:$0x2] =	stream.linear.gather [hbm4b:s5+s2], $0x80, $0x38;
	[tilespmem:$0x4100] =	vst v63  }
0x25: {  	_ =	swait.ge [sflag:s3], $0x80  }
0x26: {  	[sflag:s3] =	ssyncset.done $0x0  }
0x27: {  	[sflag:s3] =	ssyncadd.s32 $0xFFFFFF80  }
0x28: {  	[tilespmem:s8], [sflag:$0x1] =	stream.indirect.gather [hbm4b:s7+s6], $0x80, s2, s6, $0xb8;
	[tilespmem:$0x4100] =	vst v63  }
0x29: {  	_ =	swait.ge [sflag:s9], $0x4000  }
0x2a: {  	[sflag:s9] =	ssyncset.done $0x0  }
0x2b: {  	[sflag:s9] =	ssyncadd.s32 $0xFFFFC000  }
0x2c: {  	[hbm4b:s10+s2] =	stream.linear.scatter [tilespmem:s8], [sflag:$0x2], $0x4000, $0x38;
	[tilespmem:$0x4100] =	vst v63  }
0x2d: {  	_ =	swait.ge [sflag:s3], $0x4000  }
0x2e: {  	[sflag:s3] =	ssyncset.done $0x0  }
0x2f: {  	[sflag:s3] =	ssyncadd.s32 $0xFFFFC000  }
0x30: {  	[tilespmem:s8], [sflag:$0x1] =	stream.indirect.gather [hbm4b:s7+s6], $0x80, s6, s6, $0xb8;
	[tilespmem:$0x4100] =	vst v63  }
0x31: {  	_ =	swait.ge [sflag:s9], $0x4000  }
.Ltmp1:
0x32: {  	[sflag:s9] =	ssyncset.done $0x0;
	(pc) =	sbr.rel @p0 .LBB2_1-.Ltmp1, $4  }
0x33: {  	[sflag:s9] =	ssyncadd.s32 $0xFFFFC000  }
0x34: {  	[hbm4b:s11+s2] =	stream.linear.scatter [tilespmem:s8], [sflag:$0x2], $0x4000, $0x38;
	[tilespmem:$0x4100] =	vst v63  }
0x35: {  	_ =	swait.ge [sflag:s3], $0x4000  }
0x36: {  	[sflag:s3] =	ssyncset.done $0x0  }
.LBB2_2:
0x37: {  	[sflag:s3] =	ssyncadd.s32 $0xFFFFC000  }
0x38: {  	_ =	sfence.sel $0x180000  }
0x39: {  	[bflag:$0x0] =	sbarrier.arrive $0xFFFF  }
0x3a: {  	p0 =	sne.s32 s1, $0x0;
	_ =	strace $0x9000004A  }
0x3b: {  	s0 =	sadd.s32 @!p0 $0x100000, s0;
	[bflag:$0x2] =	sbarrier.arrive $0xFFFF  }
0x3c: {  	[sflag:s0] =	ssyncadd.tile.s32 @!p0 $0x1;
	_ =	shalt  }
.Lfunc_end2:
_tile_overlayer_lowered:
.L_overlay_start_2:
0x3d: {  	(tag) =	ssettag $0x2  }
0x3e: {  	s0 =	rddreg [dreg:$0x0];
	s2 =	stileid.u32  }
0x3f: {  	s1 =	rddreg [dreg:$0x1];
	p0 =	sne.s32 s2, $0x0  }
0x40: {  	s3 =	rddreg [dreg:$0x2];
	[bflag:$0x3] =	sbarrier.arrive $0xFFFF;
	s2 =	simm.s32 @!p0 $0x1C02  }
0x41: {  	[timem:s3], [sflag:s2] =	dma.local @!p0 [hbm:s0], s1  }
0x42: {  	s0 =	simm.s32 @!p0 $0x2  }
0x43: {  	_ =	swait.ge @!p0 [sflag:s0], s1  }
0x44: {  	s1 =	ssub.s32 @!p0 $0x0, s1;
	[sflag:s0] =	ssyncset.done @!p0 $0x0  }
0x45: {  	[sflag:s0] =	ssyncadd.s32 @!p0 s1  }
0x46: {  	[bflag:$0x3] =	sbarrier.arrive $0xFFFF  }
0x47: {  	_ =	shalt  }

// kernel: kernel.7.cloned.1.call-start
scs
__scs_entry_jumppad:
0x0: {  	(pc) =	sbr.rel $0x88, $3  }
0x1: {  	(tag) =	ssettag $0x0;
	lr =	simm.s32 $0x1  }
0x2: {  	[smem:$0x3F9D] =	sst lr;
	_ =	strace $0xD0000000  }
0x3: {  	_ = 	snop  }
0x4: {  	_ = 	snop  }
0x5: {  	_ = 	snop  }
0x6: {  	_ = 	snop  }
0x7: {  	_ = 	snop  }
__scs_overlays_trampoline_lowered:
0x8: {  	[smem:$0x3FAC] =	sst s0  }
0x9: {  	[smem:$0x3FAD] =	sst s1  }
0xa: {  	[smem:$0x3FAE] =	sst s2  }
0xb: {  	[smem:$0x3FAF] =	sst s3  }
0xc: {  	[smem:$0x3FB0] =	sst s4  }
0xd: {  	[smem:$0x3FB1] =	sst s5  }
0xe: {  	[smem:$0x3FB2] =	sst s6  }
0xf: {  	[smem:$0x3FB3] =	sst s7  }
0x10: {  	[smem:$0x3FB4] =	sst s8  }
0x11: {  	[smem:$0x3FB5] =	sst s9;
	s0 =	simm.s32 @!p0 $0x0  }
0x12: {  	s1 =	sld [smem:$0x3F9B];
	s0 =	simm.s32 @p0 $0x1  }
0x13: {  	[smem:$0x3FB6] =	sst s0;
	s0 =	simm.s32 @!p1 $0x0  }
0x14: {  	s2 =	sld [smem:$0x3F9A];
	s0 =	simm.s32 @p1 $0x1  }
0x15: {  	[smem:$0x3FB7] =	sst s0;
	s0 =	simm.s32 @!p2 $0x0  }
0x16: {  	s3 =	sld [smem:$0x3FDB];
	s0 =	simm.s32 @p2 $0x1  }
0x17: {  	s4 =	simm.s32 $0x1BF5;
	[smem:$0x3FB9] =	sst s0  }
0x18: {  	s0 =	sld [smem:$0x3F9C];
	_ =	swait.ge [sflag:s4], $0x0  }
0x19: {  	s7 =	sld [smem:$0x3F9D]  }
0x1a: {  	s8 =	sadd.s32 $0xFFFFE003, lr  }
0x1b: {  	s9 =	sadd.s32 $0xFFFFFEF7, lr;
	s5 =	simm.s32 $0xFFFFFFFF;
	p2 =	slt.u32 s8, $0xFFFFF086  }
0x1c: {  	p1 =	slt.u32 s9, $0xF7A;
	s5 =	simm.s32 @!p2 $0x0  }
0x1d: {  	s5 =	simm.s32 @p1 $0x1;
	p0 =	seq.s32 s7, s2  }
0x1e: {  	s7 =	smul.u32 @!p0 $0xF7A, s2;
	p2 =	seq.s32 @!p0 s5, $0x0  }
0x1f: {  	s9 =	smul.u32 $0xF7A, s1;
	s8 =	simm.s32 @!p0 $0x1BF5;
	p2 =	por !p2, p0  }
0x20: {  	[sflag:s8] =	ssyncset.s32 @!p0 $0xFFFFF086;
	s6 =	sadd.s32 @!p0 s3, s7;
	s7 =	simm.s32 @!p0 $0x108  }
0x21: {  	s3 =	sadd.s32 s3, s9;
	s6 =	sadd.s32 @!p0 $0x88, s6;
	s7 =	simm.s32 @p2 $0x1082  }
0x22: {  	[simem:s7], [sflag:s8] =	dma.local @!p0 [hbm:s6], $0xF7A  }
0x23: {  	s9 =	sor.u32 $0xD0000000, s2;
	s6 =	simm.s32 $0x108;
	_ =	swait.ge @!p0 [sflag:s8], $0x0  }
0x24: {  	s3 =	sadd.s32 $0x88, s3;
	s6 =	simm.s32 @!p1 $0x1082;
	[sflag:s4] =	ssyncset.s32 $0xFFFFF086  }
0x25: {  	[simem:s6], [sflag:s4] =	dma.local [hbm:s3], $0xF7A  }
0x26: {  	[smem:$0x3F9D] =	sst s1;
	(tag) =	ssettag s2;
	_ =	strace s9  }
0x27: {  	s1 =	sld [smem:$0x3FAD]  }
0x28: {  	s2 =	sld [smem:$0x3FAE]  }
0x29: {  	s4 =	sld [smem:$0x3FB0]  }
0x2a: {  	p0 =	seq.s32 s5, $0x0;
	s5 =	sld [smem:$0x3FB1]  }
0x2b: {  	s6 =	sld [smem:$0x3FB2]  }
0x2c: {  	s7 =	sld [smem:$0x3FB3]  }
0x2d: {  	s3 =	simm.s32 $0x108;
	s8 =	sld [smem:$0x3FB4]  }
0x2e: {  	s3 =	simm.s32 @!p0 $0x1082;
	s9 =	sld [smem:$0x3FB5]  }
0x2f: {  	lr =	sadd.s32 s0, s3;
	s0 =	sld [smem:$0x3FAC]  }
0x30: {  	s3 =	sld [smem:$0x3FAF]  }
0x31: {  	[smem:$0x3FB8] =	sst s10  }
0x32: {  	s10 =	sld [smem:$0x3FB6];
	_ =	sdelay $0x3  }
0x33: {  	p0 =	seq.s32 s10, $0x1;
	s10 =	sld [smem:$0x3FB8];
	_ =	sdelay $0x3  }
0x34: {  	[smem:$0x3FB8] =	sst s10  }
0x35: {  	s10 =	sld [smem:$0x3FB7];
	_ =	sdelay $0x3  }
0x36: {  	p1 =	seq.s32 s10, $0x1;
	s10 =	sld [smem:$0x3FB8];
	_ =	sdelay $0x3  }
0x37: {  	[smem:$0x3FB8] =	sst s10  }
0x38: {  	s10 =	sld [smem:$0x3FB9]  }
0x39: {  	_ = 	snop;
	(pc) =	sbr.ind lr, $3  }
0x3a: {  	_ = 	snop  }
0x3b: {  	_ = 	snop  }
0x3c: {  	p2 =	seq.s32 s10, $0x1;
	s10 =	sld [smem:$0x3FB8]  }
0x3d: {  	_ =	shalt  }
0x3e: {  	_ =	shalt  }
0x3f: {  	_ =	shalt  }
0x40: {  	_ =	shalt  }
0x41: {  	_ =	shalt  }
0x42: {  	_ =	shalt  }
0x43: {  	_ =	shalt  }
0x44: {  	_ =	shalt  }
0x45: {  	_ =	shalt  }
0x46: {  	_ =	shalt  }
0x47: {  	_ =	shalt  }
0x48: {  	_ =	shalt  }
0x49: {  	_ =	shalt  }
0x4a: {  	_ =	shalt  }
0x4b: {  	_ =	shalt  }
0x4c: {  	_ =	shalt  }
0x4d: {  	_ =	shalt  }
0x4e: {  	_ =	shalt  }
0x4f: {  	_ =	shalt  }
0x50: {  	_ =	shalt  }
0x51: {  	_ =	shalt  }
0x52: {  	_ =	shalt  }
0x53: {  	_ =	shalt  }
0x54: {  	_ =	shalt  }
0x55: {  	_ =	shalt  }
0x56: {  	_ =	shalt  }
0x57: {  	_ =	shalt  }
0x58: {  	_ =	shalt  }
0x59: {  	_ =	shalt  }
0x5a: {  	_ =	shalt  }
0x5b: {  	_ =	shalt  }
0x5c: {  	_ =	shalt  }
0x5d: {  	_ =	shalt  }
0x5e: {  	_ =	shalt  }
0x5f: {  	_ =	shalt  }
0x60: {  	_ =	shalt  }
0x61: {  	_ =	shalt  }
0x62: {  	_ =	shalt  }
0x63: {  	_ =	shalt  }
0x64: {  	_ =	shalt  }
0x65: {  	_ =	shalt  }
0x66: {  	_ =	shalt  }
0x67: {  	_ =	shalt  }
0x68: {  	_ =	shalt  }
0x69: {  	_ =	shalt  }
0x6a: {  	_ =	shalt  }
0x6b: {  	_ =	shalt  }
0x6c: {  	_ =	shalt  }
0x6d: {  	_ =	shalt  }
0x6e: {  	_ =	shalt  }
0x6f: {  	_ =	shalt  }
0x70: {  	_ =	shalt  }
0x71: {  	_ =	shalt  }
0x72: {  	_ =	shalt  }
0x73: {  	_ =	shalt  }
0x74: {  	_ =	shalt  }
0x75: {  	_ =	shalt  }
0x76: {  	_ =	shalt  }
0x77: {  	_ =	shalt  }
0x78: {  	_ =	shalt  }
0x79: {  	_ =	shalt  }
0x7a: {  	_ =	shalt  }
0x7b: {  	_ =	shalt  }
0x7c: {  	_ =	shalt  }
0x7d: {  	_ =	shalt  }
0x7e: {  	_ =	shalt  }
0x7f: {  	_ =	shalt  }
0x80: {  	_ =	shalt  }
0x81: {  	_ =	shalt  }
0x82: {  	_ =	shalt  }
0x83: {  	_ =	shalt  }
0x84: {  	_ =	shalt  }
0x85: {  	_ =	shalt  }
0x86: {  	_ =	shalt  }
0x87: {  	_ =	shalt  }
.Lfunc_end0:
.L_simem_size_0:
called_computation_lowered:
.L_overlay_start_0:
0x88: {  	s2 =	sld [smem:$0x3FD9]  }
0x89: {  	s3 =	sld [smem:$0x3FFE];
	_ =	sdelay $0x1  }
0x8a: {  	s1 =	srdreg.scid  }
0x8b: {  	s0 =	sand.u32 $0x1, s1  }
0x8c: {  	s14 =	sshll.u32 s0, $0xA;
	s2 =	sadd.s32 s3, s2  }
0x8d: {  	s2 =	sadd.s32 s2, s14  }
0x8e: {  	[smem:$0x3FC4] =	sst s2  }
0x8f: {  	_ = 	snop  }
0x90: {  	s2 =	sld [smem:$0x3FD0];
	_ =	sdelay $0x2  }
0x91: {  	s15 =	simm.s32 $0xA;
	s4 =	simm.s32 $0x10  }
0x92: {  	[smem:s4], [sflag:s15] =	dma.local [hbm:s2], $0x1  }
0x93: {  	_ =	swait.eq [sflag:s15], $0x1  }
0x94: {  	[sflag:s15] =	ssyncset.done $0x0  }
0x95: {  	s16 =	sld [smem:$0x10];
	[sflag:s15] =	ssyncadd.s32 $0xFFFFFFFF  }
0x96: {  	s17 =	sld [smem:$0x11];
	(tm) =	ssettm $0x1  }
0x97: {  	s18 =	sld [smem:$0x3FFB];
	_ =	sdelay $0x3  }
0x98: {  	_ =	strace s18  }
0x99: {  	s4 =	sld [smem:$0x3FFC];
	_ =	sdelay $0x3  }
0x9a: {  	_ =	strace s4  }
0x9b: {  	s4 =	sld [smem:$0x3FFD];
	_ =	sdelay $0x3  }
0x9c: {  	_ =	strace s4  }
0x9d: {  	_ =	strace $0x8FFFFFFF  }
0x9e: {  	s19 =	sld [smem:$0x3FDB];
	_ =	sdelay $0x1  }
0x9f: {  	s5 =	simm.s32 $_scs_section_size  }
0xa0: {  	s6 =	simm.s32 $_size__tile_overlayer_lowered;
	s7 =	simm.s32 $_tile_overlayer_lowered  }
0xa1: {  	s22 =	simm.s32 $0x1BFF;
	s21 =	sshll.u32 s7, $0x1;
	s4 =	sadd.s32 s5, s19  }
0xa2: {  	s8 =	simm.s32 $0x0;
	s20 =	sshll.u32 s6, $0x1;
	s6 =	sadd.s32 s21, s4  }
0xa3: {  	[timem:s8], [sflag:s22] =	dma.local [hbm:s6], s20  }
0xa4: {  	_ =	swait.ge [sflag:s22], s20  }
0xa5: {  	s5 =	ssub.s32 $0x0, s20;
	[sflag:s22] =	ssyncset.done $0x0  }
0xa6: {  	[sflag:s22] =	ssyncadd.s32 s5;
	_ =	sdelay $0x1  }
0xa7: {  	s23 =	simm.s32 $0x1B8B  }
0xa8: {  	_ =	swait.ge [sflag:s23], $0x1  }
0xa9: {  	[sflag:s23] =	ssyncset.done $0x0  }
0xaa: {  	s25 =	simm.s32 $0x1B8E;
	s24 =	sld [smem:$0x3FFE];
	[sflag:s23] =	ssyncadd.s32 $0xFFFFFFFF  }
0xab: {  	s26 =	simm.s32 $execute0_lowered;
	[smem:$0x3FD2] =	sst s25  }
0xac: {  	s6 =	sshll.u32 s26, $0x1;
	_ =	strace $0x80000046;
	[dreg:$0x1] =	wrdreg $0xFFFFFFFF  }
0xad: {  	s28 =	simm.s32 $_size_execute0_lowered;
	s4 =	sadd.s32 s4, s6;
	[dreg:$0x0] =	wrdreg $0x0  }
0xae: {  	s6 =	sshll.u32 s28, $0x1;
	[dreg:$0x2] =	wrdreg s4  }
0xaf: {  	[dreg:$0x3] =	wrdreg s6  }
0xb0: {  	[dreg:$0x4] =	wrdreg $0xC0  }
0xb1: {  	_ =	task [dreg:s8], $0x5FFFF  }
0xb2: {  	[dreg:$0x1] =	wrdreg $0xFFFFFFFF  }
0xb3: {  	[dreg:$0x0] =	wrdreg $0x60  }
0xb4: {  	[dreg:$0x2] =	wrdreg s17  }
0xb5: {  	[dreg:$0x3] =	wrdreg s16  }
0xb6: {  	[dreg:$0x4] =	wrdreg s24  }
0xb7: {  	[dreg:$0x5] =	wrdreg $0x9  }
0xb8: {  	_ =	task.clear_ibuf [dreg:s8], $0x6FFFF;
	_ =	strace $0x90000046  }
0xb9: {  	s29 =	simm.s32 $0x9;
	_ =	strace $0x80000048  }
0xba: {  	_ =	swait.ge [sflag:s29], $0x1  }
0xbb: {  	[sflag:s29] =	ssyncadd.s32 $0xFFFFFFFF  }
0xbc: {  	_ =	strace $0x90000048  }
0xbd: {  	_ =	sfence  }
0xbe: {  	s30 =	sld [smem:$0x0];
	_ =	sdelay $0x2  }
0xbf: {  	s31 =	sshll.u32 s1, $0xD;
	s1 =	sshrl.u32 s1, $0x2  }
0xc0: {  	s3 =	sand.u32 $0x4000, s31;
	s1 =	sadd.s32 s1, s30  }
0xc1: {  	s0 =	sor.u32 s3, s0;
	s1 =	sshll.u32 s1, $0x11  }
0xc2: {  	s0 =	sor.u32 s1, s0  }
0xc3: {  	s0 =	sadd.s32 $0x8F2B, s0  }
0xc4: {  	[sflag:s0] =	ssyncadd.remote.s32 $0x1  }
0xc5: {  	_ =	sfence.sel $0xFFFF  }
0xc6: {  	[dreg:$0x0] =	wrdreg $0xFFFFFFFF;
	(pc) =	sbr.abs _section_cstart, $3  }
0xc7: {  	[dreg:$0x1] =	wrdreg $0xFFFFFFFF  }
0xc8: {  	_ =	task.clear_ibuf [dreg:s8], $0x2FFFF;
	_ =	strace $0x9FFFFFFF  }
0xc9: {  	(tm) =	ssettm $0x7FFFFFFF  }
tec
execute0_lowered:
.L_overlay_start_1:
0x0: {  	(tag) =	ssettag $0x1  }
0x1: {  	s0 =	stileid.u32;
	s3 =	rddreg [dreg:$0x0]  }
0x2: {  	s1 =	srdreg.scid;
	s5 =	rddreg [dreg:$0x1]  }
0x3: {  	s6 =	rddreg [dreg:$0x2];
	s10 =	simm.s32 $0x700;
	s2 =	sshll.u32 s0, $0x1  }
0x4: {  	s4 =	sand.u32 $0x1, s1;
	s7 =	sshll.u32 s0, $0x6;
	s31 =	sand.u32 $0x2, s2  }
0x5: {  	s2 =	simm.s32 $0x0;
	s7 =	sand.u32 $0x380, s7;
	s1 =	sor.u32 s4, s31  }
0x6: {  	[smem:$0x7FF] =	sst s2;
	s4 =	ssub.s32 $0x2, s4;
	s8 =	smul.u32 $0x1800, s1  }
0x7: {  	s1 =	rddreg [dreg:$0x3];
	_ =	strace $0x80000047;
	s9 =	sshrl.u32 s4, $0x1  }
0x8: {  	s9 =	ssub.s32 s4, s9;
	s8 =	sor.u32 s7, s8;
	s7 =	sshrl.u32 s7, $0x3  }
0x9: {  	s8 =	sshrl.u32 s8, $0x3;
	s3 =	sadd.s32 s3, s7;
	s7 =	simm.s32 $0x80  }
0xa: {  	s6 =	sadd.s32 s8, s6;
	s4 =	sadd.s32 s5, s8;
	s8 =	simm.s32 $0x400  }
0xb: {  	s5 =	sadd.s32 $0x1400, s6;
	s6 =	smax.u32 s9, $0x1;
	s9 =	simm.s32 $0x1  }
.LBB2_1:
0xc: {  	[tilespmem:s2], [sflag:$0x1] =	stream.strided.gather [hbm4b:s3+s7], $0x400, s8, s7, $0x38;
	[tilespmem:$0xA00] =	vst v63  }
0xd: {  	_ =	swait.ge [sflag:s9], $0x400  }
0xe: {  	[sflag:s9] =	ssyncset.done $0x0  }
0xf: {  	[sflag:s9] =	ssyncadd.s32 $0xFFFFFC00  }
0x10: {  	[tilespmem:s8], [sflag:$0x1] =	stream.strided.gather [hbm4b:s4+s7], $0x300, s8, s7, $0x38;
	[tilespmem:$0xA00] =	vst v63  }
0x11: {  	_ =	swait.ge [sflag:s9], $0x300  }
0x12: {  	[sflag:s9] =	ssyncset.done $0x0  }
0x13: {  	[sflag:s9] =	ssyncadd.s32 $0xFFFFFD00  }
0x14: {  	v0 =	vld [tilespmem:$0x400];
	_ =	sdelay $0x5  }
0x15: {  	v1 =	vld [tilespmem:$0x410];
	_ =	sdelay $0x1  }
0x16: {  	v0 =	vld.idx.msk [tilespmem:v0+s2+$0x0], $0xffff;
	_ =	sdelay $0x3  }
0x17: {  	v2 =	vld [tilespmem:$0x420]  }
0x18: {  	[tilespmem:$0x700] =	vst v0  }
0x19: {  	v0 =	vld.idx.msk [tilespmem:v1+s2+$0x0], $0xffff;
	_ =	sdelay $0x3  }
0x1a: {  	v19 =	vld [tilespmem:$0x430]  }
0x1b: {  	[tilespmem:$0x710] =	vst v0  }
0x1c: {  	v0 =	vld.idx.msk [tilespmem:v2+s2+$0x0], $0xffff;
	_ =	sdelay $0x3  }
0x1d: {  	v20 =	vld [tilespmem:$0x440]  }
0x1e: {  	[tilespmem:$0x720] =	vst v0  }
0x1f: {  	v0 =	vld.idx.msk [tilespmem:v19+s2+$0x0], $0xffff;
	_ =	sdelay $0x3  }
0x20: {  	v21 =	vld [tilespmem:$0x450]  }
0x21: {  	[tilespmem:$0x730] =	vst v0  }
0x22: {  	v0 =	vld.idx.msk [tilespmem:v20+s2+$0x0], $0xffff;
	_ =	sdelay $0x3  }
0x23: {  	v22 =	vld [tilespmem:$0x460]  }
0x24: {  	[tilespmem:$0x740] =	vst v0  }
0x25: {  	v0 =	vld.idx.msk [tilespmem:v21+s2+$0x0], $0xffff;
	_ =	sdelay $0x3  }
0x26: {  	v23 =	vld [tilespmem:$0x470]  }
0x27: {  	[tilespmem:$0x750] =	vst v0  }
0x28: {  	v0 =	vld.idx.msk [tilespmem:v22+s2+$0x0], $0xffff;
	_ =	sdelay $0x3  }
0x29: {  	v24 =	vld [tilespmem:$0x480]  }
0x2a: {  	[tilespmem:$0x760] =	vst v0  }
0x2b: {  	v0 =	vld.idx.msk [tilespmem:v23+s2+$0x0], $0xffff;
	_ =	sdelay $0x3  }
0x2c: {  	v25 =	vld [tilespmem:$0x490]  }
0x2d: {  	[tilespmem:$0x770] =	vst v0  }
0x2e: {  	v0 =	vld.idx.msk [tilespmem:v24+s2+$0x0], $0xffff;
	_ =	sdelay $0x3  }
0x2f: {  	v26 =	vld [tilespmem:$0x4A0]  }
0x30: {  	[tilespmem:$0x780] =	vst v0  }
0x31: {  	v0 =	vld.idx.msk [tilespmem:v25+s2+$0x0], $0xffff;
	_ =	sdelay $0x3  }
0x32: {  	v27 =	vld [tilespmem:$0x4B0]  }
0x33: {  	[tilespmem:$0x790] =	vst v0  }
0x34: {  	v0 =	vld.idx.msk [tilespmem:v26+s2+$0x0], $0xffff;
	_ =	sdelay $0x3  }
0x35: {  	v28 =	vld [tilespmem:$0x4C0]  }
0x36: {  	[tilespmem:$0x7A0] =	vst v0  }
0x37: {  	v0 =	vld.idx.msk [tilespmem:v27+s2+$0x0], $0xffff;
	_ =	sdelay $0x3  }
0x38: {  	v29 =	vld [tilespmem:$0x4D0]  }
0x39: {  	[tilespmem:$0x7B0] =	vst v0  }
0x3a: {  	v0 =	vld.idx.msk [tilespmem:v28+s2+$0x0], $0xffff;
	_ =	sdelay $0x3  }
0x3b: {  	v30 =	vld [tilespmem:$0x4E0]  }
0x3c: {  	[tilespmem:$0x7C0] =	vst v0  }
0x3d: {  	v0 =	vld.idx.msk [tilespmem:v29+s2+$0x0], $0xffff;
	_ =	sdelay $0x3  }
0x3e: {  	v31 =	vld [tilespmem:$0x4F0]  }
0x3f: {  	[tilespmem:$0x7D0] =	vst v0  }
0x40: {  	v0 =	vld.idx.msk [tilespmem:v30+s2+$0x0], $0xffff;
	_ =	sdelay $0x3  }
0x41: {  	v32 =	vld [tilespmem:$0x500]  }
0x42: {  	[tilespmem:$0x7E0] =	vst v0  }
0x43: {  	v0 =	vld.idx.msk [tilespmem:v31+s2+$0x0], $0xffff;
	_ =	sdelay $0x3  }
0x44: {  	v33 =	vld [tilespmem:$0x510]  }
0x45: {  	[tilespmem:$0x7F0] =	vst v0  }
0x46: {  	v0 =	vld.idx.msk [tilespmem:v32+s2+$0x0], $0xffff;
	_ =	sdelay $0x3  }
0x47: {  	v34 =	vld [tilespmem:$0x520]  }
0x48: {  	[tilespmem:$0x800] =	vst v0  }
0x49: {  	v0 =	vld.idx.msk [tilespmem:v33+s2+$0x0], $0xffff;
	_ =	sdelay $0x3  }
0x4a: {  	v35 =	vld [tilespmem:$0x530]  }
0x4b: {  	[tilespmem:$0x810] =	vst v0  }
0x4c: {  	v0 =	vld.idx.msk [tilespmem:v34+s2+$0x0], $0xffff;
	_ =	sdelay $0x3  }
0x4d: {  	v36 =	vld [tilespmem:$0x540]  }
0x4e: {  	[tilespmem:$0x820] =	vst v0  }
0x4f: {  	v0 =	vld.idx.msk [tilespmem:v35+s2+$0x0], $0xffff;
	_ =	sdelay $0x3  }
0x50: {  	v37 =	vld [tilespmem:$0x550]  }
0x51: {  	[tilespmem:$0x830] =	vst v0  }
0x52: {  	v0 =	vld.idx.msk [tilespmem:v36+s2+$0x0], $0xffff;
	_ =	sdelay $0x3  }
0x53: {  	v38 =	vld [tilespmem:$0x560]  }
0x54: {  	[tilespmem:$0x840] =	vst v0  }
0x55: {  	v0 =	vld.idx.msk [tilespmem:v37+s2+$0x0], $0xffff;
	_ =	sdelay $0x3  }
0x56: {  	v39 =	vld [tilespmem:$0x570]  }
0x57: {  	[tilespmem:$0x850] =	vst v0  }
0x58: {  	v0 =	vld.idx.msk [tilespmem:v38+s2+$0x0], $0xffff;
	_ =	sdelay $0x3  }
0x59: {  	v40 =	vld [tilespmem:$0x580]  }
0x5a: {  	[tilespmem:$0x860] =	vst v0  }
0x5b: {  	v0 =	vld.idx.msk [tilespmem:v39+s2+$0x0], $0xffff;
	_ =	sdelay $0x3  }
0x5c: {  	v41 =	vld [tilespmem:$0x590]  }
0x5d: {  	[tilespmem:$0x870] =	vst v0  }
0x5e: {  	v0 =	vld.idx.msk [tilespmem:v40+s2+$0x0], $0xffff;
	_ =	sdelay $0x3  }
0x5f: {  	v42 =	vld [tilespmem:$0x5A0]  }
0x60: {  	[tilespmem:$0x880] =	vst v0  }
0x61: {  	v0 =	vld.idx.msk [tilespmem:v41+s2+$0x0], $0xffff;
	_ =	sdelay $0x3  }
0x62: {  	v43 =	vld [tilespmem:$0x5B0]  }
0x63: {  	[tilespmem:$0x890] =	vst v0  }
0x64: {  	v0 =	vld.idx.msk [tilespmem:v42+s2+$0x0], $0xffff;
	_ =	sdelay $0x3  }
0x65: {  	v44 =	vld [tilespmem:$0x5C0]  }
0x66: {  	[tilespmem:$0x8A0] =	vst v0  }
0x67: {  	v0 =	vld.idx.msk [tilespmem:v43+s2+$0x0], $0xffff;
	_ =	sdelay $0x3  }
0x68: {  	v45 =	vld [tilespmem:$0x5D0]  }
0x69: {  	[tilespmem:$0x8B0] =	vst v0  }
0x6a: {  	v0 =	vld.idx.msk [tilespmem:v44+s2+$0x0], $0xffff;
	_ =	sdelay $0x3  }
0x6b: {  	v46 =	vld [tilespmem:$0x5E0]  }
0x6c: {  	[tilespmem:$0x8C0] =	vst v0  }
0x6d: {  	v0 =	vld.idx.msk [tilespmem:v45+s2+$0x0], $0xffff;
	_ =	sdelay $0x3  }
0x6e: {  	v47 =	vld [tilespmem:$0x5F0]  }
0x6f: {  	[tilespmem:$0x8D0] =	vst v0  }
0x70: {  	v0 =	vld.idx.msk [tilespmem:v46+s2+$0x0], $0xffff;
	_ =	sdelay $0x3  }
0x71: {  	v48 =	vld [tilespmem:$0x600]  }
0x72: {  	[tilespmem:$0x8E0] =	vst v0  }
0x73: {  	v0 =	vld.idx.msk [tilespmem:v47+s2+$0x0], $0xffff;
	_ =	sdelay $0x3  }
0x74: {  	v49 =	vld [tilespmem:$0x610]  }
0x75: {  	[tilespmem:$0x8F0] =	vst v0  }
0x76: {  	v0 =	vld.idx.msk [tilespmem:v48+s2+$0x0], $0xffff;
	_ =	sdelay $0x3  }
0x77: {  	v50 =	vld [tilespmem:$0x620]  }
0x78: {  	[tilespmem:$0x900] =	vst v0  }
0x79: {  	v0 =	vld.idx.msk [tilespmem:v49+s2+$0x0], $0xffff;
	_ =	sdelay $0x3  }
0x7a: {  	v51 =	vld [tilespmem:$0x630]  }
0x7b: {  	[tilespmem:$0x910] =	vst v0  }
0x7c: {  	v0 =	vld.idx.msk [tilespmem:v50+s2+$0x0], $0xffff;
	_ =	sdelay $0x3  }
0x7d: {  	v52 =	vld [tilespmem:$0x640]  }
0x7e: {  	[tilespmem:$0x920] =	vst v0  }
0x7f: {  	v0 =	vld.idx.msk [tilespmem:v51+s2+$0x0], $0xffff;
	_ =	sdelay $0x3  }
0x80: {  	v53 =	vld [tilespmem:$0x650]  }
0x81: {  	[tilespmem:$0x930] =	vst v0  }
0x82: {  	v0 =	vld.idx.msk [tilespmem:v52+s2+$0x0], $0xffff;
	_ =	sdelay $0x3  }
0x83: {  	v54 =	vld [tilespmem:$0x660]  }
0x84: {  	[tilespmem:$0x940] =	vst v0  }
0x85: {  	v0 =	vld.idx.msk [tilespmem:v53+s2+$0x0], $0xffff;
	_ =	sdelay $0x3  }
0x86: {  	v55 =	vld [tilespmem:$0x670]  }
0x87: {  	[tilespmem:$0x950] =	vst v0  }
0x88: {  	v0 =	vld.idx.msk [tilespmem:v54+s2+$0x0], $0xffff;
	_ =	sdelay $0x3  }
0x89: {  	v56 =	vld [tilespmem:$0x680]  }
0x8a: {  	[tilespmem:$0x960] =	vst v0  }
0x8b: {  	v0 =	vld.idx.msk [tilespmem:v55+s2+$0x0], $0xffff;
	_ =	sdelay $0x3  }
0x8c: {  	v57 =	vld [tilespmem:$0x690]  }
0x8d: {  	[tilespmem:$0x970] =	vst v0  }
0x8e: {  	v0 =	vld.idx.msk [tilespmem:v56+s2+$0x0], $0xffff;
	_ =	sdelay $0x3  }
0x8f: {  	v58 =	vld [tilespmem:$0x6A0]  }
0x90: {  	[tilespmem:$0x980] =	vst v0  }
0x91: {  	v0 =	vld.idx.msk [tilespmem:v57+s2+$0x0], $0xffff;
	_ =	sdelay $0x3  }
0x92: {  	v59 =	vld [tilespmem:$0x6B0]  }
0x93: {  	[tilespmem:$0x990] =	vst v0  }
0x94: {  	v0 =	vld.idx.msk [tilespmem:v58+s2+$0x0], $0xffff;
	_ =	sdelay $0x3  }
0x95: {  	v60 =	vld [tilespmem:$0x6C0]  }
0x96: {  	[tilespmem:$0x9A0] =	vst v0  }
0x97: {  	v0 =	vld.idx.msk [tilespmem:v59+s2+$0x0], $0xffff;
	_ =	sdelay $0x3  }
0x98: {  	v61 =	vld [tilespmem:$0x6D0]  }
0x99: {  	[tilespmem:$0x9B0] =	vst v0  }
0x9a: {  	v0 =	vld.idx.msk [tilespmem:v60+s2+$0x0], $0xffff;
	_ =	sdelay $0x3  }
0x9b: {  	v62 =	vld [tilespmem:$0x6E0]  }
0x9c: {  	[tilespmem:$0x9C0] =	vst v0  }
0x9d: {  	v0 =	vld.idx.msk [tilespmem:v61+s2+$0x0], $0xffff;
	_ =	sdelay $0x3  }
0x9e: {  	v63 =	vld [tilespmem:$0x6F0]  }
0x9f: {  	[tilespmem:$0x9D0] =	vst v0  }
0xa0: {  	v0 =	vld.idx.msk [tilespmem:v62+s2+$0x0], $0xffff;
	_ =	sdelay $0x4  }
0xa1: {  	[tilespmem:$0x9E0] =	vst v0  }
0xa2: {  	v0 =	vld.idx.msk [tilespmem:v63+s2+$0x0], $0xffff;
	_ =	sdelay $0x3  }
0xa3: {  	p0 =	sne.s32 s6, $0x1  }
.Ltmp0:
0xa4: {  	[tilespmem:$0x9F0] =	vst v0;
	(pc) =	sbr.rel @p0 .LBB2_1-.Ltmp0, $4  }
0xa5: {  	[hbm4b:s5+s7] =	stream.strided.scatter [tilespmem:s10], [sflag:$0x1], $0x300, s8, s7, $0x38;
	[tilespmem:$0xA00] =	vst v63  }
0xa6: {  	_ =	swait.ge [sflag:s9], $0x300  }
0xa7: {  	[sflag:s9] =	ssyncset.done $0x0  }
0xa8: {  	s6 =	sadd.s32 $0xFFFFFFFF, s6;
	[sflag:s9] =	ssyncadd.s32 $0xFFFFFD00  }
0xa9: {  	_ =	sfence.sel $0x180000  }
0xaa: {  	[bflag:$0x0] =	sbarrier.arrive $0xFFFF  }
0xab: {  	p0 =	sne.s32 s0, $0x0;
	_ =	strace $0x90000047  }
0xac: {  	s0 =	sadd.s32 @!p0 $0x100000, s1;
	[bflag:$0x2] =	sbarrier.arrive $0xFFFF  }
0xad: {  	[sflag:s0] =	ssyncadd.tile.s32 @!p0 $0x1;
	_ =	shalt  }
.Lfunc_end2:
_tile_overlayer_lowered:
.L_overlay_start_2:
0xae: {  	(tag) =	ssettag $0x2  }
0xaf: {  	s0 =	rddreg [dreg:$0x0];
	s2 =	stileid.u32  }
0xb0: {  	s1 =	rddreg [dreg:$0x1];
	p0 =	sne.s32 s2, $0x0  }
0xb1: {  	s3 =	rddreg [dreg:$0x2];
	[bflag:$0x3] =	sbarrier.arrive $0xFFFF;
	s2 =	simm.s32 @!p0 $0x1C01  }
0xb2: {  	[timem:s3], [sflag:s2] =	dma.local @!p0 [hbm:s0], s1  }
0xb3: {  	s0 =	simm.s32 @!p0 $0x1  }
0xb4: {  	_ =	swait.ge @!p0 [sflag:s0], s1  }
0xb5: {  	s1 =	ssub.s32 @!p0 $0x0, s1;
	[sflag:s0] =	ssyncset.done @!p0 $0x0  }
0xb6: {  	[sflag:s0] =	ssyncadd.s32 @!p0 s1  }
0xb7: {  	[bflag:$0x3] =	sbarrier.arrive $0xFFFF  }
0xb8: {  	_ =	shalt  }

</sc_bundles>
